<compile_context>
chip_gen: v7x
topology: tpu7x:2x2x1
jax: 0.10.2.dev20260603
libtpu: 0.0.44.dev20260713+nightly
codegen_flags: <defaults>
</compile_context>

<pallas_src>
import dataclasses
import functools

import jax
import jax.numpy as jnp
from jax import lax
from jax.experimental import pallas as pl
from jax.experimental.pallas import tpu as pltpu
from jax.experimental.pallas import tpu_sc as plsc

BATCH = 4096
N_IN = 2048
H1 = 1024
H2 = 512
K_SPARSE = int(H2 * 0.05)

BLOCK_B = 512

NC = 2
NS = 16
NW = NC * NS
ROWS_PER_W = BATCH // NW
N_CHUNK = H2 // 16


def _encoder_kernel(x_ref, we1_ref, be1_ref, we2_ref, be2_ref,
                    h2_ref, h2t_ref):
    x = x_ref[...].astype(jnp.bfloat16)
    h1 = lax.dot_general(
        x, we1_ref[...].astype(jnp.bfloat16), (((1,), (1,)), ((), ())),
        preferred_element_type=jnp.float32)
    h1 = jax.nn.sigmoid(h1 + be1_ref[...]).astype(jnp.bfloat16)
    h2 = lax.dot_general(
        h1, we2_ref[...].astype(jnp.bfloat16), (((1,), (1,)), ((), ())),
        preferred_element_type=jnp.float32)
    h2 = jax.nn.sigmoid(h2 + be2_ref[...])
    h2_ref[...] = h2
    h2t_ref[...] = h2.T


def _decoder_kernel(h2_ref, thr_ref, wd1_ref, bd1_ref, wd0_ref, bd0_ref,
                    out_ref):
    h2 = h2_ref[...]
    h2m = jnp.where(h2 >= thr_ref[...], h2, 0.0)
    d1 = lax.dot_general(
        h2m.astype(jnp.bfloat16), wd1_ref[...].astype(jnp.bfloat16),
        (((1,), (1,)), ((), ())),
        preferred_element_type=jnp.float32)
    d1 = jax.nn.sigmoid(d1 + bd1_ref[...]).astype(jnp.bfloat16)
    out = lax.dot_general(
        d1, wd0_ref[...].astype(jnp.bfloat16), (((1,), (1,)), ((), ())),
        preferred_element_type=jnp.float32)
    out_ref[...] = out + bd0_ref[...]


def _sc_threshold_body(h2t_hbm, thr_hbm, slab, thr_v, sem):
    c = lax.axis_index("c")
    s = lax.axis_index("s")
    wid = s * NC + c
    base = wid * ROWS_PER_W
    pltpu.async_copy(h2t_hbm.at[:, pl.ds(base, ROWS_PER_W)], slab, sem).wait()

    lanes = lax.iota(jnp.int32, 16)
    neg_inf = jnp.float32(-jnp.inf)

    @pl.loop(0, ROWS_PER_W // 16)
    def _group(g):
        col = g * 16
        cols = col + lanes
        m = []
        for ch in range(N_CHUNK):
            acc = slab[16 * ch, pl.ds(col, 16)]
            for p in range(1, 16):
                acc = jnp.maximum(acc, slab[16 * ch + p, pl.ds(col, 16)])
            m.append(acc)

        def step(_, carry):
            t, m = carry[0], list(carry[1:])
            gmax = m[0]
            for v in m[1:]:
                gmax = jnp.maximum(gmax, v)
            cidx = jnp.full((16,), N_CHUNK, jnp.int32)
            for ch in range(N_CHUNK - 1, -1, -1):
                cidx = jnp.where(m[ch] == gmax, ch, cidx)
            rows = cidx * 16
            newmax = jnp.full((16,), neg_inf, jnp.float32)
            for p in range(16):
                v = plsc.load_gather(slab, [rows + p, cols])
                newmax = jnp.maximum(newmax, jnp.where(v < gmax, v, neg_inf))
            m = [jnp.where(cidx == ch, newmax, m[ch])
                 for ch in range(N_CHUNK)]
            return (gmax, *m)

        init = (jnp.full((16,), jnp.inf, jnp.float32), *m)
        final = lax.fori_loop(0, K_SPARSE, step, init)
        thr_v[pl.ds(col, 16)] = final[0]

    pltpu.sync_copy(thr_v, thr_hbm.at[pl.ds(base, ROWS_PER_W)])


def _sc_threshold(h2t):
    mesh = plsc.VectorSubcoreMesh(core_axis_name="c", subcore_axis_name="s")
    cp = pltpu.CompilerParams()
    if "needs_layout_passes" in pltpu.CompilerParams.__dataclass_fields__:
        cp = dataclasses.replace(cp, needs_layout_passes=False)
    return pl.kernel(
        _sc_threshold_body,
        mesh=mesh,
        out_type=jax.ShapeDtypeStruct((BATCH,), jnp.float32),
        scratch_types=[
            pltpu.VMEM((H2, ROWS_PER_W), jnp.float32),
            pltpu.VMEM((ROWS_PER_W,), jnp.float32),
            pltpu.SemaphoreType.DMA,
        ],
        compiler_params=cp,
    )(h2t)


@jax.jit
def kernel(input, We1, be1, We2, be2, Wd0, bd0, Wd1, bd1):
    b1 = be1.reshape(1, H1)
    b2 = be2.reshape(1, H2)
    b0 = bd0.reshape(1, N_IN)
    bd1r = bd1.reshape(1, H1)
    const = lambda i: (0, 0)

    h2, h2t = pl.pallas_call(
        _encoder_kernel,
        grid=(BATCH // BLOCK_B,),
        in_specs=[
            pl.BlockSpec((BLOCK_B, N_IN), lambda i: (i, 0)),
            pl.BlockSpec((H1, N_IN), const),
            pl.BlockSpec((1, H1), const),
            pl.BlockSpec((H2, H1), const),
            pl.BlockSpec((1, H2), const),
        ],
        out_specs=[
            pl.BlockSpec((BLOCK_B, H2), lambda i: (i, 0)),
            pl.BlockSpec((H2, BLOCK_B), lambda i: (0, i)),
        ],
        out_shape=[
            jax.ShapeDtypeStruct((BATCH, H2), jnp.float32),
            jax.ShapeDtypeStruct((H2, BATCH), jnp.float32),
        ],
    )(input, We1, b1, We2, b2)

    thr = _sc_threshold(h2t).reshape(BATCH, 1)

    out = pl.pallas_call(
        _decoder_kernel,
        grid=(BATCH // BLOCK_B,),
        in_specs=[
            pl.BlockSpec((BLOCK_B, H2), lambda i: (i, 0)),
            pl.BlockSpec((BLOCK_B, 1), lambda i: (i, 0)),
            pl.BlockSpec((H1, H2), const),
            pl.BlockSpec((1, H1), const),
            pl.BlockSpec((N_IN, H1), const),
            pl.BlockSpec((1, N_IN), const),
        ],
        out_specs=pl.BlockSpec((BLOCK_B, N_IN), lambda i: (i, 0)),
        out_shape=jax.ShapeDtypeStruct((BATCH, N_IN), jnp.float32),
    )(h2, thr, Wd1, bd1r, Wd0, b0)
    return out

# --- scband reference (transcript-rebuilt; emitter-appended) ---
"""Pipeline reference for scband-ae-29171417875247 (READ-ONLY COPY).

The authoritative reference and input builder live on the scoring server;
editing this copy changes nothing except your own understanding.
"""

import jax, jax.numpy as jnp
import numpy as np

N_INPUT = 2048
H1 = 1024
H2 = 512
BATCH = 4096
SPARSITY = 0.05


def setup_inputs(seed: int = 0) -> dict:
    key = jax.random.key(seed)
    ks = jax.random.split(key, 9)
    x = jax.random.normal(ks[0], (BATCH, N_INPUT), dtype=jnp.float32)
    # torch.nn.Linear stores weight as [out, in]
    We1 = jax.random.normal(ks[1], (H1, N_INPUT), dtype=jnp.float32) * 0.02
    be1 = jnp.zeros((H1,), dtype=jnp.float32)
    We2 = jax.random.normal(ks[2], (H2, H1), dtype=jnp.float32) * 0.02
    be2 = jnp.zeros((H2,), dtype=jnp.float32)
    # decoder_layers[0]: Linear(H1 -> N_INPUT), decoder_layers[1]: Linear(H2 -> H1)
    Wd0 = jax.random.normal(ks[3], (N_INPUT, H1), dtype=jnp.float32) * 0.02
    bd0 = jnp.zeros((N_INPUT,), dtype=jnp.float32)
    Wd1 = jax.random.normal(ks[4], (H1, H2), dtype=jnp.float32) * 0.02
    bd1 = jnp.zeros((H1,), dtype=jnp.float32)
    return {"input": x, "We1": We1, "be1": be1, "We2": We2, "be2": be2,
            "Wd0": Wd0, "bd0": bd0, "Wd1": Wd1, "bd1": bd1}


def reference(input, We1, be1, We2, be2, Wd0, bd0, Wd1, bd1):
    # encoder
    encoded = jax.nn.sigmoid(input @ We1.T + be1)
    encoded = jax.nn.sigmoid(encoded @ We2.T + be2)
    # k-sparse top-k masking (argsort descending, keep top k per row)
    k_sparse = int(encoded.shape[1] * SPARSITY)
    sorted_idx = jnp.argsort(-encoded, axis=1)
    top_idx = sorted_idx[:, :k_sparse]
    rows = jnp.arange(encoded.shape[0])[:, None]
    masks = jnp.zeros_like(encoded).at[rows, top_idx].set(1.0)
    encoded = encoded * masks
    # decoder (reversed: H2->H1 with sigmoid, then H1->N_INPUT linear)
    decoded = jax.nn.sigmoid(encoded @ Wd1.T + bd1)
    decoded = decoded @ Wd0.T + bd0
    return decoded

if __name__ == "__main__":
    import jax
    _d = setup_inputs()
    print(jax.jit(kernel)(*tuple(_d.values())))

</pallas_src>

<mosaic_0001>
#map = affine_map<(d0, d1) -> (0, 0)>
#map1 = affine_map<(d0, d1) -> (0)>
module attributes {stable_mosaic.version = 14 : i64} {
  func.func @_sc_threshold_body(%arg0: i32, %arg1: i32, %arg2: memref<512x4096xf32, #tpu.memory_space<hbm>>, %arg3: memref<4096xf32, #tpu.memory_space<hbm>>, %arg4: memref<512x128xf32, #tpu.memory_space<vmem>>, %arg5: memref<128xf32, #tpu.memory_space<vmem>>, %arg6: memref<!tpu.dma_semaphore, #tpu.memory_space<semaphore_mem>>) attributes {dimension_semantics = [#tpu.dimension_semantics<core_parallel>, #tpu.dimension_semantics<subcore_parallel>], iteration_bounds = array<i64: 2, 16>, scalar_prefetch = 0 : i64, scratch_operands = 3 : i64, tpu.core_type = #tpu.core_type<sc_vector_subcore>, window_params = [{transform_indices = #map}, {transform_indices = #map1}]} {
    %mul3A = arith.constant 2 : i32
    %mul3A_0 = arith.muli %arg1, %mul3A : i32
    %add3A = arith.addi %mul3A_0, %arg0 : i32
    %mul3A_1 = arith.constant 128 : i32
    %mul3A_2 = arith.muli %add3A, %mul3A_1 : i32
    %dma_start3A = arith.constant 0 : i32
    %dma_start3A_3 = tpu.memref_slice %arg2[%dma_start3A, %mul3A_2] : memref<512x4096xf32, #tpu.memory_space<hbm>> -> memref<512x128xf32, #tpu.memory_space<hbm>>
    %dma_start3A_4 = arith.constant 0 : i32
    %dma_start3A_5 = tpu.memref_slice %arg2[%dma_start3A_4, %mul3A_2] : memref<512x4096xf32, #tpu.memory_space<hbm>> -> memref<512x128xf32, #tpu.memory_space<hbm>>
    tpu.enqueue_dma source(%dma_start3A_5 : memref<512x128xf32, #tpu.memory_space<hbm>>) target(%arg4 : memref<512x128xf32, #tpu.memory_space<vmem>>) target_semaphore(%arg6 : memref<!tpu.dma_semaphore, #tpu.memory_space<semaphore_mem>>)
    %dma_wait3A = arith.constant 0 : i32
    %dma_wait3A_6 = tpu.memref_slice %arg2[%dma_wait3A, %mul3A_2] : memref<512x4096xf32, #tpu.memory_space<hbm>> -> memref<512x128xf32, #tpu.memory_space<hbm>>
    %dma_wait3A_7 = arith.constant 0 : i32
    %dma_wait3A_8 = tpu.memref_slice %arg2[%dma_wait3A_7, %mul3A_2] : memref<512x4096xf32, #tpu.memory_space<hbm>> -> memref<512x128xf32, #tpu.memory_space<hbm>>
    tpu.wait_dma2 semaphore(%arg6 : memref<!tpu.dma_semaphore, #tpu.memory_space<semaphore_mem>>) src(%dma_wait3A_8 : memref<512x128xf32, #tpu.memory_space<hbm>>) dst(%arg4 : memref<512x128xf32, #tpu.memory_space<vmem>>)
    %iota3A = tpu.iota {dimensions = array<i32: 0>} : vector<16xi32>
    %scan3A = arith.constant 0xFF800000 : f32
    %scan3A_9 = arith.constant 0 : i32
    %scan3A_10 = arith.constant 8 : i32
    %scan3A_11 = arith.addi %scan3A_9, %scan3A_10 : i32
    %scan3A_12 = arith.constant 1 : i32
    scf.for %scan3A_14 = %scan3A_9 to %scan3A_11 step %scan3A_12  : i32 {
      %mul3A_15 = arith.constant 1 : i32
      %mul3A_16 = arith.muli %scan3A_14, %mul3A_15 : i32
      %add3A_17 = arith.constant 0 : i32
      %add3A_18 = arith.addi %add3A_17, %mul3A_16 : i32
      %mul3A_19 = arith.constant 16 : i32
      %mul3A_20 = arith.muli %add3A_18, %mul3A_19 : i32
      %add3A_21 = vector.broadcast %mul3A_20 : i32 to vector<16xi32>
      %add3A_22 = arith.addi %add3A_21, %iota3A : vector<16xi32>
      %get3A = arith.constant 0 : i32
      %get3A_23 = arith.index_cast %get3A : i32 to index
      %get3A_24 = arith.index_cast %mul3A_20 : i32 to index
      %get3A_25 = tpu.vector_load %arg4[%get3A_23, %get3A_24] {strides = array<i32>} : memref<512x128xf32, #tpu.memory_space<vmem>>, vector<16xf32>,
      %get3A_26 = arith.constant 1 : i32
      %get3A_27 = arith.index_cast %get3A_26 : i32 to index
      %get3A_28 = arith.index_cast %mul3A_20 : i32 to index
      %get3A_29 = tpu.vector_load %arg4[%get3A_27, %get3A_28] {strides = array<i32>} : memref<512x128xf32, #tpu.memory_space<vmem>>, vector<16xf32>,
      %max3A = arith.maximumf %get3A_25, %get3A_29 : vector<16xf32>
      %get3A_30 = arith.constant 2 : i32
      %get3A_31 = arith.index_cast %get3A_30 : i32 to index
      %get3A_32 = arith.index_cast %mul3A_20 : i32 to index
      %get3A_33 = tpu.vector_load %arg4[%get3A_31, %get3A_32] {strides = array<i32>} : memref<512x128xf32, #tpu.memory_space<vmem>>, vector<16xf32>,
      %max3A_34 = arith.maximumf %max3A, %get3A_33 : vector<16xf32>
      %get3A_35 = arith.constant 3 : i32
      %get3A_36 = arith.index_cast %get3A_35 : i32 to index
      %get3A_37 = arith.index_cast %mul3A_20 : i32 to index
      %get3A_38 = tpu.vector_load %arg4[%get3A_36, %get3A_37] {strides = array<i32>} : memref<512x128xf32, #tpu.memory_space<vmem>>, vector<16xf32>,
      %max3A_39 = arith.maximumf %max3A_34, %get3A_38 : vector<16xf32>
      %get3A_40 = arith.constant 4 : i32
      %get3A_41 = arith.index_cast %get3A_40 : i32 to index
      %get3A_42 = arith.index_cast %mul3A_20 : i32 to index
      %get3A_43 = tpu.vector_load %arg4[%get3A_41, %get3A_42] {strides = array<i32>} : memref<512x128xf32, #tpu.memory_space<vmem>>, vector<16xf32>,
      %max3A_44 = arith.maximumf %max3A_39, %get3A_43 : vector<16xf32>
      %get3A_45 = arith.constant 5 : i32
      %get3A_46 = arith.index_cast %get3A_45 : i32 to index
      %get3A_47 = arith.index_cast %mul3A_20 : i32 to index
      %get3A_48 = tpu.vector_load %arg4[%get3A_46, %get3A_47] {strides = array<i32>} : memref<512x128xf32, #tpu.memory_space<vmem>>, vector<16xf32>,
      %max3A_49 = arith.maximumf %max3A_44, %get3A_48 : vector<16xf32>
      %get3A_50 = arith.constant 6 : i32
      %get3A_51 = arith.index_cast %get3A_50 : i32 to index
      %get3A_52 = arith.index_cast %mul3A_20 : i32 to index
      %get3A_53 = tpu.vector_load %arg4[%get3A_51, %get3A_52] {strides = array<i32>} : memref<512x128xf32, #tpu.memory_space<vmem>>, vector<16xf32>,
      %max3A_54 = arith.maximumf %max3A_49, %get3A_53 : vector<16xf32>
      %get3A_55 = arith.constant 7 : i32
      %get3A_56 = arith.index_cast %get3A_55 : i32 to index
      %get3A_57 = arith.index_cast %mul3A_20 : i32 to index
      %get3A_58 = tpu.vector_load %arg4[%get3A_56, %get3A_57] {strides = array<i32>} : memref<512x128xf32, #tpu.memory_space<vmem>>, vector<16xf32>,
      %max3A_59 = arith.maximumf %max3A_54, %get3A_58 : vector<16xf32>
      %get3A_60 = arith.constant 8 : i32
      %get3A_61 = arith.index_cast %get3A_60 : i32 to index
      %get3A_62 = arith.index_cast %mul3A_20 : i32 to index
      %get3A_63 = tpu.vector_load %arg4[%get3A_61, %get3A_62] {strides = array<i32>} : memref<512x128xf32, #tpu.memory_space<vmem>>, vector<16xf32>,
      %max3A_64 = arith.maximumf %max3A_59, %get3A_63 : vector<16xf32>
      %get3A_65 = arith.constant 9 : i32
      %get3A_66 = arith.index_cast %get3A_65 : i32 to index
      %get3A_67 = arith.index_cast %mul3A_20 : i32 to index
      %get3A_68 = tpu.vector_load %arg4[%get3A_66, %get3A_67] {strides = array<i32>} : memref<512x128xf32, #tpu.memory_space<vmem>>, vector<16xf32>,
      %max3A_69 = arith.maximumf %max3A_64, %get3A_68 : vector<16xf32>
      %get3A_70 = arith.constant 10 : i32
      %get3A_71 = arith.index_cast %get3A_70 : i32 to index
      %get3A_72 = arith.index_cast %mul3A_20 : i32 to index
      %get3A_73 = tpu.vector_load %arg4[%get3A_71, %get3A_72] {strides = array<i32>} : memref<512x128xf32, #tpu.memory_space<vmem>>, vector<16xf32>,
      %max3A_74 = arith.maximumf %max3A_69, %get3A_73 : vector<16xf32>
      %get3A_75 = arith.constant 11 : i32
      %get3A_76 = arith.index_cast %get3A_75 : i32 to index
      %get3A_77 = arith.index_cast %mul3A_20 : i32 to index
      %get3A_78 = tpu.vector_load %arg4[%get3A_76, %get3A_77] {strides = array<i32>} : memref<512x128xf32, #tpu.memory_space<vmem>>, vector<16xf32>,
      %max3A_79 = arith.maximumf %max3A_74, %get3A_78 : vector<16xf32>
      %get3A_80 = arith.constant 12 : i32
      %get3A_81 = arith.index_cast %get3A_80 : i32 to index
      %get3A_82 = arith.index_cast %mul3A_20 : i32 to index
      %get3A_83 = tpu.vector_load %arg4[%get3A_81, %get3A_82] {strides = array<i32>} : memref<512x128xf32, #tpu.memory_space<vmem>>, vector<16xf32>,
      %max3A_84 = arith.maximumf %max3A_79, %get3A_83 : vector<16xf32>
      %get3A_85 = arith.constant 13 : i32
      %get3A_86 = arith.index_cast %get3A_85 : i32 to index
      %get3A_87 = arith.index_cast %mul3A_20 : i32 to index
      %get3A_88 = tpu.vector_load %arg4[%get3A_86, %get3A_87] {strides = array<i32>} : memref<512x128xf32, #tpu.memory_space<vmem>>, vector<16xf32>,
      %max3A_89 = arith.maximumf %max3A_84, %get3A_88 : vector<16xf32>
      %get3A_90 = arith.constant 14 : i32
      %get3A_91 = arith.index_cast %get3A_90 : i32 to index
      %get3A_92 = arith.index_cast %mul3A_20 : i32 to index
      %get3A_93 = tpu.vector_load %arg4[%get3A_91, %get3A_92] {strides = array<i32>} : memref<512x128xf32, #tpu.memory_space<vmem>>, vector<16xf32>,
      %max3A_94 = arith.maximumf %max3A_89, %get3A_93 : vector<16xf32>
      %get3A_95 = arith.constant 15 : i32
      %get3A_96 = arith.index_cast %get3A_95 : i32 to index
      %get3A_97 = arith.index_cast %mul3A_20 : i32 to index
      %get3A_98 = tpu.vector_load %arg4[%get3A_96, %get3A_97] {strides = array<i32>} : memref<512x128xf32, #tpu.memory_space<vmem>>, vector<16xf32>,
      %max3A_99 = arith.maximumf %max3A_94, %get3A_98 : vector<16xf32>
      %get3A_100 = arith.constant 16 : i32
      %get3A_101 = arith.index_cast %get3A_100 : i32 to index
      %get3A_102 = arith.index_cast %mul3A_20 : i32 to index
      %get3A_103 = tpu.vector_load %arg4[%get3A_101, %get3A_102] {strides = array<i32>} : memref<512x128xf32, #tpu.memory_space<vmem>>, vector<16xf32>,
      %get3A_104 = arith.constant 17 : i32
      %get3A_105 = arith.index_cast %get3A_104 : i32 to index
      %get3A_106 = arith.index_cast %mul3A_20 : i32 to index
      %get3A_107 = tpu.vector_load %arg4[%get3A_105, %get3A_106] {strides = array<i32>} : memref<512x128xf32, #tpu.memory_space<vmem>>, vector<16xf32>,
      %max3A_108 = arith.maximumf %get3A_103, %get3A_107 : vector<16xf32>
      %get3A_109 = arith.constant 18 : i32
      %get3A_110 = arith.index_cast %get3A_109 : i32 to index
      %get3A_111 = arith.index_cast %mul3A_20 : i32 to index
      %get3A_112 = tpu.vector_load %arg4[%get3A_110, %get3A_111] {strides = array<i32>} : memref<512x128xf32, #tpu.memory_space<vmem>>, vector<16xf32>,
      %max3A_113 = arith.maximumf %max3A_108, %get3A_112 : vector<16xf32>
      %get3A_114 = arith.constant 19 : i32
      %get3A_115 = arith.index_cast %get3A_114 : i32 to index
      %get3A_116 = arith.index_cast %mul3A_20 : i32 to index
      %get3A_117 = tpu.vector_load %arg4[%get3A_115, %get3A_116] {strides = array<i32>} : memref<512x128xf32, #tpu.memory_space<vmem>>, vector<16xf32>,
      %max3A_118 = arith.maximumf %max3A_113, %get3A_117 : vector<16xf32>
      %get3A_119 = arith.constant 20 : i32
      %get3A_120 = arith.index_cast %get3A_119 : i32 to index
      %get3A_121 = arith.index_cast %mul3A_20 : i32 to index
      %get3A_122 = tpu.vector_load %arg4[%get3A_120, %get3A_121] {strides = array<i32>} : memref<512x128xf32, #tpu.memory_space<vmem>>, vector<16xf32>,
      %max3A_123 = arith.maximumf %max3A_118, %get3A_122 : vector<16xf32>
      %get3A_124 = arith.constant 21 : i32
      %get3A_125 = arith.index_cast %get3A_124 : i32 to index
      %get3A_126 = arith.index_cast %mul3A_20 : i32 to index
      %get3A_127 = tpu.vector_load %arg4[%get3A_125, %get3A_126] {strides = array<i32>} : memref<512x128xf32, #tpu.memory_space<vmem>>, vector<16xf32>,
      %max3A_128 = arith.maximumf %max3A_123, %get3A_127 : vector<16xf32>
      %get3A_129 = arith.constant 22 : i32
      %get3A_130 = arith.index_cast %get3A_129 : i32 to index
      %get3A_131 = arith.index_cast %mul3A_20 : i32 to index
      %get3A_132 = tpu.vector_load %arg4[%get3A_130, %get3A_131] {strides = array<i32>} : memref<512x128xf32, #tpu.memory_space<vmem>>, vector<16xf32>,
      %max3A_133 = arith.maximumf %max3A_128, %get3A_132 : vector<16xf32>
      %get3A_134 = arith.constant 23 : i32
      %get3A_135 = arith.index_cast %get3A_134 : i32 to index
      %get3A_136 = arith.index_cast %mul3A_20 : i32 to index
      %get3A_137 = tpu.vector_load %arg4[%get3A_135, %get3A_136] {strides = array<i32>} : memref<512x128xf32, #tpu.memory_space<vmem>>, vector<16xf32>,
      %max3A_138 = arith.maximumf %max3A_133, %get3A_137 : vector<16xf32>
      %get3A_139 = arith.constant 24 : i32
      %get3A_140 = arith.index_cast %get3A_139 : i32 to index
      %get3A_141 = arith.index_cast %mul3A_20 : i32 to index
      %get3A_142 = tpu.vector_load %arg4[%get3A_140, %get3A_141] {strides = array<i32>} : memref<512x128xf32, #tpu.memory_space<vmem>>, vector<16xf32>,
      %max3A_143 = arith.maximumf %max3A_138, %get3A_142 : vector<16xf32>
      %get3A_144 = arith.constant 25 : i32
      %get3A_145 = arith.index_cast %get3A_144 : i32 to index
      %get3A_146 = arith.index_cast %mul3A_20 : i32 to index
      %get3A_147 = tpu.vector_load %arg4[%get3A_145, %get3A_146] {strides = array<i32>} : memref<512x128xf32, #tpu.memory_space<vmem>>, vector<16xf32>,
      %max3A_148 = arith.maximumf %max3A_143, %get3A_147 : vector<16xf32>
      %get3A_149 = arith.constant 26 : i32
      %get3A_150 = arith.index_cast %get3A_149 : i32 to index
      %get3A_151 = arith.index_cast %mul3A_20 : i32 to index
      %get3A_152 = tpu.vector_load %arg4[%get3A_150, %get3A_151] {strides = array<i32>} : memref<512x128xf32, #tpu.memory_space<vmem>>, vector<16xf32>,
      %max3A_153 = arith.maximumf %max3A_148, %get3A_152 : vector<16xf32>
      %get3A_154 = arith.constant 27 : i32
      %get3A_155 = arith.index_cast %get3A_154 : i32 to index
      %get3A_156 = arith.index_cast %mul3A_20 : i32 to index
      %get3A_157 = tpu.vector_load %arg4[%get3A_155, %get3A_156] {strides = array<i32>} : memref<512x128xf32, #tpu.memory_space<vmem>>, vector<16xf32>,
      %max3A_158 = arith.maximumf %max3A_153, %get3A_157 : vector<16xf32>
      %get3A_159 = arith.constant 28 : i32
      %get3A_160 = arith.index_cast %get3A_159 : i32 to index
      %get3A_161 = arith.index_cast %mul3A_20 : i32 to index
      %get3A_162 = tpu.vector_load %arg4[%get3A_160, %get3A_161] {strides = array<i32>} : memref<512x128xf32, #tpu.memory_space<vmem>>, vector<16xf32>,
      %max3A_163 = arith.maximumf %max3A_158, %get3A_162 : vector<16xf32>
      %get3A_164 = arith.constant 29 : i32
      %get3A_165 = arith.index_cast %get3A_164 : i32 to index
      %get3A_166 = arith.index_cast %mul3A_20 : i32 to index
      %get3A_167 = tpu.vector_load %arg4[%get3A_165, %get3A_166] {strides = array<i32>} : memref<512x128xf32, #tpu.memory_space<vmem>>, vector<16xf32>,
      %max3A_168 = arith.maximumf %max3A_163, %get3A_167 : vector<16xf32>
      %get3A_169 = arith.constant 30 : i32
      %get3A_170 = arith.index_cast %get3A_169 : i32 to index
      %get3A_171 = arith.index_cast %mul3A_20 : i32 to index
      %get3A_172 = tpu.vector_load %arg4[%get3A_170, %get3A_171] {strides = array<i32>} : memref<512x128xf32, #tpu.memory_space<vmem>>, vector<16xf32>,
      %max3A_173 = arith.maximumf %max3A_168, %get3A_172 : vector<16xf32>
      %get3A_174 = arith.constant 31 : i32
      %get3A_175 = arith.index_cast %get3A_174 : i32 to index
      %get3A_176 = arith.index_cast %mul3A_20 : i32 to index
      %get3A_177 = tpu.vector_load %arg4[%get3A_175, %get3A_176] {strides = array<i32>} : memref<512x128xf32, #tpu.memory_space<vmem>>, vector<16xf32>,
      %max3A_178 = arith.maximumf %max3A_173, %get3A_177 : vector<16xf32>
      %get3A_179 = arith.constant 32 : i32
      %get3A_180 = arith.index_cast %get3A_179 : i32 to index
      %get3A_181 = arith.index_cast %mul3A_20 : i32 to index
      %get3A_182 = tpu.vector_load %arg4[%get3A_180, %get3A_181] {strides = array<i32>} : memref<512x128xf32, #tpu.memory_space<vmem>>, vector<16xf32>,
      %get3A_183 = arith.constant 33 : i32
      %get3A_184 = arith.index_cast %get3A_183 : i32 to index
      %get3A_185 = arith.index_cast %mul3A_20 : i32 to index
      %get3A_186 = tpu.vector_load %arg4[%get3A_184, %get3A_185] {strides = array<i32>} : memref<512x128xf32, #tpu.memory_space<vmem>>, vector<16xf32>,
      %max3A_187 = arith.maximumf %get3A_182, %get3A_186 : vector<16xf32>
      %get3A_188 = arith.constant 34 : i32
      %get3A_189 = arith.index_cast %get3A_188 : i32 to index
      %get3A_190 = arith.index_cast %mul3A_20 : i32 to index
      %get3A_191 = tpu.vector_load %arg4[%get3A_189, %get3A_190] {strides = array<i32>} : memref<512x128xf32, #tpu.memory_space<vmem>>, vector<16xf32>,
      %max3A_192 = arith.maximumf %max3A_187, %get3A_191 : vector<16xf32>
      %get3A_193 = arith.constant 35 : i32
      %get3A_194 = arith.index_cast %get3A_193 : i32 to index
      %get3A_195 = arith.index_cast %mul3A_20 : i32 to index
      %get3A_196 = tpu.vector_load %arg4[%get3A_194, %get3A_195] {strides = array<i32>} : memref<512x128xf32, #tpu.memory_space<vmem>>, vector<16xf32>,
      %max3A_197 = arith.maximumf %max3A_192, %get3A_196 : vector<16xf32>
      %get3A_198 = arith.constant 36 : i32
      %get3A_199 = arith.index_cast %get3A_198 : i32 to index
      %get3A_200 = arith.index_cast %mul3A_20 : i32 to index
      %get3A_201 = tpu.vector_load %arg4[%get3A_199, %get3A_200] {strides = array<i32>} : memref<512x128xf32, #tpu.memory_space<vmem>>, vector<16xf32>,
      %max3A_202 = arith.maximumf %max3A_197, %get3A_201 : vector<16xf32>
      %get3A_203 = arith.constant 37 : i32
      %get3A_204 = arith.index_cast %get3A_203 : i32 to index
      %get3A_205 = arith.index_cast %mul3A_20 : i32 to index
      %get3A_206 = tpu.vector_load %arg4[%get3A_204, %get3A_205] {strides = array<i32>} : memref<512x128xf32, #tpu.memory_space<vmem>>, vector<16xf32>,
      %max3A_207 = arith.maximumf %max3A_202, %get3A_206 : vector<16xf32>
      %get3A_208 = arith.constant 38 : i32
      %get3A_209 = arith.index_cast %get3A_208 : i32 to index
      %get3A_210 = arith.index_cast %mul3A_20 : i32 to index
      %get3A_211 = tpu.vector_load %arg4[%get3A_209, %get3A_210] {strides = array<i32>} : memref<512x128xf32, #tpu.memory_space<vmem>>, vector<16xf32>,
      %max3A_212 = arith.maximumf %max3A_207, %get3A_211 : vector<16xf32>
      %get3A_213 = arith.constant 39 : i32
      %get3A_214 = arith.index_cast %get3A_213 : i32 to index
      %get3A_215 = arith.index_cast %mul3A_20 : i32 to index
      %get3A_216 = tpu.vector_load %arg4[%get3A_214, %get3A_215] {strides = array<i32>} : memref<512x128xf32, #tpu.memory_space<vmem>>, vector<16xf32>,
      %max3A_217 = arith.maximumf %max3A_212, %get3A_216 : vector<16xf32>
      %get3A_218 = arith.constant 40 : i32
      %get3A_219 = arith.index_cast %get3A_218 : i32 to index
      %get3A_220 = arith.index_cast %mul3A_20 : i32 to index
      %get3A_221 = tpu.vector_load %arg4[%get3A_219, %get3A_220] {strides = array<i32>} : memref<512x128xf32, #tpu.memory_space<vmem>>, vector<16xf32>,
      %max3A_222 = arith.maximumf %max3A_217, %get3A_221 : vector<16xf32>
      %get3A_223 = arith.constant 41 : i32
      %get3A_224 = arith.index_cast %get3A_223 : i32 to index
      %get3A_225 = arith.index_cast %mul3A_20 : i32 to index
      %get3A_226 = tpu.vector_load %arg4[%get3A_224, %get3A_225] {strides = array<i32>} : memref<512x128xf32, #tpu.memory_space<vmem>>, vector<16xf32>,
      %max3A_227 = arith.maximumf %max3A_222, %get3A_226 : vector<16xf32>
      %get3A_228 = arith.constant 42 : i32
      %get3A_229 = arith.index_cast %get3A_228 : i32 to index
      %get3A_230 = arith.index_cast %mul3A_20 : i32 to index
      %get3A_231 = tpu.vector_load %arg4[%get3A_229, %get3A_230] {strides = array<i32>} : memref<512x128xf32, #tpu.memory_space<vmem>>, vector<16xf32>,
      %max3A_232 = arith.maximumf %max3A_227, %get3A_231 : vector<16xf32>
      %get3A_233 = arith.constant 43 : i32
      %get3A_234 = arith.index_cast %get3A_233 : i32 to index
      %get3A_235 = arith.index_cast %mul3A_20 : i32 to index
      %get3A_236 = tpu.vector_load %arg4[%get3A_234, %get3A_235] {strides = array<i32>} : memref<512x128xf32, #tpu.memory_space<vmem>>, vector<16xf32>,
      %max3A_237 = arith.maximumf %max3A_232, %get3A_236 : vector<16xf32>
      %get3A_238 = arith.constant 44 : i32
      %get3A_239 = arith.index_cast %get3A_238 : i32 to index
      %get3A_240 = arith.index_cast %mul3A_20 : i32 to index
      %get3A_241 = tpu.vector_load %arg4[%get3A_239, %get3A_240] {strides = array<i32>} : memref<512x128xf32, #tpu.memory_space<vmem>>, vector<16xf32>,
      %max3A_242 = arith.maximumf %max3A_237, %get3A_241 : vector<16xf32>
      %get3A_243 = arith.constant 45 : i32
      %get3A_244 = arith.index_cast %get3A_243 : i32 to index
      %get3A_245 = arith.index_cast %mul3A_20 : i32 to index
      %get3A_246 = tpu.vector_load %arg4[%get3A_244, %get3A_245] {strides = array<i32>} : memref<512x128xf32, #tpu.memory_space<vmem>>, vector<16xf32>,
      %max3A_247 = arith.maximumf %max3A_242, %get3A_246 : vector<16xf32>
      %get3A_248 = arith.constant 46 : i32
      %get3A_249 = arith.index_cast %get3A_248 : i32 to index
      %get3A_250 = arith.index_cast %mul3A_20 : i32 to index
      %get3A_251 = tpu.vector_load %arg4[%get3A_249, %get3A_250] {strides = array<i32>} : memref<512x128xf32, #tpu.memory_space<vmem>>, vector<16xf32>,
      %max3A_252 = arith.maximumf %max3A_247, %get3A_251 : vector<16xf32>
      %get3A_253 = arith.constant 47 : i32
      %get3A_254 = arith.index_cast %get3A_253 : i32 to index
      %get3A_255 = arith.index_cast %mul3A_20 : i32 to index
      %get3A_256 = tpu.vector_load %arg4[%get3A_254, %get3A_255] {strides = array<i32>} : memref<512x128xf32, #tpu.memory_space<vmem>>, vector<16xf32>,
      %max3A_257 = arith.maximumf %max3A_252, %get3A_256 : vector<16xf32>
      %get3A_258 = arith.constant 48 : i32
      %get3A_259 = arith.index_cast %get3A_258 : i32 to index
      %get3A_260 = arith.index_cast %mul3A_20 : i32 to index
      %get3A_261 = tpu.vector_load %arg4[%get3A_259, %get3A_260] {strides = array<i32>} : memref<512x128xf32, #tpu.memory_space<vmem>>, vector<16xf32>,
      %get3A_262 = arith.constant 49 : i32
      %get3A_263 = arith.index_cast %get3A_262 : i32 to index
      %get3A_264 = arith.index_cast %mul3A_20 : i32 to index
      %get3A_265 = tpu.vector_load %arg4[%get3A_263, %get3A_264] {strides = array<i32>} : memref<512x128xf32, #tpu.memory_space<vmem>>, vector<16xf32>,
      %max3A_266 = arith.maximumf %get3A_261, %get3A_265 : vector<16xf32>
      %get3A_267 = arith.constant 50 : i32
      %get3A_268 = arith.index_cast %get3A_267 : i32 to index
      %get3A_269 = arith.index_cast %mul3A_20 : i32 to index
      %get3A_270 = tpu.vector_load %arg4[%get3A_268, %get3A_269] {strides = array<i32>} : memref<512x128xf32, #tpu.memory_space<vmem>>, vector<16xf32>,
      %max3A_271 = arith.maximumf %max3A_266, %get3A_270 : vector<16xf32>
      %get3A_272 = arith.constant 51 : i32
      %get3A_273 = arith.index_cast %get3A_272 : i32 to index
      %get3A_274 = arith.index_cast %mul3A_20 : i32 to index
      %get3A_275 = tpu.vector_load %arg4[%get3A_273, %get3A_274] {strides = array<i32>} : memref<512x128xf32, #tpu.memory_space<vmem>>, vector<16xf32>,
      %max3A_276 = arith.maximumf %max3A_271, %get3A_275 : vector<16xf32>
      %get3A_277 = arith.constant 52 : i32
      %get3A_278 = arith.index_cast %get3A_277 : i32 to index
      %get3A_279 = arith.index_cast %mul3A_20 : i32 to index
      %get3A_280 = tpu.vector_load %arg4[%get3A_278, %get3A_279] {strides = array<i32>} : memref<512x128xf32, #tpu.memory_space<vmem>>, vector<16xf32>,
      %max3A_281 = arith.maximumf %max3A_276, %get3A_280 : vector<16xf32>
      %get3A_282 = arith.constant 53 : i32
      %get3A_283 = arith.index_cast %get3A_282 : i32 to index
      %get3A_284 = arith.index_cast %mul3A_20 : i32 to index
      %get3A_285 = tpu.vector_load %arg4[%get3A_283, %get3A_284] {strides = array<i32>} : memref<512x128xf32, #tpu.memory_space<vmem>>, vector<16xf32>,
      %max3A_286 = arith.maximumf %max3A_281, %get3A_285 : vector<16xf32>
      %get3A_287 = arith.constant 54 : i32
      %get3A_288 = arith.index_cast %get3A_287 : i32 to index
      %get3A_289 = arith.index_cast %mul3A_20 : i32 to index
      %get3A_290 = tpu.vector_load %arg4[%get3A_288, %get3A_289] {strides = array<i32>} : memref<512x128xf32, #tpu.memory_space<vmem>>, vector<16xf32>,
      %max3A_291 = arith.maximumf %max3A_286, %get3A_290 : vector<16xf32>
      %get3A_292 = arith.constant 55 : i32
      %get3A_293 = arith.index_cast %get3A_292 : i32 to index
      %get3A_294 = arith.index_cast %mul3A_20 : i32 to index
      %get3A_295 = tpu.vector_load %arg4[%get3A_293, %get3A_294] {strides = array<i32>} : memref<512x128xf32, #tpu.memory_space<vmem>>, vector<16xf32>,
      %max3A_296 = arith.maximumf %max3A_291, %get3A_295 : vector<16xf32>
      %get3A_297 = arith.constant 56 : i32
      %get3A_298 = arith.index_cast %get3A_297 : i32 to index
      %get3A_299 = arith.index_cast %mul3A_20 : i32 to index
      %get3A_300 = tpu.vector_load %arg4[%get3A_298, %get3A_299] {strides = array<i32>} : memref<512x128xf32, #tpu.memory_space<vmem>>, vector<16xf32>,
      %max3A_301 = arith.maximumf %max3A_296, %get3A_300 : vector<16xf32>
      %get3A_302 = arith.constant 57 : i32
      %get3A_303 = arith.index_cast %get3A_302 : i32 to index
      %get3A_304 = arith.index_cast %mul3A_20 : i32 to index
      %get3A_305 = tpu.vector_load %arg4[%get3A_303, %get3A_304] {strides = array<i32>} : memref<512x128xf32, #tpu.memory_space<vmem>>, vector<16xf32>,
      %max3A_306 = arith.maximumf %max3A_301, %get3A_305 : vector<16xf32>
      %get3A_307 = arith.constant 58 : i32
      %get3A_308 = arith.index_cast %get3A_307 : i32 to index
      %get3A_309 = arith.index_cast %mul3A_20 : i32 to index
      %get3A_310 = tpu.vector_load %arg4[%get3A_308, %get3A_309] {strides = array<i32>} : memref<512x128xf32, #tpu.memory_space<vmem>>, vector<16xf32>,
      %max3A_311 = arith.maximumf %max3A_306, %get3A_310 : vector<16xf32>
      %get3A_312 = arith.constant 59 : i32
      %get3A_313 = arith.index_cast %get3A_312 : i32 to index
      %get3A_314 = arith.index_cast %mul3A_20 : i32 to index
      %get3A_315 = tpu.vector_load %arg4[%get3A_313, %get3A_314] {strides = array<i32>} : memref<512x128xf32, #tpu.memory_space<vmem>>, vector<16xf32>,
      %max3A_316 = arith.maximumf %max3A_311, %get3A_315 : vector<16xf32>
      %get3A_317 = arith.constant 60 : i32
      %get3A_318 = arith.index_cast %get3A_317 : i32 to index
      %get3A_319 = arith.index_cast %mul3A_20 : i32 to index
      %get3A_320 = tpu.vector_load %arg4[%get3A_318, %get3A_319] {strides = array<i32>} : memref<512x128xf32, #tpu.memory_space<vmem>>, vector<16xf32>,
      %max3A_321 = arith.maximumf %max3A_316, %get3A_320 : vector<16xf32>
      %get3A_322 = arith.constant 61 : i32
      %get3A_323 = arith.index_cast %get3A_322 : i32 to index
      %get3A_324 = arith.index_cast %mul3A_20 : i32 to index
      %get3A_325 = tpu.vector_load %arg4[%get3A_323, %get3A_324] {strides = array<i32>} : memref<512x128xf32, #tpu.memory_space<vmem>>, vector<16xf32>,
      %max3A_326 = arith.maximumf %max3A_321, %get3A_325 : vector<16xf32>
      %get3A_327 = arith.constant 62 : i32
      %get3A_328 = arith.index_cast %get3A_327 : i32 to index
      %get3A_329 = arith.index_cast %mul3A_20 : i32 to index
      %get3A_330 = tpu.vector_load %arg4[%get3A_328, %get3A_329] {strides = array<i32>} : memref<512x128xf32, #tpu.memory_space<vmem>>, vector<16xf32>,
      %max3A_331 = arith.maximumf %max3A_326, %get3A_330 : vector<16xf32>
      %get3A_332 = arith.constant 63 : i32
      %get3A_333 = arith.index_cast %get3A_332 : i32 to index
      %get3A_334 = arith.index_cast %mul3A_20 : i32 to index
      %get3A_335 = tpu.vector_load %arg4[%get3A_333, %get3A_334] {strides = array<i32>} : memref<512x128xf32, #tpu.memory_space<vmem>>, vector<16xf32>,
      %max3A_336 = arith.maximumf %max3A_331, %get3A_335 : vector<16xf32>
      %get3A_337 = arith.constant 64 : i32
      %get3A_338 = arith.index_cast %get3A_337 : i32 to index
      %get3A_339 = arith.index_cast %mul3A_20 : i32 to index
      %get3A_340 = tpu.vector_load %arg4[%get3A_338, %get3A_339] {strides = array<i32>} : memref<512x128xf32, #tpu.memory_space<vmem>>, vector<16xf32>,
      %get3A_341 = arith.constant 65 : i32
      %get3A_342 = arith.index_cast %get3A_341 : i32 to index
      %get3A_343 = arith.index_cast %mul3A_20 : i32 to index
      %get3A_344 = tpu.vector_load %arg4[%get3A_342, %get3A_343] {strides = array<i32>} : memref<512x128xf32, #tpu.memory_space<vmem>>, vector<16xf32>,
      %max3A_345 = arith.maximumf %get3A_340, %get3A_344 : vector<16xf32>
      %get3A_346 = arith.constant 66 : i32
      %get3A_347 = arith.index_cast %get3A_346 : i32 to index
      %get3A_348 = arith.index_cast %mul3A_20 : i32 to index
      %get3A_349 = tpu.vector_load %arg4[%get3A_347, %get3A_348] {strides = array<i32>} : memref<512x128xf32, #tpu.memory_space<vmem>>, vector<16xf32>,
      %max3A_350 = arith.maximumf %max3A_345, %get3A_349 : vector<16xf32>
      %get3A_351 = arith.constant 67 : i32
      %get3A_352 = arith.index_cast %get3A_351 : i32 to index
      %get3A_353 = arith.index_cast %mul3A_20 : i32 to index
      %get3A_354 = tpu.vector_load %arg4[%get3A_352, %get3A_353] {strides = array<i32>} : memref<512x128xf32, #tpu.memory_space<vmem>>, vector<16xf32>,
      %max3A_355 = arith.maximumf %max3A_350, %get3A_354 : vector<16xf32>
      %get3A_356 = arith.constant 68 : i32
      %get3A_357 = arith.index_cast %get3A_356 : i32 to index
      %get3A_358 = arith.index_cast %mul3A_20 : i32 to index
      %get3A_359 = tpu.vector_load %arg4[%get3A_357, %get3A_358] {strides = array<i32>} : memref<512x128xf32, #tpu.memory_space<vmem>>, vector<16xf32>,
      %max3A_360 = arith.maximumf %max3A_355, %get3A_359 : vector<16xf32>
      %get3A_361 = arith.constant 69 : i32
      %get3A_362 = arith.index_cast %get3A_361 : i32 to index
      %get3A_363 = arith.index_cast %mul3A_20 : i32 to index
      %get3A_364 = tpu.vector_load %arg4[%get3A_362, %get3A_363] {strides = array<i32>} : memref<512x128xf32, #tpu.memory_space<vmem>>, vector<16xf32>,
      %max3A_365 = arith.maximumf %max3A_360, %get3A_364 : vector<16xf32>
      %get3A_366 = arith.constant 70 : i32
      %get3A_367 = arith.index_cast %get3A_366 : i32 to index
      %get3A_368 = arith.index_cast %mul3A_20 : i32 to index
      %get3A_369 = tpu.vector_load %arg4[%get3A_367, %get3A_368] {strides = array<i32>} : memref<512x128xf32, #tpu.memory_space<vmem>>, vector<16xf32>,
      %max3A_370 = arith.maximumf %max3A_365, %get3A_369 : vector<16xf32>
      %get3A_371 = arith.constant 71 : i32
      %get3A_372 = arith.index_cast %get3A_371 : i32 to index
      %get3A_373 = arith.index_cast %mul3A_20 : i32 to index
      %get3A_374 = tpu.vector_load %arg4[%get3A_372, %get3A_373] {strides = array<i32>} : memref<512x128xf32, #tpu.memory_space<vmem>>, vector<16xf32>,
      %max3A_375 = arith.maximumf %max3A_370, %get3A_374 : vector<16xf32>
      %get3A_376 = arith.constant 72 : i32
      %get3A_377 = arith.index_cast %get3A_376 : i32 to index
      %get3A_378 = arith.index_cast %mul3A_20 : i32 to index
      %get3A_379 = tpu.vector_load %arg4[%get3A_377, %get3A_378] {strides = array<i32>} : memref<512x128xf32, #tpu.memory_space<vmem>>, vector<16xf32>,
      %max3A_380 = arith.maximumf %max3A_375, %get3A_379 : vector<16xf32>
      %get3A_381 = arith.constant 73 : i32
      %get3A_382 = arith.index_cast %get3A_381 : i32 to index
      %get3A_383 = arith.index_cast %mul3A_20 : i32 to index
      %get3A_384 = tpu.vector_load %arg4[%get3A_382, %get3A_383] {strides = array<i32>} : memref<512x128xf32, #tpu.memory_space<vmem>>, vector<16xf32>,
      %max3A_385 = arith.maximumf %max3A_380, %get3A_384 : vector<16xf32>
      %get3A_386 = arith.constant 74 : i32
      %get3A_387 = arith.index_cast %get3A_386 : i32 to index
      %get3A_388 = arith.index_cast %mul3A_20 : i32 to index
      %get3A_389 = tpu.vector_load %arg4[%get3A_387, %get3A_388] {strides = array<i32>} : memref<512x128xf32, #tpu.memory_space<vmem>>, vector<16xf32>,
      %max3A_390 = arith.maximumf %max3A_385, %get3A_389 : vector<16xf32>
      %get3A_391 = arith.constant 75 : i32
      %get3A_392 = arith.index_cast %get3A_391 : i32 to index
      %get3A_393 = arith.index_cast %mul3A_20 : i32 to index
      %get3A_394 = tpu.vector_load %arg4[%get3A_392, %get3A_393] {strides = array<i32>} : memref<512x128xf32, #tpu.memory_space<vmem>>, vector<16xf32>,
      %max3A_395 = arith.maximumf %max3A_390, %get3A_394 : vector<16xf32>
      %get3A_396 = arith.constant 76 : i32
      %get3A_397 = arith.index_cast %get3A_396 : i32 to index
      %get3A_398 = arith.index_cast %mul3A_20 : i32 to index
      %get3A_399 = tpu.vector_load %arg4[%get3A_397, %get3A_398] {strides = array<i32>} : memref<512x128xf32, #tpu.memory_space<vmem>>, vector<16xf32>,
      %max3A_400 = arith.maximumf %max3A_395, %get3A_399 : vector<16xf32>
      %get3A_401 = arith.constant 77 : i32
      %get3A_402 = arith.index_cast %get3A_401 : i32 to index
      %get3A_403 = arith.index_cast %mul3A_20 : i32 to index
      %get3A_404 = tpu.vector_load %arg4[%get3A_402, %get3A_403] {strides = array<i32>} : memref<512x128xf32, #tpu.memory_space<vmem>>, vector<16xf32>,
      %max3A_405 = arith.maximumf %max3A_400, %get3A_404 : vector<16xf32>
      %get3A_406 = arith.constant 78 : i32
      %get3A_407 = arith.index_cast %get3A_406 : i32 to index
      %get3A_408 = arith.index_cast %mul3A_20 : i32 to index
      %get3A_409 = tpu.vector_load %arg4[%get3A_407, %get3A_408] {strides = array<i32>} : memref<512x128xf32, #tpu.memory_space<vmem>>, vector<16xf32>,
      %max3A_410 = arith.maximumf %max3A_405, %get3A_409 : vector<16xf32>
      %get3A_411 = arith.constant 79 : i32
      %get3A_412 = arith.index_cast %get3A_411 : i32 to index
      %get3A_413 = arith.index_cast %mul3A_20 : i32 to index
      %get3A_414 = tpu.vector_load %arg4[%get3A_412, %get3A_413] {strides = array<i32>} : memref<512x128xf32, #tpu.memory_space<vmem>>, vector<16xf32>,
      %max3A_415 = arith.maximumf %max3A_410, %get3A_414 : vector<16xf32>
      %get3A_416 = arith.constant 80 : i32
      %get3A_417 = arith.index_cast %get3A_416 : i32 to index
      %get3A_418 = arith.index_cast %mul3A_20 : i32 to index
      %get3A_419 = tpu.vector_load %arg4[%get3A_417, %get3A_418] {strides = array<i32>} : memref<512x128xf32, #tpu.memory_space<vmem>>, vector<16xf32>,
      %get3A_420 = arith.constant 81 : i32
      %get3A_421 = arith.index_cast %get3A_420 : i32 to index
      %get3A_422 = arith.index_cast %mul3A_20 : i32 to index
      %get3A_423 = tpu.vector_load %arg4[%get3A_421, %get3A_422] {strides = array<i32>} : memref<512x128xf32, #tpu.memory_space<vmem>>, vector<16xf32>,
      %max3A_424 = arith.maximumf %get3A_419, %get3A_423 : vector<16xf32>
      %get3A_425 = arith.constant 82 : i32
      %get3A_426 = arith.index_cast %get3A_425 : i32 to index
      %get3A_427 = arith.index_cast %mul3A_20 : i32 to index
      %get3A_428 = tpu.vector_load %arg4[%get3A_426, %get3A_427] {strides = array<i32>} : memref<512x128xf32, #tpu.memory_space<vmem>>, vector<16xf32>,
      %max3A_429 = arith.maximumf %max3A_424, %get3A_428 : vector<16xf32>
      %get3A_430 = arith.constant 83 : i32
      %get3A_431 = arith.index_cast %get3A_430 : i32 to index
      %get3A_432 = arith.index_cast %mul3A_20 : i32 to index
      %get3A_433 = tpu.vector_load %arg4[%get3A_431, %get3A_432] {strides = array<i32>} : memref<512x128xf32, #tpu.memory_space<vmem>>, vector<16xf32>,
      %max3A_434 = arith.maximumf %max3A_429, %get3A_433 : vector<16xf32>
      %get3A_435 = arith.constant 84 : i32
      %get3A_436 = arith.index_cast %get3A_435 : i32 to index
      %get3A_437 = arith.index_cast %mul3A_20 : i32 to index
      %get3A_438 = tpu.vector_load %arg4[%get3A_436, %get3A_437] {strides = array<i32>} : memref<512x128xf32, #tpu.memory_space<vmem>>, vector<16xf32>,
      %max3A_439 = arith.maximumf %max3A_434, %get3A_438 : vector<16xf32>
      %get3A_440 = arith.constant 85 : i32
      %get3A_441 = arith.index_cast %get3A_440 : i32 to index
      %get3A_442 = arith.index_cast %mul3A_20 : i32 to index
      %get3A_443 = tpu.vector_load %arg4[%get3A_441, %get3A_442] {strides = array<i32>} : memref<512x128xf32, #tpu.memory_space<vmem>>, vector<16xf32>,
      %max3A_444 = arith.maximumf %max3A_439, %get3A_443 : vector<16xf32>
      %get3A_445 = arith.constant 86 : i32
      %get3A_446 = arith.index_cast %get3A_445 : i32 to index
      %get3A_447 = arith.index_cast %mul3A_20 : i32 to index
      %get3A_448 = tpu.vector_load %arg4[%get3A_446, %get3A_447] {strides = array<i32>} : memref<512x128xf32, #tpu.memory_space<vmem>>, vector<16xf32>,
      %max3A_449 = arith.maximumf %max3A_444, %get3A_448 : vector<16xf32>
      %get3A_450 = arith.constant 87 : i32
      %get3A_451 = arith.index_cast %get3A_450 : i32 to index
      %get3A_452 = arith.index_cast %mul3A_20 : i32 to index
      %get3A_453 = tpu.vector_load %arg4[%get3A_451, %get3A_452] {strides = array<i32>} : memref<512x128xf32, #tpu.memory_space<vmem>>, vector<16xf32>,
      %max3A_454 = arith.maximumf %max3A_449, %get3A_453 : vector<16xf32>
      %get3A_455 = arith.constant 88 : i32
      %get3A_456 = arith.index_cast %get3A_455 : i32 to index
      %get3A_457 = arith.index_cast %mul3A_20 : i32 to index
      %get3A_458 = tpu.vector_load %arg4[%get3A_456, %get3A_457] {strides = array<i32>} : memref<512x128xf32, #tpu.memory_space<vmem>>, vector<16xf32>,
      %max3A_459 = arith.maximumf %max3A_454, %get3A_458 : vector<16xf32>
      %get3A_460 = arith.constant 89 : i32
      %get3A_461 = arith.index_cast %get3A_460 : i32 to index
      %get3A_462 = arith.index_cast %mul3A_20 : i32 to index
      %get3A_463 = tpu.vector_load %arg4[%get3A_461, %get3A_462] {strides = array<i32>} : memref<512x128xf32, #tpu.memory_space<vmem>>, vector<16xf32>,
      %max3A_464 = arith.maximumf %max3A_459, %get3A_463 : vector<16xf32>
      %get3A_465 = arith.constant 90 : i32
      %get3A_466 = arith.index_cast %get3A_465 : i32 to index
      %get3A_467 = arith.index_cast %mul3A_20 : i32 to index
      %get3A_468 = tpu.vector_load %arg4[%get3A_466, %get3A_467] {strides = array<i32>} : memref<512x128xf32, #tpu.memory_space<vmem>>, vector<16xf32>,
      %max3A_469 = arith.maximumf %max3A_464, %get3A_468 : vector<16xf32>
      %get3A_470 = arith.constant 91 : i32
      %get3A_471 = arith.index_cast %get3A_470 : i32 to index
      %get3A_472 = arith.index_cast %mul3A_20 : i32 to index
      %get3A_473 = tpu.vector_load %arg4[%get3A_471, %get3A_472] {strides = array<i32>} : memref<512x128xf32, #tpu.memory_space<vmem>>, vector<16xf32>,
      %max3A_474 = arith.maximumf %max3A_469, %get3A_473 : vector<16xf32>
      %get3A_475 = arith.constant 92 : i32
      %get3A_476 = arith.index_cast %get3A_475 : i32 to index
      %get3A_477 = arith.index_cast %mul3A_20 : i32 to index
      %get3A_478 = tpu.vector_load %arg4[%get3A_476, %get3A_477] {strides = array<i32>} : memref<512x128xf32, #tpu.memory_space<vmem>>, vector<16xf32>,
      %max3A_479 = arith.maximumf %max3A_474, %get3A_478 : vector<16xf32>
      %get3A_480 = arith.constant 93 : i32
      %get3A_481 = arith.index_cast %get3A_480 : i32 to index
      %get3A_482 = arith.index_cast %mul3A_20 : i32 to index
      %get3A_483 = tpu.vector_load %arg4[%get3A_481, %get3A_482] {strides = array<i32>} : memref<512x128xf32, #tpu.memory_space<vmem>>, vector<16xf32>,
      %max3A_484 = arith.maximumf %max3A_479, %get3A_483 : vector<16xf32>
      %get3A_485 = arith.constant 94 : i32
      %get3A_486 = arith.index_cast %get3A_485 : i32 to index
      %get3A_487 = arith.index_cast %mul3A_20 : i32 to index
      %get3A_488 = tpu.vector_load %arg4[%get3A_486, %get3A_487] {strides = array<i32>} : memref<512x128xf32, #tpu.memory_space<vmem>>, vector<16xf32>,
      %max3A_489 = arith.maximumf %max3A_484, %get3A_488 : vector<16xf32>
      %get3A_490 = arith.constant 95 : i32
      %get3A_491 = arith.index_cast %get3A_490 : i32 to index
      %get3A_492 = arith.index_cast %mul3A_20 : i32 to index
      %get3A_493 = tpu.vector_load %arg4[%get3A_491, %get3A_492] {strides = array<i32>} : memref<512x128xf32, #tpu.memory_space<vmem>>, vector<16xf32>,
      %max3A_494 = arith.maximumf %max3A_489, %get3A_493 : vector<16xf32>
      %get3A_495 = arith.constant 96 : i32
      %get3A_496 = arith.index_cast %get3A_495 : i32 to index
      %get3A_497 = arith.index_cast %mul3A_20 : i32 to index
      %get3A_498 = tpu.vector_load %arg4[%get3A_496, %get3A_497] {strides = array<i32>} : memref<512x128xf32, #tpu.memory_space<vmem>>, vector<16xf32>,
      %get3A_499 = arith.constant 97 : i32
      %get3A_500 = arith.index_cast %get3A_499 : i32 to index
      %get3A_501 = arith.index_cast %mul3A_20 : i32 to index
      %get3A_502 = tpu.vector_load %arg4[%get3A_500, %get3A_501] {strides = array<i32>} : memref<512x128xf32, #tpu.memory_space<vmem>>, vector<16xf32>,
      %max3A_503 = arith.maximumf %get3A_498, %get3A_502 : vector<16xf32>
      %get3A_504 = arith.constant 98 : i32
      %get3A_505 = arith.index_cast %get3A_504 : i32 to index
      %get3A_506 = arith.index_cast %mul3A_20 : i32 to index
      %get3A_507 = tpu.vector_load %arg4[%get3A_505, %get3A_506] {strides = array<i32>} : memref<512x128xf32, #tpu.memory_space<vmem>>, vector<16xf32>,
      %max3A_508 = arith.maximumf %max3A_503, %get3A_507 : vector<16xf32>
      %get3A_509 = arith.constant 99 : i32
      %get3A_510 = arith.index_cast %get3A_509 : i32 to index
      %get3A_511 = arith.index_cast %mul3A_20 : i32 to index
      %get3A_512 = tpu.vector_load %arg4[%get3A_510, %get3A_511] {strides = array<i32>} : memref<512x128xf32, #tpu.memory_space<vmem>>, vector<16xf32>,
      %max3A_513 = arith.maximumf %max3A_508, %get3A_512 : vector<16xf32>
      %get3A_514 = arith.constant 100 : i32
      %get3A_515 = arith.index_cast %get3A_514 : i32 to index
      %get3A_516 = arith.index_cast %mul3A_20 : i32 to index
      %get3A_517 = tpu.vector_load %arg4[%get3A_515, %get3A_516] {strides = array<i32>} : memref<512x128xf32, #tpu.memory_space<vmem>>, vector<16xf32>,
      %max3A_518 = arith.maximumf %max3A_513, %get3A_517 : vector<16xf32>
      %get3A_519 = arith.constant 101 : i32
      %get3A_520 = arith.index_cast %get3A_519 : i32 to index
      %get3A_521 = arith.index_cast %mul3A_20 : i32 to index
      %get3A_522 = tpu.vector_load %arg4[%get3A_520, %get3A_521] {strides = array<i32>} : memref<512x128xf32, #tpu.memory_space<vmem>>, vector<16xf32>,
      %max3A_523 = arith.maximumf %max3A_518, %get3A_522 : vector<16xf32>
      %get3A_524 = arith.constant 102 : i32
      %get3A_525 = arith.index_cast %get3A_524 : i32 to index
      %get3A_526 = arith.index_cast %mul3A_20 : i32 to index
      %get3A_527 = tpu.vector_load %arg4[%get3A_525, %get3A_526] {strides = array<i32>} : memref<512x128xf32, #tpu.memory_space<vmem>>, vector<16xf32>,
      %max3A_528 = arith.maximumf %max3A_523, %get3A_527 : vector<16xf32>
      %get3A_529 = arith.constant 103 : i32
      %get3A_530 = arith.index_cast %get3A_529 : i32 to index
      %get3A_531 = arith.index_cast %mul3A_20 : i32 to index
      %get3A_532 = tpu.vector_load %arg4[%get3A_530, %get3A_531] {strides = array<i32>} : memref<512x128xf32, #tpu.memory_space<vmem>>, vector<16xf32>,
      %max3A_533 = arith.maximumf %max3A_528, %get3A_532 : vector<16xf32>
      %get3A_534 = arith.constant 104 : i32
      %get3A_535 = arith.index_cast %get3A_534 : i32 to index
      %get3A_536 = arith.index_cast %mul3A_20 : i32 to index
      %get3A_537 = tpu.vector_load %arg4[%get3A_535, %get3A_536] {strides = array<i32>} : memref<512x128xf32, #tpu.memory_space<vmem>>, vector<16xf32>,
      %max3A_538 = arith.maximumf %max3A_533, %get3A_537 : vector<16xf32>
      %get3A_539 = arith.constant 105 : i32
      %get3A_540 = arith.index_cast %get3A_539 : i32 to index
      %get3A_541 = arith.index_cast %mul3A_20 : i32 to index
      %get3A_542 = tpu.vector_load %arg4[%get3A_540, %get3A_541] {strides = array<i32>} : memref<512x128xf32, #tpu.memory_space<vmem>>, vector<16xf32>,
      %max3A_543 = arith.maximumf %max3A_538, %get3A_542 : vector<16xf32>
      %get3A_544 = arith.constant 106 : i32
      %get3A_545 = arith.index_cast %get3A_544 : i32 to index
      %get3A_546 = arith.index_cast %mul3A_20 : i32 to index
      %get3A_547 = tpu.vector_load %arg4[%get3A_545, %get3A_546] {strides = array<i32>} : memref<512x128xf32, #tpu.memory_space<vmem>>, vector<16xf32>,
      %max3A_548 = arith.maximumf %max3A_543, %get3A_547 : vector<16xf32>
      %get3A_549 = arith.constant 107 : i32
      %get3A_550 = arith.index_cast %get3A_549 : i32 to index
      %get3A_551 = arith.index_cast %mul3A_20 : i32 to index
      %get3A_552 = tpu.vector_load %arg4[%get3A_550, %get3A_551] {strides = array<i32>} : memref<512x128xf32, #tpu.memory_space<vmem>>, vector<16xf32>,
      %max3A_553 = arith.maximumf %max3A_548, %get3A_552 : vector<16xf32>
      %get3A_554 = arith.constant 108 : i32
      %get3A_555 = arith.index_cast %get3A_554 : i32 to index
      %get3A_556 = arith.index_cast %mul3A_20 : i32 to index
      %get3A_557 = tpu.vector_load %arg4[%get3A_555, %get3A_556] {strides = array<i32>} : memref<512x128xf32, #tpu.memory_space<vmem>>, vector<16xf32>,
      %max3A_558 = arith.maximumf %max3A_553, %get3A_557 : vector<16xf32>
      %get3A_559 = arith.constant 109 : i32
      %get3A_560 = arith.index_cast %get3A_559 : i32 to index
      %get3A_561 = arith.index_cast %mul3A_20 : i32 to index
      %get3A_562 = tpu.vector_load %arg4[%get3A_560, %get3A_561] {strides = array<i32>} : memref<512x128xf32, #tpu.memory_space<vmem>>, vector<16xf32>,
      %max3A_563 = arith.maximumf %max3A_558, %get3A_562 : vector<16xf32>
      %get3A_564 = arith.constant 110 : i32
      %get3A_565 = arith.index_cast %get3A_564 : i32 to index
      %get3A_566 = arith.index_cast %mul3A_20 : i32 to index
      %get3A_567 = tpu.vector_load %arg4[%get3A_565, %get3A_566] {strides = array<i32>} : memref<512x128xf32, #tpu.memory_space<vmem>>, vector<16xf32>,
      %max3A_568 = arith.maximumf %max3A_563, %get3A_567 : vector<16xf32>
      %get3A_569 = arith.constant 111 : i32
      %get3A_570 = arith.index_cast %get3A_569 : i32 to index
      %get3A_571 = arith.index_cast %mul3A_20 : i32 to index
      %get3A_572 = tpu.vector_load %arg4[%get3A_570, %get3A_571] {strides = array<i32>} : memref<512x128xf32, #tpu.memory_space<vmem>>, vector<16xf32>,
      %max3A_573 = arith.maximumf %max3A_568, %get3A_572 : vector<16xf32>
      %get3A_574 = arith.constant 112 : i32
      %get3A_575 = arith.index_cast %get3A_574 : i32 to index
      %get3A_576 = arith.index_cast %mul3A_20 : i32 to index
      %get3A_577 = tpu.vector_load %arg4[%get3A_575, %get3A_576] {strides = array<i32>} : memref<512x128xf32, #tpu.memory_space<vmem>>, vector<16xf32>,
      %get3A_578 = arith.constant 113 : i32
      %get3A_579 = arith.index_cast %get3A_578 : i32 to index
      %get3A_580 = arith.index_cast %mul3A_20 : i32 to index
      %get3A_581 = tpu.vector_load %arg4[%get3A_579, %get3A_580] {strides = array<i32>} : memref<512x128xf32, #tpu.memory_space<vmem>>, vector<16xf32>,
      %max3A_582 = arith.maximumf %get3A_577, %get3A_581 : vector<16xf32>
      %get3A_583 = arith.constant 114 : i32
      %get3A_584 = arith.index_cast %get3A_583 : i32 to index
      %get3A_585 = arith.index_cast %mul3A_20 : i32 to index
      %get3A_586 = tpu.vector_load %arg4[%get3A_584, %get3A_585] {strides = array<i32>} : memref<512x128xf32, #tpu.memory_space<vmem>>, vector<16xf32>,
      %max3A_587 = arith.maximumf %max3A_582, %get3A_586 : vector<16xf32>
      %get3A_588 = arith.constant 115 : i32
      %get3A_589 = arith.index_cast %get3A_588 : i32 to index
      %get3A_590 = arith.index_cast %mul3A_20 : i32 to index
      %get3A_591 = tpu.vector_load %arg4[%get3A_589, %get3A_590] {strides = array<i32>} : memref<512x128xf32, #tpu.memory_space<vmem>>, vector<16xf32>,
      %max3A_592 = arith.maximumf %max3A_587, %get3A_591 : vector<16xf32>
      %get3A_593 = arith.constant 116 : i32
      %get3A_594 = arith.index_cast %get3A_593 : i32 to index
      %get3A_595 = arith.index_cast %mul3A_20 : i32 to index
      %get3A_596 = tpu.vector_load %arg4[%get3A_594, %get3A_595] {strides = array<i32>} : memref<512x128xf32, #tpu.memory_space<vmem>>, vector<16xf32>,
      %max3A_597 = arith.maximumf %max3A_592, %get3A_596 : vector<16xf32>
      %get3A_598 = arith.constant 117 : i32
      %get3A_599 = arith.index_cast %get3A_598 : i32 to index
      %get3A_600 = arith.index_cast %mul3A_20 : i32 to index
      %get3A_601 = tpu.vector_load %arg4[%get3A_599, %get3A_600] {strides = array<i32>} : memref<512x128xf32, #tpu.memory_space<vmem>>, vector<16xf32>,
      %max3A_602 = arith.maximumf %max3A_597, %get3A_601 : vector<16xf32>
      %get3A_603 = arith.constant 118 : i32
      %get3A_604 = arith.index_cast %get3A_603 : i32 to index
      %get3A_605 = arith.index_cast %mul3A_20 : i32 to index
      %get3A_606 = tpu.vector_load %arg4[%get3A_604, %get3A_605] {strides = array<i32>} : memref<512x128xf32, #tpu.memory_space<vmem>>, vector<16xf32>,
      %max3A_607 = arith.maximumf %max3A_602, %get3A_606 : vector<16xf32>
      %get3A_608 = arith.constant 119 : i32
      %get3A_609 = arith.index_cast %get3A_608 : i32 to index
      %get3A_610 = arith.index_cast %mul3A_20 : i32 to index
      %get3A_611 = tpu.vector_load %arg4[%get3A_609, %get3A_610] {strides = array<i32>} : memref<512x128xf32, #tpu.memory_space<vmem>>, vector<16xf32>,
      %max3A_612 = arith.maximumf %max3A_607, %get3A_611 : vector<16xf32>
      %get3A_613 = arith.constant 120 : i32
      %get3A_614 = arith.index_cast %get3A_613 : i32 to index
      %get3A_615 = arith.index_cast %mul3A_20 : i32 to index
      %get3A_616 = tpu.vector_load %arg4[%get3A_614, %get3A_615] {strides = array<i32>} : memref<512x128xf32, #tpu.memory_space<vmem>>, vector<16xf32>,
      %max3A_617 = arith.maximumf %max3A_612, %get3A_616 : vector<16xf32>
      %get3A_618 = arith.constant 121 : i32
      %get3A_619 = arith.index_cast %get3A_618 : i32 to index
      %get3A_620 = arith.index_cast %mul3A_20 : i32 to index
      %get3A_621 = tpu.vector_load %arg4[%get3A_619, %get3A_620] {strides = array<i32>} : memref<512x128xf32, #tpu.memory_space<vmem>>, vector<16xf32>,
      %max3A_622 = arith.maximumf %max3A_617, %get3A_621 : vector<16xf32>
      %get3A_623 = arith.constant 122 : i32
      %get3A_624 = arith.index_cast %get3A_623 : i32 to index
      %get3A_625 = arith.index_cast %mul3A_20 : i32 to index
      %get3A_626 = tpu.vector_load %arg4[%get3A_624, %get3A_625] {strides = array<i32>} : memref<512x128xf32, #tpu.memory_space<vmem>>, vector<16xf32>,
      %max3A_627 = arith.maximumf %max3A_622, %get3A_626 : vector<16xf32>
      %get3A_628 = arith.constant 123 : i32
      %get3A_629 = arith.index_cast %get3A_628 : i32 to index
      %get3A_630 = arith.index_cast %mul3A_20 : i32 to index
      %get3A_631 = tpu.vector_load %arg4[%get3A_629, %get3A_630] {strides = array<i32>} : memref<512x128xf32, #tpu.memory_space<vmem>>, vector<16xf32>,
      %max3A_632 = arith.maximumf %max3A_627, %get3A_631 : vector<16xf32>
      %get3A_633 = arith.constant 124 : i32
      %get3A_634 = arith.index_cast %get3A_633 : i32 to index
      %get3A_635 = arith.index_cast %mul3A_20 : i32 to index
      %get3A_636 = tpu.vector_load %arg4[%get3A_634, %get3A_635] {strides = array<i32>} : memref<512x128xf32, #tpu.memory_space<vmem>>, vector<16xf32>,
      %max3A_637 = arith.maximumf %max3A_632, %get3A_636 : vector<16xf32>
      %get3A_638 = arith.constant 125 : i32
      %get3A_639 = arith.index_cast %get3A_638 : i32 to index
      %get3A_640 = arith.index_cast %mul3A_20 : i32 to index
      %get3A_641 = tpu.vector_load %arg4[%get3A_639, %get3A_640] {strides = array<i32>} : memref<512x128xf32, #tpu.memory_space<vmem>>, vector<16xf32>,
      %max3A_642 = arith.maximumf %max3A_637, %get3A_641 : vector<16xf32>
      %get3A_643 = arith.constant 126 : i32
      %get3A_644 = arith.index_cast %get3A_643 : i32 to index
      %get3A_645 = arith.index_cast %mul3A_20 : i32 to index
      %get3A_646 = tpu.vector_load %arg4[%get3A_644, %get3A_645] {strides = array<i32>} : memref<512x128xf32, #tpu.memory_space<vmem>>, vector<16xf32>,
      %max3A_647 = arith.maximumf %max3A_642, %get3A_646 : vector<16xf32>
      %get3A_648 = arith.constant 127 : i32
      %get3A_649 = arith.index_cast %get3A_648 : i32 to index
      %get3A_650 = arith.index_cast %mul3A_20 : i32 to index
      %get3A_651 = tpu.vector_load %arg4[%get3A_649, %get3A_650] {strides = array<i32>} : memref<512x128xf32, #tpu.memory_space<vmem>>, vector<16xf32>,
      %max3A_652 = arith.maximumf %max3A_647, %get3A_651 : vector<16xf32>
      %get3A_653 = arith.constant 128 : i32
      %get3A_654 = arith.index_cast %get3A_653 : i32 to index
      %get3A_655 = arith.index_cast %mul3A_20 : i32 to index
      %get3A_656 = tpu.vector_load %arg4[%get3A_654, %get3A_655] {strides = array<i32>} : memref<512x128xf32, #tpu.memory_space<vmem>>, vector<16xf32>,
      %get3A_657 = arith.constant 129 : i32
      %get3A_658 = arith.index_cast %get3A_657 : i32 to index
      %get3A_659 = arith.index_cast %mul3A_20 : i32 to index
      %get3A_660 = tpu.vector_load %arg4[%get3A_658, %get3A_659] {strides = array<i32>} : memref<512x128xf32, #tpu.memory_space<vmem>>, vector<16xf32>,
      %max3A_661 = arith.maximumf %get3A_656, %get3A_660 : vector<16xf32>
      %get3A_662 = arith.constant 130 : i32
      %get3A_663 = arith.index_cast %get3A_662 : i32 to index
      %get3A_664 = arith.index_cast %mul3A_20 : i32 to index
      %get3A_665 = tpu.vector_load %arg4[%get3A_663, %get3A_664] {strides = array<i32>} : memref<512x128xf32, #tpu.memory_space<vmem>>, vector<16xf32>,
      %max3A_666 = arith.maximumf %max3A_661, %get3A_665 : vector<16xf32>
      %get3A_667 = arith.constant 131 : i32
      %get3A_668 = arith.index_cast %get3A_667 : i32 to index
      %get3A_669 = arith.index_cast %mul3A_20 : i32 to index
      %get3A_670 = tpu.vector_load %arg4[%get3A_668, %get3A_669] {strides = array<i32>} : memref<512x128xf32, #tpu.memory_space<vmem>>, vector<16xf32>,
      %max3A_671 = arith.maximumf %max3A_666, %get3A_670 : vector<16xf32>
      %get3A_672 = arith.constant 132 : i32
      %get3A_673 = arith.index_cast %get3A_672 : i32 to index
      %get3A_674 = arith.index_cast %mul3A_20 : i32 to index
      %get3A_675 = tpu.vector_load %arg4[%get3A_673, %get3A_674] {strides = array<i32>} : memref<512x128xf32, #tpu.memory_space<vmem>>, vector<16xf32>,
      %max3A_676 = arith.maximumf %max3A_671, %get3A_675 : vector<16xf32>
      %get3A_677 = arith.constant 133 : i32
      %get3A_678 = arith.index_cast %get3A_677 : i32 to index
      %get3A_679 = arith.index_cast %mul3A_20 : i32 to index
      %get3A_680 = tpu.vector_load %arg4[%get3A_678, %get3A_679] {strides = array<i32>} : memref<512x128xf32, #tpu.memory_space<vmem>>, vector<16xf32>,
      %max3A_681 = arith.maximumf %max3A_676, %get3A_680 : vector<16xf32>
      %get3A_682 = arith.constant 134 : i32
      %get3A_683 = arith.index_cast %get3A_682 : i32 to index
      %get3A_684 = arith.index_cast %mul3A_20 : i32 to index
      %get3A_685 = tpu.vector_load %arg4[%get3A_683, %get3A_684] {strides = array<i32>} : memref<512x128xf32, #tpu.memory_space<vmem>>, vector<16xf32>,
      %max3A_686 = arith.maximumf %max3A_681, %get3A_685 : vector<16xf32>
      %get3A_687 = arith.constant 135 : i32
      %get3A_688 = arith.index_cast %get3A_687 : i32 to index
      %get3A_689 = arith.index_cast %mul3A_20 : i32 to index
      %get3A_690 = tpu.vector_load %arg4[%get3A_688, %get3A_689] {strides = array<i32>} : memref<512x128xf32, #tpu.memory_space<vmem>>, vector<16xf32>,
      %max3A_691 = arith.maximumf %max3A_686, %get3A_690 : vector<16xf32>
      %get3A_692 = arith.constant 136 : i32
      %get3A_693 = arith.index_cast %get3A_692 : i32 to index
      %get3A_694 = arith.index_cast %mul3A_20 : i32 to index
      %get3A_695 = tpu.vector_load %arg4[%get3A_693, %get3A_694] {strides = array<i32>} : memref<512x128xf32, #tpu.memory_space<vmem>>, vector<16xf32>,
      %max3A_696 = arith.maximumf %max3A_691, %get3A_695 : vector<16xf32>
      %get3A_697 = arith.constant 137 : i32
      %get3A_698 = arith.index_cast %get3A_697 : i32 to index
      %get3A_699 = arith.index_cast %mul3A_20 : i32 to index
      %get3A_700 = tpu.vector_load %arg4[%get3A_698, %get3A_699] {strides = array<i32>} : memref<512x128xf32, #tpu.memory_space<vmem>>, vector<16xf32>,
      %max3A_701 = arith.maximumf %max3A_696, %get3A_700 : vector<16xf32>
      %get3A_702 = arith.constant 138 : i32
      %get3A_703 = arith.index_cast %get3A_702 : i32 to index
      %get3A_704 = arith.index_cast %mul3A_20 : i32 to index
      %get3A_705 = tpu.vector_load %arg4[%get3A_703, %get3A_704] {strides = array<i32>} : memref<512x128xf32, #tpu.memory_space<vmem>>, vector<16xf32>,
      %max3A_706 = arith.maximumf %max3A_701, %get3A_705 : vector<16xf32>
      %get3A_707 = arith.constant 139 : i32
      %get3A_708 = arith.index_cast %get3A_707 : i32 to index
      %get3A_709 = arith.index_cast %mul3A_20 : i32 to index
      %get3A_710 = tpu.vector_load %arg4[%get3A_708, %get3A_709] {strides = array<i32>} : memref<512x128xf32, #tpu.memory_space<vmem>>, vector<16xf32>,
      %max3A_711 = arith.maximumf %max3A_706, %get3A_710 : vector<16xf32>
      %get3A_712 = arith.constant 140 : i32
      %get3A_713 = arith.index_cast %get3A_712 : i32 to index
      %get3A_714 = arith.index_cast %mul3A_20 : i32 to index
      %get3A_715 = tpu.vector_load %arg4[%get3A_713, %get3A_714] {strides = array<i32>} : memref<512x128xf32, #tpu.memory_space<vmem>>, vector<16xf32>,
      %max3A_716 = arith.maximumf %max3A_711, %get3A_715 : vector<16xf32>
      %get3A_717 = arith.constant 141 : i32
      %get3A_718 = arith.index_cast %get3A_717 : i32 to index
      %get3A_719 = arith.index_cast %mul3A_20 : i32 to index
      %get3A_720 = tpu.vector_load %arg4[%get3A_718, %get3A_719] {strides = array<i32>} : memref<512x128xf32, #tpu.memory_space<vmem>>, vector<16xf32>,
      %max3A_721 = arith.maximumf %max3A_716, %get3A_720 : vector<16xf32>
      %get3A_722 = arith.constant 142 : i32
      %get3A_723 = arith.index_cast %get3A_722 : i32 to index
      %get3A_724 = arith.index_cast %mul3A_20 : i32 to index
      %get3A_725 = tpu.vector_load %arg4[%get3A_723, %get3A_724] {strides = array<i32>} : memref<512x128xf32, #tpu.memory_space<vmem>>, vector<16xf32>,
      %max3A_726 = arith.maximumf %max3A_721, %get3A_725 : vector<16xf32>
      %get3A_727 = arith.constant 143 : i32
      %get3A_728 = arith.index_cast %get3A_727 : i32 to index
      %get3A_729 = arith.index_cast %mul3A_20 : i32 to index
      %get3A_730 = tpu.vector_load %arg4[%get3A_728, %get3A_729] {strides = array<i32>} : memref<512x128xf32, #tpu.memory_space<vmem>>, vector<16xf32>,
      %max3A_731 = arith.maximumf %max3A_726, %get3A_730 : vector<16xf32>
      %get3A_732 = arith.constant 144 : i32
      %get3A_733 = arith.index_cast %get3A_732 : i32 to index
      %get3A_734 = arith.index_cast %mul3A_20 : i32 to index
      %get3A_735 = tpu.vector_load %arg4[%get3A_733, %get3A_734] {strides = array<i32>} : memref<512x128xf32, #tpu.memory_space<vmem>>, vector<16xf32>,
      %get3A_736 = arith.constant 145 : i32
      %get3A_737 = arith.index_cast %get3A_736 : i32 to index
      %get3A_738 = arith.index_cast %mul3A_20 : i32 to index
      %get3A_739 = tpu.vector_load %arg4[%get3A_737, %get3A_738] {strides = array<i32>} : memref<512x128xf32, #tpu.memory_space<vmem>>, vector<16xf32>,
      %max3A_740 = arith.maximumf %get3A_735, %get3A_739 : vector<16xf32>
      %get3A_741 = arith.constant 146 : i32
      %get3A_742 = arith.index_cast %get3A_741 : i32 to index
      %get3A_743 = arith.index_cast %mul3A_20 : i32 to index
      %get3A_744 = tpu.vector_load %arg4[%get3A_742, %get3A_743] {strides = array<i32>} : memref<512x128xf32, #tpu.memory_space<vmem>>, vector<16xf32>,
      %max3A_745 = arith.maximumf %max3A_740, %get3A_744 : vector<16xf32>
      %get3A_746 = arith.constant 147 : i32
      %get3A_747 = arith.index_cast %get3A_746 : i32 to index
      %get3A_748 = arith.index_cast %mul3A_20 : i32 to index
      %get3A_749 = tpu.vector_load %arg4[%get3A_747, %get3A_748] {strides = array<i32>} : memref<512x128xf32, #tpu.memory_space<vmem>>, vector<16xf32>,
      %max3A_750 = arith.maximumf %max3A_745, %get3A_749 : vector<16xf32>
      %get3A_751 = arith.constant 148 : i32
      %get3A_752 = arith.index_cast %get3A_751 : i32 to index
      %get3A_753 = arith.index_cast %mul3A_20 : i32 to index
      %get3A_754 = tpu.vector_load %arg4[%get3A_752, %get3A_753] {strides = array<i32>} : memref<512x128xf32, #tpu.memory_space<vmem>>, vector<16xf32>,
      %max3A_755 = arith.maximumf %max3A_750, %get3A_754 : vector<16xf32>
      %get3A_756 = arith.constant 149 : i32
      %get3A_757 = arith.index_cast %get3A_756 : i32 to index
      %get3A_758 = arith.index_cast %mul3A_20 : i32 to index
      %get3A_759 = tpu.vector_load %arg4[%get3A_757, %get3A_758] {strides = array<i32>} : memref<512x128xf32, #tpu.memory_space<vmem>>, vector<16xf32>,
      %max3A_760 = arith.maximumf %max3A_755, %get3A_759 : vector<16xf32>
      %get3A_761 = arith.constant 150 : i32
      %get3A_762 = arith.index_cast %get3A_761 : i32 to index
      %get3A_763 = arith.index_cast %mul3A_20 : i32 to index
      %get3A_764 = tpu.vector_load %arg4[%get3A_762, %get3A_763] {strides = array<i32>} : memref<512x128xf32, #tpu.memory_space<vmem>>, vector<16xf32>,
      %max3A_765 = arith.maximumf %max3A_760, %get3A_764 : vector<16xf32>
      %get3A_766 = arith.constant 151 : i32
      %get3A_767 = arith.index_cast %get3A_766 : i32 to index
      %get3A_768 = arith.index_cast %mul3A_20 : i32 to index
      %get3A_769 = tpu.vector_load %arg4[%get3A_767, %get3A_768] {strides = array<i32>} : memref<512x128xf32, #tpu.memory_space<vmem>>, vector<16xf32>,
      %max3A_770 = arith.maximumf %max3A_765, %get3A_769 : vector<16xf32>
      %get3A_771 = arith.constant 152 : i32
      %get3A_772 = arith.index_cast %get3A_771 : i32 to index
      %get3A_773 = arith.index_cast %mul3A_20 : i32 to index
      %get3A_774 = tpu.vector_load %arg4[%get3A_772, %get3A_773] {strides = array<i32>} : memref<512x128xf32, #tpu.memory_space<vmem>>, vector<16xf32>,
      %max3A_775 = arith.maximumf %max3A_770, %get3A_774 : vector<16xf32>
      %get3A_776 = arith.constant 153 : i32
      %get3A_777 = arith.index_cast %get3A_776 : i32 to index
      %get3A_778 = arith.index_cast %mul3A_20 : i32 to index
      %get3A_779 = tpu.vector_load %arg4[%get3A_777, %get3A_778] {strides = array<i32>} : memref<512x128xf32, #tpu.memory_space<vmem>>, vector<16xf32>,
      %max3A_780 = arith.maximumf %max3A_775, %get3A_779 : vector<16xf32>
      %get3A_781 = arith.constant 154 : i32
      %get3A_782 = arith.index_cast %get3A_781 : i32 to index
      %get3A_783 = arith.index_cast %mul3A_20 : i32 to index
      %get3A_784 = tpu.vector_load %arg4[%get3A_782, %get3A_783] {strides = array<i32>} : memref<512x128xf32, #tpu.memory_space<vmem>>, vector<16xf32>,
      %max3A_785 = arith.maximumf %max3A_780, %get3A_784 : vector<16xf32>
      %get3A_786 = arith.constant 155 : i32
      %get3A_787 = arith.index_cast %get3A_786 : i32 to index
      %get3A_788 = arith.index_cast %mul3A_20 : i32 to index
      %get3A_789 = tpu.vector_load %arg4[%get3A_787, %get3A_788] {strides = array<i32>} : memref<512x128xf32, #tpu.memory_space<vmem>>, vector<16xf32>,
      %max3A_790 = arith.maximumf %max3A_785, %get3A_789 : vector<16xf32>
      %get3A_791 = arith.constant 156 : i32
      %get3A_792 = arith.index_cast %get3A_791 : i32 to index
      %get3A_793 = arith.index_cast %mul3A_20 : i32 to index
      %get3A_794 = tpu.vector_load %arg4[%get3A_792, %get3A_793] {strides = array<i32>} : memref<512x128xf32, #tpu.memory_space<vmem>>, vector<16xf32>,
      %max3A_795 = arith.maximumf %max3A_790, %get3A_794 : vector<16xf32>
      %get3A_796 = arith.constant 157 : i32
      %get3A_797 = arith.index_cast %get3A_796 : i32 to index
      %get3A_798 = arith.index_cast %mul3A_20 : i32 to index
      %get3A_799 = tpu.vector_load %arg4[%get3A_797, %get3A_798] {strides = array<i32>} : memref<512x128xf32, #tpu.memory_space<vmem>>, vector<16xf32>,
      %max3A_800 = arith.maximumf %max3A_795, %get3A_799 : vector<16xf32>
      %get3A_801 = arith.constant 158 : i32
      %get3A_802 = arith.index_cast %get3A_801 : i32 to index
      %get3A_803 = arith.index_cast %mul3A_20 : i32 to index
      %get3A_804 = tpu.vector_load %arg4[%get3A_802, %get3A_803] {strides = array<i32>} : memref<512x128xf32, #tpu.memory_space<vmem>>, vector<16xf32>,
      %max3A_805 = arith.maximumf %max3A_800, %get3A_804 : vector<16xf32>
      %get3A_806 = arith.constant 159 : i32
      %get3A_807 = arith.index_cast %get3A_806 : i32 to index
      %get3A_808 = arith.index_cast %mul3A_20 : i32 to index
      %get3A_809 = tpu.vector_load %arg4[%get3A_807, %get3A_808] {strides = array<i32>} : memref<512x128xf32, #tpu.memory_space<vmem>>, vector<16xf32>,
      %max3A_810 = arith.maximumf %max3A_805, %get3A_809 : vector<16xf32>
      %get3A_811 = arith.constant 160 : i32
      %get3A_812 = arith.index_cast %get3A_811 : i32 to index
      %get3A_813 = arith.index_cast %mul3A_20 : i32 to index
      %get3A_814 = tpu.vector_load %arg4[%get3A_812, %get3A_813] {strides = array<i32>} : memref<512x128xf32, #tpu.memory_space<vmem>>, vector<16xf32>,
      %get3A_815 = arith.constant 161 : i32
      %get3A_816 = arith.index_cast %get3A_815 : i32 to index
      %get3A_817 = arith.index_cast %mul3A_20 : i32 to index
      %get3A_818 = tpu.vector_load %arg4[%get3A_816, %get3A_817] {strides = array<i32>} : memref<512x128xf32, #tpu.memory_space<vmem>>, vector<16xf32>,
      %max3A_819 = arith.maximumf %get3A_814, %get3A_818 : vector<16xf32>
      %get3A_820 = arith.constant 162 : i32
      %get3A_821 = arith.index_cast %get3A_820 : i32 to index
      %get3A_822 = arith.index_cast %mul3A_20 : i32 to index
      %get3A_823 = tpu.vector_load %arg4[%get3A_821, %get3A_822] {strides = array<i32>} : memref<512x128xf32, #tpu.memory_space<vmem>>, vector<16xf32>,
      %max3A_824 = arith.maximumf %max3A_819, %get3A_823 : vector<16xf32>
      %get3A_825 = arith.constant 163 : i32
      %get3A_826 = arith.index_cast %get3A_825 : i32 to index
      %get3A_827 = arith.index_cast %mul3A_20 : i32 to index
      %get3A_828 = tpu.vector_load %arg4[%get3A_826, %get3A_827] {strides = array<i32>} : memref<512x128xf32, #tpu.memory_space<vmem>>, vector<16xf32>,
      %max3A_829 = arith.maximumf %max3A_824, %get3A_828 : vector<16xf32>
      %get3A_830 = arith.constant 164 : i32
      %get3A_831 = arith.index_cast %get3A_830 : i32 to index
      %get3A_832 = arith.index_cast %mul3A_20 : i32 to index
      %get3A_833 = tpu.vector_load %arg4[%get3A_831, %get3A_832] {strides = array<i32>} : memref<512x128xf32, #tpu.memory_space<vmem>>, vector<16xf32>,
      %max3A_834 = arith.maximumf %max3A_829, %get3A_833 : vector<16xf32>
      %get3A_835 = arith.constant 165 : i32
      %get3A_836 = arith.index_cast %get3A_835 : i32 to index
      %get3A_837 = arith.index_cast %mul3A_20 : i32 to index
      %get3A_838 = tpu.vector_load %arg4[%get3A_836, %get3A_837] {strides = array<i32>} : memref<512x128xf32, #tpu.memory_space<vmem>>, vector<16xf32>,
      %max3A_839 = arith.maximumf %max3A_834, %get3A_838 : vector<16xf32>
      %get3A_840 = arith.constant 166 : i32
      %get3A_841 = arith.index_cast %get3A_840 : i32 to index
      %get3A_842 = arith.index_cast %mul3A_20 : i32 to index
      %get3A_843 = tpu.vector_load %arg4[%get3A_841, %get3A_842] {strides = array<i32>} : memref<512x128xf32, #tpu.memory_space<vmem>>, vector<16xf32>,
      %max3A_844 = arith.maximumf %max3A_839, %get3A_843 : vector<16xf32>
      %get3A_845 = arith.constant 167 : i32
      %get3A_846 = arith.index_cast %get3A_845 : i32 to index
      %get3A_847 = arith.index_cast %mul3A_20 : i32 to index
      %get3A_848 = tpu.vector_load %arg4[%get3A_846, %get3A_847] {strides = array<i32>} : memref<512x128xf32, #tpu.memory_space<vmem>>, vector<16xf32>,
      %max3A_849 = arith.maximumf %max3A_844, %get3A_848 : vector<16xf32>
      %get3A_850 = arith.constant 168 : i32
      %get3A_851 = arith.index_cast %get3A_850 : i32 to index
      %get3A_852 = arith.index_cast %mul3A_20 : i32 to index
      %get3A_853 = tpu.vector_load %arg4[%get3A_851, %get3A_852] {strides = array<i32>} : memref<512x128xf32, #tpu.memory_space<vmem>>, vector<16xf32>,
      %max3A_854 = arith.maximumf %max3A_849, %get3A_853 : vector<16xf32>
      %get3A_855 = arith.constant 169 : i32
      %get3A_856 = arith.index_cast %get3A_855 : i32 to index
      %get3A_857 = arith.index_cast %mul3A_20 : i32 to index
      %get3A_858 = tpu.vector_load %arg4[%get3A_856, %get3A_857] {strides = array<i32>} : memref<512x128xf32, #tpu.memory_space<vmem>>, vector<16xf32>,
      %max3A_859 = arith.maximumf %max3A_854, %get3A_858 : vector<16xf32>
      %get3A_860 = arith.constant 170 : i32
      %get3A_861 = arith.index_cast %get3A_860 : i32 to index
      %get3A_862 = arith.index_cast %mul3A_20 : i32 to index
      %get3A_863 = tpu.vector_load %arg4[%get3A_861, %get3A_862] {strides = array<i32>} : memref<512x128xf32, #tpu.memory_space<vmem>>, vector<16xf32>,
      %max3A_864 = arith.maximumf %max3A_859, %get3A_863 : vector<16xf32>
      %get3A_865 = arith.constant 171 : i32
      %get3A_866 = arith.index_cast %get3A_865 : i32 to index
      %get3A_867 = arith.index_cast %mul3A_20 : i32 to index
      %get3A_868 = tpu.vector_load %arg4[%get3A_866, %get3A_867] {strides = array<i32>} : memref<512x128xf32, #tpu.memory_space<vmem>>, vector<16xf32>,
      %max3A_869 = arith.maximumf %max3A_864, %get3A_868 : vector<16xf32>
      %get3A_870 = arith.constant 172 : i32
      %get3A_871 = arith.index_cast %get3A_870 : i32 to index
      %get3A_872 = arith.index_cast %mul3A_20 : i32 to index
      %get3A_873 = tpu.vector_load %arg4[%get3A_871, %get3A_872] {strides = array<i32>} : memref<512x128xf32, #tpu.memory_space<vmem>>, vector<16xf32>,
      %max3A_874 = arith.maximumf %max3A_869, %get3A_873 : vector<16xf32>
      %get3A_875 = arith.constant 173 : i32
      %get3A_876 = arith.index_cast %get3A_875 : i32 to index
      %get3A_877 = arith.index_cast %mul3A_20 : i32 to index
      %get3A_878 = tpu.vector_load %arg4[%get3A_876, %get3A_877] {strides = array<i32>} : memref<512x128xf32, #tpu.memory_space<vmem>>, vector<16xf32>,
      %max3A_879 = arith.maximumf %max3A_874, %get3A_878 : vector<16xf32>
      %get3A_880 = arith.constant 174 : i32
      %get3A_881 = arith.index_cast %get3A_880 : i32 to index
      %get3A_882 = arith.index_cast %mul3A_20 : i32 to index
      %get3A_883 = tpu.vector_load %arg4[%get3A_881, %get3A_882] {strides = array<i32>} : memref<512x128xf32, #tpu.memory_space<vmem>>, vector<16xf32>,
      %max3A_884 = arith.maximumf %max3A_879, %get3A_883 : vector<16xf32>
      %get3A_885 = arith.constant 175 : i32
      %get3A_886 = arith.index_cast %get3A_885 : i32 to index
      %get3A_887 = arith.index_cast %mul3A_20 : i32 to index
      %get3A_888 = tpu.vector_load %arg4[%get3A_886, %get3A_887] {strides = array<i32>} : memref<512x128xf32, #tpu.memory_space<vmem>>, vector<16xf32>,
      %max3A_889 = arith.maximumf %max3A_884, %get3A_888 : vector<16xf32>
      %get3A_890 = arith.constant 176 : i32
      %get3A_891 = arith.index_cast %get3A_890 : i32 to index
      %get3A_892 = arith.index_cast %mul3A_20 : i32 to index
      %get3A_893 = tpu.vector_load %arg4[%get3A_891, %get3A_892] {strides = array<i32>} : memref<512x128xf32, #tpu.memory_space<vmem>>, vector<16xf32>,
      %get3A_894 = arith.constant 177 : i32
      %get3A_895 = arith.index_cast %get3A_894 : i32 to index
      %get3A_896 = arith.index_cast %mul3A_20 : i32 to index
      %get3A_897 = tpu.vector_load %arg4[%get3A_895, %get3A_896] {strides = array<i32>} : memref<512x128xf32, #tpu.memory_space<vmem>>, vector<16xf32>,
      %max3A_898 = arith.maximumf %get3A_893, %get3A_897 : vector<16xf32>
      %get3A_899 = arith.constant 178 : i32
      %get3A_900 = arith.index_cast %get3A_899 : i32 to index
      %get3A_901 = arith.index_cast %mul3A_20 : i32 to index
      %get3A_902 = tpu.vector_load %arg4[%get3A_900, %get3A_901] {strides = array<i32>} : memref<512x128xf32, #tpu.memory_space<vmem>>, vector<16xf32>,
      %max3A_903 = arith.maximumf %max3A_898, %get3A_902 : vector<16xf32>
      %get3A_904 = arith.constant 179 : i32
      %get3A_905 = arith.index_cast %get3A_904 : i32 to index
      %get3A_906 = arith.index_cast %mul3A_20 : i32 to index
      %get3A_907 = tpu.vector_load %arg4[%get3A_905, %get3A_906] {strides = array<i32>} : memref<512x128xf32, #tpu.memory_space<vmem>>, vector<16xf32>,
      %max3A_908 = arith.maximumf %max3A_903, %get3A_907 : vector<16xf32>
      %get3A_909 = arith.constant 180 : i32
      %get3A_910 = arith.index_cast %get3A_909 : i32 to index
      %get3A_911 = arith.index_cast %mul3A_20 : i32 to index
      %get3A_912 = tpu.vector_load %arg4[%get3A_910, %get3A_911] {strides = array<i32>} : memref<512x128xf32, #tpu.memory_space<vmem>>, vector<16xf32>,
      %max3A_913 = arith.maximumf %max3A_908, %get3A_912 : vector<16xf32>
      %get3A_914 = arith.constant 181 : i32
      %get3A_915 = arith.index_cast %get3A_914 : i32 to index
      %get3A_916 = arith.index_cast %mul3A_20 : i32 to index
      %get3A_917 = tpu.vector_load %arg4[%get3A_915, %get3A_916] {strides = array<i32>} : memref<512x128xf32, #tpu.memory_space<vmem>>, vector<16xf32>,
      %max3A_918 = arith.maximumf %max3A_913, %get3A_917 : vector<16xf32>
      %get3A_919 = arith.constant 182 : i32
      %get3A_920 = arith.index_cast %get3A_919 : i32 to index
      %get3A_921 = arith.index_cast %mul3A_20 : i32 to index
      %get3A_922 = tpu.vector_load %arg4[%get3A_920, %get3A_921] {strides = array<i32>} : memref<512x128xf32, #tpu.memory_space<vmem>>, vector<16xf32>,
      %max3A_923 = arith.maximumf %max3A_918, %get3A_922 : vector<16xf32>
      %get3A_924 = arith.constant 183 : i32
      %get3A_925 = arith.index_cast %get3A_924 : i32 to index
      %get3A_926 = arith.index_cast %mul3A_20 : i32 to index
      %get3A_927 = tpu.vector_load %arg4[%get3A_925, %get3A_926] {strides = array<i32>} : memref<512x128xf32, #tpu.memory_space<vmem>>, vector<16xf32>,
      %max3A_928 = arith.maximumf %max3A_923, %get3A_927 : vector<16xf32>
      %get3A_929 = arith.constant 184 : i32
      %get3A_930 = arith.index_cast %get3A_929 : i32 to index
      %get3A_931 = arith.index_cast %mul3A_20 : i32 to index
      %get3A_932 = tpu.vector_load %arg4[%get3A_930, %get3A_931] {strides = array<i32>} : memref<512x128xf32, #tpu.memory_space<vmem>>, vector<16xf32>,
      %max3A_933 = arith.maximumf %max3A_928, %get3A_932 : vector<16xf32>
      %get3A_934 = arith.constant 185 : i32
      %get3A_935 = arith.index_cast %get3A_934 : i32 to index
      %get3A_936 = arith.index_cast %mul3A_20 : i32 to index
      %get3A_937 = tpu.vector_load %arg4[%get3A_935, %get3A_936] {strides = array<i32>} : memref<512x128xf32, #tpu.memory_space<vmem>>, vector<16xf32>,
      %max3A_938 = arith.maximumf %max3A_933, %get3A_937 : vector<16xf32>
      %get3A_939 = arith.constant 186 : i32
      %get3A_940 = arith.index_cast %get3A_939 : i32 to index
      %get3A_941 = arith.index_cast %mul3A_20 : i32 to index
      %get3A_942 = tpu.vector_load %arg4[%get3A_940, %get3A_941] {strides = array<i32>} : memref<512x128xf32, #tpu.memory_space<vmem>>, vector<16xf32>,
      %max3A_943 = arith.maximumf %max3A_938, %get3A_942 : vector<16xf32>
      %get3A_944 = arith.constant 187 : i32
      %get3A_945 = arith.index_cast %get3A_944 : i32 to index
      %get3A_946 = arith.index_cast %mul3A_20 : i32 to index
      %get3A_947 = tpu.vector_load %arg4[%get3A_945, %get3A_946] {strides = array<i32>} : memref<512x128xf32, #tpu.memory_space<vmem>>, vector<16xf32>,
      %max3A_948 = arith.maximumf %max3A_943, %get3A_947 : vector<16xf32>
      %get3A_949 = arith.constant 188 : i32
      %get3A_950 = arith.index_cast %get3A_949 : i32 to index
      %get3A_951 = arith.index_cast %mul3A_20 : i32 to index
      %get3A_952 = tpu.vector_load %arg4[%get3A_950, %get3A_951] {strides = array<i32>} : memref<512x128xf32, #tpu.memory_space<vmem>>, vector<16xf32>,
      %max3A_953 = arith.maximumf %max3A_948, %get3A_952 : vector<16xf32>
      %get3A_954 = arith.constant 189 : i32
      %get3A_955 = arith.index_cast %get3A_954 : i32 to index
      %get3A_956 = arith.index_cast %mul3A_20 : i32 to index
      %get3A_957 = tpu.vector_load %arg4[%get3A_955, %get3A_956] {strides = array<i32>} : memref<512x128xf32, #tpu.memory_space<vmem>>, vector<16xf32>,
      %max3A_958 = arith.maximumf %max3A_953, %get3A_957 : vector<16xf32>
      %get3A_959 = arith.constant 190 : i32
      %get3A_960 = arith.index_cast %get3A_959 : i32 to index
      %get3A_961 = arith.index_cast %mul3A_20 : i32 to index
      %get3A_962 = tpu.vector_load %arg4[%get3A_960, %get3A_961] {strides = array<i32>} : memref<512x128xf32, #tpu.memory_space<vmem>>, vector<16xf32>,
      %max3A_963 = arith.maximumf %max3A_958, %get3A_962 : vector<16xf32>
      %get3A_964 = arith.constant 191 : i32
      %get3A_965 = arith.index_cast %get3A_964 : i32 to index
      %get3A_966 = arith.index_cast %mul3A_20 : i32 to index
      %get3A_967 = tpu.vector_load %arg4[%get3A_965, %get3A_966] {strides = array<i32>} : memref<512x128xf32, #tpu.memory_space<vmem>>, vector<16xf32>,
      %max3A_968 = arith.maximumf %max3A_963, %get3A_967 : vector<16xf32>
      %get3A_969 = arith.constant 192 : i32
      %get3A_970 = arith.index_cast %get3A_969 : i32 to index
      %get3A_971 = arith.index_cast %mul3A_20 : i32 to index
      %get3A_972 = tpu.vector_load %arg4[%get3A_970, %get3A_971] {strides = array<i32>} : memref<512x128xf32, #tpu.memory_space<vmem>>, vector<16xf32>,
      %get3A_973 = arith.constant 193 : i32
      %get3A_974 = arith.index_cast %get3A_973 : i32 to index
      %get3A_975 = arith.index_cast %mul3A_20 : i32 to index
      %get3A_976 = tpu.vector_load %arg4[%get3A_974, %get3A_975] {strides = array<i32>} : memref<512x128xf32, #tpu.memory_space<vmem>>, vector<16xf32>,
      %max3A_977 = arith.maximumf %get3A_972, %get3A_976 : vector<16xf32>
      %get3A_978 = arith.constant 194 : i32
      %get3A_979 = arith.index_cast %get3A_978 : i32 to index
      %get3A_980 = arith.index_cast %mul3A_20 : i32 to index
      %get3A_981 = tpu.vector_load %arg4[%get3A_979, %get3A_980] {strides = array<i32>} : memref<512x128xf32, #tpu.memory_space<vmem>>, vector<16xf32>,
      %max3A_982 = arith.maximumf %max3A_977, %get3A_981 : vector<16xf32>
      %get3A_983 = arith.constant 195 : i32
      %get3A_984 = arith.index_cast %get3A_983 : i32 to index
      %get3A_985 = arith.index_cast %mul3A_20 : i32 to index
      %get3A_986 = tpu.vector_load %arg4[%get3A_984, %get3A_985] {strides = array<i32>} : memref<512x128xf32, #tpu.memory_space<vmem>>, vector<16xf32>,
      %max3A_987 = arith.maximumf %max3A_982, %get3A_986 : vector<16xf32>
      %get3A_988 = arith.constant 196 : i32
      %get3A_989 = arith.index_cast %get3A_988 : i32 to index
      %get3A_990 = arith.index_cast %mul3A_20 : i32 to index
      %get3A_991 = tpu.vector_load %arg4[%get3A_989, %get3A_990] {strides = array<i32>} : memref<512x128xf32, #tpu.memory_space<vmem>>, vector<16xf32>,
      %max3A_992 = arith.maximumf %max3A_987, %get3A_991 : vector<16xf32>
      %get3A_993 = arith.constant 197 : i32
      %get3A_994 = arith.index_cast %get3A_993 : i32 to index
      %get3A_995 = arith.index_cast %mul3A_20 : i32 to index
      %get3A_996 = tpu.vector_load %arg4[%get3A_994, %get3A_995] {strides = array<i32>} : memref<512x128xf32, #tpu.memory_space<vmem>>, vector<16xf32>,
      %max3A_997 = arith.maximumf %max3A_992, %get3A_996 : vector<16xf32>
      %get3A_998 = arith.constant 198 : i32
      %get3A_999 = arith.index_cast %get3A_998 : i32 to index
      %get3A_1000 = arith.index_cast %mul3A_20 : i32 to index
      %get3A_1001 = tpu.vector_load %arg4[%get3A_999, %get3A_1000] {strides = array<i32>} : memref<512x128xf32, #tpu.memory_space<vmem>>, vector<16xf32>,
      %max3A_1002 = arith.maximumf %max3A_997, %get3A_1001 : vector<16xf32>
      %get3A_1003 = arith.constant 199 : i32
      %get3A_1004 = arith.index_cast %get3A_1003 : i32 to index
      %get3A_1005 = arith.index_cast %mul3A_20 : i32 to index
      %get3A_1006 = tpu.vector_load %arg4[%get3A_1004, %get3A_1005] {strides = array<i32>} : memref<512x128xf32, #tpu.memory_space<vmem>>, vector<16xf32>,
      %max3A_1007 = arith.maximumf %max3A_1002, %get3A_1006 : vector<16xf32>
      %get3A_1008 = arith.constant 200 : i32
      %get3A_1009 = arith.index_cast %get3A_1008 : i32 to index
      %get3A_1010 = arith.index_cast %mul3A_20 : i32 to index
      %get3A_1011 = tpu.vector_load %arg4[%get3A_1009, %get3A_1010] {strides = array<i32>} : memref<512x128xf32, #tpu.memory_space<vmem>>, vector<16xf32>,
      %max3A_1012 = arith.maximumf %max3A_1007, %get3A_1011 : vector<16xf32>
      %get3A_1013 = arith.constant 201 : i32
      %get3A_1014 = arith.index_cast %get3A_1013 : i32 to index
      %get3A_1015 = arith.index_cast %mul3A_20 : i32 to index
      %get3A_1016 = tpu.vector_load %arg4[%get3A_1014, %get3A_1015] {strides = array<i32>} : memref<512x128xf32, #tpu.memory_space<vmem>>, vector<16xf32>,
      %max3A_1017 = arith.maximumf %max3A_1012, %get3A_1016 : vector<16xf32>
      %get3A_1018 = arith.constant 202 : i32
      %get3A_1019 = arith.index_cast %get3A_1018 : i32 to index
      %get3A_1020 = arith.index_cast %mul3A_20 : i32 to index
      %get3A_1021 = tpu.vector_load %arg4[%get3A_1019, %get3A_1020] {strides = array<i32>} : memref<512x128xf32, #tpu.memory_space<vmem>>, vector<16xf32>,
      %max3A_1022 = arith.maximumf %max3A_1017, %get3A_1021 : vector<16xf32>
      %get3A_1023 = arith.constant 203 : i32
      %get3A_1024 = arith.index_cast %get3A_1023 : i32 to index
      %get3A_1025 = arith.index_cast %mul3A_20 : i32 to index
      %get3A_1026 = tpu.vector_load %arg4[%get3A_1024, %get3A_1025] {strides = array<i32>} : memref<512x128xf32, #tpu.memory_space<vmem>>, vector<16xf32>,
      %max3A_1027 = arith.maximumf %max3A_1022, %get3A_1026 : vector<16xf32>
      %get3A_1028 = arith.constant 204 : i32
      %get3A_1029 = arith.index_cast %get3A_1028 : i32 to index
      %get3A_1030 = arith.index_cast %mul3A_20 : i32 to index
      %get3A_1031 = tpu.vector_load %arg4[%get3A_1029, %get3A_1030] {strides = array<i32>} : memref<512x128xf32, #tpu.memory_space<vmem>>, vector<16xf32>,
      %max3A_1032 = arith.maximumf %max3A_1027, %get3A_1031 : vector<16xf32>
      %get3A_1033 = arith.constant 205 : i32
      %get3A_1034 = arith.index_cast %get3A_1033 : i32 to index
      %get3A_1035 = arith.index_cast %mul3A_20 : i32 to index
      %get3A_1036 = tpu.vector_load %arg4[%get3A_1034, %get3A_1035] {strides = array<i32>} : memref<512x128xf32, #tpu.memory_space<vmem>>, vector<16xf32>,
      %max3A_1037 = arith.maximumf %max3A_1032, %get3A_1036 : vector<16xf32>
      %get3A_1038 = arith.constant 206 : i32
      %get3A_1039 = arith.index_cast %get3A_1038 : i32 to index
      %get3A_1040 = arith.index_cast %mul3A_20 : i32 to index
      %get3A_1041 = tpu.vector_load %arg4[%get3A_1039, %get3A_1040] {strides = array<i32>} : memref<512x128xf32, #tpu.memory_space<vmem>>, vector<16xf32>,
      %max3A_1042 = arith.maximumf %max3A_1037, %get3A_1041 : vector<16xf32>
      %get3A_1043 = arith.constant 207 : i32
      %get3A_1044 = arith.index_cast %get3A_1043 : i32 to index
      %get3A_1045 = arith.index_cast %mul3A_20 : i32 to index
      %get3A_1046 = tpu.vector_load %arg4[%get3A_1044, %get3A_1045] {strides = array<i32>} : memref<512x128xf32, #tpu.memory_space<vmem>>, vector<16xf32>,
      %max3A_1047 = arith.maximumf %max3A_1042, %get3A_1046 : vector<16xf32>
      %get3A_1048 = arith.constant 208 : i32
      %get3A_1049 = arith.index_cast %get3A_1048 : i32 to index
      %get3A_1050 = arith.index_cast %mul3A_20 : i32 to index
      %get3A_1051 = tpu.vector_load %arg4[%get3A_1049, %get3A_1050] {strides = array<i32>} : memref<512x128xf32, #tpu.memory_space<vmem>>, vector<16xf32>,
      %get3A_1052 = arith.constant 209 : i32
      %get3A_1053 = arith.index_cast %get3A_1052 : i32 to index
      %get3A_1054 = arith.index_cast %mul3A_20 : i32 to index
      %get3A_1055 = tpu.vector_load %arg4[%get3A_1053, %get3A_1054] {strides = array<i32>} : memref<512x128xf32, #tpu.memory_space<vmem>>, vector<16xf32>,
      %max3A_1056 = arith.maximumf %get3A_1051, %get3A_1055 : vector<16xf32>
      %get3A_1057 = arith.constant 210 : i32
      %get3A_1058 = arith.index_cast %get3A_1057 : i32 to index
      %get3A_1059 = arith.index_cast %mul3A_20 : i32 to index
      %get3A_1060 = tpu.vector_load %arg4[%get3A_1058, %get3A_1059] {strides = array<i32>} : memref<512x128xf32, #tpu.memory_space<vmem>>, vector<16xf32>,
      %max3A_1061 = arith.maximumf %max3A_1056, %get3A_1060 : vector<16xf32>
      %get3A_1062 = arith.constant 211 : i32
      %get3A_1063 = arith.index_cast %get3A_1062 : i32 to index
      %get3A_1064 = arith.index_cast %mul3A_20 : i32 to index
      %get3A_1065 = tpu.vector_load %arg4[%get3A_1063, %get3A_1064] {strides = array<i32>} : memref<512x128xf32, #tpu.memory_space<vmem>>, vector<16xf32>,
      %max3A_1066 = arith.maximumf %max3A_1061, %get3A_1065 : vector<16xf32>
      %get3A_1067 = arith.constant 212 : i32
      %get3A_1068 = arith.index_cast %get3A_1067 : i32 to index
      %get3A_1069 = arith.index_cast %mul3A_20 : i32 to index
      %get3A_1070 = tpu.vector_load %arg4[%get3A_1068, %get3A_1069] {strides = array<i32>} : memref<512x128xf32, #tpu.memory_space<vmem>>, vector<16xf32>,
      %max3A_1071 = arith.maximumf %max3A_1066, %get3A_1070 : vector<16xf32>
      %get3A_1072 = arith.constant 213 : i32
      %get3A_1073 = arith.index_cast %get3A_1072 : i32 to index
      %get3A_1074 = arith.index_cast %mul3A_20 : i32 to index
      %get3A_1075 = tpu.vector_load %arg4[%get3A_1073, %get3A_1074] {strides = array<i32>} : memref<512x128xf32, #tpu.memory_space<vmem>>, vector<16xf32>,
      %max3A_1076 = arith.maximumf %max3A_1071, %get3A_1075 : vector<16xf32>
      %get3A_1077 = arith.constant 214 : i32
      %get3A_1078 = arith.index_cast %get3A_1077 : i32 to index
      %get3A_1079 = arith.index_cast %mul3A_20 : i32 to index
      %get3A_1080 = tpu.vector_load %arg4[%get3A_1078, %get3A_1079] {strides = array<i32>} : memref<512x128xf32, #tpu.memory_space<vmem>>, vector<16xf32>,
      %max3A_1081 = arith.maximumf %max3A_1076, %get3A_1080 : vector<16xf32>
      %get3A_1082 = arith.constant 215 : i32
      %get3A_1083 = arith.index_cast %get3A_1082 : i32 to index
      %get3A_1084 = arith.index_cast %mul3A_20 : i32 to index
      %get3A_1085 = tpu.vector_load %arg4[%get3A_1083, %get3A_1084] {strides = array<i32>} : memref<512x128xf32, #tpu.memory_space<vmem>>, vector<16xf32>,
      %max3A_1086 = arith.maximumf %max3A_1081, %get3A_1085 : vector<16xf32>
      %get3A_1087 = arith.constant 216 : i32
      %get3A_1088 = arith.index_cast %get3A_1087 : i32 to index
      %get3A_1089 = arith.index_cast %mul3A_20 : i32 to index
      %get3A_1090 = tpu.vector_load %arg4[%get3A_1088, %get3A_1089] {strides = array<i32>} : memref<512x128xf32, #tpu.memory_space<vmem>>, vector<16xf32>,
      %max3A_1091 = arith.maximumf %max3A_1086, %get3A_1090 : vector<16xf32>
      %get3A_1092 = arith.constant 217 : i32
      %get3A_1093 = arith.index_cast %get3A_1092 : i32 to index
      %get3A_1094 = arith.index_cast %mul3A_20 : i32 to index
      %get3A_1095 = tpu.vector_load %arg4[%get3A_1093, %get3A_1094] {strides = array<i32>} : memref<512x128xf32, #tpu.memory_space<vmem>>, vector<16xf32>,
      %max3A_1096 = arith.maximumf %max3A_1091, %get3A_1095 : vector<16xf32>
      %get3A_1097 = arith.constant 218 : i32
      %get3A_1098 = arith.index_cast %get3A_1097 : i32 to index
      %get3A_1099 = arith.index_cast %mul3A_20 : i32 to index
      %get3A_1100 = tpu.vector_load %arg4[%get3A_1098, %get3A_1099] {strides = array<i32>} : memref<512x128xf32, #tpu.memory_space<vmem>>, vector<16xf32>,
      %max3A_1101 = arith.maximumf %max3A_1096, %get3A_1100 : vector<16xf32>
      %get3A_1102 = arith.constant 219 : i32
      %get3A_1103 = arith.index_cast %get3A_1102 : i32 to index
      %get3A_1104 = arith.index_cast %mul3A_20 : i32 to index
      %get3A_1105 = tpu.vector_load %arg4[%get3A_1103, %get3A_1104] {strides = array<i32>} : memref<512x128xf32, #tpu.memory_space<vmem>>, vector<16xf32>,
      %max3A_1106 = arith.maximumf %max3A_1101, %get3A_1105 : vector<16xf32>
      %get3A_1107 = arith.constant 220 : i32
      %get3A_1108 = arith.index_cast %get3A_1107 : i32 to index
      %get3A_1109 = arith.index_cast %mul3A_20 : i32 to index
      %get3A_1110 = tpu.vector_load %arg4[%get3A_1108, %get3A_1109] {strides = array<i32>} : memref<512x128xf32, #tpu.memory_space<vmem>>, vector<16xf32>,
      %max3A_1111 = arith.maximumf %max3A_1106, %get3A_1110 : vector<16xf32>
      %get3A_1112 = arith.constant 221 : i32
      %get3A_1113 = arith.index_cast %get3A_1112 : i32 to index
      %get3A_1114 = arith.index_cast %mul3A_20 : i32 to index
      %get3A_1115 = tpu.vector_load %arg4[%get3A_1113, %get3A_1114] {strides = array<i32>} : memref<512x128xf32, #tpu.memory_space<vmem>>, vector<16xf32>,
      %max3A_1116 = arith.maximumf %max3A_1111, %get3A_1115 : vector<16xf32>
      %get3A_1117 = arith.constant 222 : i32
      %get3A_1118 = arith.index_cast %get3A_1117 : i32 to index
      %get3A_1119 = arith.index_cast %mul3A_20 : i32 to index
      %get3A_1120 = tpu.vector_load %arg4[%get3A_1118, %get3A_1119] {strides = array<i32>} : memref<512x128xf32, #tpu.memory_space<vmem>>, vector<16xf32>,
      %max3A_1121 = arith.maximumf %max3A_1116, %get3A_1120 : vector<16xf32>
      %get3A_1122 = arith.constant 223 : i32
      %get3A_1123 = arith.index_cast %get3A_1122 : i32 to index
      %get3A_1124 = arith.index_cast %mul3A_20 : i32 to index
      %get3A_1125 = tpu.vector_load %arg4[%get3A_1123, %get3A_1124] {strides = array<i32>} : memref<512x128xf32, #tpu.memory_space<vmem>>, vector<16xf32>,
      %max3A_1126 = arith.maximumf %max3A_1121, %get3A_1125 : vector<16xf32>
      %get3A_1127 = arith.constant 224 : i32
      %get3A_1128 = arith.index_cast %get3A_1127 : i32 to index
      %get3A_1129 = arith.index_cast %mul3A_20 : i32 to index
      %get3A_1130 = tpu.vector_load %arg4[%get3A_1128, %get3A_1129] {strides = array<i32>} : memref<512x128xf32, #tpu.memory_space<vmem>>, vector<16xf32>,
      %get3A_1131 = arith.constant 225 : i32
      %get3A_1132 = arith.index_cast %get3A_1131 : i32 to index
      %get3A_1133 = arith.index_cast %mul3A_20 : i32 to index
      %get3A_1134 = tpu.vector_load %arg4[%get3A_1132, %get3A_1133] {strides = array<i32>} : memref<512x128xf32, #tpu.memory_space<vmem>>, vector<16xf32>,
      %max3A_1135 = arith.maximumf %get3A_1130, %get3A_1134 : vector<16xf32>
      %get3A_1136 = arith.constant 226 : i32
      %get3A_1137 = arith.index_cast %get3A_1136 : i32 to index
      %get3A_1138 = arith.index_cast %mul3A_20 : i32 to index
      %get3A_1139 = tpu.vector_load %arg4[%get3A_1137, %get3A_1138] {strides = array<i32>} : memref<512x128xf32, #tpu.memory_space<vmem>>, vector<16xf32>,
      %max3A_1140 = arith.maximumf %max3A_1135, %get3A_1139 : vector<16xf32>
      %get3A_1141 = arith.constant 227 : i32
      %get3A_1142 = arith.index_cast %get3A_1141 : i32 to index
      %get3A_1143 = arith.index_cast %mul3A_20 : i32 to index
      %get3A_1144 = tpu.vector_load %arg4[%get3A_1142, %get3A_1143] {strides = array<i32>} : memref<512x128xf32, #tpu.memory_space<vmem>>, vector<16xf32>,
      %max3A_1145 = arith.maximumf %max3A_1140, %get3A_1144 : vector<16xf32>
      %get3A_1146 = arith.constant 228 : i32
      %get3A_1147 = arith.index_cast %get3A_1146 : i32 to index
      %get3A_1148 = arith.index_cast %mul3A_20 : i32 to index
      %get3A_1149 = tpu.vector_load %arg4[%get3A_1147, %get3A_1148] {strides = array<i32>} : memref<512x128xf32, #tpu.memory_space<vmem>>, vector<16xf32>,
      %max3A_1150 = arith.maximumf %max3A_1145, %get3A_1149 : vector<16xf32>
      %get3A_1151 = arith.constant 229 : i32
      %get3A_1152 = arith.index_cast %get3A_1151 : i32 to index
      %get3A_1153 = arith.index_cast %mul3A_20 : i32 to index
      %get3A_1154 = tpu.vector_load %arg4[%get3A_1152, %get3A_1153] {strides = array<i32>} : memref<512x128xf32, #tpu.memory_space<vmem>>, vector<16xf32>,
      %max3A_1155 = arith.maximumf %max3A_1150, %get3A_1154 : vector<16xf32>
      %get3A_1156 = arith.constant 230 : i32
      %get3A_1157 = arith.index_cast %get3A_1156 : i32 to index
      %get3A_1158 = arith.index_cast %mul3A_20 : i32 to index
      %get3A_1159 = tpu.vector_load %arg4[%get3A_1157, %get3A_1158] {strides = array<i32>} : memref<512x128xf32, #tpu.memory_space<vmem>>, vector<16xf32>,
      %max3A_1160 = arith.maximumf %max3A_1155, %get3A_1159 : vector<16xf32>
      %get3A_1161 = arith.constant 231 : i32
      %get3A_1162 = arith.index_cast %get3A_1161 : i32 to index
      %get3A_1163 = arith.index_cast %mul3A_20 : i32 to index
      %get3A_1164 = tpu.vector_load %arg4[%get3A_1162, %get3A_1163] {strides = array<i32>} : memref<512x128xf32, #tpu.memory_space<vmem>>, vector<16xf32>,
      %max3A_1165 = arith.maximumf %max3A_1160, %get3A_1164 : vector<16xf32>
      %get3A_1166 = arith.constant 232 : i32
      %get3A_1167 = arith.index_cast %get3A_1166 : i32 to index
      %get3A_1168 = arith.index_cast %mul3A_20 : i32 to index
      %get3A_1169 = tpu.vector_load %arg4[%get3A_1167, %get3A_1168] {strides = array<i32>} : memref<512x128xf32, #tpu.memory_space<vmem>>, vector<16xf32>,
      %max3A_1170 = arith.maximumf %max3A_1165, %get3A_1169 : vector<16xf32>
      %get3A_1171 = arith.constant 233 : i32
      %get3A_1172 = arith.index_cast %get3A_1171 : i32 to index
      %get3A_1173 = arith.index_cast %mul3A_20 : i32 to index
      %get3A_1174 = tpu.vector_load %arg4[%get3A_1172, %get3A_1173] {strides = array<i32>} : memref<512x128xf32, #tpu.memory_space<vmem>>, vector<16xf32>,
      %max3A_1175 = arith.maximumf %max3A_1170, %get3A_1174 : vector<16xf32>
      %get3A_1176 = arith.constant 234 : i32
      %get3A_1177 = arith.index_cast %get3A_1176 : i32 to index
      %get3A_1178 = arith.index_cast %mul3A_20 : i32 to index
      %get3A_1179 = tpu.vector_load %arg4[%get3A_1177, %get3A_1178] {strides = array<i32>} : memref<512x128xf32, #tpu.memory_space<vmem>>, vector<16xf32>,
      %max3A_1180 = arith.maximumf %max3A_1175, %get3A_1179 : vector<16xf32>
      %get3A_1181 = arith.constant 235 : i32
      %get3A_1182 = arith.index_cast %get3A_1181 : i32 to index
      %get3A_1183 = arith.index_cast %mul3A_20 : i32 to index
      %get3A_1184 = tpu.vector_load %arg4[%get3A_1182, %get3A_1183] {strides = array<i32>} : memref<512x128xf32, #tpu.memory_space<vmem>>, vector<16xf32>,
      %max3A_1185 = arith.maximumf %max3A_1180, %get3A_1184 : vector<16xf32>
      %get3A_1186 = arith.constant 236 : i32
      %get3A_1187 = arith.index_cast %get3A_1186 : i32 to index
      %get3A_1188 = arith.index_cast %mul3A_20 : i32 to index
      %get3A_1189 = tpu.vector_load %arg4[%get3A_1187, %get3A_1188] {strides = array<i32>} : memref<512x128xf32, #tpu.memory_space<vmem>>, vector<16xf32>,
      %max3A_1190 = arith.maximumf %max3A_1185, %get3A_1189 : vector<16xf32>
      %get3A_1191 = arith.constant 237 : i32
      %get3A_1192 = arith.index_cast %get3A_1191 : i32 to index
      %get3A_1193 = arith.index_cast %mul3A_20 : i32 to index
      %get3A_1194 = tpu.vector_load %arg4[%get3A_1192, %get3A_1193] {strides = array<i32>} : memref<512x128xf32, #tpu.memory_space<vmem>>, vector<16xf32>,
      %max3A_1195 = arith.maximumf %max3A_1190, %get3A_1194 : vector<16xf32>
      %get3A_1196 = arith.constant 238 : i32
      %get3A_1197 = arith.index_cast %get3A_1196 : i32 to index
      %get3A_1198 = arith.index_cast %mul3A_20 : i32 to index
      %get3A_1199 = tpu.vector_load %arg4[%get3A_1197, %get3A_1198] {strides = array<i32>} : memref<512x128xf32, #tpu.memory_space<vmem>>, vector<16xf32>,
      %max3A_1200 = arith.maximumf %max3A_1195, %get3A_1199 : vector<16xf32>
      %get3A_1201 = arith.constant 239 : i32
      %get3A_1202 = arith.index_cast %get3A_1201 : i32 to index
      %get3A_1203 = arith.index_cast %mul3A_20 : i32 to index
      %get3A_1204 = tpu.vector_load %arg4[%get3A_1202, %get3A_1203] {strides = array<i32>} : memref<512x128xf32, #tpu.memory_space<vmem>>, vector<16xf32>,
      %max3A_1205 = arith.maximumf %max3A_1200, %get3A_1204 : vector<16xf32>
      %get3A_1206 = arith.constant 240 : i32
      %get3A_1207 = arith.index_cast %get3A_1206 : i32 to index
      %get3A_1208 = arith.index_cast %mul3A_20 : i32 to index
      %get3A_1209 = tpu.vector_load %arg4[%get3A_1207, %get3A_1208] {strides = array<i32>} : memref<512x128xf32, #tpu.memory_space<vmem>>, vector<16xf32>,
      %get3A_1210 = arith.constant 241 : i32
      %get3A_1211 = arith.index_cast %get3A_1210 : i32 to index
      %get3A_1212 = arith.index_cast %mul3A_20 : i32 to index
      %get3A_1213 = tpu.vector_load %arg4[%get3A_1211, %get3A_1212] {strides = array<i32>} : memref<512x128xf32, #tpu.memory_space<vmem>>, vector<16xf32>,
      %max3A_1214 = arith.maximumf %get3A_1209, %get3A_1213 : vector<16xf32>
      %get3A_1215 = arith.constant 242 : i32
      %get3A_1216 = arith.index_cast %get3A_1215 : i32 to index
      %get3A_1217 = arith.index_cast %mul3A_20 : i32 to index
      %get3A_1218 = tpu.vector_load %arg4[%get3A_1216, %get3A_1217] {strides = array<i32>} : memref<512x128xf32, #tpu.memory_space<vmem>>, vector<16xf32>,
      %max3A_1219 = arith.maximumf %max3A_1214, %get3A_1218 : vector<16xf32>
      %get3A_1220 = arith.constant 243 : i32
      %get3A_1221 = arith.index_cast %get3A_1220 : i32 to index
      %get3A_1222 = arith.index_cast %mul3A_20 : i32 to index
      %get3A_1223 = tpu.vector_load %arg4[%get3A_1221, %get3A_1222] {strides = array<i32>} : memref<512x128xf32, #tpu.memory_space<vmem>>, vector<16xf32>,
      %max3A_1224 = arith.maximumf %max3A_1219, %get3A_1223 : vector<16xf32>
      %get3A_1225 = arith.constant 244 : i32
      %get3A_1226 = arith.index_cast %get3A_1225 : i32 to index
      %get3A_1227 = arith.index_cast %mul3A_20 : i32 to index
      %get3A_1228 = tpu.vector_load %arg4[%get3A_1226, %get3A_1227] {strides = array<i32>} : memref<512x128xf32, #tpu.memory_space<vmem>>, vector<16xf32>,
      %max3A_1229 = arith.maximumf %max3A_1224, %get3A_1228 : vector<16xf32>
      %get3A_1230 = arith.constant 245 : i32
      %get3A_1231 = arith.index_cast %get3A_1230 : i32 to index
      %get3A_1232 = arith.index_cast %mul3A_20 : i32 to index
      %get3A_1233 = tpu.vector_load %arg4[%get3A_1231, %get3A_1232] {strides = array<i32>} : memref<512x128xf32, #tpu.memory_space<vmem>>, vector<16xf32>,
      %max3A_1234 = arith.maximumf %max3A_1229, %get3A_1233 : vector<16xf32>
      %get3A_1235 = arith.constant 246 : i32
      %get3A_1236 = arith.index_cast %get3A_1235 : i32 to index
      %get3A_1237 = arith.index_cast %mul3A_20 : i32 to index
      %get3A_1238 = tpu.vector_load %arg4[%get3A_1236, %get3A_1237] {strides = array<i32>} : memref<512x128xf32, #tpu.memory_space<vmem>>, vector<16xf32>,
      %max3A_1239 = arith.maximumf %max3A_1234, %get3A_1238 : vector<16xf32>
      %get3A_1240 = arith.constant 247 : i32
      %get3A_1241 = arith.index_cast %get3A_1240 : i32 to index
      %get3A_1242 = arith.index_cast %mul3A_20 : i32 to index
      %get3A_1243 = tpu.vector_load %arg4[%get3A_1241, %get3A_1242] {strides = array<i32>} : memref<512x128xf32, #tpu.memory_space<vmem>>, vector<16xf32>,
      %max3A_1244 = arith.maximumf %max3A_1239, %get3A_1243 : vector<16xf32>
      %get3A_1245 = arith.constant 248 : i32
      %get3A_1246 = arith.index_cast %get3A_1245 : i32 to index
      %get3A_1247 = arith.index_cast %mul3A_20 : i32 to index
      %get3A_1248 = tpu.vector_load %arg4[%get3A_1246, %get3A_1247] {strides = array<i32>} : memref<512x128xf32, #tpu.memory_space<vmem>>, vector<16xf32>,
      %max3A_1249 = arith.maximumf %max3A_1244, %get3A_1248 : vector<16xf32>
      %get3A_1250 = arith.constant 249 : i32
      %get3A_1251 = arith.index_cast %get3A_1250 : i32 to index
      %get3A_1252 = arith.index_cast %mul3A_20 : i32 to index
      %get3A_1253 = tpu.vector_load %arg4[%get3A_1251, %get3A_1252] {strides = array<i32>} : memref<512x128xf32, #tpu.memory_space<vmem>>, vector<16xf32>,
      %max3A_1254 = arith.maximumf %max3A_1249, %get3A_1253 : vector<16xf32>
      %get3A_1255 = arith.constant 250 : i32
      %get3A_1256 = arith.index_cast %get3A_1255 : i32 to index
      %get3A_1257 = arith.index_cast %mul3A_20 : i32 to index
      %get3A_1258 = tpu.vector_load %arg4[%get3A_1256, %get3A_1257] {strides = array<i32>} : memref<512x128xf32, #tpu.memory_space<vmem>>, vector<16xf32>,
      %max3A_1259 = arith.maximumf %max3A_1254, %get3A_1258 : vector<16xf32>
      %get3A_1260 = arith.constant 251 : i32
      %get3A_1261 = arith.index_cast %get3A_1260 : i32 to index
      %get3A_1262 = arith.index_cast %mul3A_20 : i32 to index
      %get3A_1263 = tpu.vector_load %arg4[%get3A_1261, %get3A_1262] {strides = array<i32>} : memref<512x128xf32, #tpu.memory_space<vmem>>, vector<16xf32>,
      %max3A_1264 = arith.maximumf %max3A_1259, %get3A_1263 : vector<16xf32>
      %get3A_1265 = arith.constant 252 : i32
      %get3A_1266 = arith.index_cast %get3A_1265 : i32 to index
      %get3A_1267 = arith.index_cast %mul3A_20 : i32 to index
      %get3A_1268 = tpu.vector_load %arg4[%get3A_1266, %get3A_1267] {strides = array<i32>} : memref<512x128xf32, #tpu.memory_space<vmem>>, vector<16xf32>,
      %max3A_1269 = arith.maximumf %max3A_1264, %get3A_1268 : vector<16xf32>
      %get3A_1270 = arith.constant 253 : i32
      %get3A_1271 = arith.index_cast %get3A_1270 : i32 to index
      %get3A_1272 = arith.index_cast %mul3A_20 : i32 to index
      %get3A_1273 = tpu.vector_load %arg4[%get3A_1271, %get3A_1272] {strides = array<i32>} : memref<512x128xf32, #tpu.memory_space<vmem>>, vector<16xf32>,
      %max3A_1274 = arith.maximumf %max3A_1269, %get3A_1273 : vector<16xf32>
      %get3A_1275 = arith.constant 254 : i32
      %get3A_1276 = arith.index_cast %get3A_1275 : i32 to index
      %get3A_1277 = arith.index_cast %mul3A_20 : i32 to index
      %get3A_1278 = tpu.vector_load %arg4[%get3A_1276, %get3A_1277] {strides = array<i32>} : memref<512x128xf32, #tpu.memory_space<vmem>>, vector<16xf32>,
      %max3A_1279 = arith.maximumf %max3A_1274, %get3A_1278 : vector<16xf32>
      %get3A_1280 = arith.constant 255 : i32
      %get3A_1281 = arith.index_cast %get3A_1280 : i32 to index
      %get3A_1282 = arith.index_cast %mul3A_20 : i32 to index
      %get3A_1283 = tpu.vector_load %arg4[%get3A_1281, %get3A_1282] {strides = array<i32>} : memref<512x128xf32, #tpu.memory_space<vmem>>, vector<16xf32>,
      %max3A_1284 = arith.maximumf %max3A_1279, %get3A_1283 : vector<16xf32>
      %get3A_1285 = arith.constant 256 : i32
      %get3A_1286 = arith.index_cast %get3A_1285 : i32 to index
      %get3A_1287 = arith.index_cast %mul3A_20 : i32 to index
      %get3A_1288 = tpu.vector_load %arg4[%get3A_1286, %get3A_1287] {strides = array<i32>} : memref<512x128xf32, #tpu.memory_space<vmem>>, vector<16xf32>,
      %get3A_1289 = arith.constant 257 : i32
      %get3A_1290 = arith.index_cast %get3A_1289 : i32 to index
      %get3A_1291 = arith.index_cast %mul3A_20 : i32 to index
      %get3A_1292 = tpu.vector_load %arg4[%get3A_1290, %get3A_1291] {strides = array<i32>} : memref<512x128xf32, #tpu.memory_space<vmem>>, vector<16xf32>,
      %max3A_1293 = arith.maximumf %get3A_1288, %get3A_1292 : vector<16xf32>
      %get3A_1294 = arith.constant 258 : i32
      %get3A_1295 = arith.index_cast %get3A_1294 : i32 to index
      %get3A_1296 = arith.index_cast %mul3A_20 : i32 to index
      %get3A_1297 = tpu.vector_load %arg4[%get3A_1295, %get3A_1296] {strides = array<i32>} : memref<512x128xf32, #tpu.memory_space<vmem>>, vector<16xf32>,
      %max3A_1298 = arith.maximumf %max3A_1293, %get3A_1297 : vector<16xf32>
      %get3A_1299 = arith.constant 259 : i32
      %get3A_1300 = arith.index_cast %get3A_1299 : i32 to index
      %get3A_1301 = arith.index_cast %mul3A_20 : i32 to index
      %get3A_1302 = tpu.vector_load %arg4[%get3A_1300, %get3A_1301] {strides = array<i32>} : memref<512x128xf32, #tpu.memory_space<vmem>>, vector<16xf32>,
      %max3A_1303 = arith.maximumf %max3A_1298, %get3A_1302 : vector<16xf32>
      %get3A_1304 = arith.constant 260 : i32
      %get3A_1305 = arith.index_cast %get3A_1304 : i32 to index
      %get3A_1306 = arith.index_cast %mul3A_20 : i32 to index
      %get3A_1307 = tpu.vector_load %arg4[%get3A_1305, %get3A_1306] {strides = array<i32>} : memref<512x128xf32, #tpu.memory_space<vmem>>, vector<16xf32>,
      %max3A_1308 = arith.maximumf %max3A_1303, %get3A_1307 : vector<16xf32>
      %get3A_1309 = arith.constant 261 : i32
      %get3A_1310 = arith.index_cast %get3A_1309 : i32 to index
      %get3A_1311 = arith.index_cast %mul3A_20 : i32 to index
      %get3A_1312 = tpu.vector_load %arg4[%get3A_1310, %get3A_1311] {strides = array<i32>} : memref<512x128xf32, #tpu.memory_space<vmem>>, vector<16xf32>,
      %max3A_1313 = arith.maximumf %max3A_1308, %get3A_1312 : vector<16xf32>
      %get3A_1314 = arith.constant 262 : i32
      %get3A_1315 = arith.index_cast %get3A_1314 : i32 to index
      %get3A_1316 = arith.index_cast %mul3A_20 : i32 to index
      %get3A_1317 = tpu.vector_load %arg4[%get3A_1315, %get3A_1316] {strides = array<i32>} : memref<512x128xf32, #tpu.memory_space<vmem>>, vector<16xf32>,
      %max3A_1318 = arith.maximumf %max3A_1313, %get3A_1317 : vector<16xf32>
      %get3A_1319 = arith.constant 263 : i32
      %get3A_1320 = arith.index_cast %get3A_1319 : i32 to index
      %get3A_1321 = arith.index_cast %mul3A_20 : i32 to index
      %get3A_1322 = tpu.vector_load %arg4[%get3A_1320, %get3A_1321] {strides = array<i32>} : memref<512x128xf32, #tpu.memory_space<vmem>>, vector<16xf32>,
      %max3A_1323 = arith.maximumf %max3A_1318, %get3A_1322 : vector<16xf32>
      %get3A_1324 = arith.constant 264 : i32
      %get3A_1325 = arith.index_cast %get3A_1324 : i32 to index
      %get3A_1326 = arith.index_cast %mul3A_20 : i32 to index
      %get3A_1327 = tpu.vector_load %arg4[%get3A_1325, %get3A_1326] {strides = array<i32>} : memref<512x128xf32, #tpu.memory_space<vmem>>, vector<16xf32>,
      %max3A_1328 = arith.maximumf %max3A_1323, %get3A_1327 : vector<16xf32>
      %get3A_1329 = arith.constant 265 : i32
      %get3A_1330 = arith.index_cast %get3A_1329 : i32 to index
      %get3A_1331 = arith.index_cast %mul3A_20 : i32 to index
      %get3A_1332 = tpu.vector_load %arg4[%get3A_1330, %get3A_1331] {strides = array<i32>} : memref<512x128xf32, #tpu.memory_space<vmem>>, vector<16xf32>,
      %max3A_1333 = arith.maximumf %max3A_1328, %get3A_1332 : vector<16xf32>
      %get3A_1334 = arith.constant 266 : i32
      %get3A_1335 = arith.index_cast %get3A_1334 : i32 to index
      %get3A_1336 = arith.index_cast %mul3A_20 : i32 to index
      %get3A_1337 = tpu.vector_load %arg4[%get3A_1335, %get3A_1336] {strides = array<i32>} : memref<512x128xf32, #tpu.memory_space<vmem>>, vector<16xf32>,
      %max3A_1338 = arith.maximumf %max3A_1333, %get3A_1337 : vector<16xf32>
      %get3A_1339 = arith.constant 267 : i32
      %get3A_1340 = arith.index_cast %get3A_1339 : i32 to index
      %get3A_1341 = arith.index_cast %mul3A_20 : i32 to index
      %get3A_1342 = tpu.vector_load %arg4[%get3A_1340, %get3A_1341] {strides = array<i32>} : memref<512x128xf32, #tpu.memory_space<vmem>>, vector<16xf32>,
      %max3A_1343 = arith.maximumf %max3A_1338, %get3A_1342 : vector<16xf32>
      %get3A_1344 = arith.constant 268 : i32
      %get3A_1345 = arith.index_cast %get3A_1344 : i32 to index
      %get3A_1346 = arith.index_cast %mul3A_20 : i32 to index
      %get3A_1347 = tpu.vector_load %arg4[%get3A_1345, %get3A_1346] {strides = array<i32>} : memref<512x128xf32, #tpu.memory_space<vmem>>, vector<16xf32>,
      %max3A_1348 = arith.maximumf %max3A_1343, %get3A_1347 : vector<16xf32>
      %get3A_1349 = arith.constant 269 : i32
      %get3A_1350 = arith.index_cast %get3A_1349 : i32 to index
      %get3A_1351 = arith.index_cast %mul3A_20 : i32 to index
      %get3A_1352 = tpu.vector_load %arg4[%get3A_1350, %get3A_1351] {strides = array<i32>} : memref<512x128xf32, #tpu.memory_space<vmem>>, vector<16xf32>,
      %max3A_1353 = arith.maximumf %max3A_1348, %get3A_1352 : vector<16xf32>
      %get3A_1354 = arith.constant 270 : i32
      %get3A_1355 = arith.index_cast %get3A_1354 : i32 to index
      %get3A_1356 = arith.index_cast %mul3A_20 : i32 to index
      %get3A_1357 = tpu.vector_load %arg4[%get3A_1355, %get3A_1356] {strides = array<i32>} : memref<512x128xf32, #tpu.memory_space<vmem>>, vector<16xf32>,
      %max3A_1358 = arith.maximumf %max3A_1353, %get3A_1357 : vector<16xf32>
      %get3A_1359 = arith.constant 271 : i32
      %get3A_1360 = arith.index_cast %get3A_1359 : i32 to index
      %get3A_1361 = arith.index_cast %mul3A_20 : i32 to index
      %get3A_1362 = tpu.vector_load %arg4[%get3A_1360, %get3A_1361] {strides = array<i32>} : memref<512x128xf32, #tpu.memory_space<vmem>>, vector<16xf32>,
      %max3A_1363 = arith.maximumf %max3A_1358, %get3A_1362 : vector<16xf32>
      %get3A_1364 = arith.constant 272 : i32
      %get3A_1365 = arith.index_cast %get3A_1364 : i32 to index
      %get3A_1366 = arith.index_cast %mul3A_20 : i32 to index
      %get3A_1367 = tpu.vector_load %arg4[%get3A_1365, %get3A_1366] {strides = array<i32>} : memref<512x128xf32, #tpu.memory_space<vmem>>, vector<16xf32>,
      %get3A_1368 = arith.constant 273 : i32
      %get3A_1369 = arith.index_cast %get3A_1368 : i32 to index
      %get3A_1370 = arith.index_cast %mul3A_20 : i32 to index
      %get3A_1371 = tpu.vector_load %arg4[%get3A_1369, %get3A_1370] {strides = array<i32>} : memref<512x128xf32, #tpu.memory_space<vmem>>, vector<16xf32>,
      %max3A_1372 = arith.maximumf %get3A_1367, %get3A_1371 : vector<16xf32>
      %get3A_1373 = arith.constant 274 : i32
      %get3A_1374 = arith.index_cast %get3A_1373 : i32 to index
      %get3A_1375 = arith.index_cast %mul3A_20 : i32 to index
      %get3A_1376 = tpu.vector_load %arg4[%get3A_1374, %get3A_1375] {strides = array<i32>} : memref<512x128xf32, #tpu.memory_space<vmem>>, vector<16xf32>,
      %max3A_1377 = arith.maximumf %max3A_1372, %get3A_1376 : vector<16xf32>
      %get3A_1378 = arith.constant 275 : i32
      %get3A_1379 = arith.index_cast %get3A_1378 : i32 to index
      %get3A_1380 = arith.index_cast %mul3A_20 : i32 to index
      %get3A_1381 = tpu.vector_load %arg4[%get3A_1379, %get3A_1380] {strides = array<i32>} : memref<512x128xf32, #tpu.memory_space<vmem>>, vector<16xf32>,
      %max3A_1382 = arith.maximumf %max3A_1377, %get3A_1381 : vector<16xf32>
      %get3A_1383 = arith.constant 276 : i32
      %get3A_1384 = arith.index_cast %get3A_1383 : i32 to index
      %get3A_1385 = arith.index_cast %mul3A_20 : i32 to index
      %get3A_1386 = tpu.vector_load %arg4[%get3A_1384, %get3A_1385] {strides = array<i32>} : memref<512x128xf32, #tpu.memory_space<vmem>>, vector<16xf32>,
      %max3A_1387 = arith.maximumf %max3A_1382, %get3A_1386 : vector<16xf32>
      %get3A_1388 = arith.constant 277 : i32
      %get3A_1389 = arith.index_cast %get3A_1388 : i32 to index
      %get3A_1390 = arith.index_cast %mul3A_20 : i32 to index
      %get3A_1391 = tpu.vector_load %arg4[%get3A_1389, %get3A_1390] {strides = array<i32>} : memref<512x128xf32, #tpu.memory_space<vmem>>, vector<16xf32>,
      %max3A_1392 = arith.maximumf %max3A_1387, %get3A_1391 : vector<16xf32>
      %get3A_1393 = arith.constant 278 : i32
      %get3A_1394 = arith.index_cast %get3A_1393 : i32 to index
      %get3A_1395 = arith.index_cast %mul3A_20 : i32 to index
      %get3A_1396 = tpu.vector_load %arg4[%get3A_1394, %get3A_1395] {strides = array<i32>} : memref<512x128xf32, #tpu.memory_space<vmem>>, vector<16xf32>,
      %max3A_1397 = arith.maximumf %max3A_1392, %get3A_1396 : vector<16xf32>
      %get3A_1398 = arith.constant 279 : i32
      %get3A_1399 = arith.index_cast %get3A_1398 : i32 to index
      %get3A_1400 = arith.index_cast %mul3A_20 : i32 to index
      %get3A_1401 = tpu.vector_load %arg4[%get3A_1399, %get3A_1400] {strides = array<i32>} : memref<512x128xf32, #tpu.memory_space<vmem>>, vector<16xf32>,
      %max3A_1402 = arith.maximumf %max3A_1397, %get3A_1401 : vector<16xf32>
      %get3A_1403 = arith.constant 280 : i32
      %get3A_1404 = arith.index_cast %get3A_1403 : i32 to index
      %get3A_1405 = arith.index_cast %mul3A_20 : i32 to index
      %get3A_1406 = tpu.vector_load %arg4[%get3A_1404, %get3A_1405] {strides = array<i32>} : memref<512x128xf32, #tpu.memory_space<vmem>>, vector<16xf32>,
      %max3A_1407 = arith.maximumf %max3A_1402, %get3A_1406 : vector<16xf32>
      %get3A_1408 = arith.constant 281 : i32
      %get3A_1409 = arith.index_cast %get3A_1408 : i32 to index
      %get3A_1410 = arith.index_cast %mul3A_20 : i32 to index
      %get3A_1411 = tpu.vector_load %arg4[%get3A_1409, %get3A_1410] {strides = array<i32>} : memref<512x128xf32, #tpu.memory_space<vmem>>, vector<16xf32>,
      %max3A_1412 = arith.maximumf %max3A_1407, %get3A_1411 : vector<16xf32>
      %get3A_1413 = arith.constant 282 : i32
      %get3A_1414 = arith.index_cast %get3A_1413 : i32 to index
      %get3A_1415 = arith.index_cast %mul3A_20 : i32 to index
      %get3A_1416 = tpu.vector_load %arg4[%get3A_1414, %get3A_1415] {strides = array<i32>} : memref<512x128xf32, #tpu.memory_space<vmem>>, vector<16xf32>,
      %max3A_1417 = arith.maximumf %max3A_1412, %get3A_1416 : vector<16xf32>
      %get3A_1418 = arith.constant 283 : i32
      %get3A_1419 = arith.index_cast %get3A_1418 : i32 to index
      %get3A_1420 = arith.index_cast %mul3A_20 : i32 to index
      %get3A_1421 = tpu.vector_load %arg4[%get3A_1419, %get3A_1420] {strides = array<i32>} : memref<512x128xf32, #tpu.memory_space<vmem>>, vector<16xf32>,
      %max3A_1422 = arith.maximumf %max3A_1417, %get3A_1421 : vector<16xf32>
      %get3A_1423 = arith.constant 284 : i32
      %get3A_1424 = arith.index_cast %get3A_1423 : i32 to index
      %get3A_1425 = arith.index_cast %mul3A_20 : i32 to index
      %get3A_1426 = tpu.vector_load %arg4[%get3A_1424, %get3A_1425] {strides = array<i32>} : memref<512x128xf32, #tpu.memory_space<vmem>>, vector<16xf32>,
      %max3A_1427 = arith.maximumf %max3A_1422, %get3A_1426 : vector<16xf32>
      %get3A_1428 = arith.constant 285 : i32
      %get3A_1429 = arith.index_cast %get3A_1428 : i32 to index
      %get3A_1430 = arith.index_cast %mul3A_20 : i32 to index
      %get3A_1431 = tpu.vector_load %arg4[%get3A_1429, %get3A_1430] {strides = array<i32>} : memref<512x128xf32, #tpu.memory_space<vmem>>, vector<16xf32>,
      %max3A_1432 = arith.maximumf %max3A_1427, %get3A_1431 : vector<16xf32>
      %get3A_1433 = arith.constant 286 : i32
      %get3A_1434 = arith.index_cast %get3A_1433 : i32 to index
      %get3A_1435 = arith.index_cast %mul3A_20 : i32 to index
      %get3A_1436 = tpu.vector_load %arg4[%get3A_1434, %get3A_1435] {strides = array<i32>} : memref<512x128xf32, #tpu.memory_space<vmem>>, vector<16xf32>,
      %max3A_1437 = arith.maximumf %max3A_1432, %get3A_1436 : vector<16xf32>
      %get3A_1438 = arith.constant 287 : i32
      %get3A_1439 = arith.index_cast %get3A_1438 : i32 to index
      %get3A_1440 = arith.index_cast %mul3A_20 : i32 to index
      %get3A_1441 = tpu.vector_load %arg4[%get3A_1439, %get3A_1440] {strides = array<i32>} : memref<512x128xf32, #tpu.memory_space<vmem>>, vector<16xf32>,
      %max3A_1442 = arith.maximumf %max3A_1437, %get3A_1441 : vector<16xf32>
      %get3A_1443 = arith.constant 288 : i32
      %get3A_1444 = arith.index_cast %get3A_1443 : i32 to index
      %get3A_1445 = arith.index_cast %mul3A_20 : i32 to index
      %get3A_1446 = tpu.vector_load %arg4[%get3A_1444, %get3A_1445] {strides = array<i32>} : memref<512x128xf32, #tpu.memory_space<vmem>>, vector<16xf32>,
      %get3A_1447 = arith.constant 289 : i32
      %get3A_1448 = arith.index_cast %get3A_1447 : i32 to index
      %get3A_1449 = arith.index_cast %mul3A_20 : i32 to index
      %get3A_1450 = tpu.vector_load %arg4[%get3A_1448, %get3A_1449] {strides = array<i32>} : memref<512x128xf32, #tpu.memory_space<vmem>>, vector<16xf32>,
      %max3A_1451 = arith.maximumf %get3A_1446, %get3A_1450 : vector<16xf32>
      %get3A_1452 = arith.constant 290 : i32
      %get3A_1453 = arith.index_cast %get3A_1452 : i32 to index
      %get3A_1454 = arith.index_cast %mul3A_20 : i32 to index
      %get3A_1455 = tpu.vector_load %arg4[%get3A_1453, %get3A_1454] {strides = array<i32>} : memref<512x128xf32, #tpu.memory_space<vmem>>, vector<16xf32>,
      %max3A_1456 = arith.maximumf %max3A_1451, %get3A_1455 : vector<16xf32>
      %get3A_1457 = arith.constant 291 : i32
      %get3A_1458 = arith.index_cast %get3A_1457 : i32 to index
      %get3A_1459 = arith.index_cast %mul3A_20 : i32 to index
      %get3A_1460 = tpu.vector_load %arg4[%get3A_1458, %get3A_1459] {strides = array<i32>} : memref<512x128xf32, #tpu.memory_space<vmem>>, vector<16xf32>,
      %max3A_1461 = arith.maximumf %max3A_1456, %get3A_1460 : vector<16xf32>
      %get3A_1462 = arith.constant 292 : i32
      %get3A_1463 = arith.index_cast %get3A_1462 : i32 to index
      %get3A_1464 = arith.index_cast %mul3A_20 : i32 to index
      %get3A_1465 = tpu.vector_load %arg4[%get3A_1463, %get3A_1464] {strides = array<i32>} : memref<512x128xf32, #tpu.memory_space<vmem>>, vector<16xf32>,
      %max3A_1466 = arith.maximumf %max3A_1461, %get3A_1465 : vector<16xf32>
      %get3A_1467 = arith.constant 293 : i32
      %get3A_1468 = arith.index_cast %get3A_1467 : i32 to index
      %get3A_1469 = arith.index_cast %mul3A_20 : i32 to index
      %get3A_1470 = tpu.vector_load %arg4[%get3A_1468, %get3A_1469] {strides = array<i32>} : memref<512x128xf32, #tpu.memory_space<vmem>>, vector<16xf32>,
      %max3A_1471 = arith.maximumf %max3A_1466, %get3A_1470 : vector<16xf32>
      %get3A_1472 = arith.constant 294 : i32
      %get3A_1473 = arith.index_cast %get3A_1472 : i32 to index
      %get3A_1474 = arith.index_cast %mul3A_20 : i32 to index
      %get3A_1475 = tpu.vector_load %arg4[%get3A_1473, %get3A_1474] {strides = array<i32>} : memref<512x128xf32, #tpu.memory_space<vmem>>, vector<16xf32>,
      %max3A_1476 = arith.maximumf %max3A_1471, %get3A_1475 : vector<16xf32>
      %get3A_1477 = arith.constant 295 : i32
      %get3A_1478 = arith.index_cast %get3A_1477 : i32 to index
      %get3A_1479 = arith.index_cast %mul3A_20 : i32 to index
      %get3A_1480 = tpu.vector_load %arg4[%get3A_1478, %get3A_1479] {strides = array<i32>} : memref<512x128xf32, #tpu.memory_space<vmem>>, vector<16xf32>,
      %max3A_1481 = arith.maximumf %max3A_1476, %get3A_1480 : vector<16xf32>
      %get3A_1482 = arith.constant 296 : i32
      %get3A_1483 = arith.index_cast %get3A_1482 : i32 to index
      %get3A_1484 = arith.index_cast %mul3A_20 : i32 to index
      %get3A_1485 = tpu.vector_load %arg4[%get3A_1483, %get3A_1484] {strides = array<i32>} : memref<512x128xf32, #tpu.memory_space<vmem>>, vector<16xf32>,
      %max3A_1486 = arith.maximumf %max3A_1481, %get3A_1485 : vector<16xf32>
      %get3A_1487 = arith.constant 297 : i32
      %get3A_1488 = arith.index_cast %get3A_1487 : i32 to index
      %get3A_1489 = arith.index_cast %mul3A_20 : i32 to index
      %get3A_1490 = tpu.vector_load %arg4[%get3A_1488, %get3A_1489] {strides = array<i32>} : memref<512x128xf32, #tpu.memory_space<vmem>>, vector<16xf32>,
      %max3A_1491 = arith.maximumf %max3A_1486, %get3A_1490 : vector<16xf32>
      %get3A_1492 = arith.constant 298 : i32
      %get3A_1493 = arith.index_cast %get3A_1492 : i32 to index
      %get3A_1494 = arith.index_cast %mul3A_20 : i32 to index
      %get3A_1495 = tpu.vector_load %arg4[%get3A_1493, %get3A_1494] {strides = array<i32>} : memref<512x128xf32, #tpu.memory_space<vmem>>, vector<16xf32>,
      %max3A_1496 = arith.maximumf %max3A_1491, %get3A_1495 : vector<16xf32>
      %get3A_1497 = arith.constant 299 : i32
      %get3A_1498 = arith.index_cast %get3A_1497 : i32 to index
      %get3A_1499 = arith.index_cast %mul3A_20 : i32 to index
      %get3A_1500 = tpu.vector_load %arg4[%get3A_1498, %get3A_1499] {strides = array<i32>} : memref<512x128xf32, #tpu.memory_space<vmem>>, vector<16xf32>,
      %max3A_1501 = arith.maximumf %max3A_1496, %get3A_1500 : vector<16xf32>
      %get3A_1502 = arith.constant 300 : i32
      %get3A_1503 = arith.index_cast %get3A_1502 : i32 to index
      %get3A_1504 = arith.index_cast %mul3A_20 : i32 to index
      %get3A_1505 = tpu.vector_load %arg4[%get3A_1503, %get3A_1504] {strides = array<i32>} : memref<512x128xf32, #tpu.memory_space<vmem>>, vector<16xf32>,
      %max3A_1506 = arith.maximumf %max3A_1501, %get3A_1505 : vector<16xf32>
      %get3A_1507 = arith.constant 301 : i32
      %get3A_1508 = arith.index_cast %get3A_1507 : i32 to index
      %get3A_1509 = arith.index_cast %mul3A_20 : i32 to index
      %get3A_1510 = tpu.vector_load %arg4[%get3A_1508, %get3A_1509] {strides = array<i32>} : memref<512x128xf32, #tpu.memory_space<vmem>>, vector<16xf32>,
      %max3A_1511 = arith.maximumf %max3A_1506, %get3A_1510 : vector<16xf32>
      %get3A_1512 = arith.constant 302 : i32
      %get3A_1513 = arith.index_cast %get3A_1512 : i32 to index
      %get3A_1514 = arith.index_cast %mul3A_20 : i32 to index
      %get3A_1515 = tpu.vector_load %arg4[%get3A_1513, %get3A_1514] {strides = array<i32>} : memref<512x128xf32, #tpu.memory_space<vmem>>, vector<16xf32>,
      %max3A_1516 = arith.maximumf %max3A_1511, %get3A_1515 : vector<16xf32>
      %get3A_1517 = arith.constant 303 : i32
      %get3A_1518 = arith.index_cast %get3A_1517 : i32 to index
      %get3A_1519 = arith.index_cast %mul3A_20 : i32 to index
      %get3A_1520 = tpu.vector_load %arg4[%get3A_1518, %get3A_1519] {strides = array<i32>} : memref<512x128xf32, #tpu.memory_space<vmem>>, vector<16xf32>,
      %max3A_1521 = arith.maximumf %max3A_1516, %get3A_1520 : vector<16xf32>
      %get3A_1522 = arith.constant 304 : i32
      %get3A_1523 = arith.index_cast %get3A_1522 : i32 to index
      %get3A_1524 = arith.index_cast %mul3A_20 : i32 to index
      %get3A_1525 = tpu.vector_load %arg4[%get3A_1523, %get3A_1524] {strides = array<i32>} : memref<512x128xf32, #tpu.memory_space<vmem>>, vector<16xf32>,
      %get3A_1526 = arith.constant 305 : i32
      %get3A_1527 = arith.index_cast %get3A_1526 : i32 to index
      %get3A_1528 = arith.index_cast %mul3A_20 : i32 to index
      %get3A_1529 = tpu.vector_load %arg4[%get3A_1527, %get3A_1528] {strides = array<i32>} : memref<512x128xf32, #tpu.memory_space<vmem>>, vector<16xf32>,
      %max3A_1530 = arith.maximumf %get3A_1525, %get3A_1529 : vector<16xf32>
      %get3A_1531 = arith.constant 306 : i32
      %get3A_1532 = arith.index_cast %get3A_1531 : i32 to index
      %get3A_1533 = arith.index_cast %mul3A_20 : i32 to index
      %get3A_1534 = tpu.vector_load %arg4[%get3A_1532, %get3A_1533] {strides = array<i32>} : memref<512x128xf32, #tpu.memory_space<vmem>>, vector<16xf32>,
      %max3A_1535 = arith.maximumf %max3A_1530, %get3A_1534 : vector<16xf32>
      %get3A_1536 = arith.constant 307 : i32
      %get3A_1537 = arith.index_cast %get3A_1536 : i32 to index
      %get3A_1538 = arith.index_cast %mul3A_20 : i32 to index
      %get3A_1539 = tpu.vector_load %arg4[%get3A_1537, %get3A_1538] {strides = array<i32>} : memref<512x128xf32, #tpu.memory_space<vmem>>, vector<16xf32>,
      %max3A_1540 = arith.maximumf %max3A_1535, %get3A_1539 : vector<16xf32>
      %get3A_1541 = arith.constant 308 : i32
      %get3A_1542 = arith.index_cast %get3A_1541 : i32 to index
      %get3A_1543 = arith.index_cast %mul3A_20 : i32 to index
      %get3A_1544 = tpu.vector_load %arg4[%get3A_1542, %get3A_1543] {strides = array<i32>} : memref<512x128xf32, #tpu.memory_space<vmem>>, vector<16xf32>,
      %max3A_1545 = arith.maximumf %max3A_1540, %get3A_1544 : vector<16xf32>
      %get3A_1546 = arith.constant 309 : i32
      %get3A_1547 = arith.index_cast %get3A_1546 : i32 to index
      %get3A_1548 = arith.index_cast %mul3A_20 : i32 to index
      %get3A_1549 = tpu.vector_load %arg4[%get3A_1547, %get3A_1548] {strides = array<i32>} : memref<512x128xf32, #tpu.memory_space<vmem>>, vector<16xf32>,
      %max3A_1550 = arith.maximumf %max3A_1545, %get3A_1549 : vector<16xf32>
      %get3A_1551 = arith.constant 310 : i32
      %get3A_1552 = arith.index_cast %get3A_1551 : i32 to index
      %get3A_1553 = arith.index_cast %mul3A_20 : i32 to index
      %get3A_1554 = tpu.vector_load %arg4[%get3A_1552, %get3A_1553] {strides = array<i32>} : memref<512x128xf32, #tpu.memory_space<vmem>>, vector<16xf32>,
      %max3A_1555 = arith.maximumf %max3A_1550, %get3A_1554 : vector<16xf32>
      %get3A_1556 = arith.constant 311 : i32
      %get3A_1557 = arith.index_cast %get3A_1556 : i32 to index
      %get3A_1558 = arith.index_cast %mul3A_20 : i32 to index
      %get3A_1559 = tpu.vector_load %arg4[%get3A_1557, %get3A_1558] {strides = array<i32>} : memref<512x128xf32, #tpu.memory_space<vmem>>, vector<16xf32>,
      %max3A_1560 = arith.maximumf %max3A_1555, %get3A_1559 : vector<16xf32>
      %get3A_1561 = arith.constant 312 : i32
      %get3A_1562 = arith.index_cast %get3A_1561 : i32 to index
      %get3A_1563 = arith.index_cast %mul3A_20 : i32 to index
      %get3A_1564 = tpu.vector_load %arg4[%get3A_1562, %get3A_1563] {strides = array<i32>} : memref<512x128xf32, #tpu.memory_space<vmem>>, vector<16xf32>,
      %max3A_1565 = arith.maximumf %max3A_1560, %get3A_1564 : vector<16xf32>
      %get3A_1566 = arith.constant 313 : i32
      %get3A_1567 = arith.index_cast %get3A_1566 : i32 to index
      %get3A_1568 = arith.index_cast %mul3A_20 : i32 to index
      %get3A_1569 = tpu.vector_load %arg4[%get3A_1567, %get3A_1568] {strides = array<i32>} : memref<512x128xf32, #tpu.memory_space<vmem>>, vector<16xf32>,
      %max3A_1570 = arith.maximumf %max3A_1565, %get3A_1569 : vector<16xf32>
      %get3A_1571 = arith.constant 314 : i32
      %get3A_1572 = arith.index_cast %get3A_1571 : i32 to index
      %get3A_1573 = arith.index_cast %mul3A_20 : i32 to index
      %get3A_1574 = tpu.vector_load %arg4[%get3A_1572, %get3A_1573] {strides = array<i32>} : memref<512x128xf32, #tpu.memory_space<vmem>>, vector<16xf32>,
      %max3A_1575 = arith.maximumf %max3A_1570, %get3A_1574 : vector<16xf32>
      %get3A_1576 = arith.constant 315 : i32
      %get3A_1577 = arith.index_cast %get3A_1576 : i32 to index
      %get3A_1578 = arith.index_cast %mul3A_20 : i32 to index
      %get3A_1579 = tpu.vector_load %arg4[%get3A_1577, %get3A_1578] {strides = array<i32>} : memref<512x128xf32, #tpu.memory_space<vmem>>, vector<16xf32>,
      %max3A_1580 = arith.maximumf %max3A_1575, %get3A_1579 : vector<16xf32>
      %get3A_1581 = arith.constant 316 : i32
      %get3A_1582 = arith.index_cast %get3A_1581 : i32 to index
      %get3A_1583 = arith.index_cast %mul3A_20 : i32 to index
      %get3A_1584 = tpu.vector_load %arg4[%get3A_1582, %get3A_1583] {strides = array<i32>} : memref<512x128xf32, #tpu.memory_space<vmem>>, vector<16xf32>,
      %max3A_1585 = arith.maximumf %max3A_1580, %get3A_1584 : vector<16xf32>
      %get3A_1586 = arith.constant 317 : i32
      %get3A_1587 = arith.index_cast %get3A_1586 : i32 to index
      %get3A_1588 = arith.index_cast %mul3A_20 : i32 to index
      %get3A_1589 = tpu.vector_load %arg4[%get3A_1587, %get3A_1588] {strides = array<i32>} : memref<512x128xf32, #tpu.memory_space<vmem>>, vector<16xf32>,
      %max3A_1590 = arith.maximumf %max3A_1585, %get3A_1589 : vector<16xf32>
      %get3A_1591 = arith.constant 318 : i32
      %get3A_1592 = arith.index_cast %get3A_1591 : i32 to index
      %get3A_1593 = arith.index_cast %mul3A_20 : i32 to index
      %get3A_1594 = tpu.vector_load %arg4[%get3A_1592, %get3A_1593] {strides = array<i32>} : memref<512x128xf32, #tpu.memory_space<vmem>>, vector<16xf32>,
      %max3A_1595 = arith.maximumf %max3A_1590, %get3A_1594 : vector<16xf32>
      %get3A_1596 = arith.constant 319 : i32
      %get3A_1597 = arith.index_cast %get3A_1596 : i32 to index
      %get3A_1598 = arith.index_cast %mul3A_20 : i32 to index
      %get3A_1599 = tpu.vector_load %arg4[%get3A_1597, %get3A_1598] {strides = array<i32>} : memref<512x128xf32, #tpu.memory_space<vmem>>, vector<16xf32>,
      %max3A_1600 = arith.maximumf %max3A_1595, %get3A_1599 : vector<16xf32>
      %get3A_1601 = arith.constant 320 : i32
      %get3A_1602 = arith.index_cast %get3A_1601 : i32 to index
      %get3A_1603 = arith.index_cast %mul3A_20 : i32 to index
      %get3A_1604 = tpu.vector_load %arg4[%get3A_1602, %get3A_1603] {strides = array<i32>} : memref<512x128xf32, #tpu.memory_space<vmem>>, vector<16xf32>,
      %get3A_1605 = arith.constant 321 : i32
      %get3A_1606 = arith.index_cast %get3A_1605 : i32 to index
      %get3A_1607 = arith.index_cast %mul3A_20 : i32 to index
      %get3A_1608 = tpu.vector_load %arg4[%get3A_1606, %get3A_1607] {strides = array<i32>} : memref<512x128xf32, #tpu.memory_space<vmem>>, vector<16xf32>,
      %max3A_1609 = arith.maximumf %get3A_1604, %get3A_1608 : vector<16xf32>
      %get3A_1610 = arith.constant 322 : i32
      %get3A_1611 = arith.index_cast %get3A_1610 : i32 to index
      %get3A_1612 = arith.index_cast %mul3A_20 : i32 to index
      %get3A_1613 = tpu.vector_load %arg4[%get3A_1611, %get3A_1612] {strides = array<i32>} : memref<512x128xf32, #tpu.memory_space<vmem>>, vector<16xf32>,
      %max3A_1614 = arith.maximumf %max3A_1609, %get3A_1613 : vector<16xf32>
      %get3A_1615 = arith.constant 323 : i32
      %get3A_1616 = arith.index_cast %get3A_1615 : i32 to index
      %get3A_1617 = arith.index_cast %mul3A_20 : i32 to index
      %get3A_1618 = tpu.vector_load %arg4[%get3A_1616, %get3A_1617] {strides = array<i32>} : memref<512x128xf32, #tpu.memory_space<vmem>>, vector<16xf32>,
      %max3A_1619 = arith.maximumf %max3A_1614, %get3A_1618 : vector<16xf32>
      %get3A_1620 = arith.constant 324 : i32
      %get3A_1621 = arith.index_cast %get3A_1620 : i32 to index
      %get3A_1622 = arith.index_cast %mul3A_20 : i32 to index
      %get3A_1623 = tpu.vector_load %arg4[%get3A_1621, %get3A_1622] {strides = array<i32>} : memref<512x128xf32, #tpu.memory_space<vmem>>, vector<16xf32>,
      %max3A_1624 = arith.maximumf %max3A_1619, %get3A_1623 : vector<16xf32>
      %get3A_1625 = arith.constant 325 : i32
      %get3A_1626 = arith.index_cast %get3A_1625 : i32 to index
      %get3A_1627 = arith.index_cast %mul3A_20 : i32 to index
      %get3A_1628 = tpu.vector_load %arg4[%get3A_1626, %get3A_1627] {strides = array<i32>} : memref<512x128xf32, #tpu.memory_space<vmem>>, vector<16xf32>,
      %max3A_1629 = arith.maximumf %max3A_1624, %get3A_1628 : vector<16xf32>
      %get3A_1630 = arith.constant 326 : i32
      %get3A_1631 = arith.index_cast %get3A_1630 : i32 to index
      %get3A_1632 = arith.index_cast %mul3A_20 : i32 to index
      %get3A_1633 = tpu.vector_load %arg4[%get3A_1631, %get3A_1632] {strides = array<i32>} : memref<512x128xf32, #tpu.memory_space<vmem>>, vector<16xf32>,
      %max3A_1634 = arith.maximumf %max3A_1629, %get3A_1633 : vector<16xf32>
      %get3A_1635 = arith.constant 327 : i32
      %get3A_1636 = arith.index_cast %get3A_1635 : i32 to index
      %get3A_1637 = arith.index_cast %mul3A_20 : i32 to index
      %get3A_1638 = tpu.vector_load %arg4[%get3A_1636, %get3A_1637] {strides = array<i32>} : memref<512x128xf32, #tpu.memory_space<vmem>>, vector<16xf32>,
      %max3A_1639 = arith.maximumf %max3A_1634, %get3A_1638 : vector<16xf32>
      %get3A_1640 = arith.constant 328 : i32
      %get3A_1641 = arith.index_cast %get3A_1640 : i32 to index
      %get3A_1642 = arith.index_cast %mul3A_20 : i32 to index
      %get3A_1643 = tpu.vector_load %arg4[%get3A_1641, %get3A_1642] {strides = array<i32>} : memref<512x128xf32, #tpu.memory_space<vmem>>, vector<16xf32>,
      %max3A_1644 = arith.maximumf %max3A_1639, %get3A_1643 : vector<16xf32>
      %get3A_1645 = arith.constant 329 : i32
      %get3A_1646 = arith.index_cast %get3A_1645 : i32 to index
      %get3A_1647 = arith.index_cast %mul3A_20 : i32 to index
      %get3A_1648 = tpu.vector_load %arg4[%get3A_1646, %get3A_1647] {strides = array<i32>} : memref<512x128xf32, #tpu.memory_space<vmem>>, vector<16xf32>,
      %max3A_1649 = arith.maximumf %max3A_1644, %get3A_1648 : vector<16xf32>
      %get3A_1650 = arith.constant 330 : i32
      %get3A_1651 = arith.index_cast %get3A_1650 : i32 to index
      %get3A_1652 = arith.index_cast %mul3A_20 : i32 to index
      %get3A_1653 = tpu.vector_load %arg4[%get3A_1651, %get3A_1652] {strides = array<i32>} : memref<512x128xf32, #tpu.memory_space<vmem>>, vector<16xf32>,
      %max3A_1654 = arith.maximumf %max3A_1649, %get3A_1653 : vector<16xf32>
      %get3A_1655 = arith.constant 331 : i32
      %get3A_1656 = arith.index_cast %get3A_1655 : i32 to index
      %get3A_1657 = arith.index_cast %mul3A_20 : i32 to index
      %get3A_1658 = tpu.vector_load %arg4[%get3A_1656, %get3A_1657] {strides = array<i32>} : memref<512x128xf32, #tpu.memory_space<vmem>>, vector<16xf32>,
      %max3A_1659 = arith.maximumf %max3A_1654, %get3A_1658 : vector<16xf32>
      %get3A_1660 = arith.constant 332 : i32
      %get3A_1661 = arith.index_cast %get3A_1660 : i32 to index
      %get3A_1662 = arith.index_cast %mul3A_20 : i32 to index
      %get3A_1663 = tpu.vector_load %arg4[%get3A_1661, %get3A_1662] {strides = array<i32>} : memref<512x128xf32, #tpu.memory_space<vmem>>, vector<16xf32>,
      %max3A_1664 = arith.maximumf %max3A_1659, %get3A_1663 : vector<16xf32>
      %get3A_1665 = arith.constant 333 : i32
      %get3A_1666 = arith.index_cast %get3A_1665 : i32 to index
      %get3A_1667 = arith.index_cast %mul3A_20 : i32 to index
      %get3A_1668 = tpu.vector_load %arg4[%get3A_1666, %get3A_1667] {strides = array<i32>} : memref<512x128xf32, #tpu.memory_space<vmem>>, vector<16xf32>,
      %max3A_1669 = arith.maximumf %max3A_1664, %get3A_1668 : vector<16xf32>
      %get3A_1670 = arith.constant 334 : i32
      %get3A_1671 = arith.index_cast %get3A_1670 : i32 to index
      %get3A_1672 = arith.index_cast %mul3A_20 : i32 to index
      %get3A_1673 = tpu.vector_load %arg4[%get3A_1671, %get3A_1672] {strides = array<i32>} : memref<512x128xf32, #tpu.memory_space<vmem>>, vector<16xf32>,
      %max3A_1674 = arith.maximumf %max3A_1669, %get3A_1673 : vector<16xf32>
      %get3A_1675 = arith.constant 335 : i32
      %get3A_1676 = arith.index_cast %get3A_1675 : i32 to index
      %get3A_1677 = arith.index_cast %mul3A_20 : i32 to index
      %get3A_1678 = tpu.vector_load %arg4[%get3A_1676, %get3A_1677] {strides = array<i32>} : memref<512x128xf32, #tpu.memory_space<vmem>>, vector<16xf32>,
      %max3A_1679 = arith.maximumf %max3A_1674, %get3A_1678 : vector<16xf32>
      %get3A_1680 = arith.constant 336 : i32
      %get3A_1681 = arith.index_cast %get3A_1680 : i32 to index
      %get3A_1682 = arith.index_cast %mul3A_20 : i32 to index
      %get3A_1683 = tpu.vector_load %arg4[%get3A_1681, %get3A_1682] {strides = array<i32>} : memref<512x128xf32, #tpu.memory_space<vmem>>, vector<16xf32>,
      %get3A_1684 = arith.constant 337 : i32
      %get3A_1685 = arith.index_cast %get3A_1684 : i32 to index
      %get3A_1686 = arith.index_cast %mul3A_20 : i32 to index
      %get3A_1687 = tpu.vector_load %arg4[%get3A_1685, %get3A_1686] {strides = array<i32>} : memref<512x128xf32, #tpu.memory_space<vmem>>, vector<16xf32>,
      %max3A_1688 = arith.maximumf %get3A_1683, %get3A_1687 : vector<16xf32>
      %get3A_1689 = arith.constant 338 : i32
      %get3A_1690 = arith.index_cast %get3A_1689 : i32 to index
      %get3A_1691 = arith.index_cast %mul3A_20 : i32 to index
      %get3A_1692 = tpu.vector_load %arg4[%get3A_1690, %get3A_1691] {strides = array<i32>} : memref<512x128xf32, #tpu.memory_space<vmem>>, vector<16xf32>,
      %max3A_1693 = arith.maximumf %max3A_1688, %get3A_1692 : vector<16xf32>
      %get3A_1694 = arith.constant 339 : i32
      %get3A_1695 = arith.index_cast %get3A_1694 : i32 to index
      %get3A_1696 = arith.index_cast %mul3A_20 : i32 to index
      %get3A_1697 = tpu.vector_load %arg4[%get3A_1695, %get3A_1696] {strides = array<i32>} : memref<512x128xf32, #tpu.memory_space<vmem>>, vector<16xf32>,
      %max3A_1698 = arith.maximumf %max3A_1693, %get3A_1697 : vector<16xf32>
      %get3A_1699 = arith.constant 340 : i32
      %get3A_1700 = arith.index_cast %get3A_1699 : i32 to index
      %get3A_1701 = arith.index_cast %mul3A_20 : i32 to index
      %get3A_1702 = tpu.vector_load %arg4[%get3A_1700, %get3A_1701] {strides = array<i32>} : memref<512x128xf32, #tpu.memory_space<vmem>>, vector<16xf32>,
      %max3A_1703 = arith.maximumf %max3A_1698, %get3A_1702 : vector<16xf32>
      %get3A_1704 = arith.constant 341 : i32
      %get3A_1705 = arith.index_cast %get3A_1704 : i32 to index
      %get3A_1706 = arith.index_cast %mul3A_20 : i32 to index
      %get3A_1707 = tpu.vector_load %arg4[%get3A_1705, %get3A_1706] {strides = array<i32>} : memref<512x128xf32, #tpu.memory_space<vmem>>, vector<16xf32>,
      %max3A_1708 = arith.maximumf %max3A_1703, %get3A_1707 : vector<16xf32>
      %get3A_1709 = arith.constant 342 : i32
      %get3A_1710 = arith.index_cast %get3A_1709 : i32 to index
      %get3A_1711 = arith.index_cast %mul3A_20 : i32 to index
      %get3A_1712 = tpu.vector_load %arg4[%get3A_1710, %get3A_1711] {strides = array<i32>} : memref<512x128xf32, #tpu.memory_space<vmem>>, vector<16xf32>,
      %max3A_1713 = arith.maximumf %max3A_1708, %get3A_1712 : vector<16xf32>
      %get3A_1714 = arith.constant 343 : i32
      %get3A_1715 = arith.index_cast %get3A_1714 : i32 to index
      %get3A_1716 = arith.index_cast %mul3A_20 : i32 to index
      %get3A_1717 = tpu.vector_load %arg4[%get3A_1715, %get3A_1716] {strides = array<i32>} : memref<512x128xf32, #tpu.memory_space<vmem>>, vector<16xf32>,
      %max3A_1718 = arith.maximumf %max3A_1713, %get3A_1717 : vector<16xf32>
      %get3A_1719 = arith.constant 344 : i32
      %get3A_1720 = arith.index_cast %get3A_1719 : i32 to index
      %get3A_1721 = arith.index_cast %mul3A_20 : i32 to index
      %get3A_1722 = tpu.vector_load %arg4[%get3A_1720, %get3A_1721] {strides = array<i32>} : memref<512x128xf32, #tpu.memory_space<vmem>>, vector<16xf32>,
      %max3A_1723 = arith.maximumf %max3A_1718, %get3A_1722 : vector<16xf32>
      %get3A_1724 = arith.constant 345 : i32
      %get3A_1725 = arith.index_cast %get3A_1724 : i32 to index
      %get3A_1726 = arith.index_cast %mul3A_20 : i32 to index
      %get3A_1727 = tpu.vector_load %arg4[%get3A_1725, %get3A_1726] {strides = array<i32>} : memref<512x128xf32, #tpu.memory_space<vmem>>, vector<16xf32>,
      %max3A_1728 = arith.maximumf %max3A_1723, %get3A_1727 : vector<16xf32>
      %get3A_1729 = arith.constant 346 : i32
      %get3A_1730 = arith.index_cast %get3A_1729 : i32 to index
      %get3A_1731 = arith.index_cast %mul3A_20 : i32 to index
      %get3A_1732 = tpu.vector_load %arg4[%get3A_1730, %get3A_1731] {strides = array<i32>} : memref<512x128xf32, #tpu.memory_space<vmem>>, vector<16xf32>,
      %max3A_1733 = arith.maximumf %max3A_1728, %get3A_1732 : vector<16xf32>
      %get3A_1734 = arith.constant 347 : i32
      %get3A_1735 = arith.index_cast %get3A_1734 : i32 to index
      %get3A_1736 = arith.index_cast %mul3A_20 : i32 to index
      %get3A_1737 = tpu.vector_load %arg4[%get3A_1735, %get3A_1736] {strides = array<i32>} : memref<512x128xf32, #tpu.memory_space<vmem>>, vector<16xf32>,
      %max3A_1738 = arith.maximumf %max3A_1733, %get3A_1737 : vector<16xf32>
      %get3A_1739 = arith.constant 348 : i32
      %get3A_1740 = arith.index_cast %get3A_1739 : i32 to index
      %get3A_1741 = arith.index_cast %mul3A_20 : i32 to index
      %get3A_1742 = tpu.vector_load %arg4[%get3A_1740, %get3A_1741] {strides = array<i32>} : memref<512x128xf32, #tpu.memory_space<vmem>>, vector<16xf32>,
      %max3A_1743 = arith.maximumf %max3A_1738, %get3A_1742 : vector<16xf32>
      %get3A_1744 = arith.constant 349 : i32
      %get3A_1745 = arith.index_cast %get3A_1744 : i32 to index
      %get3A_1746 = arith.index_cast %mul3A_20 : i32 to index
      %get3A_1747 = tpu.vector_load %arg4[%get3A_1745, %get3A_1746] {strides = array<i32>} : memref<512x128xf32, #tpu.memory_space<vmem>>, vector<16xf32>,
      %max3A_1748 = arith.maximumf %max3A_1743, %get3A_1747 : vector<16xf32>
      %get3A_1749 = arith.constant 350 : i32
      %get3A_1750 = arith.index_cast %get3A_1749 : i32 to index
      %get3A_1751 = arith.index_cast %mul3A_20 : i32 to index
      %get3A_1752 = tpu.vector_load %arg4[%get3A_1750, %get3A_1751] {strides = array<i32>} : memref<512x128xf32, #tpu.memory_space<vmem>>, vector<16xf32>,
      %max3A_1753 = arith.maximumf %max3A_1748, %get3A_1752 : vector<16xf32>
      %get3A_1754 = arith.constant 351 : i32
      %get3A_1755 = arith.index_cast %get3A_1754 : i32 to index
      %get3A_1756 = arith.index_cast %mul3A_20 : i32 to index
      %get3A_1757 = tpu.vector_load %arg4[%get3A_1755, %get3A_1756] {strides = array<i32>} : memref<512x128xf32, #tpu.memory_space<vmem>>, vector<16xf32>,
      %max3A_1758 = arith.maximumf %max3A_1753, %get3A_1757 : vector<16xf32>
      %get3A_1759 = arith.constant 352 : i32
      %get3A_1760 = arith.index_cast %get3A_1759 : i32 to index
      %get3A_1761 = arith.index_cast %mul3A_20 : i32 to index
      %get3A_1762 = tpu.vector_load %arg4[%get3A_1760, %get3A_1761] {strides = array<i32>} : memref<512x128xf32, #tpu.memory_space<vmem>>, vector<16xf32>,
      %get3A_1763 = arith.constant 353 : i32
      %get3A_1764 = arith.index_cast %get3A_1763 : i32 to index
      %get3A_1765 = arith.index_cast %mul3A_20 : i32 to index
      %get3A_1766 = tpu.vector_load %arg4[%get3A_1764, %get3A_1765] {strides = array<i32>} : memref<512x128xf32, #tpu.memory_space<vmem>>, vector<16xf32>,
      %max3A_1767 = arith.maximumf %get3A_1762, %get3A_1766 : vector<16xf32>
      %get3A_1768 = arith.constant 354 : i32
      %get3A_1769 = arith.index_cast %get3A_1768 : i32 to index
      %get3A_1770 = arith.index_cast %mul3A_20 : i32 to index
      %get3A_1771 = tpu.vector_load %arg4[%get3A_1769, %get3A_1770] {strides = array<i32>} : memref<512x128xf32, #tpu.memory_space<vmem>>, vector<16xf32>,
      %max3A_1772 = arith.maximumf %max3A_1767, %get3A_1771 : vector<16xf32>
      %get3A_1773 = arith.constant 355 : i32
      %get3A_1774 = arith.index_cast %get3A_1773 : i32 to index
      %get3A_1775 = arith.index_cast %mul3A_20 : i32 to index
      %get3A_1776 = tpu.vector_load %arg4[%get3A_1774, %get3A_1775] {strides = array<i32>} : memref<512x128xf32, #tpu.memory_space<vmem>>, vector<16xf32>,
      %max3A_1777 = arith.maximumf %max3A_1772, %get3A_1776 : vector<16xf32>
      %get3A_1778 = arith.constant 356 : i32
      %get3A_1779 = arith.index_cast %get3A_1778 : i32 to index
      %get3A_1780 = arith.index_cast %mul3A_20 : i32 to index
      %get3A_1781 = tpu.vector_load %arg4[%get3A_1779, %get3A_1780] {strides = array<i32>} : memref<512x128xf32, #tpu.memory_space<vmem>>, vector<16xf32>,
      %max3A_1782 = arith.maximumf %max3A_1777, %get3A_1781 : vector<16xf32>
      %get3A_1783 = arith.constant 357 : i32
      %get3A_1784 = arith.index_cast %get3A_1783 : i32 to index
      %get3A_1785 = arith.index_cast %mul3A_20 : i32 to index
      %get3A_1786 = tpu.vector_load %arg4[%get3A_1784, %get3A_1785] {strides = array<i32>} : memref<512x128xf32, #tpu.memory_space<vmem>>, vector<16xf32>,
      %max3A_1787 = arith.maximumf %max3A_1782, %get3A_1786 : vector<16xf32>
      %get3A_1788 = arith.constant 358 : i32
      %get3A_1789 = arith.index_cast %get3A_1788 : i32 to index
      %get3A_1790 = arith.index_cast %mul3A_20 : i32 to index
      %get3A_1791 = tpu.vector_load %arg4[%get3A_1789, %get3A_1790] {strides = array<i32>} : memref<512x128xf32, #tpu.memory_space<vmem>>, vector<16xf32>,
      %max3A_1792 = arith.maximumf %max3A_1787, %get3A_1791 : vector<16xf32>
      %get3A_1793 = arith.constant 359 : i32
      %get3A_1794 = arith.index_cast %get3A_1793 : i32 to index
      %get3A_1795 = arith.index_cast %mul3A_20 : i32 to index
      %get3A_1796 = tpu.vector_load %arg4[%get3A_1794, %get3A_1795] {strides = array<i32>} : memref<512x128xf32, #tpu.memory_space<vmem>>, vector<16xf32>,
      %max3A_1797 = arith.maximumf %max3A_1792, %get3A_1796 : vector<16xf32>
      %get3A_1798 = arith.constant 360 : i32
      %get3A_1799 = arith.index_cast %get3A_1798 : i32 to index
      %get3A_1800 = arith.index_cast %mul3A_20 : i32 to index
      %get3A_1801 = tpu.vector_load %arg4[%get3A_1799, %get3A_1800] {strides = array<i32>} : memref<512x128xf32, #tpu.memory_space<vmem>>, vector<16xf32>,
      %max3A_1802 = arith.maximumf %max3A_1797, %get3A_1801 : vector<16xf32>
      %get3A_1803 = arith.constant 361 : i32
      %get3A_1804 = arith.index_cast %get3A_1803 : i32 to index
      %get3A_1805 = arith.index_cast %mul3A_20 : i32 to index
      %get3A_1806 = tpu.vector_load %arg4[%get3A_1804, %get3A_1805] {strides = array<i32>} : memref<512x128xf32, #tpu.memory_space<vmem>>, vector<16xf32>,
      %max3A_1807 = arith.maximumf %max3A_1802, %get3A_1806 : vector<16xf32>
      %get3A_1808 = arith.constant 362 : i32
      %get3A_1809 = arith.index_cast %get3A_1808 : i32 to index
      %get3A_1810 = arith.index_cast %mul3A_20 : i32 to index
      %get3A_1811 = tpu.vector_load %arg4[%get3A_1809, %get3A_1810] {strides = array<i32>} : memref<512x128xf32, #tpu.memory_space<vmem>>, vector<16xf32>,
      %max3A_1812 = arith.maximumf %max3A_1807, %get3A_1811 : vector<16xf32>
      %get3A_1813 = arith.constant 363 : i32
      %get3A_1814 = arith.index_cast %get3A_1813 : i32 to index
      %get3A_1815 = arith.index_cast %mul3A_20 : i32 to index
      %get3A_1816 = tpu.vector_load %arg4[%get3A_1814, %get3A_1815] {strides = array<i32>} : memref<512x128xf32, #tpu.memory_space<vmem>>, vector<16xf32>,
      %max3A_1817 = arith.maximumf %max3A_1812, %get3A_1816 : vector<16xf32>
      %get3A_1818 = arith.constant 364 : i32
      %get3A_1819 = arith.index_cast %get3A_1818 : i32 to index
      %get3A_1820 = arith.index_cast %mul3A_20 : i32 to index
      %get3A_1821 = tpu.vector_load %arg4[%get3A_1819, %get3A_1820] {strides = array<i32>} : memref<512x128xf32, #tpu.memory_space<vmem>>, vector<16xf32>,
      %max3A_1822 = arith.maximumf %max3A_1817, %get3A_1821 : vector<16xf32>
      %get3A_1823 = arith.constant 365 : i32
      %get3A_1824 = arith.index_cast %get3A_1823 : i32 to index
      %get3A_1825 = arith.index_cast %mul3A_20 : i32 to index
      %get3A_1826 = tpu.vector_load %arg4[%get3A_1824, %get3A_1825] {strides = array<i32>} : memref<512x128xf32, #tpu.memory_space<vmem>>, vector<16xf32>,
      %max3A_1827 = arith.maximumf %max3A_1822, %get3A_1826 : vector<16xf32>
      %get3A_1828 = arith.constant 366 : i32
      %get3A_1829 = arith.index_cast %get3A_1828 : i32 to index
      %get3A_1830 = arith.index_cast %mul3A_20 : i32 to index
      %get3A_1831 = tpu.vector_load %arg4[%get3A_1829, %get3A_1830] {strides = array<i32>} : memref<512x128xf32, #tpu.memory_space<vmem>>, vector<16xf32>,
      %max3A_1832 = arith.maximumf %max3A_1827, %get3A_1831 : vector<16xf32>
      %get3A_1833 = arith.constant 367 : i32
      %get3A_1834 = arith.index_cast %get3A_1833 : i32 to index
      %get3A_1835 = arith.index_cast %mul3A_20 : i32 to index
      %get3A_1836 = tpu.vector_load %arg4[%get3A_1834, %get3A_1835] {strides = array<i32>} : memref<512x128xf32, #tpu.memory_space<vmem>>, vector<16xf32>,
      %max3A_1837 = arith.maximumf %max3A_1832, %get3A_1836 : vector<16xf32>
      %get3A_1838 = arith.constant 368 : i32
      %get3A_1839 = arith.index_cast %get3A_1838 : i32 to index
      %get3A_1840 = arith.index_cast %mul3A_20 : i32 to index
      %get3A_1841 = tpu.vector_load %arg4[%get3A_1839, %get3A_1840] {strides = array<i32>} : memref<512x128xf32, #tpu.memory_space<vmem>>, vector<16xf32>,
      %get3A_1842 = arith.constant 369 : i32
      %get3A_1843 = arith.index_cast %get3A_1842 : i32 to index
      %get3A_1844 = arith.index_cast %mul3A_20 : i32 to index
      %get3A_1845 = tpu.vector_load %arg4[%get3A_1843, %get3A_1844] {strides = array<i32>} : memref<512x128xf32, #tpu.memory_space<vmem>>, vector<16xf32>,
      %max3A_1846 = arith.maximumf %get3A_1841, %get3A_1845 : vector<16xf32>
      %get3A_1847 = arith.constant 370 : i32
      %get3A_1848 = arith.index_cast %get3A_1847 : i32 to index
      %get3A_1849 = arith.index_cast %mul3A_20 : i32 to index
      %get3A_1850 = tpu.vector_load %arg4[%get3A_1848, %get3A_1849] {strides = array<i32>} : memref<512x128xf32, #tpu.memory_space<vmem>>, vector<16xf32>,
      %max3A_1851 = arith.maximumf %max3A_1846, %get3A_1850 : vector<16xf32>
      %get3A_1852 = arith.constant 371 : i32
      %get3A_1853 = arith.index_cast %get3A_1852 : i32 to index
      %get3A_1854 = arith.index_cast %mul3A_20 : i32 to index
      %get3A_1855 = tpu.vector_load %arg4[%get3A_1853, %get3A_1854] {strides = array<i32>} : memref<512x128xf32, #tpu.memory_space<vmem>>, vector<16xf32>,
      %max3A_1856 = arith.maximumf %max3A_1851, %get3A_1855 : vector<16xf32>
      %get3A_1857 = arith.constant 372 : i32
      %get3A_1858 = arith.index_cast %get3A_1857 : i32 to index
      %get3A_1859 = arith.index_cast %mul3A_20 : i32 to index
      %get3A_1860 = tpu.vector_load %arg4[%get3A_1858, %get3A_1859] {strides = array<i32>} : memref<512x128xf32, #tpu.memory_space<vmem>>, vector<16xf32>,
      %max3A_1861 = arith.maximumf %max3A_1856, %get3A_1860 : vector<16xf32>
      %get3A_1862 = arith.constant 373 : i32
      %get3A_1863 = arith.index_cast %get3A_1862 : i32 to index
      %get3A_1864 = arith.index_cast %mul3A_20 : i32 to index
      %get3A_1865 = tpu.vector_load %arg4[%get3A_1863, %get3A_1864] {strides = array<i32>} : memref<512x128xf32, #tpu.memory_space<vmem>>, vector<16xf32>,
      %max3A_1866 = arith.maximumf %max3A_1861, %get3A_1865 : vector<16xf32>
      %get3A_1867 = arith.constant 374 : i32
      %get3A_1868 = arith.index_cast %get3A_1867 : i32 to index
      %get3A_1869 = arith.index_cast %mul3A_20 : i32 to index
      %get3A_1870 = tpu.vector_load %arg4[%get3A_1868, %get3A_1869] {strides = array<i32>} : memref<512x128xf32, #tpu.memory_space<vmem>>, vector<16xf32>,
      %max3A_1871 = arith.maximumf %max3A_1866, %get3A_1870 : vector<16xf32>
      %get3A_1872 = arith.constant 375 : i32
      %get3A_1873 = arith.index_cast %get3A_1872 : i32 to index
      %get3A_1874 = arith.index_cast %mul3A_20 : i32 to index
      %get3A_1875 = tpu.vector_load %arg4[%get3A_1873, %get3A_1874] {strides = array<i32>} : memref<512x128xf32, #tpu.memory_space<vmem>>, vector<16xf32>,
      %max3A_1876 = arith.maximumf %max3A_1871, %get3A_1875 : vector<16xf32>
      %get3A_1877 = arith.constant 376 : i32
      %get3A_1878 = arith.index_cast %get3A_1877 : i32 to index
      %get3A_1879 = arith.index_cast %mul3A_20 : i32 to index
      %get3A_1880 = tpu.vector_load %arg4[%get3A_1878, %get3A_1879] {strides = array<i32>} : memref<512x128xf32, #tpu.memory_space<vmem>>, vector<16xf32>,
      %max3A_1881 = arith.maximumf %max3A_1876, %get3A_1880 : vector<16xf32>
      %get3A_1882 = arith.constant 377 : i32
      %get3A_1883 = arith.index_cast %get3A_1882 : i32 to index
      %get3A_1884 = arith.index_cast %mul3A_20 : i32 to index
      %get3A_1885 = tpu.vector_load %arg4[%get3A_1883, %get3A_1884] {strides = array<i32>} : memref<512x128xf32, #tpu.memory_space<vmem>>, vector<16xf32>,
      %max3A_1886 = arith.maximumf %max3A_1881, %get3A_1885 : vector<16xf32>
      %get3A_1887 = arith.constant 378 : i32
      %get3A_1888 = arith.index_cast %get3A_1887 : i32 to index
      %get3A_1889 = arith.index_cast %mul3A_20 : i32 to index
      %get3A_1890 = tpu.vector_load %arg4[%get3A_1888, %get3A_1889] {strides = array<i32>} : memref<512x128xf32, #tpu.memory_space<vmem>>, vector<16xf32>,
      %max3A_1891 = arith.maximumf %max3A_1886, %get3A_1890 : vector<16xf32>
      %get3A_1892 = arith.constant 379 : i32
      %get3A_1893 = arith.index_cast %get3A_1892 : i32 to index
      %get3A_1894 = arith.index_cast %mul3A_20 : i32 to index
      %get3A_1895 = tpu.vector_load %arg4[%get3A_1893, %get3A_1894] {strides = array<i32>} : memref<512x128xf32, #tpu.memory_space<vmem>>, vector<16xf32>,
      %max3A_1896 = arith.maximumf %max3A_1891, %get3A_1895 : vector<16xf32>
      %get3A_1897 = arith.constant 380 : i32
      %get3A_1898 = arith.index_cast %get3A_1897 : i32 to index
      %get3A_1899 = arith.index_cast %mul3A_20 : i32 to index
      %get3A_1900 = tpu.vector_load %arg4[%get3A_1898, %get3A_1899] {strides = array<i32>} : memref<512x128xf32, #tpu.memory_space<vmem>>, vector<16xf32>,
      %max3A_1901 = arith.maximumf %max3A_1896, %get3A_1900 : vector<16xf32>
      %get3A_1902 = arith.constant 381 : i32
      %get3A_1903 = arith.index_cast %get3A_1902 : i32 to index
      %get3A_1904 = arith.index_cast %mul3A_20 : i32 to index
      %get3A_1905 = tpu.vector_load %arg4[%get3A_1903, %get3A_1904] {strides = array<i32>} : memref<512x128xf32, #tpu.memory_space<vmem>>, vector<16xf32>,
      %max3A_1906 = arith.maximumf %max3A_1901, %get3A_1905 : vector<16xf32>
      %get3A_1907 = arith.constant 382 : i32
      %get3A_1908 = arith.index_cast %get3A_1907 : i32 to index
      %get3A_1909 = arith.index_cast %mul3A_20 : i32 to index
      %get3A_1910 = tpu.vector_load %arg4[%get3A_1908, %get3A_1909] {strides = array<i32>} : memref<512x128xf32, #tpu.memory_space<vmem>>, vector<16xf32>,
      %max3A_1911 = arith.maximumf %max3A_1906, %get3A_1910 : vector<16xf32>
      %get3A_1912 = arith.constant 383 : i32
      %get3A_1913 = arith.index_cast %get3A_1912 : i32 to index
      %get3A_1914 = arith.index_cast %mul3A_20 : i32 to index
      %get3A_1915 = tpu.vector_load %arg4[%get3A_1913, %get3A_1914] {strides = array<i32>} : memref<512x128xf32, #tpu.memory_space<vmem>>, vector<16xf32>,
      %max3A_1916 = arith.maximumf %max3A_1911, %get3A_1915 : vector<16xf32>
      %get3A_1917 = arith.constant 384 : i32
      %get3A_1918 = arith.index_cast %get3A_1917 : i32 to index
      %get3A_1919 = arith.index_cast %mul3A_20 : i32 to index
      %get3A_1920 = tpu.vector_load %arg4[%get3A_1918, %get3A_1919] {strides = array<i32>} : memref<512x128xf32, #tpu.memory_space<vmem>>, vector<16xf32>,
      %get3A_1921 = arith.constant 385 : i32
      %get3A_1922 = arith.index_cast %get3A_1921 : i32 to index
      %get3A_1923 = arith.index_cast %mul3A_20 : i32 to index
      %get3A_1924 = tpu.vector_load %arg4[%get3A_1922, %get3A_1923] {strides = array<i32>} : memref<512x128xf32, #tpu.memory_space<vmem>>, vector<16xf32>,
      %max3A_1925 = arith.maximumf %get3A_1920, %get3A_1924 : vector<16xf32>
      %get3A_1926 = arith.constant 386 : i32
      %get3A_1927 = arith.index_cast %get3A_1926 : i32 to index
      %get3A_1928 = arith.index_cast %mul3A_20 : i32 to index
      %get3A_1929 = tpu.vector_load %arg4[%get3A_1927, %get3A_1928] {strides = array<i32>} : memref<512x128xf32, #tpu.memory_space<vmem>>, vector<16xf32>,
      %max3A_1930 = arith.maximumf %max3A_1925, %get3A_1929 : vector<16xf32>
      %get3A_1931 = arith.constant 387 : i32
      %get3A_1932 = arith.index_cast %get3A_1931 : i32 to index
      %get3A_1933 = arith.index_cast %mul3A_20 : i32 to index
      %get3A_1934 = tpu.vector_load %arg4[%get3A_1932, %get3A_1933] {strides = array<i32>} : memref<512x128xf32, #tpu.memory_space<vmem>>, vector<16xf32>,
      %max3A_1935 = arith.maximumf %max3A_1930, %get3A_1934 : vector<16xf32>
      %get3A_1936 = arith.constant 388 : i32
      %get3A_1937 = arith.index_cast %get3A_1936 : i32 to index
      %get3A_1938 = arith.index_cast %mul3A_20 : i32 to index
      %get3A_1939 = tpu.vector_load %arg4[%get3A_1937, %get3A_1938] {strides = array<i32>} : memref<512x128xf32, #tpu.memory_space<vmem>>, vector<16xf32>,
      %max3A_1940 = arith.maximumf %max3A_1935, %get3A_1939 : vector<16xf32>
      %get3A_1941 = arith.constant 389 : i32
      %get3A_1942 = arith.index_cast %get3A_1941 : i32 to index
      %get3A_1943 = arith.index_cast %mul3A_20 : i32 to index
      %get3A_1944 = tpu.vector_load %arg4[%get3A_1942, %get3A_1943] {strides = array<i32>} : memref<512x128xf32, #tpu.memory_space<vmem>>, vector<16xf32>,
      %max3A_1945 = arith.maximumf %max3A_1940, %get3A_1944 : vector<16xf32>
      %get3A_1946 = arith.constant 390 : i32
      %get3A_1947 = arith.index_cast %get3A_1946 : i32 to index
      %get3A_1948 = arith.index_cast %mul3A_20 : i32 to index
      %get3A_1949 = tpu.vector_load %arg4[%get3A_1947, %get3A_1948] {strides = array<i32>} : memref<512x128xf32, #tpu.memory_space<vmem>>, vector<16xf32>,
      %max3A_1950 = arith.maximumf %max3A_1945, %get3A_1949 : vector<16xf32>
      %get3A_1951 = arith.constant 391 : i32
      %get3A_1952 = arith.index_cast %get3A_1951 : i32 to index
      %get3A_1953 = arith.index_cast %mul3A_20 : i32 to index
      %get3A_1954 = tpu.vector_load %arg4[%get3A_1952, %get3A_1953] {strides = array<i32>} : memref<512x128xf32, #tpu.memory_space<vmem>>, vector<16xf32>,
      %max3A_1955 = arith.maximumf %max3A_1950, %get3A_1954 : vector<16xf32>
      %get3A_1956 = arith.constant 392 : i32
      %get3A_1957 = arith.index_cast %get3A_1956 : i32 to index
      %get3A_1958 = arith.index_cast %mul3A_20 : i32 to index
      %get3A_1959 = tpu.vector_load %arg4[%get3A_1957, %get3A_1958] {strides = array<i32>} : memref<512x128xf32, #tpu.memory_space<vmem>>, vector<16xf32>,
      %max3A_1960 = arith.maximumf %max3A_1955, %get3A_1959 : vector<16xf32>
      %get3A_1961 = arith.constant 393 : i32
      %get3A_1962 = arith.index_cast %get3A_1961 : i32 to index
      %get3A_1963 = arith.index_cast %mul3A_20 : i32 to index
      %get3A_1964 = tpu.vector_load %arg4[%get3A_1962, %get3A_1963] {strides = array<i32>} : memref<512x128xf32, #tpu.memory_space<vmem>>, vector<16xf32>,
      %max3A_1965 = arith.maximumf %max3A_1960, %get3A_1964 : vector<16xf32>
      %get3A_1966 = arith.constant 394 : i32
      %get3A_1967 = arith.index_cast %get3A_1966 : i32 to index
      %get3A_1968 = arith.index_cast %mul3A_20 : i32 to index
      %get3A_1969 = tpu.vector_load %arg4[%get3A_1967, %get3A_1968] {strides = array<i32>} : memref<512x128xf32, #tpu.memory_space<vmem>>, vector<16xf32>,
      %max3A_1970 = arith.maximumf %max3A_1965, %get3A_1969 : vector<16xf32>
      %get3A_1971 = arith.constant 395 : i32
      %get3A_1972 = arith.index_cast %get3A_1971 : i32 to index
      %get3A_1973 = arith.index_cast %mul3A_20 : i32 to index
      %get3A_1974 = tpu.vector_load %arg4[%get3A_1972, %get3A_1973] {strides = array<i32>} : memref<512x128xf32, #tpu.memory_space<vmem>>, vector<16xf32>,
      %max3A_1975 = arith.maximumf %max3A_1970, %get3A_1974 : vector<16xf32>
      %get3A_1976 = arith.constant 396 : i32
      %get3A_1977 = arith.index_cast %get3A_1976 : i32 to index
      %get3A_1978 = arith.index_cast %mul3A_20 : i32 to index
      %get3A_1979 = tpu.vector_load %arg4[%get3A_1977, %get3A_1978] {strides = array<i32>} : memref<512x128xf32, #tpu.memory_space<vmem>>, vector<16xf32>,
      %max3A_1980 = arith.maximumf %max3A_1975, %get3A_1979 : vector<16xf32>
      %get3A_1981 = arith.constant 397 : i32
      %get3A_1982 = arith.index_cast %get3A_1981 : i32 to index
      %get3A_1983 = arith.index_cast %mul3A_20 : i32 to index
      %get3A_1984 = tpu.vector_load %arg4[%get3A_1982, %get3A_1983] {strides = array<i32>} : memref<512x128xf32, #tpu.memory_space<vmem>>, vector<16xf32>,
      %max3A_1985 = arith.maximumf %max3A_1980, %get3A_1984 : vector<16xf32>
      %get3A_1986 = arith.constant 398 : i32
      %get3A_1987 = arith.index_cast %get3A_1986 : i32 to index
      %get3A_1988 = arith.index_cast %mul3A_20 : i32 to index
      %get3A_1989 = tpu.vector_load %arg4[%get3A_1987, %get3A_1988] {strides = array<i32>} : memref<512x128xf32, #tpu.memory_space<vmem>>, vector<16xf32>,
      %max3A_1990 = arith.maximumf %max3A_1985, %get3A_1989 : vector<16xf32>
      %get3A_1991 = arith.constant 399 : i32
      %get3A_1992 = arith.index_cast %get3A_1991 : i32 to index
      %get3A_1993 = arith.index_cast %mul3A_20 : i32 to index
      %get3A_1994 = tpu.vector_load %arg4[%get3A_1992, %get3A_1993] {strides = array<i32>} : memref<512x128xf32, #tpu.memory_space<vmem>>, vector<16xf32>,
      %max3A_1995 = arith.maximumf %max3A_1990, %get3A_1994 : vector<16xf32>
      %get3A_1996 = arith.constant 400 : i32
      %get3A_1997 = arith.index_cast %get3A_1996 : i32 to index
      %get3A_1998 = arith.index_cast %mul3A_20 : i32 to index
      %get3A_1999 = tpu.vector_load %arg4[%get3A_1997, %get3A_1998] {strides = array<i32>} : memref<512x128xf32, #tpu.memory_space<vmem>>, vector<16xf32>,
      %get3A_2000 = arith.constant 401 : i32
      %get3A_2001 = arith.index_cast %get3A_2000 : i32 to index
      %get3A_2002 = arith.index_cast %mul3A_20 : i32 to index
      %get3A_2003 = tpu.vector_load %arg4[%get3A_2001, %get3A_2002] {strides = array<i32>} : memref<512x128xf32, #tpu.memory_space<vmem>>, vector<16xf32>,
      %max3A_2004 = arith.maximumf %get3A_1999, %get3A_2003 : vector<16xf32>
      %get3A_2005 = arith.constant 402 : i32
      %get3A_2006 = arith.index_cast %get3A_2005 : i32 to index
      %get3A_2007 = arith.index_cast %mul3A_20 : i32 to index
      %get3A_2008 = tpu.vector_load %arg4[%get3A_2006, %get3A_2007] {strides = array<i32>} : memref<512x128xf32, #tpu.memory_space<vmem>>, vector<16xf32>,
      %max3A_2009 = arith.maximumf %max3A_2004, %get3A_2008 : vector<16xf32>
      %get3A_2010 = arith.constant 403 : i32
      %get3A_2011 = arith.index_cast %get3A_2010 : i32 to index
      %get3A_2012 = arith.index_cast %mul3A_20 : i32 to index
      %get3A_2013 = tpu.vector_load %arg4[%get3A_2011, %get3A_2012] {strides = array<i32>} : memref<512x128xf32, #tpu.memory_space<vmem>>, vector<16xf32>,
      %max3A_2014 = arith.maximumf %max3A_2009, %get3A_2013 : vector<16xf32>
      %get3A_2015 = arith.constant 404 : i32
      %get3A_2016 = arith.index_cast %get3A_2015 : i32 to index
      %get3A_2017 = arith.index_cast %mul3A_20 : i32 to index
      %get3A_2018 = tpu.vector_load %arg4[%get3A_2016, %get3A_2017] {strides = array<i32>} : memref<512x128xf32, #tpu.memory_space<vmem>>, vector<16xf32>,
      %max3A_2019 = arith.maximumf %max3A_2014, %get3A_2018 : vector<16xf32>
      %get3A_2020 = arith.constant 405 : i32
      %get3A_2021 = arith.index_cast %get3A_2020 : i32 to index
      %get3A_2022 = arith.index_cast %mul3A_20 : i32 to index
      %get3A_2023 = tpu.vector_load %arg4[%get3A_2021, %get3A_2022] {strides = array<i32>} : memref<512x128xf32, #tpu.memory_space<vmem>>, vector<16xf32>,
      %max3A_2024 = arith.maximumf %max3A_2019, %get3A_2023 : vector<16xf32>
      %get3A_2025 = arith.constant 406 : i32
      %get3A_2026 = arith.index_cast %get3A_2025 : i32 to index
      %get3A_2027 = arith.index_cast %mul3A_20 : i32 to index
      %get3A_2028 = tpu.vector_load %arg4[%get3A_2026, %get3A_2027] {strides = array<i32>} : memref<512x128xf32, #tpu.memory_space<vmem>>, vector<16xf32>,
      %max3A_2029 = arith.maximumf %max3A_2024, %get3A_2028 : vector<16xf32>
      %get3A_2030 = arith.constant 407 : i32
      %get3A_2031 = arith.index_cast %get3A_2030 : i32 to index
      %get3A_2032 = arith.index_cast %mul3A_20 : i32 to index
      %get3A_2033 = tpu.vector_load %arg4[%get3A_2031, %get3A_2032] {strides = array<i32>} : memref<512x128xf32, #tpu.memory_space<vmem>>, vector<16xf32>,
      %max3A_2034 = arith.maximumf %max3A_2029, %get3A_2033 : vector<16xf32>
      %get3A_2035 = arith.constant 408 : i32
      %get3A_2036 = arith.index_cast %get3A_2035 : i32 to index
      %get3A_2037 = arith.index_cast %mul3A_20 : i32 to index
      %get3A_2038 = tpu.vector_load %arg4[%get3A_2036, %get3A_2037] {strides = array<i32>} : memref<512x128xf32, #tpu.memory_space<vmem>>, vector<16xf32>,
      %max3A_2039 = arith.maximumf %max3A_2034, %get3A_2038 : vector<16xf32>
      %get3A_2040 = arith.constant 409 : i32
      %get3A_2041 = arith.index_cast %get3A_2040 : i32 to index
      %get3A_2042 = arith.index_cast %mul3A_20 : i32 to index
      %get3A_2043 = tpu.vector_load %arg4[%get3A_2041, %get3A_2042] {strides = array<i32>} : memref<512x128xf32, #tpu.memory_space<vmem>>, vector<16xf32>,
      %max3A_2044 = arith.maximumf %max3A_2039, %get3A_2043 : vector<16xf32>
      %get3A_2045 = arith.constant 410 : i32
      %get3A_2046 = arith.index_cast %get3A_2045 : i32 to index
      %get3A_2047 = arith.index_cast %mul3A_20 : i32 to index
      %get3A_2048 = tpu.vector_load %arg4[%get3A_2046, %get3A_2047] {strides = array<i32>} : memref<512x128xf32, #tpu.memory_space<vmem>>, vector<16xf32>,
      %max3A_2049 = arith.maximumf %max3A_2044, %get3A_2048 : vector<16xf32>
      %get3A_2050 = arith.constant 411 : i32
      %get3A_2051 = arith.index_cast %get3A_2050 : i32 to index
      %get3A_2052 = arith.index_cast %mul3A_20 : i32 to index
      %get3A_2053 = tpu.vector_load %arg4[%get3A_2051, %get3A_2052] {strides = array<i32>} : memref<512x128xf32, #tpu.memory_space<vmem>>, vector<16xf32>,
      %max3A_2054 = arith.maximumf %max3A_2049, %get3A_2053 : vector<16xf32>
      %get3A_2055 = arith.constant 412 : i32
      %get3A_2056 = arith.index_cast %get3A_2055 : i32 to index
      %get3A_2057 = arith.index_cast %mul3A_20 : i32 to index
      %get3A_2058 = tpu.vector_load %arg4[%get3A_2056, %get3A_2057] {strides = array<i32>} : memref<512x128xf32, #tpu.memory_space<vmem>>, vector<16xf32>,
      %max3A_2059 = arith.maximumf %max3A_2054, %get3A_2058 : vector<16xf32>
      %get3A_2060 = arith.constant 413 : i32
      %get3A_2061 = arith.index_cast %get3A_2060 : i32 to index
      %get3A_2062 = arith.index_cast %mul3A_20 : i32 to index
      %get3A_2063 = tpu.vector_load %arg4[%get3A_2061, %get3A_2062] {strides = array<i32>} : memref<512x128xf32, #tpu.memory_space<vmem>>, vector<16xf32>,
      %max3A_2064 = arith.maximumf %max3A_2059, %get3A_2063 : vector<16xf32>
      %get3A_2065 = arith.constant 414 : i32
      %get3A_2066 = arith.index_cast %get3A_2065 : i32 to index
      %get3A_2067 = arith.index_cast %mul3A_20 : i32 to index
      %get3A_2068 = tpu.vector_load %arg4[%get3A_2066, %get3A_2067] {strides = array<i32>} : memref<512x128xf32, #tpu.memory_space<vmem>>, vector<16xf32>,
      %max3A_2069 = arith.maximumf %max3A_2064, %get3A_2068 : vector<16xf32>
      %get3A_2070 = arith.constant 415 : i32
      %get3A_2071 = arith.index_cast %get3A_2070 : i32 to index
      %get3A_2072 = arith.index_cast %mul3A_20 : i32 to index
      %get3A_2073 = tpu.vector_load %arg4[%get3A_2071, %get3A_2072] {strides = array<i32>} : memref<512x128xf32, #tpu.memory_space<vmem>>, vector<16xf32>,
      %max3A_2074 = arith.maximumf %max3A_2069, %get3A_2073 : vector<16xf32>
      %get3A_2075 = arith.constant 416 : i32
      %get3A_2076 = arith.index_cast %get3A_2075 : i32 to index
      %get3A_2077 = arith.index_cast %mul3A_20 : i32 to index
      %get3A_2078 = tpu.vector_load %arg4[%get3A_2076, %get3A_2077] {strides = array<i32>} : memref<512x128xf32, #tpu.memory_space<vmem>>, vector<16xf32>,
      %get3A_2079 = arith.constant 417 : i32
      %get3A_2080 = arith.index_cast %get3A_2079 : i32 to index
      %get3A_2081 = arith.index_cast %mul3A_20 : i32 to index
      %get3A_2082 = tpu.vector_load %arg4[%get3A_2080, %get3A_2081] {strides = array<i32>} : memref<512x128xf32, #tpu.memory_space<vmem>>, vector<16xf32>,
      %max3A_2083 = arith.maximumf %get3A_2078, %get3A_2082 : vector<16xf32>
      %get3A_2084 = arith.constant 418 : i32
      %get3A_2085 = arith.index_cast %get3A_2084 : i32 to index
      %get3A_2086 = arith.index_cast %mul3A_20 : i32 to index
      %get3A_2087 = tpu.vector_load %arg4[%get3A_2085, %get3A_2086] {strides = array<i32>} : memref<512x128xf32, #tpu.memory_space<vmem>>, vector<16xf32>,
      %max3A_2088 = arith.maximumf %max3A_2083, %get3A_2087 : vector<16xf32>
      %get3A_2089 = arith.constant 419 : i32
      %get3A_2090 = arith.index_cast %get3A_2089 : i32 to index
      %get3A_2091 = arith.index_cast %mul3A_20 : i32 to index
      %get3A_2092 = tpu.vector_load %arg4[%get3A_2090, %get3A_2091] {strides = array<i32>} : memref<512x128xf32, #tpu.memory_space<vmem>>, vector<16xf32>,
      %max3A_2093 = arith.maximumf %max3A_2088, %get3A_2092 : vector<16xf32>
      %get3A_2094 = arith.constant 420 : i32
      %get3A_2095 = arith.index_cast %get3A_2094 : i32 to index
      %get3A_2096 = arith.index_cast %mul3A_20 : i32 to index
      %get3A_2097 = tpu.vector_load %arg4[%get3A_2095, %get3A_2096] {strides = array<i32>} : memref<512x128xf32, #tpu.memory_space<vmem>>, vector<16xf32>,
      %max3A_2098 = arith.maximumf %max3A_2093, %get3A_2097 : vector<16xf32>
      %get3A_2099 = arith.constant 421 : i32
      %get3A_2100 = arith.index_cast %get3A_2099 : i32 to index
      %get3A_2101 = arith.index_cast %mul3A_20 : i32 to index
      %get3A_2102 = tpu.vector_load %arg4[%get3A_2100, %get3A_2101] {strides = array<i32>} : memref<512x128xf32, #tpu.memory_space<vmem>>, vector<16xf32>,
      %max3A_2103 = arith.maximumf %max3A_2098, %get3A_2102 : vector<16xf32>
      %get3A_2104 = arith.constant 422 : i32
      %get3A_2105 = arith.index_cast %get3A_2104 : i32 to index
      %get3A_2106 = arith.index_cast %mul3A_20 : i32 to index
      %get3A_2107 = tpu.vector_load %arg4[%get3A_2105, %get3A_2106] {strides = array<i32>} : memref<512x128xf32, #tpu.memory_space<vmem>>, vector<16xf32>,
      %max3A_2108 = arith.maximumf %max3A_2103, %get3A_2107 : vector<16xf32>
      %get3A_2109 = arith.constant 423 : i32
      %get3A_2110 = arith.index_cast %get3A_2109 : i32 to index
      %get3A_2111 = arith.index_cast %mul3A_20 : i32 to index
      %get3A_2112 = tpu.vector_load %arg4[%get3A_2110, %get3A_2111] {strides = array<i32>} : memref<512x128xf32, #tpu.memory_space<vmem>>, vector<16xf32>,
      %max3A_2113 = arith.maximumf %max3A_2108, %get3A_2112 : vector<16xf32>
      %get3A_2114 = arith.constant 424 : i32
      %get3A_2115 = arith.index_cast %get3A_2114 : i32 to index
      %get3A_2116 = arith.index_cast %mul3A_20 : i32 to index
      %get3A_2117 = tpu.vector_load %arg4[%get3A_2115, %get3A_2116] {strides = array<i32>} : memref<512x128xf32, #tpu.memory_space<vmem>>, vector<16xf32>,
      %max3A_2118 = arith.maximumf %max3A_2113, %get3A_2117 : vector<16xf32>
      %get3A_2119 = arith.constant 425 : i32
      %get3A_2120 = arith.index_cast %get3A_2119 : i32 to index
      %get3A_2121 = arith.index_cast %mul3A_20 : i32 to index
      %get3A_2122 = tpu.vector_load %arg4[%get3A_2120, %get3A_2121] {strides = array<i32>} : memref<512x128xf32, #tpu.memory_space<vmem>>, vector<16xf32>,
      %max3A_2123 = arith.maximumf %max3A_2118, %get3A_2122 : vector<16xf32>
      %get3A_2124 = arith.constant 426 : i32
      %get3A_2125 = arith.index_cast %get3A_2124 : i32 to index
      %get3A_2126 = arith.index_cast %mul3A_20 : i32 to index
      %get3A_2127 = tpu.vector_load %arg4[%get3A_2125, %get3A_2126] {strides = array<i32>} : memref<512x128xf32, #tpu.memory_space<vmem>>, vector<16xf32>,
      %max3A_2128 = arith.maximumf %max3A_2123, %get3A_2127 : vector<16xf32>
      %get3A_2129 = arith.constant 427 : i32
      %get3A_2130 = arith.index_cast %get3A_2129 : i32 to index
      %get3A_2131 = arith.index_cast %mul3A_20 : i32 to index
      %get3A_2132 = tpu.vector_load %arg4[%get3A_2130, %get3A_2131] {strides = array<i32>} : memref<512x128xf32, #tpu.memory_space<vmem>>, vector<16xf32>,
      %max3A_2133 = arith.maximumf %max3A_2128, %get3A_2132 : vector<16xf32>
      %get3A_2134 = arith.constant 428 : i32
      %get3A_2135 = arith.index_cast %get3A_2134 : i32 to index
      %get3A_2136 = arith.index_cast %mul3A_20 : i32 to index
      %get3A_2137 = tpu.vector_load %arg4[%get3A_2135, %get3A_2136] {strides = array<i32>} : memref<512x128xf32, #tpu.memory_space<vmem>>, vector<16xf32>,
      %max3A_2138 = arith.maximumf %max3A_2133, %get3A_2137 : vector<16xf32>
      %get3A_2139 = arith.constant 429 : i32
      %get3A_2140 = arith.index_cast %get3A_2139 : i32 to index
      %get3A_2141 = arith.index_cast %mul3A_20 : i32 to index
      %get3A_2142 = tpu.vector_load %arg4[%get3A_2140, %get3A_2141] {strides = array<i32>} : memref<512x128xf32, #tpu.memory_space<vmem>>, vector<16xf32>,
      %max3A_2143 = arith.maximumf %max3A_2138, %get3A_2142 : vector<16xf32>
      %get3A_2144 = arith.constant 430 : i32
      %get3A_2145 = arith.index_cast %get3A_2144 : i32 to index
      %get3A_2146 = arith.index_cast %mul3A_20 : i32 to index
      %get3A_2147 = tpu.vector_load %arg4[%get3A_2145, %get3A_2146] {strides = array<i32>} : memref<512x128xf32, #tpu.memory_space<vmem>>, vector<16xf32>,
      %max3A_2148 = arith.maximumf %max3A_2143, %get3A_2147 : vector<16xf32>
      %get3A_2149 = arith.constant 431 : i32
      %get3A_2150 = arith.index_cast %get3A_2149 : i32 to index
      %get3A_2151 = arith.index_cast %mul3A_20 : i32 to index
      %get3A_2152 = tpu.vector_load %arg4[%get3A_2150, %get3A_2151] {strides = array<i32>} : memref<512x128xf32, #tpu.memory_space<vmem>>, vector<16xf32>,
      %max3A_2153 = arith.maximumf %max3A_2148, %get3A_2152 : vector<16xf32>
      %get3A_2154 = arith.constant 432 : i32
      %get3A_2155 = arith.index_cast %get3A_2154 : i32 to index
      %get3A_2156 = arith.index_cast %mul3A_20 : i32 to index
      %get3A_2157 = tpu.vector_load %arg4[%get3A_2155, %get3A_2156] {strides = array<i32>} : memref<512x128xf32, #tpu.memory_space<vmem>>, vector<16xf32>,
      %get3A_2158 = arith.constant 433 : i32
      %get3A_2159 = arith.index_cast %get3A_2158 : i32 to index
      %get3A_2160 = arith.index_cast %mul3A_20 : i32 to index
      %get3A_2161 = tpu.vector_load %arg4[%get3A_2159, %get3A_2160] {strides = array<i32>} : memref<512x128xf32, #tpu.memory_space<vmem>>, vector<16xf32>,
      %max3A_2162 = arith.maximumf %get3A_2157, %get3A_2161 : vector<16xf32>
      %get3A_2163 = arith.constant 434 : i32
      %get3A_2164 = arith.index_cast %get3A_2163 : i32 to index
      %get3A_2165 = arith.index_cast %mul3A_20 : i32 to index
      %get3A_2166 = tpu.vector_load %arg4[%get3A_2164, %get3A_2165] {strides = array<i32>} : memref<512x128xf32, #tpu.memory_space<vmem>>, vector<16xf32>,
      %max3A_2167 = arith.maximumf %max3A_2162, %get3A_2166 : vector<16xf32>
      %get3A_2168 = arith.constant 435 : i32
      %get3A_2169 = arith.index_cast %get3A_2168 : i32 to index
      %get3A_2170 = arith.index_cast %mul3A_20 : i32 to index
      %get3A_2171 = tpu.vector_load %arg4[%get3A_2169, %get3A_2170] {strides = array<i32>} : memref<512x128xf32, #tpu.memory_space<vmem>>, vector<16xf32>,
      %max3A_2172 = arith.maximumf %max3A_2167, %get3A_2171 : vector<16xf32>
      %get3A_2173 = arith.constant 436 : i32
      %get3A_2174 = arith.index_cast %get3A_2173 : i32 to index
      %get3A_2175 = arith.index_cast %mul3A_20 : i32 to index
      %get3A_2176 = tpu.vector_load %arg4[%get3A_2174, %get3A_2175] {strides = array<i32>} : memref<512x128xf32, #tpu.memory_space<vmem>>, vector<16xf32>,
      %max3A_2177 = arith.maximumf %max3A_2172, %get3A_2176 : vector<16xf32>
      %get3A_2178 = arith.constant 437 : i32
      %get3A_2179 = arith.index_cast %get3A_2178 : i32 to index
      %get3A_2180 = arith.index_cast %mul3A_20 : i32 to index
      %get3A_2181 = tpu.vector_load %arg4[%get3A_2179, %get3A_2180] {strides = array<i32>} : memref<512x128xf32, #tpu.memory_space<vmem>>, vector<16xf32>,
      %max3A_2182 = arith.maximumf %max3A_2177, %get3A_2181 : vector<16xf32>
      %get3A_2183 = arith.constant 438 : i32
      %get3A_2184 = arith.index_cast %get3A_2183 : i32 to index
      %get3A_2185 = arith.index_cast %mul3A_20 : i32 to index
      %get3A_2186 = tpu.vector_load %arg4[%get3A_2184, %get3A_2185] {strides = array<i32>} : memref<512x128xf32, #tpu.memory_space<vmem>>, vector<16xf32>,
      %max3A_2187 = arith.maximumf %max3A_2182, %get3A_2186 : vector<16xf32>
      %get3A_2188 = arith.constant 439 : i32
      %get3A_2189 = arith.index_cast %get3A_2188 : i32 to index
      %get3A_2190 = arith.index_cast %mul3A_20 : i32 to index
      %get3A_2191 = tpu.vector_load %arg4[%get3A_2189, %get3A_2190] {strides = array<i32>} : memref<512x128xf32, #tpu.memory_space<vmem>>, vector<16xf32>,
      %max3A_2192 = arith.maximumf %max3A_2187, %get3A_2191 : vector<16xf32>
      %get3A_2193 = arith.constant 440 : i32
      %get3A_2194 = arith.index_cast %get3A_2193 : i32 to index
      %get3A_2195 = arith.index_cast %mul3A_20 : i32 to index
      %get3A_2196 = tpu.vector_load %arg4[%get3A_2194, %get3A_2195] {strides = array<i32>} : memref<512x128xf32, #tpu.memory_space<vmem>>, vector<16xf32>,
      %max3A_2197 = arith.maximumf %max3A_2192, %get3A_2196 : vector<16xf32>
      %get3A_2198 = arith.constant 441 : i32
      %get3A_2199 = arith.index_cast %get3A_2198 : i32 to index
      %get3A_2200 = arith.index_cast %mul3A_20 : i32 to index
      %get3A_2201 = tpu.vector_load %arg4[%get3A_2199, %get3A_2200] {strides = array<i32>} : memref<512x128xf32, #tpu.memory_space<vmem>>, vector<16xf32>,
      %max3A_2202 = arith.maximumf %max3A_2197, %get3A_2201 : vector<16xf32>
      %get3A_2203 = arith.constant 442 : i32
      %get3A_2204 = arith.index_cast %get3A_2203 : i32 to index
      %get3A_2205 = arith.index_cast %mul3A_20 : i32 to index
      %get3A_2206 = tpu.vector_load %arg4[%get3A_2204, %get3A_2205] {strides = array<i32>} : memref<512x128xf32, #tpu.memory_space<vmem>>, vector<16xf32>,
      %max3A_2207 = arith.maximumf %max3A_2202, %get3A_2206 : vector<16xf32>
      %get3A_2208 = arith.constant 443 : i32
      %get3A_2209 = arith.index_cast %get3A_2208 : i32 to index
      %get3A_2210 = arith.index_cast %mul3A_20 : i32 to index
      %get3A_2211 = tpu.vector_load %arg4[%get3A_2209, %get3A_2210] {strides = array<i32>} : memref<512x128xf32, #tpu.memory_space<vmem>>, vector<16xf32>,
      %max3A_2212 = arith.maximumf %max3A_2207, %get3A_2211 : vector<16xf32>
      %get3A_2213 = arith.constant 444 : i32
      %get3A_2214 = arith.index_cast %get3A_2213 : i32 to index
      %get3A_2215 = arith.index_cast %mul3A_20 : i32 to index
      %get3A_2216 = tpu.vector_load %arg4[%get3A_2214, %get3A_2215] {strides = array<i32>} : memref<512x128xf32, #tpu.memory_space<vmem>>, vector<16xf32>,
      %max3A_2217 = arith.maximumf %max3A_2212, %get3A_2216 : vector<16xf32>
      %get3A_2218 = arith.constant 445 : i32
      %get3A_2219 = arith.index_cast %get3A_2218 : i32 to index
      %get3A_2220 = arith.index_cast %mul3A_20 : i32 to index
      %get3A_2221 = tpu.vector_load %arg4[%get3A_2219, %get3A_2220] {strides = array<i32>} : memref<512x128xf32, #tpu.memory_space<vmem>>, vector<16xf32>,
      %max3A_2222 = arith.maximumf %max3A_2217, %get3A_2221 : vector<16xf32>
      %get3A_2223 = arith.constant 446 : i32
      %get3A_2224 = arith.index_cast %get3A_2223 : i32 to index
      %get3A_2225 = arith.index_cast %mul3A_20 : i32 to index
      %get3A_2226 = tpu.vector_load %arg4[%get3A_2224, %get3A_2225] {strides = array<i32>} : memref<512x128xf32, #tpu.memory_space<vmem>>, vector<16xf32>,
      %max3A_2227 = arith.maximumf %max3A_2222, %get3A_2226 : vector<16xf32>
      %get3A_2228 = arith.constant 447 : i32
      %get3A_2229 = arith.index_cast %get3A_2228 : i32 to index
      %get3A_2230 = arith.index_cast %mul3A_20 : i32 to index
      %get3A_2231 = tpu.vector_load %arg4[%get3A_2229, %get3A_2230] {strides = array<i32>} : memref<512x128xf32, #tpu.memory_space<vmem>>, vector<16xf32>,
      %max3A_2232 = arith.maximumf %max3A_2227, %get3A_2231 : vector<16xf32>
      %get3A_2233 = arith.constant 448 : i32
      %get3A_2234 = arith.index_cast %get3A_2233 : i32 to index
      %get3A_2235 = arith.index_cast %mul3A_20 : i32 to index
      %get3A_2236 = tpu.vector_load %arg4[%get3A_2234, %get3A_2235] {strides = array<i32>} : memref<512x128xf32, #tpu.memory_space<vmem>>, vector<16xf32>,
      %get3A_2237 = arith.constant 449 : i32
      %get3A_2238 = arith.index_cast %get3A_2237 : i32 to index
      %get3A_2239 = arith.index_cast %mul3A_20 : i32 to index
      %get3A_2240 = tpu.vector_load %arg4[%get3A_2238, %get3A_2239] {strides = array<i32>} : memref<512x128xf32, #tpu.memory_space<vmem>>, vector<16xf32>,
      %max3A_2241 = arith.maximumf %get3A_2236, %get3A_2240 : vector<16xf32>
      %get3A_2242 = arith.constant 450 : i32
      %get3A_2243 = arith.index_cast %get3A_2242 : i32 to index
      %get3A_2244 = arith.index_cast %mul3A_20 : i32 to index
      %get3A_2245 = tpu.vector_load %arg4[%get3A_2243, %get3A_2244] {strides = array<i32>} : memref<512x128xf32, #tpu.memory_space<vmem>>, vector<16xf32>,
      %max3A_2246 = arith.maximumf %max3A_2241, %get3A_2245 : vector<16xf32>
      %get3A_2247 = arith.constant 451 : i32
      %get3A_2248 = arith.index_cast %get3A_2247 : i32 to index
      %get3A_2249 = arith.index_cast %mul3A_20 : i32 to index
      %get3A_2250 = tpu.vector_load %arg4[%get3A_2248, %get3A_2249] {strides = array<i32>} : memref<512x128xf32, #tpu.memory_space<vmem>>, vector<16xf32>,
      %max3A_2251 = arith.maximumf %max3A_2246, %get3A_2250 : vector<16xf32>
      %get3A_2252 = arith.constant 452 : i32
      %get3A_2253 = arith.index_cast %get3A_2252 : i32 to index
      %get3A_2254 = arith.index_cast %mul3A_20 : i32 to index
      %get3A_2255 = tpu.vector_load %arg4[%get3A_2253, %get3A_2254] {strides = array<i32>} : memref<512x128xf32, #tpu.memory_space<vmem>>, vector<16xf32>,
      %max3A_2256 = arith.maximumf %max3A_2251, %get3A_2255 : vector<16xf32>
      %get3A_2257 = arith.constant 453 : i32
      %get3A_2258 = arith.index_cast %get3A_2257 : i32 to index
      %get3A_2259 = arith.index_cast %mul3A_20 : i32 to index
      %get3A_2260 = tpu.vector_load %arg4[%get3A_2258, %get3A_2259] {strides = array<i32>} : memref<512x128xf32, #tpu.memory_space<vmem>>, vector<16xf32>,
      %max3A_2261 = arith.maximumf %max3A_2256, %get3A_2260 : vector<16xf32>
      %get3A_2262 = arith.constant 454 : i32
      %get3A_2263 = arith.index_cast %get3A_2262 : i32 to index
      %get3A_2264 = arith.index_cast %mul3A_20 : i32 to index
      %get3A_2265 = tpu.vector_load %arg4[%get3A_2263, %get3A_2264] {strides = array<i32>} : memref<512x128xf32, #tpu.memory_space<vmem>>, vector<16xf32>,
      %max3A_2266 = arith.maximumf %max3A_2261, %get3A_2265 : vector<16xf32>
      %get3A_2267 = arith.constant 455 : i32
      %get3A_2268 = arith.index_cast %get3A_2267 : i32 to index
      %get3A_2269 = arith.index_cast %mul3A_20 : i32 to index
      %get3A_2270 = tpu.vector_load %arg4[%get3A_2268, %get3A_2269] {strides = array<i32>} : memref<512x128xf32, #tpu.memory_space<vmem>>, vector<16xf32>,
      %max3A_2271 = arith.maximumf %max3A_2266, %get3A_2270 : vector<16xf32>
      %get3A_2272 = arith.constant 456 : i32
      %get3A_2273 = arith.index_cast %get3A_2272 : i32 to index
      %get3A_2274 = arith.index_cast %mul3A_20 : i32 to index
      %get3A_2275 = tpu.vector_load %arg4[%get3A_2273, %get3A_2274] {strides = array<i32>} : memref<512x128xf32, #tpu.memory_space<vmem>>, vector<16xf32>,
      %max3A_2276 = arith.maximumf %max3A_2271, %get3A_2275 : vector<16xf32>
      %get3A_2277 = arith.constant 457 : i32
      %get3A_2278 = arith.index_cast %get3A_2277 : i32 to index
      %get3A_2279 = arith.index_cast %mul3A_20 : i32 to index
      %get3A_2280 = tpu.vector_load %arg4[%get3A_2278, %get3A_2279] {strides = array<i32>} : memref<512x128xf32, #tpu.memory_space<vmem>>, vector<16xf32>,
      %max3A_2281 = arith.maximumf %max3A_2276, %get3A_2280 : vector<16xf32>
      %get3A_2282 = arith.constant 458 : i32
      %get3A_2283 = arith.index_cast %get3A_2282 : i32 to index
      %get3A_2284 = arith.index_cast %mul3A_20 : i32 to index
      %get3A_2285 = tpu.vector_load %arg4[%get3A_2283, %get3A_2284] {strides = array<i32>} : memref<512x128xf32, #tpu.memory_space<vmem>>, vector<16xf32>,
      %max3A_2286 = arith.maximumf %max3A_2281, %get3A_2285 : vector<16xf32>
      %get3A_2287 = arith.constant 459 : i32
      %get3A_2288 = arith.index_cast %get3A_2287 : i32 to index
      %get3A_2289 = arith.index_cast %mul3A_20 : i32 to index
      %get3A_2290 = tpu.vector_load %arg4[%get3A_2288, %get3A_2289] {strides = array<i32>} : memref<512x128xf32, #tpu.memory_space<vmem>>, vector<16xf32>,
      %max3A_2291 = arith.maximumf %max3A_2286, %get3A_2290 : vector<16xf32>
      %get3A_2292 = arith.constant 460 : i32
      %get3A_2293 = arith.index_cast %get3A_2292 : i32 to index
      %get3A_2294 = arith.index_cast %mul3A_20 : i32 to index
      %get3A_2295 = tpu.vector_load %arg4[%get3A_2293, %get3A_2294] {strides = array<i32>} : memref<512x128xf32, #tpu.memory_space<vmem>>, vector<16xf32>,
      %max3A_2296 = arith.maximumf %max3A_2291, %get3A_2295 : vector<16xf32>
      %get3A_2297 = arith.constant 461 : i32
      %get3A_2298 = arith.index_cast %get3A_2297 : i32 to index
      %get3A_2299 = arith.index_cast %mul3A_20 : i32 to index
      %get3A_2300 = tpu.vector_load %arg4[%get3A_2298, %get3A_2299] {strides = array<i32>} : memref<512x128xf32, #tpu.memory_space<vmem>>, vector<16xf32>,
      %max3A_2301 = arith.maximumf %max3A_2296, %get3A_2300 : vector<16xf32>
      %get3A_2302 = arith.constant 462 : i32
      %get3A_2303 = arith.index_cast %get3A_2302 : i32 to index
      %get3A_2304 = arith.index_cast %mul3A_20 : i32 to index
      %get3A_2305 = tpu.vector_load %arg4[%get3A_2303, %get3A_2304] {strides = array<i32>} : memref<512x128xf32, #tpu.memory_space<vmem>>, vector<16xf32>,
      %max3A_2306 = arith.maximumf %max3A_2301, %get3A_2305 : vector<16xf32>
      %get3A_2307 = arith.constant 463 : i32
      %get3A_2308 = arith.index_cast %get3A_2307 : i32 to index
      %get3A_2309 = arith.index_cast %mul3A_20 : i32 to index
      %get3A_2310 = tpu.vector_load %arg4[%get3A_2308, %get3A_2309] {strides = array<i32>} : memref<512x128xf32, #tpu.memory_space<vmem>>, vector<16xf32>,
      %max3A_2311 = arith.maximumf %max3A_2306, %get3A_2310 : vector<16xf32>
      %get3A_2312 = arith.constant 464 : i32
      %get3A_2313 = arith.index_cast %get3A_2312 : i32 to index
      %get3A_2314 = arith.index_cast %mul3A_20 : i32 to index
      %get3A_2315 = tpu.vector_load %arg4[%get3A_2313, %get3A_2314] {strides = array<i32>} : memref<512x128xf32, #tpu.memory_space<vmem>>, vector<16xf32>,
      %get3A_2316 = arith.constant 465 : i32
      %get3A_2317 = arith.index_cast %get3A_2316 : i32 to index
      %get3A_2318 = arith.index_cast %mul3A_20 : i32 to index
      %get3A_2319 = tpu.vector_load %arg4[%get3A_2317, %get3A_2318] {strides = array<i32>} : memref<512x128xf32, #tpu.memory_space<vmem>>, vector<16xf32>,
      %max3A_2320 = arith.maximumf %get3A_2315, %get3A_2319 : vector<16xf32>
      %get3A_2321 = arith.constant 466 : i32
      %get3A_2322 = arith.index_cast %get3A_2321 : i32 to index
      %get3A_2323 = arith.index_cast %mul3A_20 : i32 to index
      %get3A_2324 = tpu.vector_load %arg4[%get3A_2322, %get3A_2323] {strides = array<i32>} : memref<512x128xf32, #tpu.memory_space<vmem>>, vector<16xf32>,
      %max3A_2325 = arith.maximumf %max3A_2320, %get3A_2324 : vector<16xf32>
      %get3A_2326 = arith.constant 467 : i32
      %get3A_2327 = arith.index_cast %get3A_2326 : i32 to index
      %get3A_2328 = arith.index_cast %mul3A_20 : i32 to index
      %get3A_2329 = tpu.vector_load %arg4[%get3A_2327, %get3A_2328] {strides = array<i32>} : memref<512x128xf32, #tpu.memory_space<vmem>>, vector<16xf32>,
      %max3A_2330 = arith.maximumf %max3A_2325, %get3A_2329 : vector<16xf32>
      %get3A_2331 = arith.constant 468 : i32
      %get3A_2332 = arith.index_cast %get3A_2331 : i32 to index
      %get3A_2333 = arith.index_cast %mul3A_20 : i32 to index
      %get3A_2334 = tpu.vector_load %arg4[%get3A_2332, %get3A_2333] {strides = array<i32>} : memref<512x128xf32, #tpu.memory_space<vmem>>, vector<16xf32>,
      %max3A_2335 = arith.maximumf %max3A_2330, %get3A_2334 : vector<16xf32>
      %get3A_2336 = arith.constant 469 : i32
      %get3A_2337 = arith.index_cast %get3A_2336 : i32 to index
      %get3A_2338 = arith.index_cast %mul3A_20 : i32 to index
      %get3A_2339 = tpu.vector_load %arg4[%get3A_2337, %get3A_2338] {strides = array<i32>} : memref<512x128xf32, #tpu.memory_space<vmem>>, vector<16xf32>,
      %max3A_2340 = arith.maximumf %max3A_2335, %get3A_2339 : vector<16xf32>
      %get3A_2341 = arith.constant 470 : i32
      %get3A_2342 = arith.index_cast %get3A_2341 : i32 to index
      %get3A_2343 = arith.index_cast %mul3A_20 : i32 to index
      %get3A_2344 = tpu.vector_load %arg4[%get3A_2342, %get3A_2343] {strides = array<i32>} : memref<512x128xf32, #tpu.memory_space<vmem>>, vector<16xf32>,
      %max3A_2345 = arith.maximumf %max3A_2340, %get3A_2344 : vector<16xf32>
      %get3A_2346 = arith.constant 471 : i32
      %get3A_2347 = arith.index_cast %get3A_2346 : i32 to index
      %get3A_2348 = arith.index_cast %mul3A_20 : i32 to index
      %get3A_2349 = tpu.vector_load %arg4[%get3A_2347, %get3A_2348] {strides = array<i32>} : memref<512x128xf32, #tpu.memory_space<vmem>>, vector<16xf32>,
      %max3A_2350 = arith.maximumf %max3A_2345, %get3A_2349 : vector<16xf32>
      %get3A_2351 = arith.constant 472 : i32
      %get3A_2352 = arith.index_cast %get3A_2351 : i32 to index
      %get3A_2353 = arith.index_cast %mul3A_20 : i32 to index
      %get3A_2354 = tpu.vector_load %arg4[%get3A_2352, %get3A_2353] {strides = array<i32>} : memref<512x128xf32, #tpu.memory_space<vmem>>, vector<16xf32>,
      %max3A_2355 = arith.maximumf %max3A_2350, %get3A_2354 : vector<16xf32>
      %get3A_2356 = arith.constant 473 : i32
      %get3A_2357 = arith.index_cast %get3A_2356 : i32 to index
      %get3A_2358 = arith.index_cast %mul3A_20 : i32 to index
      %get3A_2359 = tpu.vector_load %arg4[%get3A_2357, %get3A_2358] {strides = array<i32>} : memref<512x128xf32, #tpu.memory_space<vmem>>, vector<16xf32>,
      %max3A_2360 = arith.maximumf %max3A_2355, %get3A_2359 : vector<16xf32>
      %get3A_2361 = arith.constant 474 : i32
      %get3A_2362 = arith.index_cast %get3A_2361 : i32 to index
      %get3A_2363 = arith.index_cast %mul3A_20 : i32 to index
      %get3A_2364 = tpu.vector_load %arg4[%get3A_2362, %get3A_2363] {strides = array<i32>} : memref<512x128xf32, #tpu.memory_space<vmem>>, vector<16xf32>,
      %max3A_2365 = arith.maximumf %max3A_2360, %get3A_2364 : vector<16xf32>
      %get3A_2366 = arith.constant 475 : i32
      %get3A_2367 = arith.index_cast %get3A_2366 : i32 to index
      %get3A_2368 = arith.index_cast %mul3A_20 : i32 to index
      %get3A_2369 = tpu.vector_load %arg4[%get3A_2367, %get3A_2368] {strides = array<i32>} : memref<512x128xf32, #tpu.memory_space<vmem>>, vector<16xf32>,
      %max3A_2370 = arith.maximumf %max3A_2365, %get3A_2369 : vector<16xf32>
      %get3A_2371 = arith.constant 476 : i32
      %get3A_2372 = arith.index_cast %get3A_2371 : i32 to index
      %get3A_2373 = arith.index_cast %mul3A_20 : i32 to index
      %get3A_2374 = tpu.vector_load %arg4[%get3A_2372, %get3A_2373] {strides = array<i32>} : memref<512x128xf32, #tpu.memory_space<vmem>>, vector<16xf32>,
      %max3A_2375 = arith.maximumf %max3A_2370, %get3A_2374 : vector<16xf32>
      %get3A_2376 = arith.constant 477 : i32
      %get3A_2377 = arith.index_cast %get3A_2376 : i32 to index
      %get3A_2378 = arith.index_cast %mul3A_20 : i32 to index
      %get3A_2379 = tpu.vector_load %arg4[%get3A_2377, %get3A_2378] {strides = array<i32>} : memref<512x128xf32, #tpu.memory_space<vmem>>, vector<16xf32>,
      %max3A_2380 = arith.maximumf %max3A_2375, %get3A_2379 : vector<16xf32>
      %get3A_2381 = arith.constant 478 : i32
      %get3A_2382 = arith.index_cast %get3A_2381 : i32 to index
      %get3A_2383 = arith.index_cast %mul3A_20 : i32 to index
      %get3A_2384 = tpu.vector_load %arg4[%get3A_2382, %get3A_2383] {strides = array<i32>} : memref<512x128xf32, #tpu.memory_space<vmem>>, vector<16xf32>,
      %max3A_2385 = arith.maximumf %max3A_2380, %get3A_2384 : vector<16xf32>
      %get3A_2386 = arith.constant 479 : i32
      %get3A_2387 = arith.index_cast %get3A_2386 : i32 to index
      %get3A_2388 = arith.index_cast %mul3A_20 : i32 to index
      %get3A_2389 = tpu.vector_load %arg4[%get3A_2387, %get3A_2388] {strides = array<i32>} : memref<512x128xf32, #tpu.memory_space<vmem>>, vector<16xf32>,
      %max3A_2390 = arith.maximumf %max3A_2385, %get3A_2389 : vector<16xf32>
      %get3A_2391 = arith.constant 480 : i32
      %get3A_2392 = arith.index_cast %get3A_2391 : i32 to index
      %get3A_2393 = arith.index_cast %mul3A_20 : i32 to index
      %get3A_2394 = tpu.vector_load %arg4[%get3A_2392, %get3A_2393] {strides = array<i32>} : memref<512x128xf32, #tpu.memory_space<vmem>>, vector<16xf32>,
      %get3A_2395 = arith.constant 481 : i32
      %get3A_2396 = arith.index_cast %get3A_2395 : i32 to index
      %get3A_2397 = arith.index_cast %mul3A_20 : i32 to index
      %get3A_2398 = tpu.vector_load %arg4[%get3A_2396, %get3A_2397] {strides = array<i32>} : memref<512x128xf32, #tpu.memory_space<vmem>>, vector<16xf32>,
      %max3A_2399 = arith.maximumf %get3A_2394, %get3A_2398 : vector<16xf32>
      %get3A_2400 = arith.constant 482 : i32
      %get3A_2401 = arith.index_cast %get3A_2400 : i32 to index
      %get3A_2402 = arith.index_cast %mul3A_20 : i32 to index
      %get3A_2403 = tpu.vector_load %arg4[%get3A_2401, %get3A_2402] {strides = array<i32>} : memref<512x128xf32, #tpu.memory_space<vmem>>, vector<16xf32>,
      %max3A_2404 = arith.maximumf %max3A_2399, %get3A_2403 : vector<16xf32>
      %get3A_2405 = arith.constant 483 : i32
      %get3A_2406 = arith.index_cast %get3A_2405 : i32 to index
      %get3A_2407 = arith.index_cast %mul3A_20 : i32 to index
      %get3A_2408 = tpu.vector_load %arg4[%get3A_2406, %get3A_2407] {strides = array<i32>} : memref<512x128xf32, #tpu.memory_space<vmem>>, vector<16xf32>,
      %max3A_2409 = arith.maximumf %max3A_2404, %get3A_2408 : vector<16xf32>
      %get3A_2410 = arith.constant 484 : i32
      %get3A_2411 = arith.index_cast %get3A_2410 : i32 to index
      %get3A_2412 = arith.index_cast %mul3A_20 : i32 to index
      %get3A_2413 = tpu.vector_load %arg4[%get3A_2411, %get3A_2412] {strides = array<i32>} : memref<512x128xf32, #tpu.memory_space<vmem>>, vector<16xf32>,
      %max3A_2414 = arith.maximumf %max3A_2409, %get3A_2413 : vector<16xf32>
      %get3A_2415 = arith.constant 485 : i32
      %get3A_2416 = arith.index_cast %get3A_2415 : i32 to index
      %get3A_2417 = arith.index_cast %mul3A_20 : i32 to index
      %get3A_2418 = tpu.vector_load %arg4[%get3A_2416, %get3A_2417] {strides = array<i32>} : memref<512x128xf32, #tpu.memory_space<vmem>>, vector<16xf32>,
      %max3A_2419 = arith.maximumf %max3A_2414, %get3A_2418 : vector<16xf32>
      %get3A_2420 = arith.constant 486 : i32
      %get3A_2421 = arith.index_cast %get3A_2420 : i32 to index
      %get3A_2422 = arith.index_cast %mul3A_20 : i32 to index
      %get3A_2423 = tpu.vector_load %arg4[%get3A_2421, %get3A_2422] {strides = array<i32>} : memref<512x128xf32, #tpu.memory_space<vmem>>, vector<16xf32>,
      %max3A_2424 = arith.maximumf %max3A_2419, %get3A_2423 : vector<16xf32>
      %get3A_2425 = arith.constant 487 : i32
      %get3A_2426 = arith.index_cast %get3A_2425 : i32 to index
      %get3A_2427 = arith.index_cast %mul3A_20 : i32 to index
      %get3A_2428 = tpu.vector_load %arg4[%get3A_2426, %get3A_2427] {strides = array<i32>} : memref<512x128xf32, #tpu.memory_space<vmem>>, vector<16xf32>,
      %max3A_2429 = arith.maximumf %max3A_2424, %get3A_2428 : vector<16xf32>
      %get3A_2430 = arith.constant 488 : i32
      %get3A_2431 = arith.index_cast %get3A_2430 : i32 to index
      %get3A_2432 = arith.index_cast %mul3A_20 : i32 to index
      %get3A_2433 = tpu.vector_load %arg4[%get3A_2431, %get3A_2432] {strides = array<i32>} : memref<512x128xf32, #tpu.memory_space<vmem>>, vector<16xf32>,
      %max3A_2434 = arith.maximumf %max3A_2429, %get3A_2433 : vector<16xf32>
      %get3A_2435 = arith.constant 489 : i32
      %get3A_2436 = arith.index_cast %get3A_2435 : i32 to index
      %get3A_2437 = arith.index_cast %mul3A_20 : i32 to index
      %get3A_2438 = tpu.vector_load %arg4[%get3A_2436, %get3A_2437] {strides = array<i32>} : memref<512x128xf32, #tpu.memory_space<vmem>>, vector<16xf32>,
      %max3A_2439 = arith.maximumf %max3A_2434, %get3A_2438 : vector<16xf32>
      %get3A_2440 = arith.constant 490 : i32
      %get3A_2441 = arith.index_cast %get3A_2440 : i32 to index
      %get3A_2442 = arith.index_cast %mul3A_20 : i32 to index
      %get3A_2443 = tpu.vector_load %arg4[%get3A_2441, %get3A_2442] {strides = array<i32>} : memref<512x128xf32, #tpu.memory_space<vmem>>, vector<16xf32>,
      %max3A_2444 = arith.maximumf %max3A_2439, %get3A_2443 : vector<16xf32>
      %get3A_2445 = arith.constant 491 : i32
      %get3A_2446 = arith.index_cast %get3A_2445 : i32 to index
      %get3A_2447 = arith.index_cast %mul3A_20 : i32 to index
      %get3A_2448 = tpu.vector_load %arg4[%get3A_2446, %get3A_2447] {strides = array<i32>} : memref<512x128xf32, #tpu.memory_space<vmem>>, vector<16xf32>,
      %max3A_2449 = arith.maximumf %max3A_2444, %get3A_2448 : vector<16xf32>
      %get3A_2450 = arith.constant 492 : i32
      %get3A_2451 = arith.index_cast %get3A_2450 : i32 to index
      %get3A_2452 = arith.index_cast %mul3A_20 : i32 to index
      %get3A_2453 = tpu.vector_load %arg4[%get3A_2451, %get3A_2452] {strides = array<i32>} : memref<512x128xf32, #tpu.memory_space<vmem>>, vector<16xf32>,
      %max3A_2454 = arith.maximumf %max3A_2449, %get3A_2453 : vector<16xf32>
      %get3A_2455 = arith.constant 493 : i32
      %get3A_2456 = arith.index_cast %get3A_2455 : i32 to index
      %get3A_2457 = arith.index_cast %mul3A_20 : i32 to index
      %get3A_2458 = tpu.vector_load %arg4[%get3A_2456, %get3A_2457] {strides = array<i32>} : memref<512x128xf32, #tpu.memory_space<vmem>>, vector<16xf32>,
      %max3A_2459 = arith.maximumf %max3A_2454, %get3A_2458 : vector<16xf32>
      %get3A_2460 = arith.constant 494 : i32
      %get3A_2461 = arith.index_cast %get3A_2460 : i32 to index
      %get3A_2462 = arith.index_cast %mul3A_20 : i32 to index
      %get3A_2463 = tpu.vector_load %arg4[%get3A_2461, %get3A_2462] {strides = array<i32>} : memref<512x128xf32, #tpu.memory_space<vmem>>, vector<16xf32>,
      %max3A_2464 = arith.maximumf %max3A_2459, %get3A_2463 : vector<16xf32>
      %get3A_2465 = arith.constant 495 : i32
      %get3A_2466 = arith.index_cast %get3A_2465 : i32 to index
      %get3A_2467 = arith.index_cast %mul3A_20 : i32 to index
      %get3A_2468 = tpu.vector_load %arg4[%get3A_2466, %get3A_2467] {strides = array<i32>} : memref<512x128xf32, #tpu.memory_space<vmem>>, vector<16xf32>,
      %max3A_2469 = arith.maximumf %max3A_2464, %get3A_2468 : vector<16xf32>
      %get3A_2470 = arith.constant 496 : i32
      %get3A_2471 = arith.index_cast %get3A_2470 : i32 to index
      %get3A_2472 = arith.index_cast %mul3A_20 : i32 to index
      %get3A_2473 = tpu.vector_load %arg4[%get3A_2471, %get3A_2472] {strides = array<i32>} : memref<512x128xf32, #tpu.memory_space<vmem>>, vector<16xf32>,
      %get3A_2474 = arith.constant 497 : i32
      %get3A_2475 = arith.index_cast %get3A_2474 : i32 to index
      %get3A_2476 = arith.index_cast %mul3A_20 : i32 to index
      %get3A_2477 = tpu.vector_load %arg4[%get3A_2475, %get3A_2476] {strides = array<i32>} : memref<512x128xf32, #tpu.memory_space<vmem>>, vector<16xf32>,
      %max3A_2478 = arith.maximumf %get3A_2473, %get3A_2477 : vector<16xf32>
      %get3A_2479 = arith.constant 498 : i32
      %get3A_2480 = arith.index_cast %get3A_2479 : i32 to index
      %get3A_2481 = arith.index_cast %mul3A_20 : i32 to index
      %get3A_2482 = tpu.vector_load %arg4[%get3A_2480, %get3A_2481] {strides = array<i32>} : memref<512x128xf32, #tpu.memory_space<vmem>>, vector<16xf32>,
      %max3A_2483 = arith.maximumf %max3A_2478, %get3A_2482 : vector<16xf32>
      %get3A_2484 = arith.constant 499 : i32
      %get3A_2485 = arith.index_cast %get3A_2484 : i32 to index
      %get3A_2486 = arith.index_cast %mul3A_20 : i32 to index
      %get3A_2487 = tpu.vector_load %arg4[%get3A_2485, %get3A_2486] {strides = array<i32>} : memref<512x128xf32, #tpu.memory_space<vmem>>, vector<16xf32>,
      %max3A_2488 = arith.maximumf %max3A_2483, %get3A_2487 : vector<16xf32>
      %get3A_2489 = arith.constant 500 : i32
      %get3A_2490 = arith.index_cast %get3A_2489 : i32 to index
      %get3A_2491 = arith.index_cast %mul3A_20 : i32 to index
      %get3A_2492 = tpu.vector_load %arg4[%get3A_2490, %get3A_2491] {strides = array<i32>} : memref<512x128xf32, #tpu.memory_space<vmem>>, vector<16xf32>,
      %max3A_2493 = arith.maximumf %max3A_2488, %get3A_2492 : vector<16xf32>
      %get3A_2494 = arith.constant 501 : i32
      %get3A_2495 = arith.index_cast %get3A_2494 : i32 to index
      %get3A_2496 = arith.index_cast %mul3A_20 : i32 to index
      %get3A_2497 = tpu.vector_load %arg4[%get3A_2495, %get3A_2496] {strides = array<i32>} : memref<512x128xf32, #tpu.memory_space<vmem>>, vector<16xf32>,
      %max3A_2498 = arith.maximumf %max3A_2493, %get3A_2497 : vector<16xf32>
      %get3A_2499 = arith.constant 502 : i32
      %get3A_2500 = arith.index_cast %get3A_2499 : i32 to index
      %get3A_2501 = arith.index_cast %mul3A_20 : i32 to index
      %get3A_2502 = tpu.vector_load %arg4[%get3A_2500, %get3A_2501] {strides = array<i32>} : memref<512x128xf32, #tpu.memory_space<vmem>>, vector<16xf32>,
      %max3A_2503 = arith.maximumf %max3A_2498, %get3A_2502 : vector<16xf32>
      %get3A_2504 = arith.constant 503 : i32
      %get3A_2505 = arith.index_cast %get3A_2504 : i32 to index
      %get3A_2506 = arith.index_cast %mul3A_20 : i32 to index
      %get3A_2507 = tpu.vector_load %arg4[%get3A_2505, %get3A_2506] {strides = array<i32>} : memref<512x128xf32, #tpu.memory_space<vmem>>, vector<16xf32>,
      %max3A_2508 = arith.maximumf %max3A_2503, %get3A_2507 : vector<16xf32>
      %get3A_2509 = arith.constant 504 : i32
      %get3A_2510 = arith.index_cast %get3A_2509 : i32 to index
      %get3A_2511 = arith.index_cast %mul3A_20 : i32 to index
      %get3A_2512 = tpu.vector_load %arg4[%get3A_2510, %get3A_2511] {strides = array<i32>} : memref<512x128xf32, #tpu.memory_space<vmem>>, vector<16xf32>,
      %max3A_2513 = arith.maximumf %max3A_2508, %get3A_2512 : vector<16xf32>
      %get3A_2514 = arith.constant 505 : i32
      %get3A_2515 = arith.index_cast %get3A_2514 : i32 to index
      %get3A_2516 = arith.index_cast %mul3A_20 : i32 to index
      %get3A_2517 = tpu.vector_load %arg4[%get3A_2515, %get3A_2516] {strides = array<i32>} : memref<512x128xf32, #tpu.memory_space<vmem>>, vector<16xf32>,
      %max3A_2518 = arith.maximumf %max3A_2513, %get3A_2517 : vector<16xf32>
      %get3A_2519 = arith.constant 506 : i32
      %get3A_2520 = arith.index_cast %get3A_2519 : i32 to index
      %get3A_2521 = arith.index_cast %mul3A_20 : i32 to index
      %get3A_2522 = tpu.vector_load %arg4[%get3A_2520, %get3A_2521] {strides = array<i32>} : memref<512x128xf32, #tpu.memory_space<vmem>>, vector<16xf32>,
      %max3A_2523 = arith.maximumf %max3A_2518, %get3A_2522 : vector<16xf32>
      %get3A_2524 = arith.constant 507 : i32
      %get3A_2525 = arith.index_cast %get3A_2524 : i32 to index
      %get3A_2526 = arith.index_cast %mul3A_20 : i32 to index
      %get3A_2527 = tpu.vector_load %arg4[%get3A_2525, %get3A_2526] {strides = array<i32>} : memref<512x128xf32, #tpu.memory_space<vmem>>, vector<16xf32>,
      %max3A_2528 = arith.maximumf %max3A_2523, %get3A_2527 : vector<16xf32>
      %get3A_2529 = arith.constant 508 : i32
      %get3A_2530 = arith.index_cast %get3A_2529 : i32 to index
      %get3A_2531 = arith.index_cast %mul3A_20 : i32 to index
      %get3A_2532 = tpu.vector_load %arg4[%get3A_2530, %get3A_2531] {strides = array<i32>} : memref<512x128xf32, #tpu.memory_space<vmem>>, vector<16xf32>,
      %max3A_2533 = arith.maximumf %max3A_2528, %get3A_2532 : vector<16xf32>
      %get3A_2534 = arith.constant 509 : i32
      %get3A_2535 = arith.index_cast %get3A_2534 : i32 to index
      %get3A_2536 = arith.index_cast %mul3A_20 : i32 to index
      %get3A_2537 = tpu.vector_load %arg4[%get3A_2535, %get3A_2536] {strides = array<i32>} : memref<512x128xf32, #tpu.memory_space<vmem>>, vector<16xf32>,
      %max3A_2538 = arith.maximumf %max3A_2533, %get3A_2537 : vector<16xf32>
      %get3A_2539 = arith.constant 510 : i32
      %get3A_2540 = arith.index_cast %get3A_2539 : i32 to index
      %get3A_2541 = arith.index_cast %mul3A_20 : i32 to index
      %get3A_2542 = tpu.vector_load %arg4[%get3A_2540, %get3A_2541] {strides = array<i32>} : memref<512x128xf32, #tpu.memory_space<vmem>>, vector<16xf32>,
      %max3A_2543 = arith.maximumf %max3A_2538, %get3A_2542 : vector<16xf32>
      %get3A_2544 = arith.constant 511 : i32
      %get3A_2545 = arith.index_cast %get3A_2544 : i32 to index
      %get3A_2546 = arith.index_cast %mul3A_20 : i32 to index
      %get3A_2547 = tpu.vector_load %arg4[%get3A_2545, %get3A_2546] {strides = array<i32>} : memref<512x128xf32, #tpu.memory_space<vmem>>, vector<16xf32>,
      %max3A_2548 = arith.maximumf %max3A_2543, %get3A_2547 : vector<16xf32>
      %broadcast_in_dim3A = arith.constant 0x7F800000 : f32
      %broadcast_in_dim3A_2549 = vector.broadcast %broadcast_in_dim3A : f32 to vector<16xf32>
      %scan3A_2550 = arith.constant 0 : i32
      %scan3A_2551 = arith.constant 25 : i32
      %scan3A_2552 = arith.addi %scan3A_2550, %scan3A_2551 : i32
      %scan3A_2553 = arith.constant 1 : i32
      %scan3A_2554:33 = scf.for %scan3A_2557 = %scan3A_2550 to %scan3A_2552 step %scan3A_2553 iter_args(%scan3A_2558 = %broadcast_in_dim3A_2549, %scan3A_2559 = %max3A_99, %scan3A_2560 = %max3A_178, %scan3A_2561 = %max3A_257, %scan3A_2562 = %max3A_336, %scan3A_2563 = %max3A_415, %scan3A_2564 = %max3A_494, %scan3A_2565 = %max3A_573, %scan3A_2566 = %max3A_652, %scan3A_2567 = %max3A_731, %scan3A_2568 = %max3A_810, %scan3A_2569 = %max3A_889, %scan3A_2570 = %max3A_968, %scan3A_2571 = %max3A_1047, %scan3A_2572 = %max3A_1126, %scan3A_2573 = %max3A_1205, %scan3A_2574 = %max3A_1284, %scan3A_2575 = %max3A_1363, %scan3A_2576 = %max3A_1442, %scan3A_2577 = %max3A_1521, %scan3A_2578 = %max3A_1600, %scan3A_2579 = %max3A_1679, %scan3A_2580 = %max3A_1758, %scan3A_2581 = %max3A_1837, %scan3A_2582 = %max3A_1916, %scan3A_2583 = %max3A_1995, %scan3A_2584 = %max3A_2074, %scan3A_2585 = %max3A_2153, %scan3A_2586 = %max3A_2232, %scan3A_2587 = %max3A_2311, %scan3A_2588 = %max3A_2390, %scan3A_2589 = %max3A_2469, %scan3A_2590 = %max3A_2548) -> (vector<16xf32>, vector<16xf32>, vector<16xf32>, vector<16xf32>, vector<16xf32>, vector<16xf32>, vector<16xf32>, vector<16xf32>, vector<16xf32>, vector<16xf32>, vector<16xf32>, vector<16xf32>, vector<16xf32>, vector<16xf32>, vector<16xf32>, vector<16xf32>, vector<16xf32>, vector<16xf32>, vector<16xf32>, vector<16xf32>, vector<16xf32>, vector<16xf32>, vector<16xf32>, vector<16xf32>, vector<16xf32>, vector<16xf32>, vector<16xf32>, vector<16xf32>, vector<16xf32>, vector<16xf32>, vector<16xf32>, vector<16xf32>, vector<16xf32>)  : i32 {
        %max3A_2591 = arith.maximumf %scan3A_2559, %scan3A_2560 : vector<16xf32>
        %max3A_2592 = arith.maximumf %max3A_2591, %scan3A_2561 : vector<16xf32>
        %max3A_2593 = arith.maximumf %max3A_2592, %scan3A_2562 : vector<16xf32>
        %max3A_2594 = arith.maximumf %max3A_2593, %scan3A_2563 : vector<16xf32>
        %max3A_2595 = arith.maximumf %max3A_2594, %scan3A_2564 : vector<16xf32>
        %max3A_2596 = arith.maximumf %max3A_2595, %scan3A_2565 : vector<16xf32>
        %max3A_2597 = arith.maximumf %max3A_2596, %scan3A_2566 : vector<16xf32>
        %max3A_2598 = arith.maximumf %max3A_2597, %scan3A_2567 : vector<16xf32>
        %max3A_2599 = arith.maximumf %max3A_2598, %scan3A_2568 : vector<16xf32>
        %max3A_2600 = arith.maximumf %max3A_2599, %scan3A_2569 : vector<16xf32>
        %max3A_2601 = arith.maximumf %max3A_2600, %scan3A_2570 : vector<16xf32>
        %max3A_2602 = arith.maximumf %max3A_2601, %scan3A_2571 : vector<16xf32>
        %max3A_2603 = arith.maximumf %max3A_2602, %scan3A_2572 : vector<16xf32>
        %max3A_2604 = arith.maximumf %max3A_2603, %scan3A_2573 : vector<16xf32>
        %max3A_2605 = arith.maximumf %max3A_2604, %scan3A_2574 : vector<16xf32>
        %max3A_2606 = arith.maximumf %max3A_2605, %scan3A_2575 : vector<16xf32>
        %max3A_2607 = arith.maximumf %max3A_2606, %scan3A_2576 : vector<16xf32>
        %max3A_2608 = arith.maximumf %max3A_2607, %scan3A_2577 : vector<16xf32>
        %max3A_2609 = arith.maximumf %max3A_2608, %scan3A_2578 : vector<16xf32>
        %max3A_2610 = arith.maximumf %max3A_2609, %scan3A_2579 : vector<16xf32>
        %max3A_2611 = arith.maximumf %max3A_2610, %scan3A_2580 : vector<16xf32>
        %max3A_2612 = arith.maximumf %max3A_2611, %scan3A_2581 : vector<16xf32>
        %max3A_2613 = arith.maximumf %max3A_2612, %scan3A_2582 : vector<16xf32>
        %max3A_2614 = arith.maximumf %max3A_2613, %scan3A_2583 : vector<16xf32>
        %max3A_2615 = arith.maximumf %max3A_2614, %scan3A_2584 : vector<16xf32>
        %max3A_2616 = arith.maximumf %max3A_2615, %scan3A_2585 : vector<16xf32>
        %max3A_2617 = arith.maximumf %max3A_2616, %scan3A_2586 : vector<16xf32>
        %max3A_2618 = arith.maximumf %max3A_2617, %scan3A_2587 : vector<16xf32>
        %max3A_2619 = arith.maximumf %max3A_2618, %scan3A_2588 : vector<16xf32>
        %max3A_2620 = arith.maximumf %max3A_2619, %scan3A_2589 : vector<16xf32>
        %max3A_2621 = arith.maximumf %max3A_2620, %scan3A_2590 : vector<16xf32>
        %broadcast_in_dim3A_2622 = arith.constant 32 : i32
        %broadcast_in_dim3A_2623 = vector.broadcast %broadcast_in_dim3A_2622 : i32 to vector<16xi32>
        %eq3A = arith.cmpf oeq, %scan3A_2590, %max3A_2621 : vector<16xf32>
        %jit3A = arith.constant 31 : i32
        %broadcast_in_dim3A_2624 = vector.broadcast %jit3A : i32 to vector<16xi32>
        %select_n3A = arith.select %eq3A, %broadcast_in_dim3A_2624, %broadcast_in_dim3A_2623 : vector<16xi1>, vector<16xi32>
        %eq3A_2625 = arith.cmpf oeq, %scan3A_2589, %max3A_2621 : vector<16xf32>
        %jit3A_2626 = arith.constant 30 : i32
        %broadcast_in_dim3A_2627 = vector.broadcast %jit3A_2626 : i32 to vector<16xi32>
        %select_n3A_2628 = arith.select %eq3A_2625, %broadcast_in_dim3A_2627, %select_n3A : vector<16xi1>, vector<16xi32>
        %eq3A_2629 = arith.cmpf oeq, %scan3A_2588, %max3A_2621 : vector<16xf32>
        %jit3A_2630 = arith.constant 29 : i32
        %broadcast_in_dim3A_2631 = vector.broadcast %jit3A_2630 : i32 to vector<16xi32>
        %select_n3A_2632 = arith.select %eq3A_2629, %broadcast_in_dim3A_2631, %select_n3A_2628 : vector<16xi1>, vector<16xi32>
        %eq3A_2633 = arith.cmpf oeq, %scan3A_2587, %max3A_2621 : vector<16xf32>
        %jit3A_2634 = arith.constant 28 : i32
        %broadcast_in_dim3A_2635 = vector.broadcast %jit3A_2634 : i32 to vector<16xi32>
        %select_n3A_2636 = arith.select %eq3A_2633, %broadcast_in_dim3A_2635, %select_n3A_2632 : vector<16xi1>, vector<16xi32>
        %eq3A_2637 = arith.cmpf oeq, %scan3A_2586, %max3A_2621 : vector<16xf32>
        %jit3A_2638 = arith.constant 27 : i32
        %broadcast_in_dim3A_2639 = vector.broadcast %jit3A_2638 : i32 to vector<16xi32>
        %select_n3A_2640 = arith.select %eq3A_2637, %broadcast_in_dim3A_2639, %select_n3A_2636 : vector<16xi1>, vector<16xi32>
        %eq3A_2641 = arith.cmpf oeq, %scan3A_2585, %max3A_2621 : vector<16xf32>
        %jit3A_2642 = arith.constant 26 : i32
        %broadcast_in_dim3A_2643 = vector.broadcast %jit3A_2642 : i32 to vector<16xi32>
        %select_n3A_2644 = arith.select %eq3A_2641, %broadcast_in_dim3A_2643, %select_n3A_2640 : vector<16xi1>, vector<16xi32>
        %eq3A_2645 = arith.cmpf oeq, %scan3A_2584, %max3A_2621 : vector<16xf32>
        %jit3A_2646 = arith.constant 25 : i32
        %broadcast_in_dim3A_2647 = vector.broadcast %jit3A_2646 : i32 to vector<16xi32>
        %select_n3A_2648 = arith.select %eq3A_2645, %broadcast_in_dim3A_2647, %select_n3A_2644 : vector<16xi1>, vector<16xi32>
        %eq3A_2649 = arith.cmpf oeq, %scan3A_2583, %max3A_2621 : vector<16xf32>
        %jit3A_2650 = arith.constant 24 : i32
        %broadcast_in_dim3A_2651 = vector.broadcast %jit3A_2650 : i32 to vector<16xi32>
        %select_n3A_2652 = arith.select %eq3A_2649, %broadcast_in_dim3A_2651, %select_n3A_2648 : vector<16xi1>, vector<16xi32>
        %eq3A_2653 = arith.cmpf oeq, %scan3A_2582, %max3A_2621 : vector<16xf32>
        %jit3A_2654 = arith.constant 23 : i32
        %broadcast_in_dim3A_2655 = vector.broadcast %jit3A_2654 : i32 to vector<16xi32>
        %select_n3A_2656 = arith.select %eq3A_2653, %broadcast_in_dim3A_2655, %select_n3A_2652 : vector<16xi1>, vector<16xi32>
        %eq3A_2657 = arith.cmpf oeq, %scan3A_2581, %max3A_2621 : vector<16xf32>
        %jit3A_2658 = arith.constant 22 : i32
        %broadcast_in_dim3A_2659 = vector.broadcast %jit3A_2658 : i32 to vector<16xi32>
        %select_n3A_2660 = arith.select %eq3A_2657, %broadcast_in_dim3A_2659, %select_n3A_2656 : vector<16xi1>, vector<16xi32>
        %eq3A_2661 = arith.cmpf oeq, %scan3A_2580, %max3A_2621 : vector<16xf32>
        %jit3A_2662 = arith.constant 21 : i32
        %broadcast_in_dim3A_2663 = vector.broadcast %jit3A_2662 : i32 to vector<16xi32>
        %select_n3A_2664 = arith.select %eq3A_2661, %broadcast_in_dim3A_2663, %select_n3A_2660 : vector<16xi1>, vector<16xi32>
        %eq3A_2665 = arith.cmpf oeq, %scan3A_2579, %max3A_2621 : vector<16xf32>
        %jit3A_2666 = arith.constant 20 : i32
        %broadcast_in_dim3A_2667 = vector.broadcast %jit3A_2666 : i32 to vector<16xi32>
        %select_n3A_2668 = arith.select %eq3A_2665, %broadcast_in_dim3A_2667, %select_n3A_2664 : vector<16xi1>, vector<16xi32>
        %eq3A_2669 = arith.cmpf oeq, %scan3A_2578, %max3A_2621 : vector<16xf32>
        %jit3A_2670 = arith.constant 19 : i32
        %broadcast_in_dim3A_2671 = vector.broadcast %jit3A_2670 : i32 to vector<16xi32>
        %select_n3A_2672 = arith.select %eq3A_2669, %broadcast_in_dim3A_2671, %select_n3A_2668 : vector<16xi1>, vector<16xi32>
        %eq3A_2673 = arith.cmpf oeq, %scan3A_2577, %max3A_2621 : vector<16xf32>
        %jit3A_2674 = arith.constant 18 : i32
        %broadcast_in_dim3A_2675 = vector.broadcast %jit3A_2674 : i32 to vector<16xi32>
        %select_n3A_2676 = arith.select %eq3A_2673, %broadcast_in_dim3A_2675, %select_n3A_2672 : vector<16xi1>, vector<16xi32>
        %eq3A_2677 = arith.cmpf oeq, %scan3A_2576, %max3A_2621 : vector<16xf32>
        %jit3A_2678 = arith.constant 17 : i32
        %broadcast_in_dim3A_2679 = vector.broadcast %jit3A_2678 : i32 to vector<16xi32>
        %select_n3A_2680 = arith.select %eq3A_2677, %broadcast_in_dim3A_2679, %select_n3A_2676 : vector<16xi1>, vector<16xi32>
        %eq3A_2681 = arith.cmpf oeq, %scan3A_2575, %max3A_2621 : vector<16xf32>
        %jit3A_2682 = arith.constant 16 : i32
        %broadcast_in_dim3A_2683 = vector.broadcast %jit3A_2682 : i32 to vector<16xi32>
        %select_n3A_2684 = arith.select %eq3A_2681, %broadcast_in_dim3A_2683, %select_n3A_2680 : vector<16xi1>, vector<16xi32>
        %eq3A_2685 = arith.cmpf oeq, %scan3A_2574, %max3A_2621 : vector<16xf32>
        %jit3A_2686 = arith.constant 15 : i32
        %broadcast_in_dim3A_2687 = vector.broadcast %jit3A_2686 : i32 to vector<16xi32>
        %select_n3A_2688 = arith.select %eq3A_2685, %broadcast_in_dim3A_2687, %select_n3A_2684 : vector<16xi1>, vector<16xi32>
        %eq3A_2689 = arith.cmpf oeq, %scan3A_2573, %max3A_2621 : vector<16xf32>
        %jit3A_2690 = arith.constant 14 : i32
        %broadcast_in_dim3A_2691 = vector.broadcast %jit3A_2690 : i32 to vector<16xi32>
        %select_n3A_2692 = arith.select %eq3A_2689, %broadcast_in_dim3A_2691, %select_n3A_2688 : vector<16xi1>, vector<16xi32>
        %eq3A_2693 = arith.cmpf oeq, %scan3A_2572, %max3A_2621 : vector<16xf32>
        %jit3A_2694 = arith.constant 13 : i32
        %broadcast_in_dim3A_2695 = vector.broadcast %jit3A_2694 : i32 to vector<16xi32>
        %select_n3A_2696 = arith.select %eq3A_2693, %broadcast_in_dim3A_2695, %select_n3A_2692 : vector<16xi1>, vector<16xi32>
        %eq3A_2697 = arith.cmpf oeq, %scan3A_2571, %max3A_2621 : vector<16xf32>
        %jit3A_2698 = arith.constant 12 : i32
        %broadcast_in_dim3A_2699 = vector.broadcast %jit3A_2698 : i32 to vector<16xi32>
        %select_n3A_2700 = arith.select %eq3A_2697, %broadcast_in_dim3A_2699, %select_n3A_2696 : vector<16xi1>, vector<16xi32>
        %eq3A_2701 = arith.cmpf oeq, %scan3A_2570, %max3A_2621 : vector<16xf32>
        %jit3A_2702 = arith.constant 11 : i32
        %broadcast_in_dim3A_2703 = vector.broadcast %jit3A_2702 : i32 to vector<16xi32>
        %select_n3A_2704 = arith.select %eq3A_2701, %broadcast_in_dim3A_2703, %select_n3A_2700 : vector<16xi1>, vector<16xi32>
        %eq3A_2705 = arith.cmpf oeq, %scan3A_2569, %max3A_2621 : vector<16xf32>
        %jit3A_2706 = arith.constant 10 : i32
        %broadcast_in_dim3A_2707 = vector.broadcast %jit3A_2706 : i32 to vector<16xi32>
        %select_n3A_2708 = arith.select %eq3A_2705, %broadcast_in_dim3A_2707, %select_n3A_2704 : vector<16xi1>, vector<16xi32>
        %eq3A_2709 = arith.cmpf oeq, %scan3A_2568, %max3A_2621 : vector<16xf32>
        %jit3A_2710 = arith.constant 9 : i32
        %broadcast_in_dim3A_2711 = vector.broadcast %jit3A_2710 : i32 to vector<16xi32>
        %select_n3A_2712 = arith.select %eq3A_2709, %broadcast_in_dim3A_2711, %select_n3A_2708 : vector<16xi1>, vector<16xi32>
        %eq3A_2713 = arith.cmpf oeq, %scan3A_2567, %max3A_2621 : vector<16xf32>
        %jit3A_2714 = arith.constant 8 : i32
        %broadcast_in_dim3A_2715 = vector.broadcast %jit3A_2714 : i32 to vector<16xi32>
        %select_n3A_2716 = arith.select %eq3A_2713, %broadcast_in_dim3A_2715, %select_n3A_2712 : vector<16xi1>, vector<16xi32>
        %eq3A_2717 = arith.cmpf oeq, %scan3A_2566, %max3A_2621 : vector<16xf32>
        %jit3A_2718 = arith.constant 7 : i32
        %broadcast_in_dim3A_2719 = vector.broadcast %jit3A_2718 : i32 to vector<16xi32>
        %select_n3A_2720 = arith.select %eq3A_2717, %broadcast_in_dim3A_2719, %select_n3A_2716 : vector<16xi1>, vector<16xi32>
        %eq3A_2721 = arith.cmpf oeq, %scan3A_2565, %max3A_2621 : vector<16xf32>
        %jit3A_2722 = arith.constant 6 : i32
        %broadcast_in_dim3A_2723 = vector.broadcast %jit3A_2722 : i32 to vector<16xi32>
        %select_n3A_2724 = arith.select %eq3A_2721, %broadcast_in_dim3A_2723, %select_n3A_2720 : vector<16xi1>, vector<16xi32>
        %eq3A_2725 = arith.cmpf oeq, %scan3A_2564, %max3A_2621 : vector<16xf32>
        %jit3A_2726 = arith.constant 5 : i32
        %broadcast_in_dim3A_2727 = vector.broadcast %jit3A_2726 : i32 to vector<16xi32>
        %select_n3A_2728 = arith.select %eq3A_2725, %broadcast_in_dim3A_2727, %select_n3A_2724 : vector<16xi1>, vector<16xi32>
        %eq3A_2729 = arith.cmpf oeq, %scan3A_2563, %max3A_2621 : vector<16xf32>
        %jit3A_2730 = arith.constant 4 : i32
        %broadcast_in_dim3A_2731 = vector.broadcast %jit3A_2730 : i32 to vector<16xi32>
        %select_n3A_2732 = arith.select %eq3A_2729, %broadcast_in_dim3A_2731, %select_n3A_2728 : vector<16xi1>, vector<16xi32>
        %eq3A_2733 = arith.cmpf oeq, %scan3A_2562, %max3A_2621 : vector<16xf32>
        %jit3A_2734 = arith.constant 3 : i32
        %broadcast_in_dim3A_2735 = vector.broadcast %jit3A_2734 : i32 to vector<16xi32>
        %select_n3A_2736 = arith.select %eq3A_2733, %broadcast_in_dim3A_2735, %select_n3A_2732 : vector<16xi1>, vector<16xi32>
        %eq3A_2737 = arith.cmpf oeq, %scan3A_2561, %max3A_2621 : vector<16xf32>
        %jit3A_2738 = arith.constant 2 : i32
        %broadcast_in_dim3A_2739 = vector.broadcast %jit3A_2738 : i32 to vector<16xi32>
        %select_n3A_2740 = arith.select %eq3A_2737, %broadcast_in_dim3A_2739, %select_n3A_2736 : vector<16xi1>, vector<16xi32>
        %eq3A_2741 = arith.cmpf oeq, %scan3A_2560, %max3A_2621 : vector<16xf32>
        %jit3A_2742 = arith.constant 1 : i32
        %broadcast_in_dim3A_2743 = vector.broadcast %jit3A_2742 : i32 to vector<16xi32>
        %select_n3A_2744 = arith.select %eq3A_2741, %broadcast_in_dim3A_2743, %select_n3A_2740 : vector<16xi1>, vector<16xi32>
        %eq3A_2745 = arith.cmpf oeq, %scan3A_2559, %max3A_2621 : vector<16xf32>
        %jit3A_2746 = arith.constant 0 : i32
        %broadcast_in_dim3A_2747 = vector.broadcast %jit3A_2746 : i32 to vector<16xi32>
        %select_n3A_2748 = arith.select %eq3A_2745, %broadcast_in_dim3A_2747, %select_n3A_2744 : vector<16xi1>, vector<16xi32>
        %mul3A_2749 = arith.constant 16 : i32
        %mul3A_2750 = vector.broadcast %mul3A_2749 : i32 to vector<16xi32>
        %mul3A_2751 = arith.muli %select_n3A_2748, %mul3A_2750 : vector<16xi32>
        %broadcast_in_dim3A_2752 = vector.broadcast %scan3A : f32 to vector<16xf32>
        %add3A_2753 = arith.constant 0 : i32
        %add3A_2754 = vector.broadcast %add3A_2753 : i32 to vector<16xi32>
        %add3A_2755 = arith.addi %mul3A_2751, %add3A_2754 : vector<16xi32>
        %gather3A = tpu.vector_load_idx %arg4[%add3A_2755, %add3A_22] : memref<512x128xf32, #tpu.memory_space<vmem>>[vector<16xi32>, vector<16xi32>], vector<16xf32>,
        %lt3A = arith.cmpf olt, %gather3A, %max3A_2621 : vector<16xf32>
        %broadcast_in_dim3A_2756 = vector.broadcast %scan3A : f32 to vector<16xf32>
        %select_n3A_2757 = arith.select %lt3A, %gather3A, %broadcast_in_dim3A_2756 : vector<16xi1>, vector<16xf32>
        %max3A_2758 = arith.maximumf %broadcast_in_dim3A_2752, %select_n3A_2757 : vector<16xf32>
        %add3A_2759 = arith.constant 1 : i32
        %add3A_2760 = vector.broadcast %add3A_2759 : i32 to vector<16xi32>
        %add3A_2761 = arith.addi %mul3A_2751, %add3A_2760 : vector<16xi32>
        %gather3A_2762 = tpu.vector_load_idx %arg4[%add3A_2761, %add3A_22] : memref<512x128xf32, #tpu.memory_space<vmem>>[vector<16xi32>, vector<16xi32>], vector<16xf32>,
        %lt3A_2763 = arith.cmpf olt, %gather3A_2762, %max3A_2621 : vector<16xf32>
        %broadcast_in_dim3A_2764 = vector.broadcast %scan3A : f32 to vector<16xf32>
        %select_n3A_2765 = arith.select %lt3A_2763, %gather3A_2762, %broadcast_in_dim3A_2764 : vector<16xi1>, vector<16xf32>
        %max3A_2766 = arith.maximumf %max3A_2758, %select_n3A_2765 : vector<16xf32>
        %add3A_2767 = arith.constant 2 : i32
        %add3A_2768 = vector.broadcast %add3A_2767 : i32 to vector<16xi32>
        %add3A_2769 = arith.addi %mul3A_2751, %add3A_2768 : vector<16xi32>
        %gather3A_2770 = tpu.vector_load_idx %arg4[%add3A_2769, %add3A_22] : memref<512x128xf32, #tpu.memory_space<vmem>>[vector<16xi32>, vector<16xi32>], vector<16xf32>,
        %lt3A_2771 = arith.cmpf olt, %gather3A_2770, %max3A_2621 : vector<16xf32>
        %broadcast_in_dim3A_2772 = vector.broadcast %scan3A : f32 to vector<16xf32>
        %select_n3A_2773 = arith.select %lt3A_2771, %gather3A_2770, %broadcast_in_dim3A_2772 : vector<16xi1>, vector<16xf32>
        %max3A_2774 = arith.maximumf %max3A_2766, %select_n3A_2773 : vector<16xf32>
        %add3A_2775 = arith.constant 3 : i32
        %add3A_2776 = vector.broadcast %add3A_2775 : i32 to vector<16xi32>
        %add3A_2777 = arith.addi %mul3A_2751, %add3A_2776 : vector<16xi32>
        %gather3A_2778 = tpu.vector_load_idx %arg4[%add3A_2777, %add3A_22] : memref<512x128xf32, #tpu.memory_space<vmem>>[vector<16xi32>, vector<16xi32>], vector<16xf32>,
        %lt3A_2779 = arith.cmpf olt, %gather3A_2778, %max3A_2621 : vector<16xf32>
        %broadcast_in_dim3A_2780 = vector.broadcast %scan3A : f32 to vector<16xf32>
        %select_n3A_2781 = arith.select %lt3A_2779, %gather3A_2778, %broadcast_in_dim3A_2780 : vector<16xi1>, vector<16xf32>
        %max3A_2782 = arith.maximumf %max3A_2774, %select_n3A_2781 : vector<16xf32>
        %add3A_2783 = arith.constant 4 : i32
        %add3A_2784 = vector.broadcast %add3A_2783 : i32 to vector<16xi32>
        %add3A_2785 = arith.addi %mul3A_2751, %add3A_2784 : vector<16xi32>
        %gather3A_2786 = tpu.vector_load_idx %arg4[%add3A_2785, %add3A_22] : memref<512x128xf32, #tpu.memory_space<vmem>>[vector<16xi32>, vector<16xi32>], vector<16xf32>,
        %lt3A_2787 = arith.cmpf olt, %gather3A_2786, %max3A_2621 : vector<16xf32>
        %broadcast_in_dim3A_2788 = vector.broadcast %scan3A : f32 to vector<16xf32>
        %select_n3A_2789 = arith.select %lt3A_2787, %gather3A_2786, %broadcast_in_dim3A_2788 : vector<16xi1>, vector<16xf32>
        %max3A_2790 = arith.maximumf %max3A_2782, %select_n3A_2789 : vector<16xf32>
        %add3A_2791 = arith.constant 5 : i32
        %add3A_2792 = vector.broadcast %add3A_2791 : i32 to vector<16xi32>
        %add3A_2793 = arith.addi %mul3A_2751, %add3A_2792 : vector<16xi32>
        %gather3A_2794 = tpu.vector_load_idx %arg4[%add3A_2793, %add3A_22] : memref<512x128xf32, #tpu.memory_space<vmem>>[vector<16xi32>, vector<16xi32>], vector<16xf32>,
        %lt3A_2795 = arith.cmpf olt, %gather3A_2794, %max3A_2621 : vector<16xf32>
        %broadcast_in_dim3A_2796 = vector.broadcast %scan3A : f32 to vector<16xf32>
        %select_n3A_2797 = arith.select %lt3A_2795, %gather3A_2794, %broadcast_in_dim3A_2796 : vector<16xi1>, vector<16xf32>
        %max3A_2798 = arith.maximumf %max3A_2790, %select_n3A_2797 : vector<16xf32>
        %add3A_2799 = arith.constant 6 : i32
        %add3A_2800 = vector.broadcast %add3A_2799 : i32 to vector<16xi32>
        %add3A_2801 = arith.addi %mul3A_2751, %add3A_2800 : vector<16xi32>
        %gather3A_2802 = tpu.vector_load_idx %arg4[%add3A_2801, %add3A_22] : memref<512x128xf32, #tpu.memory_space<vmem>>[vector<16xi32>, vector<16xi32>], vector<16xf32>,
        %lt3A_2803 = arith.cmpf olt, %gather3A_2802, %max3A_2621 : vector<16xf32>
        %broadcast_in_dim3A_2804 = vector.broadcast %scan3A : f32 to vector<16xf32>
        %select_n3A_2805 = arith.select %lt3A_2803, %gather3A_2802, %broadcast_in_dim3A_2804 : vector<16xi1>, vector<16xf32>
        %max3A_2806 = arith.maximumf %max3A_2798, %select_n3A_2805 : vector<16xf32>
        %add3A_2807 = arith.constant 7 : i32
        %add3A_2808 = vector.broadcast %add3A_2807 : i32 to vector<16xi32>
        %add3A_2809 = arith.addi %mul3A_2751, %add3A_2808 : vector<16xi32>
        %gather3A_2810 = tpu.vector_load_idx %arg4[%add3A_2809, %add3A_22] : memref<512x128xf32, #tpu.memory_space<vmem>>[vector<16xi32>, vector<16xi32>], vector<16xf32>,
        %lt3A_2811 = arith.cmpf olt, %gather3A_2810, %max3A_2621 : vector<16xf32>
        %broadcast_in_dim3A_2812 = vector.broadcast %scan3A : f32 to vector<16xf32>
        %select_n3A_2813 = arith.select %lt3A_2811, %gather3A_2810, %broadcast_in_dim3A_2812 : vector<16xi1>, vector<16xf32>
        %max3A_2814 = arith.maximumf %max3A_2806, %select_n3A_2813 : vector<16xf32>
        %add3A_2815 = arith.constant 8 : i32
        %add3A_2816 = vector.broadcast %add3A_2815 : i32 to vector<16xi32>
        %add3A_2817 = arith.addi %mul3A_2751, %add3A_2816 : vector<16xi32>
        %gather3A_2818 = tpu.vector_load_idx %arg4[%add3A_2817, %add3A_22] : memref<512x128xf32, #tpu.memory_space<vmem>>[vector<16xi32>, vector<16xi32>], vector<16xf32>,
        %lt3A_2819 = arith.cmpf olt, %gather3A_2818, %max3A_2621 : vector<16xf32>
        %broadcast_in_dim3A_2820 = vector.broadcast %scan3A : f32 to vector<16xf32>
        %select_n3A_2821 = arith.select %lt3A_2819, %gather3A_2818, %broadcast_in_dim3A_2820 : vector<16xi1>, vector<16xf32>
        %max3A_2822 = arith.maximumf %max3A_2814, %select_n3A_2821 : vector<16xf32>
        %add3A_2823 = arith.constant 9 : i32
        %add3A_2824 = vector.broadcast %add3A_2823 : i32 to vector<16xi32>
        %add3A_2825 = arith.addi %mul3A_2751, %add3A_2824 : vector<16xi32>
        %gather3A_2826 = tpu.vector_load_idx %arg4[%add3A_2825, %add3A_22] : memref<512x128xf32, #tpu.memory_space<vmem>>[vector<16xi32>, vector<16xi32>], vector<16xf32>,
        %lt3A_2827 = arith.cmpf olt, %gather3A_2826, %max3A_2621 : vector<16xf32>
        %broadcast_in_dim3A_2828 = vector.broadcast %scan3A : f32 to vector<16xf32>
        %select_n3A_2829 = arith.select %lt3A_2827, %gather3A_2826, %broadcast_in_dim3A_2828 : vector<16xi1>, vector<16xf32>
        %max3A_2830 = arith.maximumf %max3A_2822, %select_n3A_2829 : vector<16xf32>
        %add3A_2831 = arith.constant 10 : i32
        %add3A_2832 = vector.broadcast %add3A_2831 : i32 to vector<16xi32>
        %add3A_2833 = arith.addi %mul3A_2751, %add3A_2832 : vector<16xi32>
        %gather3A_2834 = tpu.vector_load_idx %arg4[%add3A_2833, %add3A_22] : memref<512x128xf32, #tpu.memory_space<vmem>>[vector<16xi32>, vector<16xi32>], vector<16xf32>,
        %lt3A_2835 = arith.cmpf olt, %gather3A_2834, %max3A_2621 : vector<16xf32>
        %broadcast_in_dim3A_2836 = vector.broadcast %scan3A : f32 to vector<16xf32>
        %select_n3A_2837 = arith.select %lt3A_2835, %gather3A_2834, %broadcast_in_dim3A_2836 : vector<16xi1>, vector<16xf32>
        %max3A_2838 = arith.maximumf %max3A_2830, %select_n3A_2837 : vector<16xf32>
        %add3A_2839 = arith.constant 11 : i32
        %add3A_2840 = vector.broadcast %add3A_2839 : i32 to vector<16xi32>
        %add3A_2841 = arith.addi %mul3A_2751, %add3A_2840 : vector<16xi32>
        %gather3A_2842 = tpu.vector_load_idx %arg4[%add3A_2841, %add3A_22] : memref<512x128xf32, #tpu.memory_space<vmem>>[vector<16xi32>, vector<16xi32>], vector<16xf32>,
        %lt3A_2843 = arith.cmpf olt, %gather3A_2842, %max3A_2621 : vector<16xf32>
        %broadcast_in_dim3A_2844 = vector.broadcast %scan3A : f32 to vector<16xf32>
        %select_n3A_2845 = arith.select %lt3A_2843, %gather3A_2842, %broadcast_in_dim3A_2844 : vector<16xi1>, vector<16xf32>
        %max3A_2846 = arith.maximumf %max3A_2838, %select_n3A_2845 : vector<16xf32>
        %add3A_2847 = arith.constant 12 : i32
        %add3A_2848 = vector.broadcast %add3A_2847 : i32 to vector<16xi32>
        %add3A_2849 = arith.addi %mul3A_2751, %add3A_2848 : vector<16xi32>
        %gather3A_2850 = tpu.vector_load_idx %arg4[%add3A_2849, %add3A_22] : memref<512x128xf32, #tpu.memory_space<vmem>>[vector<16xi32>, vector<16xi32>], vector<16xf32>,
        %lt3A_2851 = arith.cmpf olt, %gather3A_2850, %max3A_2621 : vector<16xf32>
        %broadcast_in_dim3A_2852 = vector.broadcast %scan3A : f32 to vector<16xf32>
        %select_n3A_2853 = arith.select %lt3A_2851, %gather3A_2850, %broadcast_in_dim3A_2852 : vector<16xi1>, vector<16xf32>
        %max3A_2854 = arith.maximumf %max3A_2846, %select_n3A_2853 : vector<16xf32>
        %add3A_2855 = arith.constant 13 : i32
        %add3A_2856 = vector.broadcast %add3A_2855 : i32 to vector<16xi32>
        %add3A_2857 = arith.addi %mul3A_2751, %add3A_2856 : vector<16xi32>
        %gather3A_2858 = tpu.vector_load_idx %arg4[%add3A_2857, %add3A_22] : memref<512x128xf32, #tpu.memory_space<vmem>>[vector<16xi32>, vector<16xi32>], vector<16xf32>,
        %lt3A_2859 = arith.cmpf olt, %gather3A_2858, %max3A_2621 : vector<16xf32>
        %broadcast_in_dim3A_2860 = vector.broadcast %scan3A : f32 to vector<16xf32>
        %select_n3A_2861 = arith.select %lt3A_2859, %gather3A_2858, %broadcast_in_dim3A_2860 : vector<16xi1>, vector<16xf32>
        %max3A_2862 = arith.maximumf %max3A_2854, %select_n3A_2861 : vector<16xf32>
        %add3A_2863 = arith.constant 14 : i32
        %add3A_2864 = vector.broadcast %add3A_2863 : i32 to vector<16xi32>
        %add3A_2865 = arith.addi %mul3A_2751, %add3A_2864 : vector<16xi32>
        %gather3A_2866 = tpu.vector_load_idx %arg4[%add3A_2865, %add3A_22] : memref<512x128xf32, #tpu.memory_space<vmem>>[vector<16xi32>, vector<16xi32>], vector<16xf32>,
        %lt3A_2867 = arith.cmpf olt, %gather3A_2866, %max3A_2621 : vector<16xf32>
        %broadcast_in_dim3A_2868 = vector.broadcast %scan3A : f32 to vector<16xf32>
        %select_n3A_2869 = arith.select %lt3A_2867, %gather3A_2866, %broadcast_in_dim3A_2868 : vector<16xi1>, vector<16xf32>
        %max3A_2870 = arith.maximumf %max3A_2862, %select_n3A_2869 : vector<16xf32>
        %add3A_2871 = arith.constant 15 : i32
        %add3A_2872 = vector.broadcast %add3A_2871 : i32 to vector<16xi32>
        %add3A_2873 = arith.addi %mul3A_2751, %add3A_2872 : vector<16xi32>
        %gather3A_2874 = tpu.vector_load_idx %arg4[%add3A_2873, %add3A_22] : memref<512x128xf32, #tpu.memory_space<vmem>>[vector<16xi32>, vector<16xi32>], vector<16xf32>,
        %lt3A_2875 = arith.cmpf olt, %gather3A_2874, %max3A_2621 : vector<16xf32>
        %broadcast_in_dim3A_2876 = vector.broadcast %scan3A : f32 to vector<16xf32>
        %select_n3A_2877 = arith.select %lt3A_2875, %gather3A_2874, %broadcast_in_dim3A_2876 : vector<16xi1>, vector<16xf32>
        %max3A_2878 = arith.maximumf %max3A_2870, %select_n3A_2877 : vector<16xf32>
        %eq3A_2879 = arith.constant 0 : i32
        %eq3A_2880 = vector.broadcast %eq3A_2879 : i32 to vector<16xi32>
        %eq3A_2881 = arith.cmpi eq, %select_n3A_2748, %eq3A_2880 : vector<16xi32>
        %select_n3A_2882 = arith.select %eq3A_2881, %max3A_2878, %scan3A_2559 : vector<16xi1>, vector<16xf32>
        %eq3A_2883 = arith.constant 1 : i32
        %eq3A_2884 = vector.broadcast %eq3A_2883 : i32 to vector<16xi32>
        %eq3A_2885 = arith.cmpi eq, %select_n3A_2748, %eq3A_2884 : vector<16xi32>
        %select_n3A_2886 = arith.select %eq3A_2885, %max3A_2878, %scan3A_2560 : vector<16xi1>, vector<16xf32>
        %eq3A_2887 = arith.constant 2 : i32
        %eq3A_2888 = vector.broadcast %eq3A_2887 : i32 to vector<16xi32>
        %eq3A_2889 = arith.cmpi eq, %select_n3A_2748, %eq3A_2888 : vector<16xi32>
        %select_n3A_2890 = arith.select %eq3A_2889, %max3A_2878, %scan3A_2561 : vector<16xi1>, vector<16xf32>
        %eq3A_2891 = arith.constant 3 : i32
        %eq3A_2892 = vector.broadcast %eq3A_2891 : i32 to vector<16xi32>
        %eq3A_2893 = arith.cmpi eq, %select_n3A_2748, %eq3A_2892 : vector<16xi32>
        %select_n3A_2894 = arith.select %eq3A_2893, %max3A_2878, %scan3A_2562 : vector<16xi1>, vector<16xf32>
        %eq3A_2895 = arith.constant 4 : i32
        %eq3A_2896 = vector.broadcast %eq3A_2895 : i32 to vector<16xi32>
        %eq3A_2897 = arith.cmpi eq, %select_n3A_2748, %eq3A_2896 : vector<16xi32>
        %select_n3A_2898 = arith.select %eq3A_2897, %max3A_2878, %scan3A_2563 : vector<16xi1>, vector<16xf32>
        %eq3A_2899 = arith.constant 5 : i32
        %eq3A_2900 = vector.broadcast %eq3A_2899 : i32 to vector<16xi32>
        %eq3A_2901 = arith.cmpi eq, %select_n3A_2748, %eq3A_2900 : vector<16xi32>
        %select_n3A_2902 = arith.select %eq3A_2901, %max3A_2878, %scan3A_2564 : vector<16xi1>, vector<16xf32>
        %eq3A_2903 = arith.constant 6 : i32
        %eq3A_2904 = vector.broadcast %eq3A_2903 : i32 to vector<16xi32>
        %eq3A_2905 = arith.cmpi eq, %select_n3A_2748, %eq3A_2904 : vector<16xi32>
        %select_n3A_2906 = arith.select %eq3A_2905, %max3A_2878, %scan3A_2565 : vector<16xi1>, vector<16xf32>
        %eq3A_2907 = arith.constant 7 : i32
        %eq3A_2908 = vector.broadcast %eq3A_2907 : i32 to vector<16xi32>
        %eq3A_2909 = arith.cmpi eq, %select_n3A_2748, %eq3A_2908 : vector<16xi32>
        %select_n3A_2910 = arith.select %eq3A_2909, %max3A_2878, %scan3A_2566 : vector<16xi1>, vector<16xf32>
        %eq3A_2911 = arith.constant 8 : i32
        %eq3A_2912 = vector.broadcast %eq3A_2911 : i32 to vector<16xi32>
        %eq3A_2913 = arith.cmpi eq, %select_n3A_2748, %eq3A_2912 : vector<16xi32>
        %select_n3A_2914 = arith.select %eq3A_2913, %max3A_2878, %scan3A_2567 : vector<16xi1>, vector<16xf32>
        %eq3A_2915 = arith.constant 9 : i32
        %eq3A_2916 = vector.broadcast %eq3A_2915 : i32 to vector<16xi32>
        %eq3A_2917 = arith.cmpi eq, %select_n3A_2748, %eq3A_2916 : vector<16xi32>
        %select_n3A_2918 = arith.select %eq3A_2917, %max3A_2878, %scan3A_2568 : vector<16xi1>, vector<16xf32>
        %eq3A_2919 = arith.constant 10 : i32
        %eq3A_2920 = vector.broadcast %eq3A_2919 : i32 to vector<16xi32>
        %eq3A_2921 = arith.cmpi eq, %select_n3A_2748, %eq3A_2920 : vector<16xi32>
        %select_n3A_2922 = arith.select %eq3A_2921, %max3A_2878, %scan3A_2569 : vector<16xi1>, vector<16xf32>
        %eq3A_2923 = arith.constant 11 : i32
        %eq3A_2924 = vector.broadcast %eq3A_2923 : i32 to vector<16xi32>
        %eq3A_2925 = arith.cmpi eq, %select_n3A_2748, %eq3A_2924 : vector<16xi32>
        %select_n3A_2926 = arith.select %eq3A_2925, %max3A_2878, %scan3A_2570 : vector<16xi1>, vector<16xf32>
        %eq3A_2927 = arith.constant 12 : i32
        %eq3A_2928 = vector.broadcast %eq3A_2927 : i32 to vector<16xi32>
        %eq3A_2929 = arith.cmpi eq, %select_n3A_2748, %eq3A_2928 : vector<16xi32>
        %select_n3A_2930 = arith.select %eq3A_2929, %max3A_2878, %scan3A_2571 : vector<16xi1>, vector<16xf32>
        %eq3A_2931 = arith.constant 13 : i32
        %eq3A_2932 = vector.broadcast %eq3A_2931 : i32 to vector<16xi32>
        %eq3A_2933 = arith.cmpi eq, %select_n3A_2748, %eq3A_2932 : vector<16xi32>
        %select_n3A_2934 = arith.select %eq3A_2933, %max3A_2878, %scan3A_2572 : vector<16xi1>, vector<16xf32>
        %eq3A_2935 = arith.constant 14 : i32
        %eq3A_2936 = vector.broadcast %eq3A_2935 : i32 to vector<16xi32>
        %eq3A_2937 = arith.cmpi eq, %select_n3A_2748, %eq3A_2936 : vector<16xi32>
        %select_n3A_2938 = arith.select %eq3A_2937, %max3A_2878, %scan3A_2573 : vector<16xi1>, vector<16xf32>
        %eq3A_2939 = arith.constant 15 : i32
        %eq3A_2940 = vector.broadcast %eq3A_2939 : i32 to vector<16xi32>
        %eq3A_2941 = arith.cmpi eq, %select_n3A_2748, %eq3A_2940 : vector<16xi32>
        %select_n3A_2942 = arith.select %eq3A_2941, %max3A_2878, %scan3A_2574 : vector<16xi1>, vector<16xf32>
        %eq3A_2943 = arith.constant 16 : i32
        %eq3A_2944 = vector.broadcast %eq3A_2943 : i32 to vector<16xi32>
        %eq3A_2945 = arith.cmpi eq, %select_n3A_2748, %eq3A_2944 : vector<16xi32>
        %select_n3A_2946 = arith.select %eq3A_2945, %max3A_2878, %scan3A_2575 : vector<16xi1>, vector<16xf32>
        %eq3A_2947 = arith.constant 17 : i32
        %eq3A_2948 = vector.broadcast %eq3A_2947 : i32 to vector<16xi32>
        %eq3A_2949 = arith.cmpi eq, %select_n3A_2748, %eq3A_2948 : vector<16xi32>
        %select_n3A_2950 = arith.select %eq3A_2949, %max3A_2878, %scan3A_2576 : vector<16xi1>, vector<16xf32>
        %eq3A_2951 = arith.constant 18 : i32
        %eq3A_2952 = vector.broadcast %eq3A_2951 : i32 to vector<16xi32>
        %eq3A_2953 = arith.cmpi eq, %select_n3A_2748, %eq3A_2952 : vector<16xi32>
        %select_n3A_2954 = arith.select %eq3A_2953, %max3A_2878, %scan3A_2577 : vector<16xi1>, vector<16xf32>
        %eq3A_2955 = arith.constant 19 : i32
        %eq3A_2956 = vector.broadcast %eq3A_2955 : i32 to vector<16xi32>
        %eq3A_2957 = arith.cmpi eq, %select_n3A_2748, %eq3A_2956 : vector<16xi32>
        %select_n3A_2958 = arith.select %eq3A_2957, %max3A_2878, %scan3A_2578 : vector<16xi1>, vector<16xf32>
        %eq3A_2959 = arith.constant 20 : i32
        %eq3A_2960 = vector.broadcast %eq3A_2959 : i32 to vector<16xi32>
        %eq3A_2961 = arith.cmpi eq, %select_n3A_2748, %eq3A_2960 : vector<16xi32>
        %select_n3A_2962 = arith.select %eq3A_2961, %max3A_2878, %scan3A_2579 : vector<16xi1>, vector<16xf32>
        %eq3A_2963 = arith.constant 21 : i32
        %eq3A_2964 = vector.broadcast %eq3A_2963 : i32 to vector<16xi32>
        %eq3A_2965 = arith.cmpi eq, %select_n3A_2748, %eq3A_2964 : vector<16xi32>
        %select_n3A_2966 = arith.select %eq3A_2965, %max3A_2878, %scan3A_2580 : vector<16xi1>, vector<16xf32>
        %eq3A_2967 = arith.constant 22 : i32
        %eq3A_2968 = vector.broadcast %eq3A_2967 : i32 to vector<16xi32>
        %eq3A_2969 = arith.cmpi eq, %select_n3A_2748, %eq3A_2968 : vector<16xi32>
        %select_n3A_2970 = arith.select %eq3A_2969, %max3A_2878, %scan3A_2581 : vector<16xi1>, vector<16xf32>
        %eq3A_2971 = arith.constant 23 : i32
        %eq3A_2972 = vector.broadcast %eq3A_2971 : i32 to vector<16xi32>
        %eq3A_2973 = arith.cmpi eq, %select_n3A_2748, %eq3A_2972 : vector<16xi32>
        %select_n3A_2974 = arith.select %eq3A_2973, %max3A_2878, %scan3A_2582 : vector<16xi1>, vector<16xf32>
        %eq3A_2975 = arith.constant 24 : i32
        %eq3A_2976 = vector.broadcast %eq3A_2975 : i32 to vector<16xi32>
        %eq3A_2977 = arith.cmpi eq, %select_n3A_2748, %eq3A_2976 : vector<16xi32>
        %select_n3A_2978 = arith.select %eq3A_2977, %max3A_2878, %scan3A_2583 : vector<16xi1>, vector<16xf32>
        %eq3A_2979 = arith.constant 25 : i32
        %eq3A_2980 = vector.broadcast %eq3A_2979 : i32 to vector<16xi32>
        %eq3A_2981 = arith.cmpi eq, %select_n3A_2748, %eq3A_2980 : vector<16xi32>
        %select_n3A_2982 = arith.select %eq3A_2981, %max3A_2878, %scan3A_2584 : vector<16xi1>, vector<16xf32>
        %eq3A_2983 = arith.constant 26 : i32
        %eq3A_2984 = vector.broadcast %eq3A_2983 : i32 to vector<16xi32>
        %eq3A_2985 = arith.cmpi eq, %select_n3A_2748, %eq3A_2984 : vector<16xi32>
        %select_n3A_2986 = arith.select %eq3A_2985, %max3A_2878, %scan3A_2585 : vector<16xi1>, vector<16xf32>
        %eq3A_2987 = arith.constant 27 : i32
        %eq3A_2988 = vector.broadcast %eq3A_2987 : i32 to vector<16xi32>
        %eq3A_2989 = arith.cmpi eq, %select_n3A_2748, %eq3A_2988 : vector<16xi32>
        %select_n3A_2990 = arith.select %eq3A_2989, %max3A_2878, %scan3A_2586 : vector<16xi1>, vector<16xf32>
        %eq3A_2991 = arith.constant 28 : i32
        %eq3A_2992 = vector.broadcast %eq3A_2991 : i32 to vector<16xi32>
        %eq3A_2993 = arith.cmpi eq, %select_n3A_2748, %eq3A_2992 : vector<16xi32>
        %select_n3A_2994 = arith.select %eq3A_2993, %max3A_2878, %scan3A_2587 : vector<16xi1>, vector<16xf32>
        %eq3A_2995 = arith.constant 29 : i32
        %eq3A_2996 = vector.broadcast %eq3A_2995 : i32 to vector<16xi32>
        %eq3A_2997 = arith.cmpi eq, %select_n3A_2748, %eq3A_2996 : vector<16xi32>
        %select_n3A_2998 = arith.select %eq3A_2997, %max3A_2878, %scan3A_2588 : vector<16xi1>, vector<16xf32>
        %eq3A_2999 = arith.constant 30 : i32
        %eq3A_3000 = vector.broadcast %eq3A_2999 : i32 to vector<16xi32>
        %eq3A_3001 = arith.cmpi eq, %select_n3A_2748, %eq3A_3000 : vector<16xi32>
        %select_n3A_3002 = arith.select %eq3A_3001, %max3A_2878, %scan3A_2589 : vector<16xi1>, vector<16xf32>
        %eq3A_3003 = arith.constant 31 : i32
        %eq3A_3004 = vector.broadcast %eq3A_3003 : i32 to vector<16xi32>
        %eq3A_3005 = arith.cmpi eq, %select_n3A_2748, %eq3A_3004 : vector<16xi32>
        %select_n3A_3006 = arith.select %eq3A_3005, %max3A_2878, %scan3A_2590 : vector<16xi1>, vector<16xf32>
        scf.yield %max3A_2621, %select_n3A_2882, %select_n3A_2886, %select_n3A_2890, %select_n3A_2894, %select_n3A_2898, %select_n3A_2902, %select_n3A_2906, %select_n3A_2910, %select_n3A_2914, %select_n3A_2918, %select_n3A_2922, %select_n3A_2926, %select_n3A_2930, %select_n3A_2934, %select_n3A_2938, %select_n3A_2942, %select_n3A_2946, %select_n3A_2950, %select_n3A_2954, %select_n3A_2958, %select_n3A_2962, %select_n3A_2966, %select_n3A_2970, %select_n3A_2974, %select_n3A_2978, %select_n3A_2982, %select_n3A_2986, %select_n3A_2990, %select_n3A_2994, %select_n3A_2998, %select_n3A_3002, %select_n3A_3006 : vector<16xf32>, vector<16xf32>, vector<16xf32>, vector<16xf32>, vector<16xf32>, vector<16xf32>, vector<16xf32>, vector<16xf32>, vector<16xf32>, vector<16xf32>, vector<16xf32>, vector<16xf32>, vector<16xf32>, vector<16xf32>, vector<16xf32>, vector<16xf32>, vector<16xf32>, vector<16xf32>, vector<16xf32>, vector<16xf32>, vector<16xf32>, vector<16xf32>, vector<16xf32>, vector<16xf32>, vector<16xf32>, vector<16xf32>, vector<16xf32>, vector<16xf32>, vector<16xf32>, vector<16xf32>, vector<16xf32>, vector<16xf32>, vector<16xf32>
      }
      %scan3A_2555 = arith.constant 25 : i32
      %swap3A = arith.index_cast %mul3A_20 : i32 to index
      %swap3A_2556 = tpu.vector_load %arg5[%swap3A] {strides = array<i32>} : memref<128xf32, #tpu.memory_space<vmem>>, vector<16xf32>,
      tpu.vector_store %arg5[%swap3A], %scan3A_2554#0 {strides = array<i32>} : memref<128xf32, #tpu.memory_space<vmem>>, vector<16xf32>,
    }
    %scan3A_13 = arith.constant 8 : i32
    "tpu.region"() ({
      %run_scoped3A = tpu.sem_alloc : memref<!tpu.dma_semaphore, #tpu.memory_space<semaphore_mem>>
      %dma_start3A_14 = tpu.memref_slice %arg3[%mul3A_2] : memref<4096xf32, #tpu.memory_space<hbm>> -> memref<128xf32, #tpu.memory_space<hbm>>
      %dma_start3A_15 = tpu.memref_slice %arg3[%mul3A_2] : memref<4096xf32, #tpu.memory_space<hbm>> -> memref<128xf32, #tpu.memory_space<hbm>>
      tpu.enqueue_dma source(%arg5 : memref<128xf32, #tpu.memory_space<vmem>>) target(%dma_start3A_15 : memref<128xf32, #tpu.memory_space<hbm>>) target_semaphore(%run_scoped3A : memref<!tpu.dma_semaphore, #tpu.memory_space<semaphore_mem>>)
      %dma_wait3A_16 = tpu.memref_slice %arg3[%mul3A_2] : memref<4096xf32, #tpu.memory_space<hbm>> -> memref<128xf32, #tpu.memory_space<hbm>>
      %dma_wait3A_17 = tpu.memref_slice %arg3[%mul3A_2] : memref<4096xf32, #tpu.memory_space<hbm>> -> memref<128xf32, #tpu.memory_space<hbm>>
      tpu.wait_dma2 semaphore(%run_scoped3A : memref<!tpu.dma_semaphore, #tpu.memory_space<semaphore_mem>>) src(%arg5 : memref<128xf32, #tpu.memory_space<vmem>>) dst(%dma_wait3A_17 : memref<128xf32, #tpu.memory_space<hbm>>)
      tpu.yield
    }) : () -> ()
    return
  }
}

module attributes {stable_mosaic.version = 14 : i64} {
  func.func @_decoder_kernel(%arg0: i32, %arg1: memref<512x512xf32, #tpu.memory_space<vmem>>, %arg2: memref<512x1xf32, #tpu.memory_space<vmem>>, %arg3: memref<1024x512xf32, #tpu.memory_space<vmem>>, %arg4: memref<1x1024xf32, #tpu.memory_space<vmem>>, %arg5: memref<2048x1024xf32, #tpu.memory_space<vmem>>, %arg6: memref<1x2048xf32, #tpu.memory_space<vmem>>, %arg7: memref<512x2048xf32, #tpu.memory_space<vmem>>) attributes {dimension_semantics = [#tpu.dimension_semantics<arbitrary>], iteration_bounds = array<i64: 8>, scalar_prefetch = 0 : i64, scratch_operands = 0 : i64, tpu.core_type = #tpu.core_type<tc>, window_params = [{transform_indices = @transform_0, window_bounds = array<i64: 512, 512>}, {transform_indices = @transform_1, window_bounds = array<i64: 512, 1>}, {pipeline_mode = #tpu.pipeline_mode<synchronous>, transform_indices = @transform_2, window_bounds = array<i64: 1024, 512>}, {pipeline_mode = #tpu.pipeline_mode<synchronous>, transform_indices = @transform_3, window_bounds = array<i64: 1, 1024>}, {pipeline_mode = #tpu.pipeline_mode<synchronous>, transform_indices = @transform_4, window_bounds = array<i64: 2048, 1024>}, {pipeline_mode = #tpu.pipeline_mode<synchronous>, transform_indices = @transform_5, window_bounds = array<i64: 1, 2048>}, {transform_indices = @transform_6, window_bounds = array<i64: 512, 2048>}]} {
    %get3A = arith.constant 0 : index
    %get3A_0 = arith.constant 0 : index
    %get3A_1 = vector.load %arg1[%get3A, %get3A_0] : memref<512x512xf32, #tpu.memory_space<vmem>>, vector<512x512xf32>
    %get3A_2 = arith.constant 0 : index
    %get3A_3 = arith.constant 0 : index
    %get3A_4 = vector.load %arg2[%get3A_2, %get3A_3] : memref<512x1xf32, #tpu.memory_space<vmem>>, vector<512x1xf32>
    %ge3A = vector.broadcast %get3A_4 : vector<512x1xf32> to vector<512x512xf32>
    %ge3A_5 = arith.cmpf oge, %get3A_1, %ge3A : vector<512x512xf32>
    %jit3A = arith.constant 0.000000e+00 : f32
    %broadcast_in_dim3A = vector.broadcast %jit3A : f32 to vector<512x512xf32>
    %select_n3A = arith.select %ge3A_5, %get3A_1, %broadcast_in_dim3A : vector<512x512xi1>, vector<512x512xf32>
    %convert_element_type3A = arith.truncf %select_n3A : vector<512x512xf32> to vector<512x512xbf16>
    %get3A_6 = arith.constant 0 : index
    %get3A_7 = arith.constant 0 : index
    %get3A_8 = vector.load %arg3[%get3A_6, %get3A_7] : memref<1024x512xf32, #tpu.memory_space<vmem>>, vector<1024x512xf32>
    %convert_element_type3A_9 = arith.truncf %get3A_8 : vector<1024x512xf32> to vector<1024x512xbf16>
    %dot_general3A = arith.constant dense<0.000000e+00> : vector<512x1024xf32>
    %dot_general3A_10 = tpu.matmul %convert_element_type3A, %convert_element_type3A_9, %dot_general3A {dimension_numbers = #tpu.dot_dimension_numbers<[1], [1], [0], [0], [0, 0, 1, 0], [], []>, transpose_lhs_hint = false} : vector<512x512xbf16>, vector<1024x512xbf16>, vector<512x1024xf32> -> vector<512x1024xf32>
    %get3A_11 = arith.constant 0 : index
    %get3A_12 = arith.constant 0 : index
    %get3A_13 = vector.load %arg4[%get3A_11, %get3A_12] : memref<1x1024xf32, #tpu.memory_space<vmem>>, vector<1x1024xf32>
    %add3A = vector.broadcast %get3A_13 : vector<1x1024xf32> to vector<512x1024xf32>
    %add3A_14 = arith.addf %dot_general3A_10, %add3A : vector<512x1024xf32>
    %logistic3A = arith.negf %add3A_14 : vector<512x1024xf32>
    %logistic3A_15 = math.exp %logistic3A : vector<512x1024xf32>
    %logistic3A_16 = arith.constant 1.000000e+00 : f32
    %logistic3A_17 = vector.broadcast %logistic3A_16 : f32 to vector<512x1024xf32>
    %logistic3A_18 = arith.addf %logistic3A_17, %logistic3A_15 : vector<512x1024xf32>
    %logistic3A_19 = arith.divf %logistic3A_17, %logistic3A_18 : vector<512x1024xf32>
    %convert_element_type3A_20 = arith.truncf %logistic3A_19 : vector<512x1024xf32> to vector<512x1024xbf16>
    %get3A_21 = arith.constant 0 : index
    %get3A_22 = arith.constant 0 : index
    %get3A_23 = vector.load %arg5[%get3A_21, %get3A_22] : memref<2048x1024xf32, #tpu.memory_space<vmem>>, vector<2048x1024xf32>
    %convert_element_type3A_24 = arith.truncf %get3A_23 : vector<2048x1024xf32> to vector<2048x1024xbf16>
    %dot_general3A_25 = arith.constant dense<0.000000e+00> : vector<512x2048xf32>
    %dot_general3A_26 = tpu.matmul %convert_element_type3A_20, %convert_element_type3A_24, %dot_general3A_25 {dimension_numbers = #tpu.dot_dimension_numbers<[1], [1], [0], [0], [0, 0, 1, 0], [], []>, transpose_lhs_hint = false} : vector<512x1024xbf16>, vector<2048x1024xbf16>, vector<512x2048xf32> -> vector<512x2048xf32>
    %get3A_27 = arith.constant 0 : index
    %get3A_28 = arith.constant 0 : index
    %get3A_29 = vector.load %arg6[%get3A_27, %get3A_28] : memref<1x2048xf32, #tpu.memory_space<vmem>>, vector<1x2048xf32>
    %add3A_30 = vector.broadcast %get3A_29 : vector<1x2048xf32> to vector<512x2048xf32>
    %add3A_31 = arith.addf %dot_general3A_26, %add3A_30 : vector<512x2048xf32>
    %swap3A = arith.constant 0 : index
    %swap3A_32 = arith.constant 0 : index
    %swap3A_33 = vector.load %arg7[%swap3A, %swap3A_32] : memref<512x2048xf32, #tpu.memory_space<vmem>>, vector<512x2048xf32>
    tpu.vector_store %arg7[%swap3A, %swap3A_32], %add3A_31 {strides = array<i32>} : memref<512x2048xf32, #tpu.memory_space<vmem>>, vector<512x2048xf32>,
    return
  }
  func.func @transform_0(%arg0: i32) -> (i32, i32) {
    %c0_i32 = arith.constant 0 : i32
    %c0_i32_0 = arith.constant 0 : i32
    return %arg0, %c0_i32 : i32, i32
  }
  func.func @transform_1(%arg0: i32) -> (i32, i32) {
    %c0_i32 = arith.constant 0 : i32
    %c0_i32_0 = arith.constant 0 : i32
    return %arg0, %c0_i32 : i32, i32
  }
  func.func @transform_2(%arg0: i32) -> (i32, i32) {
    %c0_i32 = arith.constant 0 : i32
    %c0_i32_0 = arith.constant 0 : i32
    %c0_i32_1 = arith.constant 0 : i32
    return %c0_i32, %c0_i32_0 : i32, i32
  }
  func.func @transform_3(%arg0: i32) -> (i32, i32) {
    %c0_i32 = arith.constant 0 : i32
    %c0_i32_0 = arith.constant 0 : i32
    %c0_i32_1 = arith.constant 0 : i32
    return %c0_i32, %c0_i32_0 : i32, i32
  }
  func.func @transform_4(%arg0: i32) -> (i32, i32) {
    %c0_i32 = arith.constant 0 : i32
    %c0_i32_0 = arith.constant 0 : i32
    %c0_i32_1 = arith.constant 0 : i32
    return %c0_i32, %c0_i32_0 : i32, i32
  }
  func.func @transform_5(%arg0: i32) -> (i32, i32) {
    %c0_i32 = arith.constant 0 : i32
    %c0_i32_0 = arith.constant 0 : i32
    %c0_i32_1 = arith.constant 0 : i32
    return %c0_i32, %c0_i32_0 : i32, i32
  }
  func.func @transform_6(%arg0: i32) -> (i32, i32) {
    %c0_i32 = arith.constant 0 : i32
    %c0_i32_0 = arith.constant 0 : i32
    return %arg0, %c0_i32 : i32, i32
  }
}

module attributes {stable_mosaic.version = 14 : i64} {
  func.func @_encoder_kernel(%arg0: i32, %arg1: memref<512x2048xf32, #tpu.memory_space<vmem>>, %arg2: memref<1024x2048xf32, #tpu.memory_space<vmem>>, %arg3: memref<1x1024xf32, #tpu.memory_space<vmem>>, %arg4: memref<512x1024xf32, #tpu.memory_space<vmem>>, %arg5: memref<1x512xf32, #tpu.memory_space<vmem>>, %arg6: memref<512x512xf32, #tpu.memory_space<vmem>>, %arg7: memref<512x512xf32, #tpu.memory_space<vmem>>) attributes {dimension_semantics = [#tpu.dimension_semantics<arbitrary>], iteration_bounds = array<i64: 8>, scalar_prefetch = 0 : i64, scratch_operands = 0 : i64, tpu.core_type = #tpu.core_type<tc>, window_params = [{transform_indices = @transform_0, window_bounds = array<i64: 512, 2048>}, {pipeline_mode = #tpu.pipeline_mode<synchronous>, transform_indices = @transform_1, window_bounds = array<i64: 1024, 2048>}, {pipeline_mode = #tpu.pipeline_mode<synchronous>, transform_indices = @transform_2, window_bounds = array<i64: 1, 1024>}, {pipeline_mode = #tpu.pipeline_mode<synchronous>, transform_indices = @transform_3, window_bounds = array<i64: 512, 1024>}, {pipeline_mode = #tpu.pipeline_mode<synchronous>, transform_indices = @transform_4, window_bounds = array<i64: 1, 512>}, {transform_indices = @transform_5, window_bounds = array<i64: 512, 512>}, {transform_indices = @transform_6, window_bounds = array<i64: 512, 512>}]} {
    %get3A = arith.constant 0 : index
    %get3A_0 = arith.constant 0 : index
    %get3A_1 = vector.load %arg1[%get3A, %get3A_0] : memref<512x2048xf32, #tpu.memory_space<vmem>>, vector<512x2048xf32>
    %convert_element_type3A = arith.truncf %get3A_1 : vector<512x2048xf32> to vector<512x2048xbf16>
    %get3A_2 = arith.constant 0 : index
    %get3A_3 = arith.constant 0 : index
    %get3A_4 = vector.load %arg2[%get3A_2, %get3A_3] : memref<1024x2048xf32, #tpu.memory_space<vmem>>, vector<1024x2048xf32>
    %convert_element_type3A_5 = arith.truncf %get3A_4 : vector<1024x2048xf32> to vector<1024x2048xbf16>
    %dot_general3A = arith.constant dense<0.000000e+00> : vector<512x1024xf32>
    %dot_general3A_6 = tpu.matmul %convert_element_type3A, %convert_element_type3A_5, %dot_general3A {dimension_numbers = #tpu.dot_dimension_numbers<[1], [1], [0], [0], [0, 0, 1, 0], [], []>, transpose_lhs_hint = false} : vector<512x2048xbf16>, vector<1024x2048xbf16>, vector<512x1024xf32> -> vector<512x1024xf32>
    %get3A_7 = arith.constant 0 : index
    %get3A_8 = arith.constant 0 : index
    %get3A_9 = vector.load %arg3[%get3A_7, %get3A_8] : memref<1x1024xf32, #tpu.memory_space<vmem>>, vector<1x1024xf32>
    %add3A = vector.broadcast %get3A_9 : vector<1x1024xf32> to vector<512x1024xf32>
    %add3A_10 = arith.addf %dot_general3A_6, %add3A : vector<512x1024xf32>
    %logistic3A = arith.negf %add3A_10 : vector<512x1024xf32>
    %logistic3A_11 = math.exp %logistic3A : vector<512x1024xf32>
    %logistic3A_12 = arith.constant 1.000000e+00 : f32
    %logistic3A_13 = vector.broadcast %logistic3A_12 : f32 to vector<512x1024xf32>
    %logistic3A_14 = arith.addf %logistic3A_13, %logistic3A_11 : vector<512x1024xf32>
    %logistic3A_15 = arith.divf %logistic3A_13, %logistic3A_14 : vector<512x1024xf32>
    %convert_element_type3A_16 = arith.truncf %logistic3A_15 : vector<512x1024xf32> to vector<512x1024xbf16>
    %get3A_17 = arith.constant 0 : index
    %get3A_18 = arith.constant 0 : index
    %get3A_19 = vector.load %arg4[%get3A_17, %get3A_18] : memref<512x1024xf32, #tpu.memory_space<vmem>>, vector<512x1024xf32>
    %convert_element_type3A_20 = arith.truncf %get3A_19 : vector<512x1024xf32> to vector<512x1024xbf16>
    %dot_general3A_21 = arith.constant dense<0.000000e+00> : vector<512x512xf32>
    %dot_general3A_22 = tpu.matmul %convert_element_type3A_16, %convert_element_type3A_20, %dot_general3A_21 {dimension_numbers = #tpu.dot_dimension_numbers<[1], [1], [0], [0], [0, 0, 1, 0], [], []>, transpose_lhs_hint = false} : vector<512x1024xbf16>, vector<512x1024xbf16>, vector<512x512xf32> -> vector<512x512xf32>
    %get3A_23 = arith.constant 0 : index
    %get3A_24 = arith.constant 0 : index
    %get3A_25 = vector.load %arg5[%get3A_23, %get3A_24] : memref<1x512xf32, #tpu.memory_space<vmem>>, vector<1x512xf32>
    %add3A_26 = vector.broadcast %get3A_25 : vector<1x512xf32> to vector<512x512xf32>
    %add3A_27 = arith.addf %dot_general3A_22, %add3A_26 : vector<512x512xf32>
    %logistic3A_28 = arith.negf %add3A_27 : vector<512x512xf32>
    %logistic3A_29 = math.exp %logistic3A_28 : vector<512x512xf32>
    %logistic3A_30 = arith.constant 1.000000e+00 : f32
    %logistic3A_31 = vector.broadcast %logistic3A_30 : f32 to vector<512x512xf32>
    %logistic3A_32 = arith.addf %logistic3A_31, %logistic3A_29 : vector<512x512xf32>
    %logistic3A_33 = arith.divf %logistic3A_31, %logistic3A_32 : vector<512x512xf32>
    %swap3A = arith.constant 0 : index
    %swap3A_34 = arith.constant 0 : index
    %swap3A_35 = vector.load %arg6[%swap3A, %swap3A_34] : memref<512x512xf32, #tpu.memory_space<vmem>>, vector<512x512xf32>
    tpu.vector_store %arg6[%swap3A, %swap3A_34], %logistic3A_33 {strides = array<i32>} : memref<512x512xf32, #tpu.memory_space<vmem>>, vector<512x512xf32>,
    %transpose3A = tpu.transpose %logistic3A_33, [1, 0] : vector<512x512xf32> -> vector<512x512xf32>
    %swap3A_36 = arith.constant 0 : index
    %swap3A_37 = arith.constant 0 : index
    %swap3A_38 = vector.load %arg7[%swap3A_36, %swap3A_37] : memref<512x512xf32, #tpu.memory_space<vmem>>, vector<512x512xf32>
    tpu.vector_store %arg7[%swap3A_36, %swap3A_37], %transpose3A {strides = array<i32>} : memref<512x512xf32, #tpu.memory_space<vmem>>, vector<512x512xf32>,
    return
  }
  func.func @transform_0(%arg0: i32) -> (i32, i32) {
    %c0_i32 = arith.constant 0 : i32
    %c0_i32_0 = arith.constant 0 : i32
    return %arg0, %c0_i32 : i32, i32
  }
  func.func @transform_1(%arg0: i32) -> (i32, i32) {
    %c0_i32 = arith.constant 0 : i32
    %c0_i32_0 = arith.constant 0 : i32
    %c0_i32_1 = arith.constant 0 : i32
    return %c0_i32, %c0_i32_0 : i32, i32
  }
  func.func @transform_2(%arg0: i32) -> (i32, i32) {
    %c0_i32 = arith.constant 0 : i32
    %c0_i32_0 = arith.constant 0 : i32
    %c0_i32_1 = arith.constant 0 : i32
    return %c0_i32, %c0_i32_0 : i32, i32
  }
  func.func @transform_3(%arg0: i32) -> (i32, i32) {
    %c0_i32 = arith.constant 0 : i32
    %c0_i32_0 = arith.constant 0 : i32
    %c0_i32_1 = arith.constant 0 : i32
    return %c0_i32, %c0_i32_0 : i32, i32
  }
  func.func @transform_4(%arg0: i32) -> (i32, i32) {
    %c0_i32 = arith.constant 0 : i32
    %c0_i32_0 = arith.constant 0 : i32
    %c0_i32_1 = arith.constant 0 : i32
    return %c0_i32, %c0_i32_0 : i32, i32
  }
  func.func @transform_5(%arg0: i32) -> (i32, i32) {
    %c0_i32 = arith.constant 0 : i32
    %c0_i32_0 = arith.constant 0 : i32
    return %arg0, %c0_i32 : i32, i32
  }
  func.func @transform_6(%arg0: i32) -> (i32, i32) {
    %c0_i32 = arith.constant 0 : i32
    %c0_i32_0 = arith.constant 0 : i32
    return %c0_i32, %arg0 : i32, i32
  }
}

</mosaic_0001>

<sc_bundles>
// kernel: kernel.5.cloned.1.call-start
scs
__scs_entry_jumppad:
0x0: {  	(pc) =	sbr.rel $0x88, $3  }
0x1: {  	(tag) =	ssettag $0x0;
	lr =	simm.s32 $0x1  }
0x2: {  	[smem:$0x3F98] =	sst lr;
	_ =	strace $0xD0000000  }
0x3: {  	_ = 	snop  }
0x4: {  	_ = 	snop  }
0x5: {  	_ = 	snop  }
0x6: {  	_ = 	snop  }
0x7: {  	_ = 	snop  }
__scs_overlays_trampoline_lowered:
0x8: {  	[smem:$0x3FA7] =	sst s0  }
0x9: {  	[smem:$0x3FA8] =	sst s1  }
0xa: {  	[smem:$0x3FA9] =	sst s2  }
0xb: {  	[smem:$0x3FAA] =	sst s3  }
0xc: {  	[smem:$0x3FAB] =	sst s4  }
0xd: {  	[smem:$0x3FAC] =	sst s5  }
0xe: {  	[smem:$0x3FAD] =	sst s6  }
0xf: {  	[smem:$0x3FAE] =	sst s7  }
0x10: {  	[smem:$0x3FAF] =	sst s8  }
0x11: {  	[smem:$0x3FB0] =	sst s9;
	s0 =	simm.s32 @!p0 $0x0  }
0x12: {  	s1 =	sld [smem:$0x3F96];
	s0 =	simm.s32 @p0 $0x1  }
0x13: {  	[smem:$0x3FB1] =	sst s0;
	s0 =	simm.s32 @!p1 $0x0  }
0x14: {  	s2 =	sld [smem:$0x3F95];
	s0 =	simm.s32 @p1 $0x1  }
0x15: {  	[smem:$0x3FB2] =	sst s0;
	s0 =	simm.s32 @!p2 $0x0  }
0x16: {  	s3 =	sld [smem:$0x3FDB];
	s0 =	simm.s32 @p2 $0x1  }
0x17: {  	s4 =	simm.s32 $0x1BF5;
	[smem:$0x3FB4] =	sst s0  }
0x18: {  	s0 =	sld [smem:$0x3F97];
	_ =	swait.ge [sflag:s4], $0x0  }
0x19: {  	s7 =	sld [smem:$0x3F98]  }
0x1a: {  	s8 =	sadd.s32 $0xFFFFE003, lr  }
0x1b: {  	s9 =	sadd.s32 $0xFFFFFEF7, lr;
	s5 =	simm.s32 $0xFFFFFFFF;
	p2 =	slt.u32 s8, $0xFFFFF086  }
0x1c: {  	p1 =	slt.u32 s9, $0xF7A;
	s5 =	simm.s32 @!p2 $0x0  }
0x1d: {  	s5 =	simm.s32 @p1 $0x1;
	p0 =	seq.s32 s7, s2  }
0x1e: {  	s7 =	smul.u32 @!p0 $0xF7A, s2;
	p2 =	seq.s32 @!p0 s5, $0x0  }
0x1f: {  	s9 =	smul.u32 $0xF7A, s1;
	s8 =	simm.s32 @!p0 $0x1BF5;
	p2 =	por !p2, p0  }
0x20: {  	[sflag:s8] =	ssyncset.s32 @!p0 $0xFFFFF086;
	s6 =	sadd.s32 @!p0 s3, s7;
	s7 =	simm.s32 @!p0 $0x108  }
0x21: {  	s3 =	sadd.s32 s3, s9;
	s6 =	sadd.s32 @!p0 $0x88, s6;
	s7 =	simm.s32 @p2 $0x1082  }
0x22: {  	[simem:s7], [sflag:s8] =	dma.local @!p0 [hbm:s6], $0xF7A  }
0x23: {  	s9 =	sor.u32 $0xD0000000, s2;
	s6 =	simm.s32 $0x108;
	_ =	swait.ge @!p0 [sflag:s8], $0x0  }
0x24: {  	s3 =	sadd.s32 $0x88, s3;
	s6 =	simm.s32 @!p1 $0x1082;
	[sflag:s4] =	ssyncset.s32 $0xFFFFF086  }
0x25: {  	[simem:s6], [sflag:s4] =	dma.local [hbm:s3], $0xF7A  }
0x26: {  	[smem:$0x3F98] =	sst s1;
	(tag) =	ssettag s2;
	_ =	strace s9  }
0x27: {  	s1 =	sld [smem:$0x3FA8]  }
0x28: {  	s2 =	sld [smem:$0x3FA9]  }
0x29: {  	s4 =	sld [smem:$0x3FAB]  }
0x2a: {  	p0 =	seq.s32 s5, $0x0;
	s5 =	sld [smem:$0x3FAC]  }
0x2b: {  	s6 =	sld [smem:$0x3FAD]  }
0x2c: {  	s7 =	sld [smem:$0x3FAE]  }
0x2d: {  	s3 =	simm.s32 $0x108;
	s8 =	sld [smem:$0x3FAF]  }
0x2e: {  	s3 =	simm.s32 @!p0 $0x1082;
	s9 =	sld [smem:$0x3FB0]  }
0x2f: {  	lr =	sadd.s32 s0, s3;
	s0 =	sld [smem:$0x3FA7]  }
0x30: {  	s3 =	sld [smem:$0x3FAA]  }
0x31: {  	[smem:$0x3FB3] =	sst s10  }
0x32: {  	s10 =	sld [smem:$0x3FB1];
	_ =	sdelay $0x3  }
0x33: {  	p0 =	seq.s32 s10, $0x1;
	s10 =	sld [smem:$0x3FB3];
	_ =	sdelay $0x3  }
0x34: {  	[smem:$0x3FB3] =	sst s10  }
0x35: {  	s10 =	sld [smem:$0x3FB2];
	_ =	sdelay $0x3  }
0x36: {  	p1 =	seq.s32 s10, $0x1;
	s10 =	sld [smem:$0x3FB3];
	_ =	sdelay $0x3  }
0x37: {  	[smem:$0x3FB3] =	sst s10  }
0x38: {  	s10 =	sld [smem:$0x3FB4]  }
0x39: {  	_ = 	snop;
	(pc) =	sbr.ind lr, $3  }
0x3a: {  	_ = 	snop  }
0x3b: {  	_ = 	snop  }
0x3c: {  	p2 =	seq.s32 s10, $0x1;
	s10 =	sld [smem:$0x3FB3]  }
0x3d: {  	_ =	shalt  }
0x3e: {  	_ =	shalt  }
0x3f: {  	_ =	shalt  }
0x40: {  	_ =	shalt  }
0x41: {  	_ =	shalt  }
0x42: {  	_ =	shalt  }
0x43: {  	_ =	shalt  }
0x44: {  	_ =	shalt  }
0x45: {  	_ =	shalt  }
0x46: {  	_ =	shalt  }
0x47: {  	_ =	shalt  }
0x48: {  	_ =	shalt  }
0x49: {  	_ =	shalt  }
0x4a: {  	_ =	shalt  }
0x4b: {  	_ =	shalt  }
0x4c: {  	_ =	shalt  }
0x4d: {  	_ =	shalt  }
0x4e: {  	_ =	shalt  }
0x4f: {  	_ =	shalt  }
0x50: {  	_ =	shalt  }
0x51: {  	_ =	shalt  }
0x52: {  	_ =	shalt  }
0x53: {  	_ =	shalt  }
0x54: {  	_ =	shalt  }
0x55: {  	_ =	shalt  }
0x56: {  	_ =	shalt  }
0x57: {  	_ =	shalt  }
0x58: {  	_ =	shalt  }
0x59: {  	_ =	shalt  }
0x5a: {  	_ =	shalt  }
0x5b: {  	_ =	shalt  }
0x5c: {  	_ =	shalt  }
0x5d: {  	_ =	shalt  }
0x5e: {  	_ =	shalt  }
0x5f: {  	_ =	shalt  }
0x60: {  	_ =	shalt  }
0x61: {  	_ =	shalt  }
0x62: {  	_ =	shalt  }
0x63: {  	_ =	shalt  }
0x64: {  	_ =	shalt  }
0x65: {  	_ =	shalt  }
0x66: {  	_ =	shalt  }
0x67: {  	_ =	shalt  }
0x68: {  	_ =	shalt  }
0x69: {  	_ =	shalt  }
0x6a: {  	_ =	shalt  }
0x6b: {  	_ =	shalt  }
0x6c: {  	_ =	shalt  }
0x6d: {  	_ =	shalt  }
0x6e: {  	_ =	shalt  }
0x6f: {  	_ =	shalt  }
0x70: {  	_ =	shalt  }
0x71: {  	_ =	shalt  }
0x72: {  	_ =	shalt  }
0x73: {  	_ =	shalt  }
0x74: {  	_ =	shalt  }
0x75: {  	_ =	shalt  }
0x76: {  	_ =	shalt  }
0x77: {  	_ =	shalt  }
0x78: {  	_ =	shalt  }
0x79: {  	_ =	shalt  }
0x7a: {  	_ =	shalt  }
0x7b: {  	_ =	shalt  }
0x7c: {  	_ =	shalt  }
0x7d: {  	_ =	shalt  }
0x7e: {  	_ =	shalt  }
0x7f: {  	_ =	shalt  }
0x80: {  	_ =	shalt  }
0x81: {  	_ =	shalt  }
0x82: {  	_ =	shalt  }
0x83: {  	_ =	shalt  }
0x84: {  	_ =	shalt  }
0x85: {  	_ =	shalt  }
0x86: {  	_ =	shalt  }
0x87: {  	_ =	shalt  }
.Lfunc_end0:
.L_simem_size_0:
called_computation_lowered:
.L_overlay_start_0:
0x88: {  	s2 =	sld [smem:$0x3FD9]  }
0x89: {  	s3 =	sld [smem:$0x3FFE];
	_ =	sdelay $0x1  }
0x8a: {  	s1 =	srdreg.scid  }
0x8b: {  	s0 =	sand.u32 $0x1, s1  }
0x8c: {  	s17 =	sshll.u32 s0, $0xA;
	s2 =	sadd.s32 s3, s2  }
0x8d: {  	s2 =	sadd.s32 s2, s17  }
0x8e: {  	[smem:$0x3FBF] =	sst s2  }
0x8f: {  	_ = 	snop  }
0x90: {  	s2 =	sld [smem:$0x3FD0];
	(tm) =	ssettm $0x1  }
0x91: {  	s18 =	sld [smem:$0x3FFB];
	_ =	sdelay $0x3  }
0x92: {  	_ =	strace s18  }
0x93: {  	s3 =	sld [smem:$0x3FFC];
	_ =	sdelay $0x3  }
0x94: {  	_ =	strace s3  }
0x95: {  	s3 =	sld [smem:$0x3FFD];
	_ =	sdelay $0x3  }
0x96: {  	_ =	strace s3  }
0x97: {  	_ =	strace $0x8FFFFFFF  }
0x98: {  	s19 =	sld [smem:$0x3FDB];
	_ =	sdelay $0x1  }
0x99: {  	s4 =	simm.s32 $_scs_section_size  }
0x9a: {  	s5 =	simm.s32 $_size__tile_overlayer_lowered;
	s6 =	simm.s32 $_tile_overlayer_lowered  }
0x9b: {  	s22 =	simm.s32 $0x1BFF;
	s21 =	sshll.u32 s6, $0x1;
	s3 =	sadd.s32 s4, s19  }
0x9c: {  	s7 =	simm.s32 $0x0;
	s20 =	sshll.u32 s5, $0x1;
	s5 =	sadd.s32 s21, s3  }
0x9d: {  	[timem:s7], [sflag:s22] =	dma.local [hbm:s5], s20  }
0x9e: {  	_ =	swait.ge [sflag:s22], s20  }
0x9f: {  	s4 =	ssub.s32 $0x0, s20;
	[sflag:s22] =	ssyncset.done $0x0  }
0xa0: {  	[sflag:s22] =	ssyncadd.s32 s4;
	_ =	sdelay $0x1  }
0xa1: {  	s23 =	simm.s32 $0x1B8B  }
0xa2: {  	_ =	swait.ge [sflag:s23], $0x1  }
0xa3: {  	[sflag:s23] =	ssyncset.done $0x0  }
0xa4: {  	s25 =	simm.s32 $0x1B8E;
	s24 =	sld [smem:$0x3FFE];
	[sflag:s23] =	ssyncadd.s32 $0xFFFFFFFF  }
0xa5: {  	s26 =	simm.s32 $execute0_lowered;
	[smem:$0x3FD2] =	sst s25  }
0xa6: {  	s5 =	sshll.u32 s26, $0x1;
	_ =	strace $0x80000046;
	[dreg:$0x1] =	wrdreg $0xFFFFFFFF  }
0xa7: {  	s28 =	simm.s32 $_size_execute0_lowered;
	s3 =	sadd.s32 s3, s5;
	[dreg:$0x0] =	wrdreg $0x0  }
0xa8: {  	s5 =	sshll.u32 s28, $0x1;
	[dreg:$0x2] =	wrdreg s3  }
0xa9: {  	[dreg:$0x3] =	wrdreg s5  }
0xaa: {  	[dreg:$0x4] =	wrdreg $0xC0  }
0xab: {  	_ =	task [dreg:s7], $0x5FFFF  }
0xac: {  	[dreg:$0x1] =	wrdreg $0xFFFFFFFF  }
0xad: {  	[dreg:$0x0] =	wrdreg $0x60  }
0xae: {  	[dreg:$0x2] =	wrdreg s2  }
0xaf: {  	[dreg:$0x3] =	wrdreg s24  }
0xb0: {  	[dreg:$0x4] =	wrdreg $0x9  }
0xb1: {  	_ =	task.clear_ibuf [dreg:s7], $0x5FFFF;
	_ =	strace $0x90000046  }
0xb2: {  	s29 =	simm.s32 $0x9;
	_ =	strace $0x80000048  }
0xb3: {  	_ =	swait.ge [sflag:s29], $0x1  }
0xb4: {  	[sflag:s29] =	ssyncadd.s32 $0xFFFFFFFF  }
0xb5: {  	_ =	strace $0x90000048  }
0xb6: {  	_ =	sfence  }
0xb7: {  	s30 =	sld [smem:$0x0];
	_ =	sdelay $0x2  }
0xb8: {  	s31 =	sshll.u32 s1, $0xD;
	s1 =	sshrl.u32 s1, $0x2  }
0xb9: {  	s3 =	sand.u32 $0x4000, s31;
	s1 =	sadd.s32 s1, s30  }
0xba: {  	s0 =	sor.u32 s3, s0;
	s1 =	sshll.u32 s1, $0x11  }
0xbb: {  	s0 =	sor.u32 s1, s0  }
0xbc: {  	s0 =	sadd.s32 $0x8F2B, s0  }
0xbd: {  	[sflag:s0] =	ssyncadd.remote.s32 $0x1  }
0xbe: {  	_ =	sfence.sel $0xFFFF  }
0xbf: {  	[dreg:$0x0] =	wrdreg $0xFFFFFFFF;
	(pc) =	sbr.abs _section_cstart, $3  }
0xc0: {  	[dreg:$0x1] =	wrdreg $0xFFFFFFFF  }
0xc1: {  	_ =	task.clear_ibuf [dreg:s7], $0x2FFFF;
	_ =	strace $0x9FFFFFFF  }
0xc2: {  	(tm) =	ssettm $0x7FFFFFFF  }
0xc3: {  	_ =	shalt  }
tec
execute0_lowered:
.L_overlay_start_1:
0x0: {  	(tag) =	ssettag $0x1  }
0x1: {  	s3 =	rddreg [dreg:$0x0];
	v0 =	vlaneseq.u32  }
0x2: {  	s4 =	rddreg [dreg:$0x1];
	s2 =	simm.s32 $0x0;
	v1 =	vor.u32 $0x80, v0  }
0x3: {  	[smem:$0x7FF] =	sst s2;
	v51 =	vor.u32 $0x100, v0;
	[tilespmem:$0x1FF10] =	vst v1  }
0x4: {  	s0 =	rddreg [dreg:$0x2];
	v52 =	vor.u32 $0x180, v0;
	_ =	strace $0x80000047;
	[tilespmem:$0x1FF20] =	vst v51  }
0x5: {  	v53 =	vor.u32 $0x200, v0;
	[tilespmem:$0x1FF30] =	vst v52  }
0x6: {  	v54 =	vor.u32 $0x280, v0;
	[tilespmem:$0x1FF40] =	vst v53  }
0x7: {  	v55 =	vor.u32 $0x300, v0;
	[tilespmem:$0x1FF50] =	vst v54  }
0x8: {  	v56 =	vor.u32 $0x380, v0;
	[tilespmem:$0x1FF60] =	vst v55  }
0x9: {  	v57 =	vor.u32 $0x400, v0;
	[tilespmem:$0x1FF70] =	vst v56  }
0xa: {  	v58 =	vor.u32 $0x480, v0;
	[tilespmem:$0x1FF80] =	vst v57  }
0xb: {  	s5 =	srdreg.scid;
	s1 =	stileid.u32;
	v59 =	vor.u32 $0x500, v0;
	[tilespmem:$0x1FF90] =	vst v58  }
0xc: {  	s9 =	simm.s32 $0x10000;
	s5 =	sand.u32 $0x1, s5;
	s6 =	sshll.u32 s1, $0x1;
	v60 =	vor.u32 $0x580, v0;
	[tilespmem:$0x1FFA0] =	vst v59  }
0xd: {  	s10 =	simm.s32 $0x2;
	v61 =	vor.u32 $0x600, v0;
	s6 =	sor.u32 s5, s6;
	s5 =	ssub.s32 $0x2, s5;
	[tilespmem:$0x1FFB0] =	vst v60  }
0xe: {  	s11 =	simm.s32 $0x0;
	v62 =	vor.u32 $0x680, v0;
	s7 =	sshll.u32 s6, $0x4;
	s8 =	sshrl.u32 s5, $0x1;
	[tilespmem:$0x1FFC0] =	vst v61  }
0xf: {  	v63 =	vor.u32 $0x700, v0;
	s6 =	sshll.u32 s6, $0x7;
	[tilespmem:$0x1FFD0] =	vst v62;
	s4 =	sadd.s32 s7, s4;
	s5 =	ssub.s32 s5, s8  }
0x10: {  	v0 =	vor.u32 $0x780, v0;
	[tilespmem:$0x1FFE0] =	vst v63;
	s3 =	sadd.s32 s3, s6;
	s6 =	simm.s32 $0x400;
	s7 =	simm.s32 $0x8000  }
0x11: {  	v16 =	vimm.s32 $0x20;
	[tilespmem:$0x1FFF0] =	vst v0;
	s8 =	simm.s32 $0x1;
	s4 =	sadd.s32 $0x1600, s4;
	s5 =	smax.u32 s5, $0x1  }
.LBB2_1:
0x12: {  	[tilespmem:s2], [sflag:$0x1] =	stream.strided.gather [hbm4b:s3+s6], $0x10000, s7, s6, $0x38;
	[tilespmem:$0x10080] =	vst v63  }
0x13: {  	_ =	swait.ge [sflag:s8], $0x10000  }
0x14: {  	[sflag:s8] =	ssyncset.done $0x0  }
0x15: {  	s12 =	simm.s32 $0x0;
	[sflag:s8] =	ssyncadd.s32 $0xFFFF0000  }
.LBB2_2:
0x16: {  	s13 =	sshll.u32 s12, $0x4  }
0x17: {  	v30 =	vld [tilespmem:s13+$0x3480];
	_ =	sdelay $0x4  }
0x18: {  	[tilespmem:$0x1EA70] =	vst v30;
	v30 =	vld [tilespmem:s13+$0x3500];
	_ =	sdelay $0x4  }
0x19: {  	[tilespmem:$0x1EAA0] =	vst v30;
	v30 =	vld [tilespmem:s13+$0x3580];
	_ =	sdelay $0x4  }
0x1a: {  	[tilespmem:$0x1EAD0] =	vst v30;
	v30 =	vld [tilespmem:s13+$0x3600];
	_ =	sdelay $0x4  }
0x1b: {  	[tilespmem:$0x1EB00] =	vst v30;
	v30 =	vld [tilespmem:s13+$0x3680];
	_ =	sdelay $0x4  }
0x1c: {  	[tilespmem:$0x1EB30] =	vst v30;
	v30 =	vld [tilespmem:s13+$0x3700];
	_ =	sdelay $0x4  }
0x1d: {  	[tilespmem:$0x1EB60] =	vst v30;
	v30 =	vld [tilespmem:s13+$0x3780];
	_ =	sdelay $0x4  }
0x1e: {  	[tilespmem:$0x1EB80] =	vst v30;
	v30 =	vld [tilespmem:s13+$0x3800];
	_ =	sdelay $0x4  }
0x1f: {  	[tilespmem:$0x1EB90] =	vst v30;
	v30 =	vld [tilespmem:s13+$0x3880];
	_ =	sdelay $0x1  }
0x20: {  	v12 =	vld [tilespmem:s13+$0x0]  }
0x21: {  	v8 =	vld [tilespmem:s13+$0x80]  }
0x22: {  	v5 =	vld [tilespmem:s13+$0x1F00]  }
0x23: {  	[tilespmem:$0x1EBA0] =	vst v30;
	v30 =	vld [tilespmem:s13+$0x3900]  }
0x24: {  	v13 =	vld [tilespmem:s13+$0x100]  }
0x25: {  	v15 =	vld [tilespmem:s13+$0x180]  }
0x26: {  	v17 =	vld [tilespmem:s13+$0x200]  }
0x27: {  	[tilespmem:$0x1E930] =	vst v5;
	v5 =	vld [tilespmem:s13+$0x1F80]  }
0x28: {  	[tilespmem:$0x1EBB0] =	vst v30;
	v30 =	vld [tilespmem:s13+$0x3980]  }
0x29: {  	v21 =	vld [tilespmem:s13+$0x280]  }
0x2a: {  	v22 =	vld [tilespmem:s13+$0x300]  }
0x2b: {  	v25 =	vld [tilespmem:s13+$0x380]  }
0x2c: {  	[tilespmem:$0x1E950] =	vst v5;
	v5 =	vld [tilespmem:s13+$0x2000]  }
0x2d: {  	[tilespmem:$0x1EBE0] =	vst v30;
	v30 =	vld [tilespmem:s13+$0x3A00]  }
0x2e: {  	v27 =	vld [tilespmem:s13+$0x400]  }
0x2f: {  	v28 =	vld [tilespmem:s13+$0x480]  }
0x30: {  	v31 =	vld [tilespmem:s13+$0x500]  }
0x31: {  	[tilespmem:$0x1E960] =	vst v5;
	v5 =	vld [tilespmem:s13+$0x2080]  }
0x32: {  	[tilespmem:$0x1EC00] =	vst v30;
	v30 =	vld [tilespmem:s13+$0x3A80]  }
0x33: {  	v34 =	vld [tilespmem:s13+$0x580]  }
0x34: {  	v36 =	vld [tilespmem:s13+$0x600]  }
0x35: {  	v42 =	vld [tilespmem:s13+$0x680]  }
0x36: {  	[tilespmem:$0x1E970] =	vst v5;
	v5 =	vld [tilespmem:s13+$0x2100]  }
0x37: {  	[tilespmem:$0x1EC20] =	vst v30;
	v30 =	vld [tilespmem:s13+$0x3B00]  }
0x38: {  	v44 =	vld [tilespmem:s13+$0x700]  }
0x39: {  	v48 =	vld [tilespmem:s13+$0x780]  }
0x3a: {  	v46 =	vld [tilespmem:s13+$0x800]  }
0x3b: {  	[tilespmem:$0x1E980] =	vst v5;
	v5 =	vld [tilespmem:s13+$0x2180]  }
0x3c: {  	[tilespmem:$0x1EC40] =	vst v30;
	v30 =	vld [tilespmem:s13+$0x3B80]  }
0x3d: {  	v43 =	vld [tilespmem:s13+$0x880]  }
0x3e: {  	v47 =	vld [tilespmem:s13+$0x900]  }
0x3f: {  	v54 =	vld [tilespmem:s13+$0x980]  }
0x40: {  	[tilespmem:$0x1E990] =	vst v5;
	v5 =	vld [tilespmem:s13+$0x2200]  }
0x41: {  	[tilespmem:$0x1EC70] =	vst v30;
	v30 =	vld [tilespmem:s13+$0x3C00]  }
0x42: {  	v60 =	vld [tilespmem:s13+$0xA00]  }
0x43: {  	v0 =	vld [tilespmem:s13+$0xA80]  }
0x44: {  	v14 =	vld [tilespmem:s13+$0x1000]  }
0x45: {  	[tilespmem:$0x1E9A0] =	vst v5;
	v5 =	vld [tilespmem:s13+$0x2280]  }
0x46: {  	[tilespmem:$0x1ECA0] =	vst v30;
	v30 =	vld [tilespmem:s13+$0x3C80]  }
0x47: {  	v9 =	vld [tilespmem:s13+$0x1080]  }
0x48: {  	v18 =	vld [tilespmem:s13+$0x1100]  }
0x49: {  	v26 =	vld [tilespmem:s13+$0x1180]  }
0x4a: {  	[tilespmem:$0x1E9B0] =	vst v5;
	v5 =	vld [tilespmem:s13+$0x2300]  }
0x4b: {  	[tilespmem:$0x1ECD0] =	vst v30;
	v30 =	vld [tilespmem:s13+$0x3D00]  }
0x4c: {  	v32 =	vld [tilespmem:s13+$0x1200]  }
0x4d: {  	v37 =	vld [tilespmem:s13+$0x1280]  }
0x4e: {  	v52 =	vld [tilespmem:s13+$0x1300]  }
0x4f: {  	[tilespmem:$0x1E9D0] =	vst v5;
	v5 =	vld [tilespmem:s13+$0x2380]  }
0x50: {  	[tilespmem:$0x1ED00] =	vst v30;
	v30 =	vld [tilespmem:s13+$0x3D80]  }
0x51: {  	v57 =	vld [tilespmem:s13+$0x1380]  }
0x52: {  	v62 =	vld [tilespmem:s13+$0x1400]  }
0x53: {  	v1 =	vld [tilespmem:s13+$0x1800]  }
0x54: {  	[tilespmem:$0x1E9F0] =	vst v5;
	v5 =	vld [tilespmem:s13+$0x2400]  }
0x55: {  	[tilespmem:$0x1ED30] =	vst v30;
	v30 =	vld [tilespmem:s13+$0x3E00]  }
0x56: {  	v2 =	vld [tilespmem:s13+$0x1900]  }
0x57: {  	v3 =	vld [tilespmem:s13+$0x1980]  }
0x58: {  	v4 =	vld [tilespmem:s13+$0x1A00]  }
0x59: {  	[tilespmem:$0x1EA10] =	vst v5;
	v5 =	vld [tilespmem:s13+$0x2480]  }
0x5a: {  	[tilespmem:$0x1ED60] =	vst v30;
	v30 =	vld [tilespmem:s13+$0x3E80]  }
0x5b: {  	v6 =	vld [tilespmem:s13+$0x1A80]  }
0x5c: {  	v10 =	vld [tilespmem:s13+$0x1B00]  }
0x5d: {  	v19 =	vld [tilespmem:s13+$0x1B80]  }
0x5e: {  	[tilespmem:$0x1EA30] =	vst v5;
	v5 =	vld [tilespmem:s13+$0x2500]  }
0x5f: {  	[tilespmem:$0x1ED90] =	vst v30;
	v30 =	vld [tilespmem:s13+$0x3F00]  }
0x60: {  	v23 =	vld [tilespmem:s13+$0x1C00]  }
0x61: {  	v33 =	vld [tilespmem:s13+$0x1C80]  }
0x62: {  	[tilespmem:$0x1E820] =	vst v0;
	v0 =	vld [tilespmem:s13+$0xB00]  }
0x63: {  	[tilespmem:$0x1EA50] =	vst v5;
	v5 =	vld [tilespmem:s13+$0x2580]  }
0x64: {  	[tilespmem:$0x1EDC0] =	vst v30;
	v30 =	vld [tilespmem:s13+$0x3F80]  }
0x65: {  	v38 =	vld [tilespmem:s13+$0x1D00]  }
0x66: {  	v53 =	vld [tilespmem:s13+$0x1D80]  }
0x67: {  	[tilespmem:$0x1E830] =	vst v0;
	v0 =	vld [tilespmem:s13+$0xB80]  }
0x68: {  	[tilespmem:$0x1EA80] =	vst v5;
	v5 =	vld [tilespmem:s13+$0x2600]  }
0x69: {  	[tilespmem:$0x1EDF0] =	vst v30;
	v30 =	vld [tilespmem:s13+$0x4000]  }
0x6a: {  	v56 =	vld [tilespmem:s13+$0x1E00]  }
0x6b: {  	v63 =	vld [tilespmem:s13+$0x1E80]  }
0x6c: {  	[tilespmem:$0x1E840] =	vst v0;
	v0 =	vld [tilespmem:s13+$0xC00]  }
0x6d: {  	[tilespmem:$0x1EAB0] =	vst v5;
	v5 =	vld [tilespmem:s13+$0x2680]  }
0x6e: {  	[tilespmem:$0x1EBC0] =	vst v30;
	v30 =	vld [tilespmem:s13+$0x4080]  }
0x6f: {  	v61 =	vld [tilespmem:s13+$0x4A80]  }
0x70: {  	v45 =	vld [tilespmem:s13+$0x2800]  }
0x71: {  	[tilespmem:$0x1E850] =	vst v0;
	v0 =	vld [tilespmem:s13+$0xC80]  }
0x72: {  	[tilespmem:$0x1EAE0] =	vst v5;
	v5 =	vld [tilespmem:s13+$0x2700]  }
0x73: {  	[tilespmem:$0x1EBD0] =	vst v30;
	v30 =	vld [tilespmem:s13+$0x4100]  }
0x74: {  	[tilespmem:$0x1EC60] =	vst v61;
	v61 =	vld [tilespmem:s13+$0x4B00]  }
0x75: {  	v40 =	vld [tilespmem:s13+$0x2880]  }
0x76: {  	[tilespmem:$0x1E860] =	vst v0;
	v0 =	vld [tilespmem:s13+$0xD00]  }
0x77: {  	[tilespmem:$0x1EB10] =	vst v5;
	v5 =	vld [tilespmem:s13+$0x2780]  }
0x78: {  	[tilespmem:$0x1EBF0] =	vst v30;
	v30 =	vld [tilespmem:s13+$0x4180]  }
0x79: {  	[tilespmem:$0x1EC90] =	vst v61;
	v61 =	vld [tilespmem:s13+$0x4B80]  }
0x7a: {  	v49 =	vld [tilespmem:s13+$0x2900]  }
0x7b: {  	[tilespmem:$0x1E870] =	vst v0;
	v0 =	vld [tilespmem:s13+$0xD80]  }
0x7c: {  	[tilespmem:$0x1EB40] =	vst v5;
	v5 =	vld [tilespmem:s13+$0x2A00]  }
0x7d: {  	[tilespmem:$0x1EC10] =	vst v30;
	v30 =	vld [tilespmem:s13+$0x4200]  }
0x7e: {  	[tilespmem:$0x1ECC0] =	vst v61;
	v61 =	vld [tilespmem:s13+$0x4C00]  }
0x7f: {  	v59 =	vld [tilespmem:s13+$0x2980]  }
0x80: {  	[tilespmem:$0x1E890] =	vst v0;
	v0 =	vld [tilespmem:s13+$0xE00]  }
0x81: {  	[tilespmem:$0x1E9C0] =	vst v5;
	v5 =	vld [tilespmem:s13+$0x2A80]  }
0x82: {  	[tilespmem:$0x1EC30] =	vst v30;
	v30 =	vld [tilespmem:s13+$0x4280]  }
0x83: {  	[tilespmem:$0x1ECF0] =	vst v61;
	v61 =	vld [tilespmem:s13+$0x4C80]  }
0x84: {  	v7 =	vld [tilespmem:s13+$0x3000]  }
0x85: {  	[tilespmem:$0x1E8B0] =	vst v0;
	v0 =	vld [tilespmem:s13+$0xE80]  }
0x86: {  	[tilespmem:$0x1E9E0] =	vst v5;
	v5 =	vld [tilespmem:s13+$0x2B00]  }
0x87: {  	[tilespmem:$0x1EC50] =	vst v30;
	v30 =	vld [tilespmem:s13+$0x4300]  }
0x88: {  	[tilespmem:$0x1ED20] =	vst v61;
	v61 =	vld [tilespmem:s13+$0x4D00]  }
0x89: {  	v11 =	vld [tilespmem:s13+$0x3100]  }
0x8a: {  	[tilespmem:$0x1E8D0] =	vst v0;
	v0 =	vld [tilespmem:s13+$0xF00]  }
0x8b: {  	[tilespmem:$0x1EA00] =	vst v5;
	v5 =	vld [tilespmem:s13+$0x2B80]  }
0x8c: {  	[tilespmem:$0x1EC80] =	vst v30;
	v30 =	vld [tilespmem:s13+$0x4380]  }
0x8d: {  	[tilespmem:$0x1ED50] =	vst v61;
	v61 =	vld [tilespmem:s13+$0x4D80]  }
0x8e: {  	v20 =	vld [tilespmem:s13+$0x3180]  }
0x8f: {  	[tilespmem:$0x1E8F0] =	vst v0;
	v0 =	vld [tilespmem:s13+$0xF80]  }
0x90: {  	[tilespmem:$0x1EA20] =	vst v5;
	v5 =	vld [tilespmem:s13+$0x2C00]  }
0x91: {  	[tilespmem:$0x1ECB0] =	vst v30;
	v30 =	vld [tilespmem:s13+$0x4400]  }
0x92: {  	[tilespmem:$0x1ED80] =	vst v61;
	v61 =	vld [tilespmem:s13+$0x4E00]  }
0x93: {  	v24 =	vld [tilespmem:s13+$0x3200]  }
0x94: {  	[tilespmem:$0x1E910] =	vst v0;
	v0 =	vld [tilespmem:s13+$0x1480]  }
0x95: {  	[tilespmem:$0x1EA40] =	vst v5;
	v5 =	vld [tilespmem:s13+$0x2C80]  }
0x96: {  	[tilespmem:$0x1ECE0] =	vst v30;
	v30 =	vld [tilespmem:s13+$0x4480]  }
0x97: {  	[tilespmem:$0x1EDB0] =	vst v61;
	v61 =	vld [tilespmem:s13+$0x4E80]  }
0x98: {  	v29 =	vld [tilespmem:s13+$0x3280]  }
0x99: {  	[tilespmem:$0x1E880] =	vst v0;
	v0 =	vld [tilespmem:s13+$0x1500]  }
0x9a: {  	[tilespmem:$0x1EA60] =	vst v5;
	v5 =	vld [tilespmem:s13+$0x2D00]  }
0x9b: {  	[tilespmem:$0x1ED10] =	vst v30;
	v30 =	vld [tilespmem:s13+$0x4500]  }
0x9c: {  	[tilespmem:$0x1EDE0] =	vst v61;
	v61 =	vld [tilespmem:s13+$0x4F00]  }
0x9d: {  	v41 =	vld [tilespmem:s13+$0x3300]  }
0x9e: {  	[tilespmem:$0x1E8A0] =	vst v0;
	v0 =	vld [tilespmem:s13+$0x1580]  }
0x9f: {  	[tilespmem:$0x1EA90] =	vst v5;
	v5 =	vld [tilespmem:s13+$0x2D80]  }
0xa0: {  	[tilespmem:$0x1ED40] =	vst v30;
	v30 =	vld [tilespmem:s13+$0x4580]  }
0xa1: {  	[tilespmem:$0x1EE10] =	vst v61;
	v61 =	vld [tilespmem:s13+$0x4F80]  }
0xa2: {  	v50 =	vld [tilespmem:s13+$0x3380]  }
0xa3: {  	[tilespmem:$0x1E8C0] =	vst v0;
	v0 =	vld [tilespmem:s13+$0x1600]  }
0xa4: {  	[tilespmem:$0x1EAC0] =	vst v5;
	v5 =	vld [tilespmem:s13+$0x2E00]  }
0xa5: {  	[tilespmem:$0x1ED70] =	vst v30;
	v30 =	vld [tilespmem:s13+$0x4600]  }
0xa6: {  	[tilespmem:$0x1EE30] =	vst v61;
	v61 =	vld [tilespmem:s13+$0x5000]  }
0xa7: {  	v55 =	vld [tilespmem:s13+$0x3400]  }
0xa8: {  	[tilespmem:$0x1E8E0] =	vst v0;
	v0 =	vld [tilespmem:s13+$0x1680]  }
0xa9: {  	[tilespmem:$0x1EAF0] =	vst v5;
	v5 =	vld [tilespmem:s13+$0x2E80]  }
0xaa: {  	[tilespmem:$0x1EDA0] =	vst v30;
	v30 =	vld [tilespmem:s13+$0x4680]  }
0xab: {  	[tilespmem:$0x1EE40] =	vst v61;
	v61 =	vld [tilespmem:s13+$0x5080]  }
0xac: {  	v35 =	vld [tilespmem:s13+$0x4800]  }
0xad: {  	[tilespmem:$0x1E900] =	vst v0;
	v0 =	vld [tilespmem:s13+$0x1700]  }
0xae: {  	[tilespmem:$0x1EB20] =	vst v5;
	v5 =	vld [tilespmem:s13+$0x2F00]  }
0xaf: {  	[tilespmem:$0x1EDD0] =	vst v30;
	v30 =	vld [tilespmem:s13+$0x4700]  }
0xb0: {  	[tilespmem:$0x1EE50] =	vst v61;
	v61 =	vld [tilespmem:s13+$0x5100]  }
0xb1: {  	v39 =	vld [tilespmem:s13+$0x4900]  }
0xb2: {  	[tilespmem:$0x1E920] =	vst v0;
	v0 =	vld [tilespmem:s13+$0x1780]  }
0xb3: {  	[tilespmem:$0x1EB50] =	vst v5;
	v5 =	vld [tilespmem:s13+$0x2F80]  }
0xb4: {  	[tilespmem:$0x1EE00] =	vst v30;
	v30 =	vld [tilespmem:s13+$0x4780]  }
0xb5: {  	[tilespmem:$0x1EE60] =	vst v61;
	v61 =	vld [tilespmem:s13+$0x5180]  }
0xb6: {  	v51 =	vld [tilespmem:s13+$0x4980]  }
0xb7: {  	v58 =	vld [tilespmem:s13+$0x4A00];
	[tilespmem:$0x1E940] =	vst v0  }
0xb8: {  	v0 =	vld [tilespmem:s13+$0x1880];
	[tilespmem:$0x1EB70] =	vst v5  }
0xb9: {  	v5 =	vld [tilespmem:s13+$0x3080];
	[tilespmem:$0x1EE20] =	vst v30  }
0xba: {  	v30 =	vld [tilespmem:s13+$0x4880];
	[tilespmem:$0x1EEB0] =	vst v61  }
0xbb: {  	v61 =	vld [tilespmem:s13+$0x5200];
	_ =	sdelay $0x4  }
0xbc: {  	[tilespmem:$0x1EEE0] =	vst v61;
	v61 =	vld [tilespmem:s13+$0x5280];
	_ =	sdelay $0x4  }
0xbd: {  	[tilespmem:$0x1EF10] =	vst v61;
	v61 =	vld [tilespmem:s13+$0x5300];
	_ =	sdelay $0x4  }
0xbe: {  	[tilespmem:$0x1EF40] =	vst v61;
	v61 =	vld [tilespmem:s13+$0x5380];
	_ =	sdelay $0x4  }
0xbf: {  	[tilespmem:$0x1EF70] =	vst v61;
	v61 =	vld [tilespmem:s13+$0x5400];
	_ =	sdelay $0x4  }
0xc0: {  	[tilespmem:$0x1EFA0] =	vst v61;
	v61 =	vld [tilespmem:s13+$0x5480];
	_ =	sdelay $0x4  }
0xc1: {  	[tilespmem:$0x1EFD0] =	vst v61;
	v61 =	vld [tilespmem:s13+$0x5500];
	_ =	sdelay $0x4  }
0xc2: {  	[tilespmem:$0x1F000] =	vst v61;
	v61 =	vld [tilespmem:s13+$0x5580];
	_ =	sdelay $0x4  }
0xc3: {  	[tilespmem:$0x1F030] =	vst v61;
	v61 =	vld [tilespmem:s13+$0x5600];
	_ =	sdelay $0x4  }
0xc4: {  	[tilespmem:$0x1F060] =	vst v61;
	v61 =	vld [tilespmem:s13+$0x5680];
	_ =	sdelay $0x4  }
0xc5: {  	[tilespmem:$0x1F090] =	vst v61;
	v61 =	vld [tilespmem:s13+$0x5700];
	_ =	sdelay $0x4  }
0xc6: {  	[tilespmem:$0x1F0C0] =	vst v61;
	v61 =	vld [tilespmem:s13+$0x5780];
	_ =	sdelay $0x4  }
0xc7: {  	[tilespmem:$0x1F0F0] =	vst v61;
	v61 =	vld [tilespmem:s13+$0x5800];
	_ =	sdelay $0x4  }
0xc8: {  	[tilespmem:$0x1EE70] =	vst v61;
	v61 =	vld [tilespmem:s13+$0x5880];
	_ =	sdelay $0x4  }
0xc9: {  	[tilespmem:$0x1EE80] =	vst v61;
	v61 =	vld [tilespmem:s13+$0x5900];
	_ =	sdelay $0x4  }
0xca: {  	[tilespmem:$0x1EEC0] =	vst v61;
	v61 =	vld [tilespmem:s13+$0x5980];
	_ =	sdelay $0x4  }
0xcb: {  	[tilespmem:$0x1EEF0] =	vst v61;
	v61 =	vld [tilespmem:s13+$0x5A00];
	_ =	sdelay $0x4  }
0xcc: {  	[tilespmem:$0x1EF20] =	vst v61;
	v61 =	vld [tilespmem:s13+$0x5A80];
	_ =	sdelay $0x4  }
0xcd: {  	[tilespmem:$0x1EF50] =	vst v61;
	v61 =	vld [tilespmem:s13+$0x5B00];
	_ =	sdelay $0x4  }
0xce: {  	[tilespmem:$0x1EF80] =	vst v61;
	v61 =	vld [tilespmem:s13+$0x5B80];
	_ =	sdelay $0x4  }
0xcf: {  	[tilespmem:$0x1EFB0] =	vst v61;
	v61 =	vld [tilespmem:s13+$0x5C00];
	_ =	sdelay $0x4  }
0xd0: {  	[tilespmem:$0x1EFE0] =	vst v61;
	v61 =	vld [tilespmem:s13+$0x5C80];
	_ =	sdelay $0x4  }
0xd1: {  	[tilespmem:$0x1F010] =	vst v61;
	v61 =	vld [tilespmem:s13+$0x5D00];
	_ =	sdelay $0x4  }
0xd2: {  	[tilespmem:$0x1F040] =	vst v61;
	v61 =	vld [tilespmem:s13+$0x5D80];
	_ =	sdelay $0x4  }
0xd3: {  	[tilespmem:$0x1F070] =	vst v61;
	v61 =	vld [tilespmem:s13+$0x5E00];
	_ =	sdelay $0x4  }
0xd4: {  	[tilespmem:$0x1F0A0] =	vst v61;
	v61 =	vld [tilespmem:s13+$0x5E80];
	_ =	sdelay $0x4  }
0xd5: {  	[tilespmem:$0x1F0D0] =	vst v61;
	v61 =	vld [tilespmem:s13+$0x5F00];
	_ =	sdelay $0x4  }
0xd6: {  	[tilespmem:$0x1F100] =	vst v61;
	v61 =	vld [tilespmem:s13+$0x5F80];
	_ =	sdelay $0x4  }
0xd7: {  	[tilespmem:$0x1F120] =	vst v61;
	v61 =	vld [tilespmem:s13+$0x6000];
	_ =	sdelay $0x4  }
0xd8: {  	[tilespmem:$0x1EE90] =	vst v61;
	v61 =	vld [tilespmem:s13+$0x6080];
	_ =	sdelay $0x4  }
0xd9: {  	[tilespmem:$0x1EEA0] =	vst v61;
	v61 =	vld [tilespmem:s13+$0x6100];
	_ =	sdelay $0x4  }
0xda: {  	[tilespmem:$0x1EED0] =	vst v61;
	v61 =	vld [tilespmem:s13+$0x6180];
	_ =	sdelay $0x4  }
0xdb: {  	[tilespmem:$0x1EF00] =	vst v61;
	v61 =	vld [tilespmem:s13+$0x6200];
	_ =	sdelay $0x4  }
0xdc: {  	[tilespmem:$0x1EF30] =	vst v61;
	v61 =	vld [tilespmem:s13+$0x6280];
	_ =	sdelay $0x4  }
0xdd: {  	[tilespmem:$0x1EF60] =	vst v61;
	v61 =	vld [tilespmem:s13+$0x6300];
	_ =	sdelay $0x4  }
0xde: {  	[tilespmem:$0x1EF90] =	vst v61;
	v61 =	vld [tilespmem:s13+$0x6380];
	_ =	sdelay $0x4  }
0xdf: {  	[tilespmem:$0x1EFC0] =	vst v61;
	v61 =	vld [tilespmem:s13+$0x6400];
	_ =	sdelay $0x4  }
0xe0: {  	[tilespmem:$0x1EFF0] =	vst v61;
	v61 =	vld [tilespmem:s13+$0x6480];
	_ =	sdelay $0x4  }
0xe1: {  	[tilespmem:$0x1F020] =	vst v61;
	v61 =	vld [tilespmem:s13+$0x6500];
	_ =	sdelay $0x4  }
0xe2: {  	[tilespmem:$0x1F050] =	vst v61;
	v61 =	vld [tilespmem:s13+$0x6580];
	_ =	sdelay $0x4  }
0xe3: {  	[tilespmem:$0x1F080] =	vst v61;
	v61 =	vld [tilespmem:s13+$0x6600];
	_ =	sdelay $0x4  }
0xe4: {  	[tilespmem:$0x1F0B0] =	vst v61;
	v61 =	vld [tilespmem:s13+$0x6680];
	_ =	sdelay $0x4  }
0xe5: {  	[tilespmem:$0x1F0E0] =	vst v61;
	v61 =	vld [tilespmem:s13+$0x6700];
	_ =	sdelay $0x4  }
0xe6: {  	[tilespmem:$0x1F110] =	vst v61;
	v61 =	vld [tilespmem:s13+$0x6780];
	_ =	sdelay $0x4  }
0xe7: {  	[tilespmem:$0x1F130] =	vst v61;
	v61 =	vld [tilespmem:s13+$0x6800];
	_ =	sdelay $0x4  }
0xe8: {  	[tilespmem:$0x1F140] =	vst v61;
	v61 =	vld [tilespmem:s13+$0x6880];
	_ =	sdelay $0x4  }
0xe9: {  	[tilespmem:$0x1F150] =	vst v61;
	v61 =	vld [tilespmem:s13+$0x6900];
	_ =	sdelay $0x4  }
0xea: {  	[tilespmem:$0x1F160] =	vst v61;
	v61 =	vld [tilespmem:s13+$0x6980];
	_ =	sdelay $0x4  }
0xeb: {  	[tilespmem:$0x1F1B0] =	vst v61;
	v61 =	vld [tilespmem:s13+$0x6A00];
	_ =	sdelay $0x4  }
0xec: {  	[tilespmem:$0x1F1E0] =	vst v61;
	v61 =	vld [tilespmem:s13+$0x6A80];
	_ =	sdelay $0x4  }
0xed: {  	[tilespmem:$0x1F210] =	vst v61;
	v61 =	vld [tilespmem:s13+$0x6B00];
	_ =	sdelay $0x4  }
0xee: {  	[tilespmem:$0x1F240] =	vst v61;
	v61 =	vld [tilespmem:s13+$0x6B80];
	_ =	sdelay $0x4  }
0xef: {  	[tilespmem:$0x1F270] =	vst v61;
	v61 =	vld [tilespmem:s13+$0x6C00];
	_ =	sdelay $0x4  }
0xf0: {  	[tilespmem:$0x1F2A0] =	vst v61;
	v61 =	vld [tilespmem:s13+$0x6C80];
	_ =	sdelay $0x4  }
0xf1: {  	[tilespmem:$0x1F2D0] =	vst v61;
	v61 =	vld [tilespmem:s13+$0x6D00];
	_ =	sdelay $0x4  }
0xf2: {  	[tilespmem:$0x1F300] =	vst v61;
	v61 =	vld [tilespmem:s13+$0x6D80];
	_ =	sdelay $0x4  }
0xf3: {  	[tilespmem:$0x1F330] =	vst v61;
	v61 =	vld [tilespmem:s13+$0x6E00];
	_ =	sdelay $0x4  }
0xf4: {  	[tilespmem:$0x1F360] =	vst v61;
	v61 =	vld [tilespmem:s13+$0x6E80];
	_ =	sdelay $0x4  }
0xf5: {  	[tilespmem:$0x1F390] =	vst v61;
	v61 =	vld [tilespmem:s13+$0x6F00];
	_ =	sdelay $0x4  }
0xf6: {  	[tilespmem:$0x1F3C0] =	vst v61;
	v61 =	vld [tilespmem:s13+$0x6F80];
	_ =	sdelay $0x4  }
0xf7: {  	[tilespmem:$0x1F3F0] =	vst v61;
	v61 =	vld [tilespmem:s13+$0x7000];
	_ =	sdelay $0x4  }
0xf8: {  	[tilespmem:$0x1F170] =	vst v61;
	v61 =	vld [tilespmem:s13+$0x7080];
	_ =	sdelay $0x4  }
0xf9: {  	[tilespmem:$0x1F180] =	vst v61;
	v61 =	vld [tilespmem:s13+$0x7100];
	_ =	sdelay $0x4  }
0xfa: {  	[tilespmem:$0x1F1C0] =	vst v61;
	v61 =	vld [tilespmem:s13+$0x7180];
	_ =	sdelay $0x4  }
0xfb: {  	[tilespmem:$0x1F1F0] =	vst v61;
	v61 =	vld [tilespmem:s13+$0x7200];
	_ =	sdelay $0x4  }
0xfc: {  	[tilespmem:$0x1F220] =	vst v61;
	v61 =	vld [tilespmem:s13+$0x7280];
	_ =	sdelay $0x4  }
0xfd: {  	[tilespmem:$0x1F250] =	vst v61;
	v61 =	vld [tilespmem:s13+$0x7300];
	_ =	sdelay $0x4  }
0xfe: {  	[tilespmem:$0x1F280] =	vst v61;
	v61 =	vld [tilespmem:s13+$0x7380];
	_ =	sdelay $0x4  }
0xff: {  	[tilespmem:$0x1F2B0] =	vst v61;
	v61 =	vld [tilespmem:s13+$0x7400];
	_ =	sdelay $0x4  }
0x100: {  	[tilespmem:$0x1F2E0] =	vst v61;
	v61 =	vld [tilespmem:s13+$0x7480];
	_ =	sdelay $0x4  }
0x101: {  	[tilespmem:$0x1F310] =	vst v61;
	v61 =	vld [tilespmem:s13+$0x7500];
	_ =	sdelay $0x4  }
0x102: {  	[tilespmem:$0x1F340] =	vst v61;
	v61 =	vld [tilespmem:s13+$0x7580];
	_ =	sdelay $0x4  }
0x103: {  	[tilespmem:$0x1F370] =	vst v61;
	v61 =	vld [tilespmem:s13+$0x7600];
	_ =	sdelay $0x4  }
0x104: {  	[tilespmem:$0x1F3A0] =	vst v61;
	v61 =	vld [tilespmem:s13+$0x7680];
	_ =	sdelay $0x4  }
0x105: {  	[tilespmem:$0x1F3D0] =	vst v61;
	v61 =	vld [tilespmem:s13+$0x7700];
	_ =	sdelay $0x4  }
0x106: {  	[tilespmem:$0x1F400] =	vst v61;
	v61 =	vld [tilespmem:s13+$0x7780];
	_ =	sdelay $0x4  }
0x107: {  	[tilespmem:$0x1F420] =	vst v61;
	v61 =	vld [tilespmem:s13+$0x7800];
	_ =	sdelay $0x4  }
0x108: {  	[tilespmem:$0x1F190] =	vst v61;
	v61 =	vld [tilespmem:s13+$0x7880];
	_ =	sdelay $0x4  }
0x109: {  	[tilespmem:$0x1F1A0] =	vst v61;
	v61 =	vld [tilespmem:s13+$0x7900];
	_ =	sdelay $0x4  }
0x10a: {  	[tilespmem:$0x1F1D0] =	vst v61;
	v61 =	vld [tilespmem:s13+$0x7980];
	_ =	sdelay $0x4  }
0x10b: {  	[tilespmem:$0x1F200] =	vst v61;
	v61 =	vld [tilespmem:s13+$0x7A00];
	_ =	sdelay $0x4  }
0x10c: {  	[tilespmem:$0x1F230] =	vst v61;
	v61 =	vld [tilespmem:s13+$0x7A80];
	_ =	sdelay $0x4  }
0x10d: {  	[tilespmem:$0x1F260] =	vst v61;
	v61 =	vld [tilespmem:s13+$0x7B00];
	_ =	sdelay $0x4  }
0x10e: {  	[tilespmem:$0x1F290] =	vst v61;
	v61 =	vld [tilespmem:s13+$0x7B80];
	_ =	sdelay $0x4  }
0x10f: {  	[tilespmem:$0x1F2C0] =	vst v61;
	v61 =	vld [tilespmem:s13+$0x7C00];
	_ =	sdelay $0x4  }
0x110: {  	[tilespmem:$0x1F2F0] =	vst v61;
	v61 =	vld [tilespmem:s13+$0x7C80];
	_ =	sdelay $0x4  }
0x111: {  	[tilespmem:$0x1F320] =	vst v61;
	v61 =	vld [tilespmem:s13+$0x7D00];
	_ =	sdelay $0x4  }
0x112: {  	[tilespmem:$0x1F350] =	vst v61;
	v61 =	vld [tilespmem:s13+$0x7D80];
	_ =	sdelay $0x4  }
0x113: {  	[tilespmem:$0x1F380] =	vst v61;
	v61 =	vld [tilespmem:s13+$0x7E00];
	_ =	sdelay $0x4  }
0x114: {  	[tilespmem:$0x1F3B0] =	vst v61;
	v61 =	vld [tilespmem:s13+$0x7E80];
	_ =	sdelay $0x4  }
0x115: {  	[tilespmem:$0x1F3E0] =	vst v61;
	v61 =	vld [tilespmem:s13+$0x7F00];
	_ =	sdelay $0x4  }
0x116: {  	[tilespmem:$0x1F410] =	vst v61;
	v61 =	vld [tilespmem:s13+$0x7F80];
	_ =	sdelay $0x4  }
0x117: {  	[tilespmem:$0x1F430] =	vst v61;
	v61 =	vld [tilespmem:s13+$0x8000];
	_ =	sdelay $0x4  }
0x118: {  	[tilespmem:$0x1F440] =	vst v61;
	v61 =	vld [tilespmem:s13+$0x8080];
	_ =	sdelay $0x4  }
0x119: {  	[tilespmem:$0x1F450] =	vst v61;
	v61 =	vld [tilespmem:s13+$0x8100];
	_ =	sdelay $0x4  }
0x11a: {  	[tilespmem:$0x1F460] =	vst v61;
	v61 =	vld [tilespmem:s13+$0x8180];
	_ =	sdelay $0x3  }
0x11b: {  	v8 =	vmax.f32 v12, v8  }
0x11c: {  	v8 =	vmax.f32 v8, v13;
	[tilespmem:$0x1F4B0] =	vst v61;
	v61 =	vld [tilespmem:s13+$0x8200]  }
0x11d: {  	v8 =	vmax.f32 v8, v15  }
0x11e: {  	v8 =	vmax.f32 v8, v17  }
0x11f: {  	v8 =	vmax.f32 v8, v21  }
0x120: {  	v8 =	vmax.f32 v8, v22  }
0x121: {  	v8 =	vmax.f32 v8, v25;
	[tilespmem:$0x1F4E0] =	vst v61;
	v61 =	vld [tilespmem:s13+$0x8280]  }
0x122: {  	v8 =	vmax.f32 v8, v27  }
0x123: {  	v8 =	vmax.f32 v8, v28  }
0x124: {  	v8 =	vmax.f32 v8, v31  }
0x125: {  	v8 =	vmax.f32 v8, v34  }
0x126: {  	v8 =	vmax.f32 v8, v36;
	[tilespmem:$0x1F510] =	vst v61;
	v61 =	vld [tilespmem:s13+$0x8300]  }
0x127: {  	v8 =	vmax.f32 v8, v42  }
0x128: {  	v8 =	vmax.f32 v8, v44;
	v0 =	vmax.f32 v1, v0  }
0x129: {  	v8 =	vmax.f32 v8, v48;
	v0 =	vmax.f32 v0, v2  }
0x12a: {  	v0 =	vmax.f32 v0, v3;
	[tilespmem:$0x1FDF0] =	vst v8;
	v3 =	vld [tilespmem:$0x1E820]  }
0x12b: {  	v8 =	vmax.f32 v46, v43;
	[tilespmem:$0x1F540] =	vst v61;
	v61 =	vld [tilespmem:s13+$0x8380]  }
0x12c: {  	v8 =	vmax.f32 v8, v47  }
0x12d: {  	v1 =	vmax.f32 v8, v54  }
0x12e: {  	v1 =	vmax.f32 v1, v60  }
0x12f: {  	v1 =	vmax.f32 v1, v3;
	v3 =	vld [tilespmem:$0x1E830]  }
0x130: {  	[tilespmem:$0x1F570] =	vst v61;
	v61 =	vld [tilespmem:s13+$0x8400];
	_ =	sdelay $0x3  }
0x131: {  	v1 =	vmax.f32 v1, v3;
	v3 =	vld [tilespmem:$0x1E840]  }
0x132: {  	[tilespmem:$0x1F5A0] =	vst v61;
	v61 =	vld [tilespmem:s13+$0x8480];
	_ =	sdelay $0x3  }
0x133: {  	v1 =	vmax.f32 v1, v3;
	v3 =	vld [tilespmem:$0x1E850]  }
0x134: {  	[tilespmem:$0x1F5D0] =	vst v61;
	v61 =	vld [tilespmem:s13+$0x8500];
	_ =	sdelay $0x3  }
0x135: {  	v1 =	vmax.f32 v1, v3;
	v3 =	vld [tilespmem:$0x1E860]  }
0x136: {  	[tilespmem:$0x1F600] =	vst v61;
	v61 =	vld [tilespmem:s13+$0x8580];
	_ =	sdelay $0x3  }
0x137: {  	v1 =	vmax.f32 v1, v3;
	v3 =	vld [tilespmem:$0x1E870]  }
0x138: {  	[tilespmem:$0x1F630] =	vst v61;
	v61 =	vld [tilespmem:s13+$0x8600]  }
0x139: {  	v9 =	vmax.f32 v14, v9  }
0x13a: {  	v8 =	vmax.f32 v9, v18  }
0x13b: {  	v2 =	vmax.f32 v8, v26  }
0x13c: {  	v2 =	vmax.f32 v2, v32;
	v1 =	vmax.f32 v1, v3;
	v3 =	vld [tilespmem:$0x1E880]  }
0x13d: {  	v2 =	vmax.f32 v2, v37;
	[tilespmem:$0x1F660] =	vst v61;
	v61 =	vld [tilespmem:s13+$0x8680]  }
0x13e: {  	v2 =	vmax.f32 v2, v52  }
0x13f: {  	v2 =	vmax.f32 v2, v57  }
0x140: {  	v2 =	vmax.f32 v2, v62  }
0x141: {  	v2 =	vmax.f32 v2, v3;
	v3 =	vld [tilespmem:$0x1E890]  }
0x142: {  	[tilespmem:$0x1F690] =	vst v61;
	v61 =	vld [tilespmem:s13+$0x8700];
	_ =	sdelay $0x3  }
0x143: {  	v1 =	vmax.f32 v1, v3;
	v3 =	vld [tilespmem:$0x1E8A0]  }
0x144: {  	[tilespmem:$0x1F6C0] =	vst v61;
	v61 =	vld [tilespmem:s13+$0x8780];
	_ =	sdelay $0x3  }
0x145: {  	v2 =	vmax.f32 v2, v3;
	v3 =	vld [tilespmem:$0x1E8B0]  }
0x146: {  	[tilespmem:$0x1F6F0] =	vst v61;
	v61 =	vld [tilespmem:s13+$0x8800];
	_ =	sdelay $0x3  }
0x147: {  	v1 =	vmax.f32 v1, v3;
	v3 =	vld [tilespmem:$0x1E8C0]  }
0x148: {  	[tilespmem:$0x1F470] =	vst v61;
	v61 =	vld [tilespmem:s13+$0x8880];
	_ =	sdelay $0x3  }
0x149: {  	v2 =	vmax.f32 v2, v3;
	v3 =	vld [tilespmem:s13+$0xB280]  }
0x14a: {  	[tilespmem:$0x1F480] =	vst v61;
	v61 =	vld [tilespmem:s13+$0x8900];
	_ =	sdelay $0x3  }
0x14b: {  	[tilespmem:$0x1FA00] =	vst v3;
	v3 =	vld [tilespmem:$0x1E8D0]  }
0x14c: {  	[tilespmem:$0x1F4C0] =	vst v61;
	v61 =	vld [tilespmem:s13+$0x8980];
	_ =	sdelay $0x3  }
0x14d: {  	v1 =	vmax.f32 v1, v3;
	v3 =	vld [tilespmem:$0x1E8E0]  }
0x14e: {  	[tilespmem:$0x1F4F0] =	vst v61;
	v61 =	vld [tilespmem:s13+$0x8A00];
	_ =	sdelay $0x3  }
0x14f: {  	v2 =	vmax.f32 v2, v3;
	v3 =	vld [tilespmem:s13+$0xB300]  }
0x150: {  	[tilespmem:$0x1F520] =	vst v61;
	v61 =	vld [tilespmem:s13+$0x8A80];
	_ =	sdelay $0x3  }
0x151: {  	[tilespmem:$0x1FA20] =	vst v3;
	v3 =	vld [tilespmem:$0x1E8F0]  }
0x152: {  	[tilespmem:$0x1F550] =	vst v61;
	v61 =	vld [tilespmem:s13+$0x8B00];
	_ =	sdelay $0x3  }
0x153: {  	v1 =	vmax.f32 v1, v3;
	v3 =	vld [tilespmem:$0x1E900]  }
0x154: {  	[tilespmem:$0x1F580] =	vst v61;
	v61 =	vld [tilespmem:s13+$0x8B80];
	_ =	sdelay $0x3  }
0x155: {  	v2 =	vmax.f32 v2, v3;
	v3 =	vld [tilespmem:s13+$0xB400]  }
0x156: {  	[tilespmem:$0x1F5B0] =	vst v61;
	v61 =	vld [tilespmem:s13+$0x8C00];
	_ =	sdelay $0x3  }
0x157: {  	[tilespmem:$0x1FA80] =	vst v3;
	v3 =	vld [tilespmem:$0x1E910]  }
0x158: {  	[tilespmem:$0x1F5E0] =	vst v61;
	v61 =	vld [tilespmem:s13+$0x8C80];
	_ =	sdelay $0x3  }
0x159: {  	v0 =	vmax.f32 v0, v4;
	v37 =	vmax.f32 v1, v3;
	v1 =	vld [tilespmem:$0x1E920]  }
0x15a: {  	v0 =	vmax.f32 v0, v6;
	[tilespmem:$0x1F610] =	vst v61;
	v61 =	vld [tilespmem:s13+$0x8D00]  }
0x15b: {  	v0 =	vmax.f32 v0, v10  }
0x15c: {  	v0 =	vmax.f32 v0, v19  }
0x15d: {  	v0 =	vmax.f32 v0, v23  }
0x15e: {  	v0 =	vmax.f32 v0, v33;
	v1 =	vmax.f32 v2, v1;
	v2 =	vld [tilespmem:$0x1E930]  }
0x15f: {  	v0 =	vmax.f32 v0, v38;
	[tilespmem:$0x1F640] =	vst v61;
	v61 =	vld [tilespmem:s13+$0x8D80]  }
0x160: {  	v0 =	vmax.f32 v0, v53  }
0x161: {  	v0 =	vmax.f32 v0, v56  }
0x162: {  	v0 =	vmax.f32 v0, v63  }
0x163: {  	v0 =	vmax.f32 v0, v2;
	v2 =	vld [tilespmem:s13+$0xB480]  }
0x164: {  	[tilespmem:$0x1F670] =	vst v61;
	v61 =	vld [tilespmem:s13+$0x8E00];
	_ =	sdelay $0x2  }
0x165: {  	v36 =	vld [tilespmem:s13+$0xA680]  }
0x166: {  	[tilespmem:$0x1FAB0] =	vst v2;
	v2 =	vld [tilespmem:$0x1E940]  }
0x167: {  	[tilespmem:$0x1F6A0] =	vst v61;
	v61 =	vld [tilespmem:s13+$0x8E80];
	_ =	sdelay $0x3  }
0x168: {  	[tilespmem:$0x1F960] =	vst v36;
	v36 =	vmax.f32 v1, v2;
	v1 =	vld [tilespmem:$0x1E950]  }
0x169: {  	[tilespmem:$0x1F6D0] =	vst v61;
	v61 =	vld [tilespmem:s13+$0x8F00];
	_ =	sdelay $0x3  }
0x16a: {  	v0 =	vmax.f32 v0, v1;
	v1 =	vld [tilespmem:$0x1E970]  }
0x16b: {  	[tilespmem:$0x1F700] =	vst v61;
	v61 =	vld [tilespmem:s13+$0x8F80]  }
0x16c: {  	[tilespmem:$0x1FE00] =	vst v0;
	v0 =	vld [tilespmem:$0x1E960];
	_ =	sdelay $0x3  }
0x16d: {  	[tilespmem:$0x1F720] =	vst v61;
	v61 =	vld [tilespmem:s13+$0x9000]  }
0x16e: {  	v0 =	vmax.f32 v0, v1;
	v1 =	vld [tilespmem:s13+$0xB500]  }
0x16f: {  	v3 =	vld [tilespmem:s13+$0xB580];
	_ =	sdelay $0x2  }
0x170: {  	[tilespmem:$0x1F490] =	vst v61;
	v61 =	vld [tilespmem:s13+$0x9080]  }
0x171: {  	[tilespmem:$0x1FAE0] =	vst v1;
	v1 =	vld [tilespmem:$0x1E980]  }
0x172: {  	[tilespmem:$0x1FB10] =	vst v3;
	v3 =	vld [tilespmem:$0x1E990];
	_ =	sdelay $0x2  }
0x173: {  	[tilespmem:$0x1F4A0] =	vst v61;
	v61 =	vld [tilespmem:s13+$0x9100]  }
0x174: {  	v0 =	vmax.f32 v0, v1  }
0x175: {  	v0 =	vmax.f32 v0, v3;
	v3 =	vld [tilespmem:s13+$0xB700];
	_ =	sdelay $0x2  }
0x176: {  	[tilespmem:$0x1F4D0] =	vst v61;
	v61 =	vld [tilespmem:s13+$0x9180];
	_ =	sdelay $0x1  }
0x177: {  	[tilespmem:$0x1FB90] =	vst v3;
	v3 =	vld [tilespmem:$0x1E9A0];
	_ =	sdelay $0x2  }
0x178: {  	[tilespmem:$0x1F500] =	vst v61;
	v61 =	vld [tilespmem:s13+$0x9200];
	_ =	sdelay $0x1  }
0x179: {  	v0 =	vmax.f32 v0, v3;
	v3 =	vld [tilespmem:s13+$0xB780];
	_ =	sdelay $0x2  }
0x17a: {  	[tilespmem:$0x1F530] =	vst v61;
	v61 =	vld [tilespmem:s13+$0x9280];
	_ =	sdelay $0x1  }
0x17b: {  	[tilespmem:$0x1FBC0] =	vst v3;
	v3 =	vld [tilespmem:$0x1E9B0];
	_ =	sdelay $0x2  }
0x17c: {  	[tilespmem:$0x1F560] =	vst v61;
	v61 =	vld [tilespmem:s13+$0x9300];
	_ =	sdelay $0x1  }
0x17d: {  	v0 =	vmax.f32 v0, v3;
	v3 =	vld [tilespmem:$0x1E9C0];
	_ =	sdelay $0x1  }
0x17e: {  	v1 =	vmax.f32 v45, v40  }
0x17f: {  	v1 =	vmax.f32 v1, v49;
	[tilespmem:$0x1F590] =	vst v61;
	v61 =	vld [tilespmem:s13+$0x9B00]  }
0x180: {  	v1 =	vmax.f32 v1, v59  }
0x181: {  	v1 =	vmax.f32 v1, v3;
	v3 =	vld [tilespmem:$0x1E9D0];
	_ =	sdelay $0x2  }
0x182: {  	[tilespmem:$0x1F7F0] =	vst v61;
	v61 =	vld [tilespmem:s13+$0x9380];
	_ =	sdelay $0x1  }
0x183: {  	v0 =	vmax.f32 v0, v3;
	v3 =	vld [tilespmem:$0x1E9E0];
	_ =	sdelay $0x2  }
0x184: {  	[tilespmem:$0x1F5C0] =	vst v61;
	v61 =	vld [tilespmem:s13+$0x9400];
	_ =	sdelay $0x1  }
0x185: {  	v1 =	vmax.f32 v1, v3;
	v3 =	vld [tilespmem:s13+$0xB900];
	_ =	sdelay $0x2  }
0x186: {  	[tilespmem:$0x1F5F0] =	vst v61;
	v61 =	vld [tilespmem:s13+$0xAA80];
	_ =	sdelay $0x1  }
0x187: {  	[tilespmem:$0x1F9C0] =	vst v3;
	v3 =	vld [tilespmem:$0x1E9F0];
	_ =	sdelay $0x2  }
0x188: {  	[tilespmem:$0x1F810] =	vst v61;
	v61 =	vld [tilespmem:s13+$0x9480];
	_ =	sdelay $0x1  }
0x189: {  	v0 =	vmax.f32 v0, v3;
	v3 =	vld [tilespmem:$0x1EA00];
	_ =	sdelay $0x2  }
0x18a: {  	[tilespmem:$0x1F620] =	vst v61;
	v61 =	vld [tilespmem:s13+$0x9500];
	_ =	sdelay $0x1  }
0x18b: {  	v1 =	vmax.f32 v1, v3;
	v3 =	vld [tilespmem:s13+$0xB980];
	_ =	sdelay $0x2  }
0x18c: {  	[tilespmem:$0x1F650] =	vst v61;
	v61 =	vld [tilespmem:s13+$0x9580];
	_ =	sdelay $0x1  }
0x18d: {  	[tilespmem:$0x1F9E0] =	vst v3;
	v3 =	vld [tilespmem:$0x1EA10];
	_ =	sdelay $0x2  }
0x18e: {  	[tilespmem:$0x1F680] =	vst v61;
	v61 =	vld [tilespmem:s13+$0x9600];
	_ =	sdelay $0x1  }
0x18f: {  	v0 =	vmax.f32 v0, v3;
	v3 =	vld [tilespmem:$0x1EA20];
	_ =	sdelay $0x2  }
0x190: {  	[tilespmem:$0x1F6B0] =	vst v61;
	v61 =	vld [tilespmem:s13+$0x9680];
	_ =	sdelay $0x1  }
0x191: {  	v1 =	vmax.f32 v1, v3;
	v3 =	vld [tilespmem:s13+$0xBA00];
	_ =	sdelay $0x2  }
0x192: {  	[tilespmem:$0x1F6E0] =	vst v61;
	v61 =	vld [tilespmem:s13+$0x9700];
	_ =	sdelay $0x1  }
0x193: {  	[tilespmem:$0x1FA10] =	vst v3;
	v3 =	vld [tilespmem:$0x1EA30];
	_ =	sdelay $0x2  }
0x194: {  	[tilespmem:$0x1F710] =	vst v61;
	v61 =	vld [tilespmem:s13+$0x9780];
	_ =	sdelay $0x1  }
0x195: {  	v0 =	vmax.f32 v0, v3;
	v3 =	vld [tilespmem:$0x1EA40];
	_ =	sdelay $0x2  }
0x196: {  	[tilespmem:$0x1F730] =	vst v61;
	v61 =	vld [tilespmem:s13+$0xB380];
	_ =	sdelay $0x1  }
0x197: {  	v1 =	vmax.f32 v1, v3;
	v3 =	vld [tilespmem:s13+$0xBB00];
	_ =	sdelay $0x2  }
0x198: {  	[tilespmem:$0x1FA50] =	vst v61;
	v61 =	vld [tilespmem:s13+$0x9800];
	_ =	sdelay $0x1  }
0x199: {  	[tilespmem:$0x1FA60] =	vst v3;
	v3 =	vld [tilespmem:$0x1EA50];
	_ =	sdelay $0x2  }
0x19a: {  	[tilespmem:$0x1F740] =	vst v61;
	v61 =	vld [tilespmem:s13+$0xB600];
	_ =	sdelay $0x1  }
0x19b: {  	v0 =	vmax.f32 v0, v3;
	v3 =	vld [tilespmem:$0x1EA60];
	_ =	sdelay $0x1  }
0x19c: {  	v2 =	vmax.f32 v7, v5  }
0x19d: {  	v2 =	vmax.f32 v2, v11;
	[tilespmem:$0x1FB40] =	vst v61;
	v61 =	vld [tilespmem:s13+$0x9880]  }
0x19e: {  	v2 =	vmax.f32 v2, v20  }
0x19f: {  	v2 =	vmax.f32 v2, v24;
	v1 =	vmax.f32 v1, v3;
	v3 =	vld [tilespmem:$0x1EA70]  }
0x1a0: {  	v2 =	vmax.f32 v2, v29  }
0x1a1: {  	v2 =	vmax.f32 v2, v41  }
0x1a2: {  	v2 =	vmax.f32 v2, v50;
	[tilespmem:$0x1F750] =	vst v61;
	v61 =	vld [tilespmem:s13+$0xB680]  }
0x1a3: {  	v2 =	vmax.f32 v2, v55  }
0x1a4: {  	v2 =	vmax.f32 v2, v3;
	v3 =	vld [tilespmem:s13+$0xBB80];
	_ =	sdelay $0x2  }
0x1a5: {  	[tilespmem:$0x1FB60] =	vst v61;
	v61 =	vld [tilespmem:s13+$0x9900];
	_ =	sdelay $0x1  }
0x1a6: {  	[tilespmem:$0x1FA90] =	vst v3;
	v3 =	vld [tilespmem:$0x1EA80];
	_ =	sdelay $0x2  }
0x1a7: {  	[tilespmem:$0x1F760] =	vst v61;
	v61 =	vld [tilespmem:s13+$0x9980];
	_ =	sdelay $0x1  }
0x1a8: {  	v0 =	vmax.f32 v0, v3;
	v3 =	vld [tilespmem:$0x1EA90];
	_ =	sdelay $0x2  }
0x1a9: {  	[tilespmem:$0x1F790] =	vst v61;
	v61 =	vld [tilespmem:s13+$0x9A00];
	_ =	sdelay $0x1  }
0x1aa: {  	v1 =	vmax.f32 v1, v3;
	v3 =	vld [tilespmem:$0x1EAA0];
	_ =	sdelay $0x2  }
0x1ab: {  	[tilespmem:$0x1F7B0] =	vst v61;
	v61 =	vld [tilespmem:s13+$0xBA80];
	_ =	sdelay $0x1  }
0x1ac: {  	v2 =	vmax.f32 v2, v3;
	v3 =	vld [tilespmem:s13+$0xBC00];
	_ =	sdelay $0x2  }
0x1ad: {  	[tilespmem:$0x1FA30] =	vst v61;
	v61 =	vld [tilespmem:s13+$0x9A80];
	_ =	sdelay $0x1  }
0x1ae: {  	[tilespmem:$0x1FAC0] =	vst v3;
	v3 =	vld [tilespmem:$0x1EAB0];
	_ =	sdelay $0x2  }
0x1af: {  	[tilespmem:$0x1F7D0] =	vst v61;
	v61 =	vld [tilespmem:s13+$0xB880];
	_ =	sdelay $0x1  }
0x1b0: {  	v0 =	vmax.f32 v0, v3;
	v3 =	vld [tilespmem:$0x1EAC0];
	_ =	sdelay $0x2  }
0x1b1: {  	[tilespmem:$0x1F9B0] =	vst v61;
	v61 =	vld [tilespmem:s13+$0x9B80];
	_ =	sdelay $0x1  }
0x1b2: {  	v1 =	vmax.f32 v1, v3;
	v3 =	vld [tilespmem:$0x1EAD0];
	_ =	sdelay $0x2  }
0x1b3: {  	[tilespmem:$0x1F820] =	vst v61;
	v61 =	vld [tilespmem:s13+$0xB000];
	_ =	sdelay $0x1  }
0x1b4: {  	v2 =	vmax.f32 v2, v3;
	v3 =	vld [tilespmem:s13+$0xBC80];
	_ =	sdelay $0x2  }
0x1b5: {  	[tilespmem:$0x1F9A0] =	vst v61;
	v61 =	vld [tilespmem:s13+$0x9C00];
	_ =	sdelay $0x1  }
0x1b6: {  	[tilespmem:$0x1FAF0] =	vst v3;
	v3 =	vld [tilespmem:$0x1EAE0];
	_ =	sdelay $0x2  }
0x1b7: {  	[tilespmem:$0x1F850] =	vst v61;
	v61 =	vld [tilespmem:s13+$0xAF00];
	_ =	sdelay $0x1  }
0x1b8: {  	v0 =	vmax.f32 v0, v3;
	v3 =	vld [tilespmem:$0x1EAF0];
	_ =	sdelay $0x2  }
0x1b9: {  	[tilespmem:$0x1F990] =	vst v61;
	v61 =	vld [tilespmem:s13+$0x9C80];
	_ =	sdelay $0x1  }
0x1ba: {  	v1 =	vmax.f32 v1, v3;
	v3 =	vld [tilespmem:$0x1EB00];
	_ =	sdelay $0x2  }
0x1bb: {  	[tilespmem:$0x1F880] =	vst v61;
	v61 =	vld [tilespmem:s13+$0xAE80];
	_ =	sdelay $0x1  }
0x1bc: {  	v2 =	vmax.f32 v2, v3;
	v3 =	vld [tilespmem:$0x1EB10];
	_ =	sdelay $0x2  }
0x1bd: {  	[tilespmem:$0x1F970] =	vst v61;
	v61 =	vld [tilespmem:s13+$0x9D00];
	_ =	sdelay $0x1  }
0x1be: {  	v0 =	vmax.f32 v0, v3;
	v3 =	vld [tilespmem:$0x1EB20];
	_ =	sdelay $0x2  }
0x1bf: {  	[tilespmem:$0x1F8B0] =	vst v61;
	v61 =	vld [tilespmem:s13+$0xAE00];
	_ =	sdelay $0x1  }
0x1c0: {  	v1 =	vmax.f32 v1, v3;
	v3 =	vld [tilespmem:$0x1EB30];
	_ =	sdelay $0x2  }
0x1c1: {  	[tilespmem:$0x1F940] =	vst v61;
	v61 =	vld [tilespmem:s13+$0x9D80];
	_ =	sdelay $0x1  }
0x1c2: {  	v2 =	vmax.f32 v2, v3;
	v3 =	vld [tilespmem:s13+$0xBD00];
	_ =	sdelay $0x2  }
0x1c3: {  	[tilespmem:$0x1F8E0] =	vst v61;
	v61 =	vld [tilespmem:s13+$0xAD80];
	_ =	sdelay $0x1  }
0x1c4: {  	[tilespmem:$0x1FB20] =	vst v3;
	v3 =	vld [tilespmem:$0x1EB40];
	_ =	sdelay $0x2  }
0x1c5: {  	[tilespmem:$0x1F910] =	vst v61;
	v61 =	vld [tilespmem:s13+$0x9E00];
	_ =	sdelay $0x1  }
0x1c6: {  	v0 =	vmax.f32 v0, v3  }
0x1c7: {  	[tilespmem:$0x1FE10] =	vst v0;
	v0 =	vld [tilespmem:$0x1EB50];
	_ =	sdelay $0x1  }
0x1c8: {  	[tilespmem:$0x1F900] =	vst v61;
	v61 =	vld [tilespmem:s13+$0xAD00];
	_ =	sdelay $0x2  }
0x1c9: {  	v0 =	vmax.f32 v1, v0;
	v1 =	vld [tilespmem:$0x1EB60];
	_ =	sdelay $0x1  }
0x1ca: {  	[tilespmem:$0x1F8F0] =	vst v61;
	v61 =	vld [tilespmem:s13+$0x9E80];
	_ =	sdelay $0x2  }
0x1cb: {  	v1 =	vmax.f32 v2, v1;
	v2 =	vld [tilespmem:s13+$0xBE00];
	_ =	sdelay $0x1  }
0x1cc: {  	[tilespmem:$0x1F920] =	vst v61;
	v61 =	vld [tilespmem:s13+$0xAC80];
	_ =	sdelay $0x2  }
0x1cd: {  	[tilespmem:$0x1FB70] =	vst v2;
	v2 =	vld [tilespmem:$0x1EB70];
	_ =	sdelay $0x1  }
0x1ce: {  	[tilespmem:$0x1F8D0] =	vst v61;
	v61 =	vld [tilespmem:s13+$0x9F00];
	_ =	sdelay $0x2  }
0x1cf: {  	v18 =	vmax.f32 v0, v2;
	v0 =	vld [tilespmem:$0x1EB80];
	_ =	sdelay $0x1  }
0x1d0: {  	[tilespmem:$0x1F950] =	vst v61;
	v61 =	vld [tilespmem:s13+$0xAC00];
	_ =	sdelay $0x2  }
0x1d1: {  	v17 =	vmax.f32 v1, v0;
	v0 =	vld [tilespmem:$0x1EB90]  }
0x1d2: {  	v1 =	vld [tilespmem:$0x1EBA0]  }
0x1d3: {  	[tilespmem:$0x1F8A0] =	vst v61;
	v61 =	vld [tilespmem:s13+$0x9F80];
	_ =	sdelay $0x3  }
0x1d4: {  	v0 =	vmax.f32 v0, v1;
	v1 =	vld [tilespmem:s13+$0xBE80]  }
0x1d5: {  	[tilespmem:$0x1F980] =	vst v61;
	v61 =	vld [tilespmem:s13+$0xAB80]  }
0x1d6: {  	v3 =	vld [tilespmem:s13+$0xBF00];
	_ =	sdelay $0x2  }
0x1d7: {  	[tilespmem:$0x1FBA0] =	vst v1;
	v1 =	vld [tilespmem:$0x1EBB0]  }
0x1d8: {  	[tilespmem:$0x1F870] =	vst v61;
	v61 =	vld [tilespmem:s13+$0xA000]  }
0x1d9: {  	[tilespmem:$0x1FBD0] =	vst v3;
	v3 =	vld [tilespmem:$0x1EBE0];
	_ =	sdelay $0x1  }
0x1da: {  	v2 =	vld [tilespmem:$0x1EBD0]  }
0x1db: {  	v0 =	vmax.f32 v0, v1;
	v1 =	vld [tilespmem:$0x1EBC0]  }
0x1dc: {  	[tilespmem:$0x1F770] =	vst v61;
	v61 =	vld [tilespmem:s13+$0xAB00]  }
0x1dd: {  	v0 =	vmax.f32 v0, v3;
	v3 =	vld [tilespmem:$0x1EBF0];
	_ =	sdelay $0x3  }
0x1de: {  	v1 =	vmax.f32 v1, v2;
	[tilespmem:$0x1F840] =	vst v61;
	v61 =	vld [tilespmem:s13+$0xA080]  }
0x1df: {  	v1 =	vmax.f32 v1, v3;
	v3 =	vld [tilespmem:s13+$0xBF80];
	_ =	sdelay $0x3  }
0x1e0: {  	[tilespmem:$0x1F780] =	vst v61;
	v61 =	vld [tilespmem:s13+$0xA100]  }
0x1e1: {  	[tilespmem:$0x1FBF0] =	vst v3;
	v3 =	vld [tilespmem:$0x1EC00];
	_ =	sdelay $0x3  }
0x1e2: {  	[tilespmem:$0x1F7A0] =	vst v61;
	v61 =	vld [tilespmem:s13+$0xA180]  }
0x1e3: {  	v0 =	vmax.f32 v0, v3;
	v3 =	vld [tilespmem:$0x1EC10];
	_ =	sdelay $0x3  }
0x1e4: {  	[tilespmem:$0x1F7C0] =	vst v61;
	v61 =	vld [tilespmem:s13+$0xA200]  }
0x1e5: {  	v1 =	vmax.f32 v1, v3;
	v3 =	vld [tilespmem:$0x1EC20];
	_ =	sdelay $0x1  }
0x1e6: {  	v15 =	vld [tilespmem:s13+$0xA500]  }
0x1e7: {  	v31 =	vld [tilespmem:s13+$0xA580]  }
0x1e8: {  	[tilespmem:$0x1F7E0] =	vst v61;
	v61 =	vld [tilespmem:s13+$0xA280]  }
0x1e9: {  	v0 =	vmax.f32 v0, v3;
	v3 =	vld [tilespmem:$0x1EC30]  }
0x1ea: {  	v34 =	vld [tilespmem:s13+$0xA600]  }
0x1eb: {  	v12 =	vld [tilespmem:s13+$0xA700]  }
0x1ec: {  	v13 =	vld [tilespmem:s13+$0xA780]  }
0x1ed: {  	[tilespmem:$0x1F800] =	vst v61;
	v61 =	vld [tilespmem:s13+$0xA300]  }
0x1ee: {  	v1 =	vmax.f32 v1, v3;
	v3 =	vld [tilespmem:$0x1EC40]  }
0x1ef: {  	v14 =	vld [tilespmem:s13+$0xA800]  }
0x1f0: {  	v43 =	vld [tilespmem:s13+$0xA880]  }
0x1f1: {  	v48 =	vld [tilespmem:s13+$0xA900]  }
0x1f2: {  	[tilespmem:$0x1F830] =	vst v61;
	v61 =	vld [tilespmem:s13+$0xA380]  }
0x1f3: {  	v0 =	vmax.f32 v0, v3;
	v3 =	vld [tilespmem:$0x1EC50]  }
0x1f4: {  	v10 =	vld [tilespmem:s13+$0xB100]  }
0x1f5: {  	v46 =	vld [tilespmem:s13+$0xB180]  }
0x1f6: {  	v47 =	vld [tilespmem:s13+$0xB200]  }
0x1f7: {  	[tilespmem:$0x1F860] =	vst v61;
	v61 =	vld [tilespmem:s13+$0xA400]  }
0x1f8: {  	v1 =	vmax.f32 v1, v3;
	v3 =	vld [tilespmem:$0x1EC60]  }
0x1f9: {  	v38 =	vld [tilespmem:s13+$0xC080];
	v2 =	vmax.f32 v35, v30  }
0x1fa: {  	v9 =	vld [tilespmem:s13+$0xB080];
	v2 =	vmax.f32 v2, v39  }
0x1fb: {  	v8 =	vld [tilespmem:s13+$0xAF80];
	v2 =	vmax.f32 v2, v51  }
0x1fc: {  	v2 =	vmax.f32 v2, v58;
	[tilespmem:$0x1F890] =	vst v61;
	v61 =	vld [tilespmem:s13+$0xA480]  }
0x1fd: {  	v2 =	vmax.f32 v2, v3;
	v3 =	vld [tilespmem:s13+$0xC100]  }
0x1fe: {  	v32 =	vld [tilespmem:s13+$0xAA00]  }
0x1ff: {  	[tilespmem:$0x1F930] =	vst v34;
	v34 =	vld [tilespmem:s13+$0xA980]  }
0x200: {  	v11 =	vld [tilespmem:s13+$0xB800]  }
0x201: {  	v41 =	vld [tilespmem:s13+$0xBD80];
	[tilespmem:$0x1F8C0] =	vst v61  }
0x202: {  	v45 =	vld [tilespmem:s13+$0xC000];
	[tilespmem:$0x1F9D0] =	vst v3  }
0x203: {  	v3 =	vld [tilespmem:$0x1EC70];
	_ =	sdelay $0x4  }
0x204: {  	v0 =	vmax.f32 v0, v3;
	v3 =	vld [tilespmem:$0x1EC80];
	_ =	sdelay $0x4  }
0x205: {  	v1 =	vmax.f32 v1, v3;
	v3 =	vld [tilespmem:$0x1EC90];
	_ =	sdelay $0x4  }
0x206: {  	v2 =	vmax.f32 v2, v3;
	v3 =	vld [tilespmem:s13+$0xC180];
	_ =	sdelay $0x4  }
0x207: {  	[tilespmem:$0x1F9F0] =	vst v3;
	v3 =	vld [tilespmem:$0x1ECA0];
	_ =	sdelay $0x4  }
0x208: {  	v0 =	vmax.f32 v0, v3;
	v3 =	vld [tilespmem:$0x1ECB0];
	_ =	sdelay $0x4  }
0x209: {  	v1 =	vmax.f32 v1, v3;
	v3 =	vld [tilespmem:$0x1ECC0];
	_ =	sdelay $0x4  }
0x20a: {  	v2 =	vmax.f32 v2, v3;
	v3 =	vld [tilespmem:$0x1ECD0];
	_ =	sdelay $0x4  }
0x20b: {  	v0 =	vmax.f32 v0, v3;
	v3 =	vld [tilespmem:$0x1ECE0];
	_ =	sdelay $0x4  }
0x20c: {  	v1 =	vmax.f32 v1, v3;
	v3 =	vld [tilespmem:$0x1ECF0];
	_ =	sdelay $0x4  }
0x20d: {  	v2 =	vmax.f32 v2, v3;
	v3 =	vld [tilespmem:s13+$0xC280];
	_ =	sdelay $0x4  }
0x20e: {  	[tilespmem:$0x1FA40] =	vst v3;
	v3 =	vld [tilespmem:$0x1ED00];
	_ =	sdelay $0x4  }
0x20f: {  	v0 =	vmax.f32 v0, v3;
	v3 =	vld [tilespmem:$0x1ED10];
	_ =	sdelay $0x4  }
0x210: {  	v1 =	vmax.f32 v1, v3;
	v3 =	vld [tilespmem:$0x1ED20];
	_ =	sdelay $0x4  }
0x211: {  	v2 =	vmax.f32 v2, v3;
	v3 =	vld [tilespmem:s13+$0xC300];
	_ =	sdelay $0x4  }
0x212: {  	[tilespmem:$0x1FA70] =	vst v3;
	v3 =	vld [tilespmem:$0x1ED30];
	_ =	sdelay $0x4  }
0x213: {  	v0 =	vmax.f32 v0, v3;
	v3 =	vld [tilespmem:$0x1ED40];
	_ =	sdelay $0x4  }
0x214: {  	v1 =	vmax.f32 v1, v3;
	v3 =	vld [tilespmem:$0x1ED50];
	_ =	sdelay $0x4  }
0x215: {  	v2 =	vmax.f32 v2, v3;
	v3 =	vld [tilespmem:s13+$0xC380];
	_ =	sdelay $0x4  }
0x216: {  	[tilespmem:$0x1FAA0] =	vst v3;
	v3 =	vld [tilespmem:$0x1ED60];
	_ =	sdelay $0x4  }
0x217: {  	v0 =	vmax.f32 v0, v3;
	v3 =	vld [tilespmem:$0x1ED70];
	_ =	sdelay $0x4  }
0x218: {  	v1 =	vmax.f32 v1, v3;
	v3 =	vld [tilespmem:$0x1ED80];
	_ =	sdelay $0x4  }
0x219: {  	v2 =	vmax.f32 v2, v3;
	v3 =	vld [tilespmem:s13+$0xC400];
	_ =	sdelay $0x4  }
0x21a: {  	[tilespmem:$0x1FAD0] =	vst v3;
	v3 =	vld [tilespmem:$0x1ED90];
	_ =	sdelay $0x4  }
0x21b: {  	v0 =	vmax.f32 v0, v3;
	v3 =	vld [tilespmem:$0x1EDA0];
	_ =	sdelay $0x4  }
0x21c: {  	v1 =	vmax.f32 v1, v3;
	v3 =	vld [tilespmem:$0x1EDB0];
	_ =	sdelay $0x4  }
0x21d: {  	v2 =	vmax.f32 v2, v3;
	v3 =	vld [tilespmem:s13+$0xC480];
	_ =	sdelay $0x4  }
0x21e: {  	[tilespmem:$0x1FB00] =	vst v3;
	v3 =	vld [tilespmem:$0x1EDC0];
	_ =	sdelay $0x4  }
0x21f: {  	v0 =	vmax.f32 v0, v3;
	v3 =	vld [tilespmem:$0x1EDD0];
	_ =	sdelay $0x4  }
0x220: {  	v1 =	vmax.f32 v1, v3;
	v3 =	vld [tilespmem:$0x1EDE0];
	_ =	sdelay $0x4  }
0x221: {  	v2 =	vmax.f32 v2, v3;
	v3 =	vld [tilespmem:s13+$0xC500];
	_ =	sdelay $0x4  }
0x222: {  	[tilespmem:$0x1FB30] =	vst v3;
	v3 =	vld [tilespmem:$0x1EDF0];
	_ =	sdelay $0x4  }
0x223: {  	v19 =	vmax.f32 v0, v3;
	v0 =	vld [tilespmem:$0x1EE00];
	_ =	sdelay $0x4  }
0x224: {  	v0 =	vmax.f32 v1, v0;
	v1 =	vld [tilespmem:$0x1EE10];
	_ =	sdelay $0x4  }
0x225: {  	v1 =	vmax.f32 v2, v1;
	v2 =	vld [tilespmem:s13+$0xC580];
	_ =	sdelay $0x4  }
0x226: {  	[tilespmem:$0x1FB50] =	vst v2;
	v2 =	vld [tilespmem:$0x1EE20];
	_ =	sdelay $0x4  }
0x227: {  	v21 =	vmax.f32 v0, v2;
	v0 =	vld [tilespmem:$0x1EE30];
	_ =	sdelay $0x4  }
0x228: {  	v20 =	vmax.f32 v1, v0;
	v0 =	vld [tilespmem:$0x1EE40]  }
0x229: {  	v1 =	vld [tilespmem:$0x1EE50];
	_ =	sdelay $0x4  }
0x22a: {  	v0 =	vmax.f32 v0, v1;
	v1 =	vld [tilespmem:s13+$0xC600];
	_ =	sdelay $0x4  }
0x22b: {  	[tilespmem:$0x1FB80] =	vst v1;
	v1 =	vld [tilespmem:$0x1EE60];
	_ =	sdelay $0x3  }
0x22c: {  	v2 =	vld [tilespmem:$0x1EE80]  }
0x22d: {  	v0 =	vmax.f32 v0, v1;
	v1 =	vld [tilespmem:$0x1EE70];
	_ =	sdelay $0x3  }
0x22e: {  	v3 =	vld [tilespmem:$0x1EEA0]  }
0x22f: {  	v1 =	vmax.f32 v1, v2;
	v2 =	vld [tilespmem:$0x1EE90];
	_ =	sdelay $0x4  }
0x230: {  	v2 =	vmax.f32 v2, v3;
	v3 =	vld [tilespmem:s13+$0xC680];
	_ =	sdelay $0x4  }
0x231: {  	[tilespmem:$0x1FBB0] =	vst v3;
	v3 =	vld [tilespmem:$0x1EEB0];
	_ =	sdelay $0x4  }
0x232: {  	v0 =	vmax.f32 v0, v3;
	v3 =	vld [tilespmem:$0x1EEC0];
	_ =	sdelay $0x4  }
0x233: {  	v1 =	vmax.f32 v1, v3;
	v3 =	vld [tilespmem:$0x1EED0];
	_ =	sdelay $0x4  }
0x234: {  	v2 =	vmax.f32 v2, v3;
	v3 =	vld [tilespmem:s13+$0xC700];
	_ =	sdelay $0x4  }
0x235: {  	[tilespmem:$0x1FBE0] =	vst v3;
	v3 =	vld [tilespmem:$0x1EEE0];
	_ =	sdelay $0x4  }
0x236: {  	v0 =	vmax.f32 v0, v3;
	v3 =	vld [tilespmem:$0x1EEF0];
	_ =	sdelay $0x4  }
0x237: {  	v1 =	vmax.f32 v1, v3;
	v3 =	vld [tilespmem:$0x1EF00];
	_ =	sdelay $0x4  }
0x238: {  	v2 =	vmax.f32 v2, v3;
	v3 =	vld [tilespmem:$0x1EF10];
	_ =	sdelay $0x4  }
0x239: {  	v0 =	vmax.f32 v0, v3;
	v3 =	vld [tilespmem:$0x1EF20];
	_ =	sdelay $0x4  }
0x23a: {  	v1 =	vmax.f32 v1, v3;
	v3 =	vld [tilespmem:$0x1EF30];
	_ =	sdelay $0x4  }
0x23b: {  	v2 =	vmax.f32 v2, v3;
	v3 =	vld [tilespmem:s13+$0xC800];
	_ =	sdelay $0x4  }
0x23c: {  	[tilespmem:$0x1FC00] =	vst v3;
	v3 =	vld [tilespmem:$0x1EF40];
	_ =	sdelay $0x4  }
0x23d: {  	v0 =	vmax.f32 v0, v3;
	v3 =	vld [tilespmem:$0x1EF50];
	_ =	sdelay $0x4  }
0x23e: {  	v1 =	vmax.f32 v1, v3;
	v3 =	vld [tilespmem:$0x1EF60];
	_ =	sdelay $0x4  }
0x23f: {  	v2 =	vmax.f32 v2, v3;
	v3 =	vld [tilespmem:s13+$0xC880];
	_ =	sdelay $0x4  }
0x240: {  	[tilespmem:$0x1FC10] =	vst v3;
	v3 =	vld [tilespmem:$0x1EF70];
	_ =	sdelay $0x4  }
0x241: {  	v0 =	vmax.f32 v0, v3;
	v3 =	vld [tilespmem:$0x1EF80];
	_ =	sdelay $0x4  }
0x242: {  	v1 =	vmax.f32 v1, v3;
	v3 =	vld [tilespmem:$0x1EF90];
	_ =	sdelay $0x4  }
0x243: {  	v2 =	vmax.f32 v2, v3;
	v3 =	vld [tilespmem:s13+$0xC900];
	_ =	sdelay $0x4  }
0x244: {  	[tilespmem:$0x1FC20] =	vst v3;
	v3 =	vld [tilespmem:$0x1EFA0];
	_ =	sdelay $0x4  }
0x245: {  	v0 =	vmax.f32 v0, v3;
	v3 =	vld [tilespmem:$0x1EFB0];
	_ =	sdelay $0x4  }
0x246: {  	v1 =	vmax.f32 v1, v3;
	v3 =	vld [tilespmem:$0x1EFC0];
	_ =	sdelay $0x4  }
0x247: {  	v2 =	vmax.f32 v2, v3;
	v3 =	vld [tilespmem:s13+$0xC980];
	_ =	sdelay $0x4  }
0x248: {  	[tilespmem:$0x1FC40] =	vst v3;
	v3 =	vld [tilespmem:$0x1EFD0];
	_ =	sdelay $0x4  }
0x249: {  	v0 =	vmax.f32 v0, v3;
	v3 =	vld [tilespmem:$0x1EFE0];
	_ =	sdelay $0x4  }
0x24a: {  	v1 =	vmax.f32 v1, v3;
	v3 =	vld [tilespmem:$0x1EFF0];
	_ =	sdelay $0x4  }
0x24b: {  	v2 =	vmax.f32 v2, v3;
	v3 =	vld [tilespmem:s13+$0xCA00];
	_ =	sdelay $0x4  }
0x24c: {  	[tilespmem:$0x1FC60] =	vst v3;
	v3 =	vld [tilespmem:$0x1F000];
	_ =	sdelay $0x4  }
0x24d: {  	v0 =	vmax.f32 v0, v3;
	v3 =	vld [tilespmem:$0x1F010];
	_ =	sdelay $0x4  }
0x24e: {  	v1 =	vmax.f32 v1, v3;
	v3 =	vld [tilespmem:$0x1F020];
	_ =	sdelay $0x4  }
0x24f: {  	v2 =	vmax.f32 v2, v3;
	v3 =	vld [tilespmem:s13+$0xCA80];
	_ =	sdelay $0x4  }
0x250: {  	[tilespmem:$0x1FC80] =	vst v3;
	v3 =	vld [tilespmem:$0x1F030];
	_ =	sdelay $0x4  }
0x251: {  	v0 =	vmax.f32 v0, v3;
	v3 =	vld [tilespmem:$0x1F040];
	_ =	sdelay $0x4  }
0x252: {  	v1 =	vmax.f32 v1, v3;
	v3 =	vld [tilespmem:$0x1F050];
	_ =	sdelay $0x4  }
0x253: {  	v2 =	vmax.f32 v2, v3;
	v3 =	vld [tilespmem:s13+$0xCB00];
	_ =	sdelay $0x4  }
0x254: {  	[tilespmem:$0x1FCA0] =	vst v3;
	v3 =	vld [tilespmem:$0x1F060];
	_ =	sdelay $0x4  }
0x255: {  	v0 =	vmax.f32 v0, v3;
	v3 =	vld [tilespmem:$0x1F070];
	_ =	sdelay $0x4  }
0x256: {  	v1 =	vmax.f32 v1, v3;
	v3 =	vld [tilespmem:$0x1F080];
	_ =	sdelay $0x4  }
0x257: {  	v2 =	vmax.f32 v2, v3;
	v3 =	vld [tilespmem:s13+$0xCB80];
	_ =	sdelay $0x4  }
0x258: {  	[tilespmem:$0x1FCC0] =	vst v3;
	v3 =	vld [tilespmem:$0x1F090];
	_ =	sdelay $0x4  }
0x259: {  	v0 =	vmax.f32 v0, v3;
	v3 =	vld [tilespmem:$0x1F0A0];
	_ =	sdelay $0x4  }
0x25a: {  	v1 =	vmax.f32 v1, v3;
	v3 =	vld [tilespmem:$0x1F0B0];
	_ =	sdelay $0x4  }
0x25b: {  	v2 =	vmax.f32 v2, v3;
	v3 =	vld [tilespmem:s13+$0xCC00];
	_ =	sdelay $0x4  }
0x25c: {  	[tilespmem:$0x1FCE0] =	vst v3;
	v3 =	vld [tilespmem:$0x1F0C0];
	_ =	sdelay $0x4  }
0x25d: {  	v0 =	vmax.f32 v0, v3;
	v3 =	vld [tilespmem:$0x1F0D0];
	_ =	sdelay $0x4  }
0x25e: {  	v1 =	vmax.f32 v1, v3;
	v3 =	vld [tilespmem:$0x1F0E0];
	_ =	sdelay $0x4  }
0x25f: {  	v2 =	vmax.f32 v2, v3;
	v3 =	vld [tilespmem:s13+$0xCC80];
	_ =	sdelay $0x4  }
0x260: {  	[tilespmem:$0x1FD00] =	vst v3;
	v3 =	vld [tilespmem:$0x1F0F0];
	_ =	sdelay $0x4  }
0x261: {  	v22 =	vmax.f32 v0, v3;
	v0 =	vld [tilespmem:$0x1F100];
	_ =	sdelay $0x4  }
0x262: {  	v0 =	vmax.f32 v1, v0;
	v1 =	vld [tilespmem:$0x1F110];
	_ =	sdelay $0x4  }
0x263: {  	v1 =	vmax.f32 v2, v1;
	v2 =	vld [tilespmem:s13+$0xCD00];
	_ =	sdelay $0x4  }
0x264: {  	[tilespmem:$0x1FD20] =	vst v2;
	v2 =	vld [tilespmem:$0x1F120];
	_ =	sdelay $0x4  }
0x265: {  	v24 =	vmax.f32 v0, v2;
	v0 =	vld [tilespmem:$0x1F130];
	_ =	sdelay $0x4  }
0x266: {  	v23 =	vmax.f32 v1, v0;
	v0 =	vld [tilespmem:$0x1F140]  }
0x267: {  	v1 =	vld [tilespmem:$0x1F150];
	_ =	sdelay $0x4  }
0x268: {  	v0 =	vmax.f32 v0, v1;
	v1 =	vld [tilespmem:s13+$0xCD80];
	_ =	sdelay $0x4  }
0x269: {  	[tilespmem:$0x1FD40] =	vst v1;
	v1 =	vld [tilespmem:$0x1F160];
	_ =	sdelay $0x3  }
0x26a: {  	v2 =	vld [tilespmem:$0x1F180]  }
0x26b: {  	v0 =	vmax.f32 v0, v1;
	v1 =	vld [tilespmem:$0x1F170];
	_ =	sdelay $0x3  }
0x26c: {  	v3 =	vld [tilespmem:$0x1F1A0]  }
0x26d: {  	v1 =	vmax.f32 v1, v2;
	v2 =	vld [tilespmem:$0x1F190];
	_ =	sdelay $0x4  }
0x26e: {  	v2 =	vmax.f32 v2, v3;
	v3 =	vld [tilespmem:s13+$0xCE00];
	_ =	sdelay $0x4  }
0x26f: {  	[tilespmem:$0x1FD60] =	vst v3;
	v3 =	vld [tilespmem:$0x1F1B0];
	_ =	sdelay $0x4  }
0x270: {  	v0 =	vmax.f32 v0, v3;
	v3 =	vld [tilespmem:$0x1F1C0];
	_ =	sdelay $0x4  }
0x271: {  	v1 =	vmax.f32 v1, v3;
	v3 =	vld [tilespmem:$0x1F1D0];
	_ =	sdelay $0x4  }
0x272: {  	v2 =	vmax.f32 v2, v3;
	v3 =	vld [tilespmem:s13+$0xCE80];
	_ =	sdelay $0x4  }
0x273: {  	[tilespmem:$0x1FD80] =	vst v3;
	v3 =	vld [tilespmem:$0x1F1E0];
	_ =	sdelay $0x4  }
0x274: {  	v0 =	vmax.f32 v0, v3;
	v3 =	vld [tilespmem:$0x1F1F0];
	_ =	sdelay $0x4  }
0x275: {  	v1 =	vmax.f32 v1, v3;
	v3 =	vld [tilespmem:$0x1F200];
	_ =	sdelay $0x4  }
0x276: {  	v2 =	vmax.f32 v2, v3;
	v3 =	vld [tilespmem:s13+$0xCF00];
	_ =	sdelay $0x4  }
0x277: {  	[tilespmem:$0x1FDA0] =	vst v3;
	v3 =	vld [tilespmem:$0x1F210];
	_ =	sdelay $0x4  }
0x278: {  	v0 =	vmax.f32 v0, v3;
	v3 =	vld [tilespmem:$0x1F220];
	_ =	sdelay $0x4  }
0x279: {  	v1 =	vmax.f32 v1, v3;
	v3 =	vld [tilespmem:$0x1F230];
	_ =	sdelay $0x4  }
0x27a: {  	v2 =	vmax.f32 v2, v3;
	v3 =	vld [tilespmem:s13+$0xCF80];
	_ =	sdelay $0x4  }
0x27b: {  	[tilespmem:$0x1FDC0] =	vst v3;
	v3 =	vld [tilespmem:$0x1F240];
	_ =	sdelay $0x4  }
0x27c: {  	v0 =	vmax.f32 v0, v3;
	v3 =	vld [tilespmem:$0x1F250];
	_ =	sdelay $0x4  }
0x27d: {  	v1 =	vmax.f32 v1, v3;
	v3 =	vld [tilespmem:$0x1F260];
	_ =	sdelay $0x4  }
0x27e: {  	v2 =	vmax.f32 v2, v3;
	v3 =	vld [tilespmem:s13+$0xD000];
	_ =	sdelay $0x4  }
0x27f: {  	[tilespmem:$0x1FC30] =	vst v3;
	v3 =	vld [tilespmem:$0x1F270];
	_ =	sdelay $0x4  }
0x280: {  	v0 =	vmax.f32 v0, v3;
	v3 =	vld [tilespmem:$0x1F280];
	_ =	sdelay $0x4  }
0x281: {  	v1 =	vmax.f32 v1, v3;
	v3 =	vld [tilespmem:$0x1F290];
	_ =	sdelay $0x4  }
0x282: {  	v2 =	vmax.f32 v2, v3;
	v3 =	vld [tilespmem:$0x1F2A0];
	_ =	sdelay $0x4  }
0x283: {  	v0 =	vmax.f32 v0, v3;
	v3 =	vld [tilespmem:$0x1F2B0];
	_ =	sdelay $0x4  }
0x284: {  	v1 =	vmax.f32 v1, v3;
	v3 =	vld [tilespmem:$0x1F2C0];
	_ =	sdelay $0x4  }
0x285: {  	v2 =	vmax.f32 v2, v3;
	v3 =	vld [tilespmem:s13+$0xD100];
	_ =	sdelay $0x4  }
0x286: {  	[tilespmem:$0x1FC50] =	vst v3;
	v3 =	vld [tilespmem:$0x1F2D0];
	_ =	sdelay $0x4  }
0x287: {  	v0 =	vmax.f32 v0, v3;
	v3 =	vld [tilespmem:$0x1F2E0];
	_ =	sdelay $0x4  }
0x288: {  	v1 =	vmax.f32 v1, v3;
	v3 =	vld [tilespmem:$0x1F2F0];
	_ =	sdelay $0x4  }
0x289: {  	v2 =	vmax.f32 v2, v3;
	v3 =	vld [tilespmem:s13+$0xD180];
	_ =	sdelay $0x4  }
0x28a: {  	[tilespmem:$0x1FC70] =	vst v3;
	v3 =	vld [tilespmem:$0x1F300];
	_ =	sdelay $0x4  }
0x28b: {  	v0 =	vmax.f32 v0, v3;
	v3 =	vld [tilespmem:$0x1F310];
	_ =	sdelay $0x4  }
0x28c: {  	v1 =	vmax.f32 v1, v3;
	v3 =	vld [tilespmem:$0x1F320];
	_ =	sdelay $0x4  }
0x28d: {  	v2 =	vmax.f32 v2, v3;
	v3 =	vld [tilespmem:s13+$0xD200];
	_ =	sdelay $0x4  }
0x28e: {  	[tilespmem:$0x1FC90] =	vst v3;
	v3 =	vld [tilespmem:$0x1F330];
	_ =	sdelay $0x4  }
0x28f: {  	v0 =	vmax.f32 v0, v3;
	v3 =	vld [tilespmem:$0x1F340];
	_ =	sdelay $0x4  }
0x290: {  	v1 =	vmax.f32 v1, v3;
	v3 =	vld [tilespmem:$0x1F350];
	_ =	sdelay $0x4  }
0x291: {  	v2 =	vmax.f32 v2, v3;
	v3 =	vld [tilespmem:s13+$0xD280];
	_ =	sdelay $0x4  }
0x292: {  	[tilespmem:$0x1FCB0] =	vst v3;
	v3 =	vld [tilespmem:$0x1F360];
	_ =	sdelay $0x4  }
0x293: {  	v0 =	vmax.f32 v0, v3;
	v3 =	vld [tilespmem:$0x1F370];
	_ =	sdelay $0x4  }
0x294: {  	v1 =	vmax.f32 v1, v3;
	v3 =	vld [tilespmem:$0x1F380];
	_ =	sdelay $0x4  }
0x295: {  	v2 =	vmax.f32 v2, v3;
	v3 =	vld [tilespmem:s13+$0xD300];
	_ =	sdelay $0x4  }
0x296: {  	[tilespmem:$0x1FCD0] =	vst v3;
	v3 =	vld [tilespmem:$0x1F390];
	_ =	sdelay $0x4  }
0x297: {  	v0 =	vmax.f32 v0, v3;
	v3 =	vld [tilespmem:$0x1F3A0];
	_ =	sdelay $0x4  }
0x298: {  	v1 =	vmax.f32 v1, v3;
	v3 =	vld [tilespmem:$0x1F3B0];
	_ =	sdelay $0x4  }
0x299: {  	v2 =	vmax.f32 v2, v3;
	v3 =	vld [tilespmem:s13+$0xD380];
	_ =	sdelay $0x4  }
0x29a: {  	[tilespmem:$0x1FCF0] =	vst v3;
	v3 =	vld [tilespmem:$0x1F3C0];
	_ =	sdelay $0x4  }
0x29b: {  	v0 =	vmax.f32 v0, v3;
	v3 =	vld [tilespmem:$0x1F3D0];
	_ =	sdelay $0x4  }
0x29c: {  	v1 =	vmax.f32 v1, v3;
	v3 =	vld [tilespmem:$0x1F3E0];
	_ =	sdelay $0x4  }
0x29d: {  	v2 =	vmax.f32 v2, v3;
	v3 =	vld [tilespmem:s13+$0xD400];
	_ =	sdelay $0x4  }
0x29e: {  	[tilespmem:$0x1FD10] =	vst v3;
	v3 =	vld [tilespmem:$0x1F3F0];
	_ =	sdelay $0x4  }
0x29f: {  	v25 =	vmax.f32 v0, v3;
	v0 =	vld [tilespmem:$0x1F400];
	_ =	sdelay $0x4  }
0x2a0: {  	v0 =	vmax.f32 v1, v0;
	v1 =	vld [tilespmem:$0x1F410];
	_ =	sdelay $0x4  }
0x2a1: {  	v1 =	vmax.f32 v2, v1;
	v2 =	vld [tilespmem:s13+$0xD480];
	_ =	sdelay $0x4  }
0x2a2: {  	[tilespmem:$0x1FD30] =	vst v2;
	v2 =	vld [tilespmem:$0x1F420];
	_ =	sdelay $0x4  }
0x2a3: {  	v27 =	vmax.f32 v0, v2;
	v0 =	vld [tilespmem:$0x1F430];
	_ =	sdelay $0x4  }
0x2a4: {  	v26 =	vmax.f32 v1, v0;
	v0 =	vld [tilespmem:$0x1F440]  }
0x2a5: {  	v1 =	vld [tilespmem:$0x1F450];
	_ =	sdelay $0x4  }
0x2a6: {  	v0 =	vmax.f32 v0, v1;
	v1 =	vld [tilespmem:s13+$0xD500];
	_ =	sdelay $0x4  }
0x2a7: {  	[tilespmem:$0x1FD50] =	vst v1;
	v1 =	vld [tilespmem:$0x1F460];
	_ =	sdelay $0x3  }
0x2a8: {  	v2 =	vld [tilespmem:$0x1F480]  }
0x2a9: {  	v0 =	vmax.f32 v0, v1;
	v1 =	vld [tilespmem:$0x1F470];
	_ =	sdelay $0x3  }
0x2aa: {  	v3 =	vld [tilespmem:$0x1F4A0]  }
0x2ab: {  	v1 =	vmax.f32 v1, v2;
	v2 =	vld [tilespmem:$0x1F490];
	_ =	sdelay $0x4  }
0x2ac: {  	v2 =	vmax.f32 v2, v3;
	v3 =	vld [tilespmem:s13+$0xD580];
	_ =	sdelay $0x4  }
0x2ad: {  	[tilespmem:$0x1FD70] =	vst v3;
	v3 =	vld [tilespmem:$0x1F4B0];
	_ =	sdelay $0x4  }
0x2ae: {  	v0 =	vmax.f32 v0, v3;
	v3 =	vld [tilespmem:$0x1F4C0];
	_ =	sdelay $0x4  }
0x2af: {  	v1 =	vmax.f32 v1, v3;
	v3 =	vld [tilespmem:$0x1F4D0];
	_ =	sdelay $0x4  }
0x2b0: {  	v2 =	vmax.f32 v2, v3;
	v3 =	vld [tilespmem:s13+$0xD600];
	_ =	sdelay $0x4  }
0x2b1: {  	[tilespmem:$0x1FD90] =	vst v3;
	v3 =	vld [tilespmem:$0x1F4E0];
	_ =	sdelay $0x4  }
0x2b2: {  	v0 =	vmax.f32 v0, v3;
	v3 =	vld [tilespmem:$0x1F4F0];
	_ =	sdelay $0x4  }
0x2b3: {  	v1 =	vmax.f32 v1, v3;
	v3 =	vld [tilespmem:$0x1F500];
	_ =	sdelay $0x4  }
0x2b4: {  	v2 =	vmax.f32 v2, v3;
	v3 =	vld [tilespmem:s13+$0xD680];
	_ =	sdelay $0x4  }
0x2b5: {  	[tilespmem:$0x1FDB0] =	vst v3;
	v3 =	vld [tilespmem:$0x1F510];
	_ =	sdelay $0x4  }
0x2b6: {  	v0 =	vmax.f32 v0, v3;
	v3 =	vld [tilespmem:$0x1F520];
	_ =	sdelay $0x4  }
0x2b7: {  	v1 =	vmax.f32 v1, v3;
	v3 =	vld [tilespmem:$0x1F530];
	_ =	sdelay $0x4  }
0x2b8: {  	v2 =	vmax.f32 v2, v3;
	v3 =	vld [tilespmem:s13+$0xD700];
	_ =	sdelay $0x4  }
0x2b9: {  	[tilespmem:$0x1FDD0] =	vst v3;
	v3 =	vld [tilespmem:$0x1F540];
	_ =	sdelay $0x4  }
0x2ba: {  	v0 =	vmax.f32 v0, v3;
	v3 =	vld [tilespmem:$0x1F550];
	_ =	sdelay $0x4  }
0x2bb: {  	v1 =	vmax.f32 v1, v3;
	v3 =	vld [tilespmem:$0x1F560];
	_ =	sdelay $0x4  }
0x2bc: {  	v2 =	vmax.f32 v2, v3;
	v3 =	vld [tilespmem:s13+$0xD780];
	_ =	sdelay $0x4  }
0x2bd: {  	[tilespmem:$0x1FDE0] =	vst v3;
	v3 =	vld [tilespmem:$0x1F570];
	_ =	sdelay $0x4  }
0x2be: {  	v0 =	vmax.f32 v0, v3;
	v3 =	vld [tilespmem:$0x1F580];
	_ =	sdelay $0x4  }
0x2bf: {  	v1 =	vmax.f32 v1, v3;
	v3 =	vld [tilespmem:$0x1F590];
	_ =	sdelay $0x4  }
0x2c0: {  	v2 =	vmax.f32 v2, v3;
	v3 =	vld [tilespmem:$0x1F5A0];
	_ =	sdelay $0x4  }
0x2c1: {  	v0 =	vmax.f32 v0, v3;
	v3 =	vld [tilespmem:$0x1F5B0];
	_ =	sdelay $0x4  }
0x2c2: {  	v1 =	vmax.f32 v1, v3;
	v3 =	vld [tilespmem:$0x1F5C0];
	_ =	sdelay $0x4  }
0x2c3: {  	v2 =	vmax.f32 v2, v3;
	v3 =	vld [tilespmem:$0x1F5D0];
	_ =	sdelay $0x4  }
0x2c4: {  	v0 =	vmax.f32 v0, v3;
	v3 =	vld [tilespmem:$0x1F5E0];
	_ =	sdelay $0x4  }
0x2c5: {  	v1 =	vmax.f32 v1, v3;
	v3 =	vld [tilespmem:$0x1F5F0];
	_ =	sdelay $0x4  }
0x2c6: {  	v2 =	vmax.f32 v2, v3;
	v3 =	vld [tilespmem:$0x1F600];
	_ =	sdelay $0x4  }
0x2c7: {  	v0 =	vmax.f32 v0, v3;
	v3 =	vld [tilespmem:$0x1F610];
	_ =	sdelay $0x4  }
0x2c8: {  	v1 =	vmax.f32 v1, v3;
	v3 =	vld [tilespmem:$0x1F620];
	_ =	sdelay $0x4  }
0x2c9: {  	v2 =	vmax.f32 v2, v3;
	v3 =	vld [tilespmem:$0x1F630];
	_ =	sdelay $0x4  }
0x2ca: {  	v0 =	vmax.f32 v0, v3;
	v3 =	vld [tilespmem:$0x1F640];
	_ =	sdelay $0x4  }
0x2cb: {  	v1 =	vmax.f32 v1, v3;
	v3 =	vld [tilespmem:$0x1F650];
	_ =	sdelay $0x4  }
0x2cc: {  	v2 =	vmax.f32 v2, v3;
	v3 =	vld [tilespmem:$0x1F660];
	_ =	sdelay $0x4  }
0x2cd: {  	v0 =	vmax.f32 v0, v3;
	v3 =	vld [tilespmem:$0x1F670];
	_ =	sdelay $0x4  }
0x2ce: {  	v1 =	vmax.f32 v1, v3;
	v3 =	vld [tilespmem:$0x1F680];
	_ =	sdelay $0x4  }
0x2cf: {  	v2 =	vmax.f32 v2, v3;
	v3 =	vld [tilespmem:$0x1F690];
	_ =	sdelay $0x4  }
0x2d0: {  	v0 =	vmax.f32 v0, v3;
	v3 =	vld [tilespmem:$0x1F6A0];
	_ =	sdelay $0x4  }
0x2d1: {  	v1 =	vmax.f32 v1, v3;
	v3 =	vld [tilespmem:$0x1F6B0];
	_ =	sdelay $0x4  }
0x2d2: {  	v2 =	vmax.f32 v2, v3;
	v3 =	vld [tilespmem:$0x1F6C0];
	_ =	sdelay $0x4  }
0x2d3: {  	v0 =	vmax.f32 v0, v3;
	v3 =	vld [tilespmem:$0x1F6D0];
	_ =	sdelay $0x4  }
0x2d4: {  	v1 =	vmax.f32 v1, v3;
	v3 =	vld [tilespmem:$0x1F6E0];
	_ =	sdelay $0x4  }
0x2d5: {  	v2 =	vmax.f32 v2, v3;
	v3 =	vld [tilespmem:$0x1F6F0];
	_ =	sdelay $0x4  }
0x2d6: {  	v28 =	vmax.f32 v0, v3;
	v0 =	vld [tilespmem:$0x1F700];
	_ =	sdelay $0x4  }
0x2d7: {  	v0 =	vmax.f32 v1, v0;
	v1 =	vld [tilespmem:$0x1F710];
	_ =	sdelay $0x4  }
0x2d8: {  	v1 =	vmax.f32 v2, v1;
	v2 =	vld [tilespmem:$0x1F720];
	_ =	sdelay $0x4  }
0x2d9: {  	v30 =	vmax.f32 v0, v2;
	v0 =	vld [tilespmem:$0x1F730];
	_ =	sdelay $0x4  }
0x2da: {  	v29 =	vmax.f32 v1, v0;
	v0 =	vld [tilespmem:$0x1F740]  }
0x2db: {  	v1 =	vld [tilespmem:$0x1F750];
	_ =	sdelay $0x4  }
0x2dc: {  	v0 =	vmax.f32 v0, v1;
	v1 =	vld [tilespmem:$0x1F760]  }
0x2dd: {  	v3 =	vld [tilespmem:$0x1F790];
	_ =	sdelay $0x2  }
0x2de: {  	v2 =	vld [tilespmem:$0x1F780]  }
0x2df: {  	v0 =	vmax.f32 v0, v1;
	v1 =	vld [tilespmem:$0x1F770]  }
0x2e0: {  	v0 =	vmax.f32 v0, v3;
	v3 =	vld [tilespmem:$0x1F7A0];
	_ =	sdelay $0x3  }
0x2e1: {  	v1 =	vmax.f32 v1, v2  }
0x2e2: {  	v1 =	vmax.f32 v1, v3;
	v3 =	vld [tilespmem:$0x1F7B0];
	_ =	sdelay $0x4  }
0x2e3: {  	v0 =	vmax.f32 v0, v3;
	v3 =	vld [tilespmem:$0x1F7C0];
	_ =	sdelay $0x4  }
0x2e4: {  	v1 =	vmax.f32 v1, v3;
	v3 =	vld [tilespmem:$0x1F7D0];
	_ =	sdelay $0x4  }
0x2e5: {  	v0 =	vmax.f32 v0, v3;
	v3 =	vld [tilespmem:$0x1F7E0];
	_ =	sdelay $0x4  }
0x2e6: {  	v1 =	vmax.f32 v1, v3;
	v3 =	vld [tilespmem:$0x1F7F0];
	_ =	sdelay $0x4  }
0x2e7: {  	v0 =	vmax.f32 v0, v3;
	v3 =	vld [tilespmem:$0x1F800];
	_ =	sdelay $0x4  }
0x2e8: {  	v1 =	vmax.f32 v1, v3;
	v3 =	vld [tilespmem:$0x1F810]  }
0x2e9: {  	v2 =	vmax.f32 v14, v43  }
0x2ea: {  	v2 =	vmax.f32 v2, v48  }
0x2eb: {  	v2 =	vmax.f32 v2, v34  }
0x2ec: {  	v2 =	vmax.f32 v2, v32  }
0x2ed: {  	v2 =	vmax.f32 v2, v3;
	v3 =	vld [tilespmem:$0x1F820];
	_ =	sdelay $0x4  }
0x2ee: {  	v0 =	vmax.f32 v0, v3;
	v3 =	vld [tilespmem:$0x1F830];
	_ =	sdelay $0x4  }
0x2ef: {  	v1 =	vmax.f32 v1, v3;
	v3 =	vld [tilespmem:$0x1F840];
	_ =	sdelay $0x4  }
0x2f0: {  	v2 =	vmax.f32 v2, v3;
	v3 =	vld [tilespmem:$0x1F850];
	_ =	sdelay $0x4  }
0x2f1: {  	v0 =	vmax.f32 v0, v3;
	v3 =	vld [tilespmem:$0x1F860];
	_ =	sdelay $0x4  }
0x2f2: {  	v1 =	vmax.f32 v1, v3;
	v3 =	vld [tilespmem:$0x1F870];
	_ =	sdelay $0x4  }
0x2f3: {  	v2 =	vmax.f32 v2, v3;
	v3 =	vld [tilespmem:$0x1F880];
	_ =	sdelay $0x4  }
0x2f4: {  	v0 =	vmax.f32 v0, v3;
	v3 =	vld [tilespmem:$0x1F890];
	_ =	sdelay $0x4  }
0x2f5: {  	v1 =	vmax.f32 v1, v3;
	v3 =	vld [tilespmem:$0x1F8A0];
	_ =	sdelay $0x4  }
0x2f6: {  	v2 =	vmax.f32 v2, v3;
	v3 =	vld [tilespmem:$0x1F8B0];
	_ =	sdelay $0x4  }
0x2f7: {  	v3 =	vmax.f32 v0, v3;
	v0 =	vld [tilespmem:$0x1F8C0];
	_ =	sdelay $0x4  }
0x2f8: {  	v1 =	vmax.f32 v1, v0;
	v0 =	vld [tilespmem:$0x1F8D0];
	_ =	sdelay $0x4  }
0x2f9: {  	v2 =	vmax.f32 v2, v0;
	v0 =	vld [tilespmem:$0x1F8E0];
	_ =	sdelay $0x4  }
0x2fa: {  	v3 =	vmax.f32 v3, v0;
	v0 =	vld [tilespmem:$0x1F8F0];
	_ =	sdelay $0x4  }
0x2fb: {  	v2 =	vmax.f32 v2, v0;
	v0 =	vld [tilespmem:$0x1F900];
	_ =	sdelay $0x4  }
0x2fc: {  	v3 =	vmax.f32 v3, v0;
	v0 =	vld [tilespmem:$0x1F910];
	_ =	sdelay $0x4  }
0x2fd: {  	v5 =	vmax.f32 v2, v0;
	v0 =	vld [tilespmem:$0x1F920];
	_ =	sdelay $0x4  }
0x2fe: {  	v6 =	vmax.f32 v3, v0;
	v0 =	vld [tilespmem:$0x1F930];
	_ =	sdelay $0x2  }
0x2ff: {  	v4 =	vmax.f32 v1, v15  }
0x300: {  	v4 =	vmax.f32 v4, v31  }
0x301: {  	v4 =	vmax.f32 v4, v0;
	v0 =	vld [tilespmem:$0x1F940];
	_ =	sdelay $0x4  }
0x302: {  	v5 =	vmax.f32 v5, v0;
	v0 =	vld [tilespmem:$0x1F950];
	_ =	sdelay $0x4  }
0x303: {  	v6 =	vmax.f32 v6, v0;
	v0 =	vld [tilespmem:$0x1F960];
	_ =	sdelay $0x4  }
0x304: {  	v7 =	vmax.f32 v4, v0;
	v0 =	vld [tilespmem:$0x1F970];
	_ =	sdelay $0x4  }
0x305: {  	v5 =	vmax.f32 v5, v0;
	v0 =	vld [tilespmem:s13+$0xE300];
	_ =	sdelay $0x4  }
0x306: {  	[tilespmem:$0x1FE20] =	vst v0;
	v0 =	vld [tilespmem:$0x1F980];
	_ =	sdelay $0x4  }
0x307: {  	v32 =	vmax.f32 v6, v0;
	v0 =	vld [tilespmem:$0x1F990];
	_ =	sdelay $0x4  }
0x308: {  	v6 =	vmax.f32 v7, v12;
	v7 =	vmax.f32 v5, v0;
	v0 =	vld [tilespmem:s13+$0xE380];
	_ =	sdelay $0x4  }
0x309: {  	[tilespmem:$0x1FE30] =	vst v0;
	v0 =	vld [tilespmem:$0x1F9A0];
	_ =	sdelay $0x4  }
0x30a: {  	v33 =	vmax.f32 v7, v8;
	v7 =	vmax.f32 v0, v9;
	v0 =	vld [tilespmem:s13+$0xE400];
	_ =	sdelay $0x4  }
0x30b: {  	[tilespmem:$0x1FE40] =	vst v0;
	v0 =	vld [tilespmem:$0x1F9B0];
	_ =	sdelay $0x4  }
0x30c: {  	v9 =	vmax.f32 v11, v0;
	v0 =	vld [tilespmem:$0x1F9C0];
	_ =	sdelay $0x4  }
0x30d: {  	v9 =	vmax.f32 v9, v0;
	v0 =	vld [tilespmem:$0x1F9D0];
	_ =	sdelay $0x3  }
0x30e: {  	v8 =	vmax.f32 v7, v10;
	v10 =	vmax.f32 v45, v38  }
0x30f: {  	v10 =	vmax.f32 v10, v0;
	v0 =	vld [tilespmem:$0x1F9E0];
	_ =	sdelay $0x4  }
0x310: {  	v38 =	vmax.f32 v9, v0;
	v0 =	vld [tilespmem:$0x1F9F0];
	_ =	sdelay $0x4  }
0x311: {  	v10 =	vmax.f32 v10, v0;
	v0 =	vld [tilespmem:$0x1FA00];
	_ =	sdelay $0x2  }
0x312: {  	v11 =	vmax.f32 v8, v46  }
0x313: {  	v11 =	vmax.f32 v11, v47  }
0x314: {  	v11 =	vmax.f32 v11, v0;
	v0 =	vld [tilespmem:$0x1FA10];
	_ =	sdelay $0x3  }
0x315: {  	v40 =	vld [tilespmem:s13+$0xC200]  }
0x316: {  	v12 =	vmax.f32 v38, v0;
	v0 =	vld [tilespmem:$0x1FA20];
	_ =	sdelay $0x4  }
0x317: {  	v34 =	vmax.f32 v6, v13;
	v13 =	vmax.f32 v10, v40;
	v40 =	vmax.f32 v11, v0;
	v0 =	vld [tilespmem:$0x1FA30];
	_ =	sdelay $0x4  }
0x318: {  	v12 =	vmax.f32 v12, v0;
	v0 =	vld [tilespmem:$0x1FA40];
	_ =	sdelay $0x4  }
0x319: {  	v13 =	vmax.f32 v13, v0;
	v0 =	vld [tilespmem:$0x1FA50];
	_ =	sdelay $0x4  }
0x31a: {  	v38 =	vmax.f32 v40, v0;
	v0 =	vld [tilespmem:$0x1FA60];
	_ =	sdelay $0x4  }
0x31b: {  	v40 =	vmax.f32 v12, v0;
	v0 =	vld [tilespmem:$0x1FA70];
	_ =	sdelay $0x4  }
0x31c: {  	v13 =	vmax.f32 v13, v0;
	v0 =	vld [tilespmem:$0x1FA80]  }
0x31d: {  	v1 =	vld [tilespmem:$0x1FAB0];
	_ =	sdelay $0x3  }
0x31e: {  	v38 =	vmax.f32 v38, v0;
	v0 =	vld [tilespmem:$0x1FA90]  }
0x31f: {  	v38 =	vmax.f32 v38, v1;
	v1 =	vld [tilespmem:$0x1FAC0];
	_ =	sdelay $0x3  }
0x320: {  	v40 =	vmax.f32 v40, v0;
	v0 =	vld [tilespmem:$0x1FAA0]  }
0x321: {  	v40 =	vmax.f32 v40, v1;
	v1 =	vld [tilespmem:$0x1FAD0];
	_ =	sdelay $0x3  }
0x322: {  	v0 =	vmax.f32 v13, v0  }
0x323: {  	v0 =	vmax.f32 v0, v1;
	v1 =	vld [tilespmem:$0x1FAE0];
	_ =	sdelay $0x4  }
0x324: {  	v38 =	vmax.f32 v38, v1;
	v1 =	vld [tilespmem:$0x1FAF0];
	_ =	sdelay $0x4  }
0x325: {  	v40 =	vmax.f32 v40, v1;
	v1 =	vld [tilespmem:$0x1FB00];
	_ =	sdelay $0x4  }
0x326: {  	v0 =	vmax.f32 v0, v1;
	v1 =	vld [tilespmem:$0x1FB10];
	_ =	sdelay $0x4  }
0x327: {  	v38 =	vmax.f32 v38, v1;
	v1 =	vld [tilespmem:$0x1FB20];
	_ =	sdelay $0x4  }
0x328: {  	v40 =	vmax.f32 v40, v1;
	v1 =	vld [tilespmem:$0x1FB30];
	_ =	sdelay $0x4  }
0x329: {  	v0 =	vmax.f32 v0, v1;
	v1 =	vld [tilespmem:$0x1FB40];
	_ =	sdelay $0x4  }
0x32a: {  	v38 =	vmax.f32 v38, v1;
	v1 =	vld [tilespmem:$0x1FB50];
	_ =	sdelay $0x4  }
0x32b: {  	v0 =	vmax.f32 v0, v1;
	v1 =	vld [tilespmem:$0x1FB60];
	_ =	sdelay $0x4  }
0x32c: {  	v38 =	vmax.f32 v38, v1;
	v1 =	vld [tilespmem:$0x1FB70];
	_ =	sdelay $0x3  }
0x32d: {  	v40 =	vmax.f32 v40, v41  }
0x32e: {  	v40 =	vmax.f32 v40, v1;
	v1 =	vld [tilespmem:$0x1FB80];
	_ =	sdelay $0x4  }
0x32f: {  	v0 =	vmax.f32 v0, v1;
	v1 =	vld [tilespmem:$0x1FB90];
	_ =	sdelay $0x4  }
0x330: {  	v38 =	vmax.f32 v38, v1;
	v1 =	vld [tilespmem:$0x1FBA0];
	_ =	sdelay $0x4  }
0x331: {  	v40 =	vmax.f32 v40, v1;
	v1 =	vld [tilespmem:$0x1FBB0];
	_ =	sdelay $0x4  }
0x332: {  	v0 =	vmax.f32 v0, v1;
	v1 =	vld [tilespmem:$0x1FBC0];
	_ =	sdelay $0x4  }
0x333: {  	v38 =	vmax.f32 v38, v1;
	v1 =	vld [tilespmem:$0x1FBD0];
	_ =	sdelay $0x4  }
0x334: {  	v40 =	vmax.f32 v40, v1;
	v1 =	vld [tilespmem:$0x1FBE0];
	_ =	sdelay $0x3  }
0x335: {  	v39 =	vld [tilespmem:s13+$0xC780]  }
0x336: {  	v0 =	vmax.f32 v0, v1;
	v1 =	vld [tilespmem:$0x1FBF0];
	_ =	sdelay $0x3  }
0x337: {  	v39 =	vmax.f32 v0, v39;
	v0 =	vld [tilespmem:$0x1FC00]  }
0x338: {  	v40 =	vmax.f32 v40, v1;
	v1 =	vld [tilespmem:$0x1FC10];
	_ =	sdelay $0x4  }
0x339: {  	v0 =	vmax.f32 v0, v1;
	v1 =	vld [tilespmem:$0x1FC20];
	_ =	sdelay $0x3  }
0x33a: {  	v63 =	vld [tilespmem:s13+$0xD080]  }
0x33b: {  	v0 =	vmax.f32 v0, v1;
	v1 =	vld [tilespmem:$0x1FC30];
	_ =	sdelay $0x4  }
0x33c: {  	v63 =	vmax.f32 v1, v63;
	v1 =	vld [tilespmem:$0x1FC40];
	_ =	sdelay $0x4  }
0x33d: {  	v0 =	vmax.f32 v0, v1;
	v1 =	vld [tilespmem:$0x1FC50];
	_ =	sdelay $0x4  }
0x33e: {  	v63 =	vmax.f32 v63, v1;
	v1 =	vld [tilespmem:$0x1FC60];
	_ =	sdelay $0x4  }
0x33f: {  	v0 =	vmax.f32 v0, v1;
	v1 =	vld [tilespmem:$0x1FC70];
	_ =	sdelay $0x4  }
0x340: {  	v63 =	vmax.f32 v63, v1;
	v1 =	vld [tilespmem:$0x1FC80];
	_ =	sdelay $0x4  }
0x341: {  	v0 =	vmax.f32 v0, v1;
	v1 =	vld [tilespmem:$0x1FC90];
	_ =	sdelay $0x4  }
0x342: {  	v63 =	vmax.f32 v63, v1;
	v1 =	vld [tilespmem:$0x1FCA0];
	_ =	sdelay $0x4  }
0x343: {  	v0 =	vmax.f32 v0, v1;
	v1 =	vld [tilespmem:$0x1FCB0];
	_ =	sdelay $0x4  }
0x344: {  	v63 =	vmax.f32 v63, v1;
	v1 =	vld [tilespmem:$0x1FCC0];
	_ =	sdelay $0x4  }
0x345: {  	v0 =	vmax.f32 v0, v1;
	v1 =	vld [tilespmem:$0x1FCD0];
	_ =	sdelay $0x4  }
0x346: {  	v63 =	vmax.f32 v63, v1;
	v1 =	vld [tilespmem:$0x1FCE0];
	_ =	sdelay $0x3  }
0x347: {  	v61 =	vld [tilespmem:s13+$0xD800]  }
0x348: {  	v0 =	vmax.f32 v0, v1;
	v1 =	vld [tilespmem:$0x1FCF0]  }
0x349: {  	v49 =	vld [tilespmem:s13+$0xD880]  }
0x34a: {  	v50 =	vld [tilespmem:s13+$0xD900]  }
0x34b: {  	v51 =	vld [tilespmem:s13+$0xD980]  }
0x34c: {  	v52 =	vld [tilespmem:s13+$0xDA00]  }
0x34d: {  	v63 =	vmax.f32 v63, v1;
	v1 =	vld [tilespmem:$0x1FD00]  }
0x34e: {  	v53 =	vld [tilespmem:s13+$0xDA80]  }
0x34f: {  	v54 =	vld [tilespmem:s13+$0xDB00]  }
0x350: {  	v55 =	vld [tilespmem:s13+$0xDB80]  }
0x351: {  	v42 =	vld [tilespmem:s13+$0xDC00]  }
0x352: {  	v0 =	vmax.f32 v0, v1;
	v1 =	vld [tilespmem:$0x1FD10]  }
0x353: {  	v56 =	vld [tilespmem:s13+$0xDC80]  }
0x354: {  	v44 =	vld [tilespmem:s13+$0xDD00]  }
0x355: {  	v62 =	vld [tilespmem:s13+$0xDD80]  }
0x356: {  	v58 =	vld [tilespmem:s13+$0xDE00]  }
0x357: {  	v63 =	vmax.f32 v63, v1;
	v1 =	vld [tilespmem:$0x1FD20]  }
0x358: {  	v59 =	vld [tilespmem:s13+$0xDE80]  }
0x359: {  	v60 =	vld [tilespmem:s13+$0xDF00];
	v49 =	vmax.f32 v61, v49  }
0x35a: {  	v57 =	vld [tilespmem:s13+$0xE000];
	v49 =	vmax.f32 v49, v50  }
0x35b: {  	v35 =	vld [tilespmem:s13+$0xE280];
	v49 =	vmax.f32 v49, v51  }
0x35c: {  	v49 =	vmax.f32 v49, v52;
	v0 =	vmax.f32 v0, v1;
	v1 =	vld [tilespmem:$0x1FD30]  }
0x35d: {  	v61 =	vld [tilespmem:s13+$0xEC00];
	v49 =	vmax.f32 v49, v53  }
0x35e: {  	v50 =	vld [tilespmem:s13+$0xEC80];
	v49 =	vmax.f32 v49, v54  }
0x35f: {  	v51 =	vld [tilespmem:s13+$0xED00];
	v49 =	vmax.f32 v49, v55  }
0x360: {  	v52 =	vld [tilespmem:s13+$0xED80];
	v42 =	vmax.f32 v49, v42  }
0x361: {  	v42 =	vmax.f32 v42, v56;
	v63 =	vmax.f32 v63, v1;
	v1 =	vld [tilespmem:$0x1FD40]  }
0x362: {  	v42 =	vmax.f32 v42, v44;
	v44 =	vld [tilespmem:$0x1FD60]  }
0x363: {  	v53 =	vld [tilespmem:s13+$0xEE00]  }
0x364: {  	v54 =	vld [tilespmem:s13+$0xEE80]  }
0x365: {  	v55 =	vld [tilespmem:s13+$0xEF00]  }
0x366: {  	v0 =	vmax.f32 v0, v1;
	v1 =	vld [tilespmem:$0x1FD50]  }
0x367: {  	v0 =	vmax.f32 v0, v44;
	v44 =	vld [tilespmem:$0x1FD70]  }
0x368: {  	v49 =	vld [tilespmem:s13+$0xEF80]  }
0x369: {  	v56 =	vld [tilespmem:s13+$0xF000]  }
0x36a: {  	v42 =	vmax.f32 v42, v62;
	v62 =	vld [tilespmem:s13+$0xF100]  }
0x36b: {  	v42 =	vmax.f32 v42, v58;
	v58 =	vld [tilespmem:s13+$0xF180];
	v63 =	vmax.f32 v63, v1  }
0x36c: {  	v59 =	vmax.f32 v42, v59;
	v44 =	vmax.f32 v63, v44;
	v63 =	vld [tilespmem:$0x1FD80]  }
0x36d: {  	v59 =	vmax.f32 v59, v60;
	v60 =	vld [tilespmem:s13+$0xF280]  }
0x36e: {  	v43 =	vld [tilespmem:s13+$0xDF80]  }
0x36f: {  	v14 =	vld [tilespmem:s13+$0xE100]  }
0x370: {  	v48 =	vld [tilespmem:s13+$0xE080]  }
0x371: {  	v0 =	vmax.f32 v0, v63;
	v63 =	vld [tilespmem:$0x1FD90]  }
0x372: {  	v15 =	vld [tilespmem:s13+$0xE180]  }
0x373: {  	v31 =	vld [tilespmem:s13+$0xE200]  }
0x374: {  	v2 =	vld [tilespmem:s13+$0xE900]  }
0x375: {  	v3 =	vld [tilespmem:s13+$0xE980]  }
0x376: {  	v44 =	vmax.f32 v44, v63;
	v63 =	vld [tilespmem:$0x1FDA0]  }
0x377: {  	v41 =	vld [tilespmem:$0x1FDC0]  }
0x378: {  	v4 =	vld [tilespmem:s13+$0xEA00]  }
0x379: {  	v6 =	vld [tilespmem:s13+$0xEB00]  }
0x37a: {  	v5 =	vld [tilespmem:s13+$0xEA80]  }
0x37b: {  	v0 =	vmax.f32 v0, v63;
	v63 =	vld [tilespmem:$0x1FDB0]  }
0x37c: {  	v42 =	vmax.f32 v0, v41;
	v0 =	vld [tilespmem:$0x1FDD0]  }
0x37d: {  	v45 =	vld [tilespmem:s13+$0xE480]  }
0x37e: {  	v8 =	vld [tilespmem:s13+$0xE880]  }
0x37f: {  	v9 =	vld [tilespmem:s13+$0xE800]  }
0x380: {  	v7 =	vld [tilespmem:s13+$0xEB80];
	v44 =	vmax.f32 v44, v63  }
0x381: {  	v0 =	vmax.f32 v44, v0;
	v44 =	vld [tilespmem:$0x1FDE0]  }
0x382: {  	v46 =	vld [tilespmem:s13+$0xE500]  }
0x383: {  	v47 =	vld [tilespmem:s13+$0xE580]  }
0x384: {  	v8 =	vmax.f32 v9, v8;
	v9 =	vld [tilespmem:s13+$0xF380]  }
0x385: {  	v10 =	vld [tilespmem:s13+$0xE600];
	v2 =	vmax.f32 v8, v2  }
0x386: {  	v2 =	vmax.f32 v2, v3;
	v3 =	vld [tilespmem:s13+$0xF480];
	v44 =	vmax.f32 v0, v44;
	v0 =	vmax.f32 v57, v48  }
0x387: {  	v2 =	vmax.f32 v2, v4;
	v4 =	vld [tilespmem:s13+$0xF500];
	v0 =	vmax.f32 v0, v14  }
0x388: {  	v0 =	vmax.f32 v0, v15;
	v15 =	vld [tilespmem:$0x1FE20]  }
0x389: {  	v41 =	vld [tilespmem:$0x1FDF0]  }
0x38a: {  	v2 =	vmax.f32 v2, v5;
	v5 =	vld [tilespmem:s13+$0xF580]  }
0x38b: {  	v2 =	vmax.f32 v2, v6;
	v6 =	vld [tilespmem:s13+$0xF600];
	v0 =	vmax.f32 v0, v31  }
0x38c: {  	v2 =	vmax.f32 v2, v7;
	v7 =	vld [tilespmem:s13+$0xF680];
	v0 =	vmax.f32 v0, v35  }
0x38d: {  	v0 =	vmax.f32 v0, v15;
	v15 =	vld [tilespmem:$0x1FE30]  }
0x38e: {  	v43 =	vmax.f32 v59, v43;
	v2 =	vmax.f32 v2, v61;
	v59 =	vmax.f32 v41, v37;
	v57 =	vld [tilespmem:$0x1FE00]  }
0x38f: {  	v2 =	vmax.f32 v2, v50;
	v8 =	vmax.f32 v59, v36;
	v59 =	vld [tilespmem:$0x1FE10]  }
0x390: {  	v61 =	vld [tilespmem:s13+$0xFC00];
	v2 =	vmax.f32 v2, v51  }
0x391: {  	v51 =	vld [tilespmem:s13+$0xF800];
	v2 =	vmax.f32 v2, v52  }
0x392: {  	v2 =	vmax.f32 v2, v53;
	v0 =	vmax.f32 v0, v15;
	v15 =	vld [tilespmem:$0x1FE40]  }
0x393: {  	v2 =	vmax.f32 v2, v54;
	v54 =	vld [tilespmem:s13+$0xF980];
	v8 =	vmax.f32 v8, v57  }
0x394: {  	v11 =	vld [tilespmem:s13+$0xE680];
	v8 =	vmax.f32 v8, v59  }
0x395: {  	v12 =	vld [tilespmem:s13+$0xE700];
	v8 =	vmax.f32 v8, v18  }
0x396: {  	v13 =	vld [tilespmem:s13+$0xE780];
	v8 =	vmax.f32 v8, v17  }
0x397: {  	v1 =	vld [tilespmem:s13+$0xF080];
	v8 =	vmax.f32 v8, v19;
	v0 =	vmax.f32 v0, v15  }
0x398: {  	v63 =	vld [tilespmem:s13+$0xF200];
	v8 =	vmax.f32 v8, v21;
	v0 =	vmax.f32 v0, v45  }
0x399: {  	v48 =	vld [tilespmem:s13+$0xF300];
	v8 =	vmax.f32 v8, v20;
	v0 =	vmax.f32 v0, v46  }
0x39a: {  	v14 =	vld [tilespmem:s13+$0xF400];
	v8 =	vmax.f32 v8, v22;
	v0 =	vmax.f32 v0, v47  }
0x39b: {  	v8 =	vmax.f32 v8, v24;
	v0 =	vmax.f32 v0, v10;
	v10 =	vld [tilespmem:s13+$0xF880]  }
0x39c: {  	v8 =	vmax.f32 v8, v23;
	v0 =	vmax.f32 v0, v11;
	v11 =	vld [tilespmem:s13+$0xF900]  }
0x39d: {  	v31 =	vld [tilespmem:s13+$0xF780];
	v8 =	vmax.f32 v8, v25;
	v0 =	vmax.f32 v0, v12  }
0x39e: {  	v8 =	vmax.f32 v8, v27;
	v45 =	vmax.f32 v0, v13;
	v0 =	vmax.f32 v2, v55;
	v2 =	vld [tilespmem:s13+$0xFA00]  }
0x39f: {  	v8 =	vmax.f32 v8, v26;
	v46 =	vmax.f32 v0, v49;
	v0 =	vmax.f32 v56, v1;
	v1 =	vld [tilespmem:s13+$0xFA80]  }
0x3a0: {  	v8 =	vmax.f32 v8, v28;
	v56 =	vld [tilespmem:s13+$0xFB00];
	v0 =	vmax.f32 v0, v62;
	v10 =	vmax.f32 v51, v10  }
0x3a1: {  	v8 =	vmax.f32 v8, v30;
	v0 =	vmax.f32 v0, v58;
	v10 =	vmax.f32 v10, v11;
	v11 =	vld [tilespmem:s13+$0xFB80]  }
0x3a2: {  	v15 =	vld [tilespmem:s13+$0xF700];
	v8 =	vmax.f32 v8, v29;
	v0 =	vmax.f32 v0, v63;
	v10 =	vmax.f32 v10, v54  }
0x3a3: {  	v8 =	vmax.f32 v8, v32;
	v0 =	vmax.f32 v0, v60;
	v2 =	vmax.f32 v10, v2;
	v10 =	vld [tilespmem:s13+$0xFC80]  }
0x3a4: {  	v8 =	vmax.f32 v8, v34;
	v0 =	vmax.f32 v0, v48;
	v1 =	vmax.f32 v2, v1;
	v2 =	vld [tilespmem:s13+$0xFD00]  }
0x3a5: {  	v8 =	vmax.f32 v8, v33;
	v0 =	vmax.f32 v0, v9;
	v1 =	vmax.f32 v1, v56;
	v9 =	vld [tilespmem:s13+$0xFD80]  }
0x3a6: {  	v8 =	vmax.f32 v8, v38;
	v0 =	vmax.f32 v0, v14;
	v1 =	vmax.f32 v1, v11;
	v11 =	vld [tilespmem:s13+$0xFE00]  }
0x3a7: {  	v8 =	vmax.f32 v8, v40;
	v0 =	vmax.f32 v0, v3;
	v1 =	vmax.f32 v1, v61;
	v3 =	vld [tilespmem:s13+$0xFE80]  }
0x3a8: {  	v8 =	vmax.f32 v8, v39;
	v0 =	vmax.f32 v0, v4;
	v1 =	vmax.f32 v1, v10;
	v4 =	vld [tilespmem:s13+$0xFF00]  }
0x3a9: {  	v0 =	vmax.f32 v0, v5;
	v1 =	vmax.f32 v1, v2;
	v2 =	vld [tilespmem:s13+$0xFF80];
	v5 =	vmax.f32 v8, v42  }
0x3aa: {  	v0 =	vmax.f32 v0, v6;
	v1 =	vmax.f32 v1, v9;
	v5 =	vmax.f32 v5, v44  }
0x3ab: {  	v0 =	vmax.f32 v0, v7;
	v1 =	vmax.f32 v1, v11;
	v5 =	vmax.f32 v5, v43  }
0x3ac: {  	v0 =	vmax.f32 v0, v15;
	v1 =	vmax.f32 v1, v3;
	v3 =	vmax.f32 v5, v45  }
0x3ad: {  	v47 =	vmax.f32 v0, v31;
	v0 =	vmax.f32 v1, v4;
	v1 =	vmax.f32 v3, v46  }
0x3ae: {  	v48 =	vmax.f32 v0, v2;
	v0 =	vmax.f32 v1, v47  }
0x3af: {  	v3 =	vmax.f32 v0, v48  }
0x3b0: {  	vm0 =	veq.f32 v48, v3  }
0x3b1: {  	v0 =	vsel vm0, $0x1F, v16;
	vm0 =	veq.f32 v47, v3  }
0x3b2: {  	v0 =	vsel vm0, $0x1E, v0;
	vm0 =	veq.f32 v46, v3  }
0x3b3: {  	v0 =	vsel vm0, $0x1D, v0;
	vm0 =	veq.f32 v45, v3  }
0x3b4: {  	v0 =	vsel vm0, $0x1C, v0;
	vm0 =	veq.f32 v43, v3  }
0x3b5: {  	v0 =	vsel vm0, $0x1B, v0;
	vm0 =	veq.f32 v44, v3  }
0x3b6: {  	v0 =	vsel vm0, $0x1A, v0;
	vm0 =	veq.f32 v42, v3  }
0x3b7: {  	v0 =	vsel vm0, $0x19, v0;
	vm0 =	veq.f32 v39, v3  }
0x3b8: {  	v0 =	vsel vm0, $0x18, v0;
	vm0 =	veq.f32 v40, v3  }
0x3b9: {  	v0 =	vsel vm0, $0x17, v0;
	vm0 =	veq.f32 v38, v3  }
0x3ba: {  	v0 =	vsel vm0, $0x16, v0;
	vm0 =	veq.f32 v33, v3  }
0x3bb: {  	v0 =	vsel vm0, $0x15, v0;
	vm0 =	veq.f32 v34, v3  }
0x3bc: {  	v0 =	vsel vm0, $0x14, v0;
	vm0 =	veq.f32 v32, v3  }
0x3bd: {  	v0 =	vsel vm0, $0x13, v0;
	vm0 =	veq.f32 v29, v3  }
0x3be: {  	v0 =	vsel vm0, $0x12, v0;
	vm0 =	veq.f32 v30, v3  }
0x3bf: {  	v0 =	vsel vm0, $0x11, v0;
	vm0 =	veq.f32 v28, v3  }
0x3c0: {  	v0 =	vsel vm0, $0x10, v0;
	vm0 =	veq.f32 v26, v3  }
0x3c1: {  	v0 =	vsel vm0, $0xF, v0;
	vm0 =	veq.f32 v27, v3  }
0x3c2: {  	v0 =	vsel vm0, $0xE, v0;
	vm0 =	veq.f32 v25, v3  }
0x3c3: {  	v0 =	vsel vm0, $0xD, v0;
	vm0 =	veq.f32 v23, v3  }
0x3c4: {  	v0 =	vsel vm0, $0xC, v0;
	vm0 =	veq.f32 v24, v3  }
0x3c5: {  	v0 =	vsel vm0, $0xB, v0;
	vm0 =	veq.f32 v22, v3  }
0x3c6: {  	v0 =	vsel vm0, $0xA, v0;
	vm0 =	veq.f32 v20, v3  }
0x3c7: {  	v0 =	vsel vm0, $0x9, v0;
	vm0 =	veq.f32 v21, v3  }
0x3c8: {  	v0 =	vsel vm0, $0x8, v0;
	vm0 =	veq.f32 v19, v3  }
0x3c9: {  	v0 =	vsel vm0, $0x7, v0;
	vm0 =	veq.f32 v17, v3  }
0x3ca: {  	v0 =	vsel vm0, $0x6, v0;
	vm0 =	veq.f32 v18, v3  }
0x3cb: {  	v0 =	vsel vm0, $0x5, v0;
	vm0 =	veq.f32 v59, v3  }
0x3cc: {  	v0 =	vsel vm0, $0x4, v0;
	vm0 =	veq.f32 v57, v3  }
0x3cd: {  	v0 =	vsel vm0, $0x3, v0;
	vm0 =	veq.f32 v36, v3  }
0x3ce: {  	v10 =	vld [tilespmem:$0x1FF70];
	v0 =	vsel vm0, $0x2, v0;
	vm0 =	veq.f32 v37, v3  }
0x3cf: {  	v0 =	vsel vm0, $0x1, v0;
	vm0 =	veq.f32 v41, v3  }
0x3d0: {  	v9 =	vsel vm0, $0x0, v0;
	v0 =	vld [tilespmem:$0x1FF10];
	_ =	sdelay $0x2  }
0x3d1: {  	v56 =	vor.u32 s13, v10;
	v10 =	vld [tilespmem:$0x1FF80]  }
0x3d2: {  	v2 =	vld [tilespmem:$0x1FF20]  }
0x3d3: {  	v4 =	vshll.u32 v9, $0xB;
	v49 =	vor.u32 s13, v0  }
0x3d4: {  	v5 =	vld [tilespmem:$0x1FF30];
	v1 =	vlaneseq.u32;
	v0 =	vor.u32 v4, v49  }
0x3d5: {  	v50 =	vor.u32 s13, v1  }
0x3d6: {  	v6 =	vld [tilespmem:$0x1FF40];
	v1 =	vor.u32 v50, v4  }
0x3d7: {  	v15 =	vmov v57;
	v51 =	vor.u32 s13, v2;
	v57 =	vor.u32 s13, v10;
	v10 =	vld [tilespmem:$0x1FF90]  }
0x3d8: {  	v7 =	vld [tilespmem:$0x1FF50];
	v2 =	vor.u32 v4, v51  }
0x3d9: {  	v52 =	vor.u32 s13, v5;
	v0 =	vld.idx.msk [tilespmem:v0+s2+$0x0], $0xffff  }
0x3da: {  	v8 =	vld [tilespmem:$0x1FF60];
	v5 =	vor.u32 v4, v52  }
0x3db: {  	v53 =	vor.u32 s13, v6;
	v1 =	vld.idx.msk [tilespmem:v1+s2+$0x0], $0xffff  }
0x3dc: {  	v58 =	vor.u32 s13, v10;
	v10 =	vld [tilespmem:$0x1FFA0];
	v6 =	vor.u32 v4, v53  }
0x3dd: {  	v54 =	vor.u32 s13, v7;
	v2 =	vld.idx.msk [tilespmem:v2+s2+$0x0], $0xffff  }
0x3de: {  	v7 =	vor.u32 v4, v54;
	vm0 =	vlt.f32 v0, v3  }
0x3df: {  	v55 =	vor.u32 s13, v8;
	v5 =	vld.idx.msk [tilespmem:v5+s2+$0x0], $0xffff;
	v0 =	vnsel vm0, $0xFF800000, v0  }
0x3e0: {  	v8 =	vor.u32 v4, v55;
	vm0 =	vlt.f32 v1, v3;
	v1 =	vmax.f32 v1, v0  }
0x3e1: {  	v35 =	vmov v59;
	v59 =	vor.u32 s13, v10;
	v6 =	vld.idx.msk [tilespmem:v6+s2+$0x0], $0xffff;
	v0 =	vsel vm0, v1, v0  }
0x3e2: {  	v10 =	vld [tilespmem:$0x1FFB0];
	v1 =	vor.u32 v4, v56;
	vm0 =	vlt.f32 v2, v3;
	v2 =	vmax.f32 v0, v2  }
0x3e3: {  	v7 =	vld.idx.msk [tilespmem:v7+s2+$0x0], $0xffff;
	v0 =	vsel vm0, v2, v0  }
0x3e4: {  	v2 =	vor.u32 v4, v57;
	vm0 =	vlt.f32 v5, v3;
	v5 =	vmax.f32 v0, v5  }
0x3e5: {  	v8 =	vld.idx.msk [tilespmem:v8+s2+$0x0], $0xffff;
	v0 =	vsel vm0, v5, v0  }
0x3e6: {  	vm0 =	vlt.f32 v6, v3;
	v6 =	vmax.f32 v0, v6  }
0x3e7: {  	v5 =	vor.u32 v4, v58;
	v1 =	vld.idx.msk [tilespmem:v1+s2+$0x0], $0xffff;
	v0 =	vsel vm0, v6, v0  }
0x3e8: {  	v60 =	vor.u32 s13, v10;
	v10 =	vld [tilespmem:$0x1FFC0];
	vm0 =	vlt.f32 v7, v3;
	v7 =	vmax.f32 v0, v7  }
0x3e9: {  	v2 =	vld.idx.msk [tilespmem:v2+s2+$0x0], $0xffff;
	v0 =	vsel vm0, v7, v0  }
0x3ea: {  	vm0 =	vlt.f32 v8, v3;
	v8 =	vmax.f32 v0, v8  }
0x3eb: {  	v6 =	vor.u32 v4, v59;
	v8 =	vsel vm0, v8, v0;
	v0 =	vld [tilespmem:$0x1FFD0]  }
0x3ec: {  	v5 =	vld.idx.msk [tilespmem:v5+s2+$0x0], $0xffff;
	vm0 =	vlt.f32 v1, v3;
	v1 =	vmax.f32 v8, v1  }
0x3ed: {  	v7 =	vor.u32 v4, v60;
	v8 =	vsel vm0, v1, v8;
	v1 =	vld [tilespmem:$0x1FFE0]  }
0x3ee: {  	v61 =	vor.u32 s13, v10;
	vm0 =	vlt.f32 v2, v3;
	v62 =	vmax.f32 v8, v2;
	v2 =	vld [tilespmem:$0x1FFF0]  }
0x3ef: {  	v10 =	vor.u32 v4, v61  }
0x3f0: {  	v6 =	vld.idx.msk [tilespmem:v6+s2+$0x0], $0xffff;
	v0 =	vor.u32 s13, v0  }
0x3f1: {  	v11 =	vor.u32 v4, v0  }
0x3f2: {  	v7 =	vld.idx.msk [tilespmem:v7+s2+$0x0], $0xffff;
	v8 =	vsel vm0, v62, v8;
	vm0 =	vlt.f32 v5, v3;
	v1 =	vor.u32 s13, v1  }
0x3f3: {  	v5 =	vmax.f32 v8, v5;
	v2 =	vor.u32 s13, v2;
	v63 =	vor.u32 v4, v1  }
0x3f4: {  	v5 =	vsel vm0, v5, v8;
	v8 =	vld.idx.msk [tilespmem:v10+s2+$0x0], $0xffff;
	v4 =	vor.u32 v4, v2  }
0x3f5: {  	vm0 =	vlt.f32 v6, v3;
	v6 =	vmax.f32 v5, v6  }
0x3f6: {  	v5 =	vsel vm0, v6, v5;
	v6 =	vld.idx.msk [tilespmem:v11+s2+$0x0], $0xffff  }
0x3f7: {  	vm0 =	vlt.f32 v7, v3;
	v7 =	vmax.f32 v5, v7  }
0x3f8: {  	v5 =	vsel vm0, v7, v5;
	v7 =	vld.idx.msk [tilespmem:v63+s2+$0x0], $0xffff  }
0x3f9: {  	vm0 =	vlt.f32 v8, v3;
	v8 =	vmax.f32 v5, v8;
	v4 =	vld.idx.msk [tilespmem:v4+s2+$0x0], $0xffff  }
0x3fa: {  	v5 =	vsel vm0, v8, v5  }
0x3fb: {  	vm0 =	vlt.f32 v6, v3;
	v6 =	vmax.f32 v5, v6  }
0x3fc: {  	v5 =	vsel vm0, v6, v5  }
0x3fd: {  	vm3 =	veq.s32 v9, $0x5;
	vm0 =	vlt.f32 v7, v3;
	v6 =	vmax.f32 v5, v7  }
0x3fe: {  	v5 =	vsel vm0, v6, v5;
	vm0 =	vlt.f32 v4, v3;
	v3 =	vimm.s32 $0x0  }
0x3ff: {  	v3 =	vsel vm3, $0xFFFFFFFF, v3  }
0x400: {  	vm3 =	veq.s32 v9, $0x6;
	[tilespmem:$0x1FE50] =	vst v3;
	v3 =	vimm.s32 $0x0  }
0x401: {  	v3 =	vsel vm3, $0xFFFFFFFF, v3  }
0x402: {  	vm3 =	veq.s32 v9, $0x7;
	[tilespmem:$0x1FE60] =	vst v3;
	v3 =	vimm.s32 $0x0  }
0x403: {  	v3 =	vsel vm3, $0xFFFFFFFF, v3  }
0x404: {  	vm3 =	veq.s32 v9, $0x8;
	[tilespmem:$0x1FE70] =	vst v3;
	v3 =	vimm.s32 $0x0  }
0x405: {  	vm1 =	veq.s32 v9, $0x1;
	v3 =	vsel vm3, $0xFFFFFFFF, v3  }
0x406: {  	vm2 =	veq.s32 v9, $0x2;
	vm3 =	veq.s32 v9, $0x9;
	[tilespmem:$0x1FE80] =	vst v3;
	v3 =	vimm.s32 $0x0  }
0x407: {  	vm11 =	veq.s32 v9, $0x3;
	vm12 =	veq.s32 v9, $0x4;
	v3 =	vsel vm3, $0xFFFFFFFF, v3  }
0x408: {  	vm10 =	veq.s32 v9, $0xB;
	vm3 =	veq.s32 v9, $0xA;
	[tilespmem:$0x1FE90] =	vst v3;
	v3 =	vimm.s32 $0x0  }
0x409: {  	vm4 =	veq.s32 v9, $0xC;
	vm5 =	veq.s32 v9, $0xD;
	v3 =	vsel vm3, $0xFFFFFFFF, v3  }
0x40a: {  	vm6 =	veq.s32 v9, $0xF;
	vm7 =	veq.s32 v9, $0x10;
	[tilespmem:$0x1FEA0] =	vst v3;
	v3 =	vmax.f32 v5, v4  }
0x40b: {  	vm14 =	veq.s32 v9, $0x11;
	vm8 =	veq.s32 v9, $0x12;
	v8 =	vsel vm0, v3, v5  }
0x40c: {  	v11 =	vimm.s32 $0x0;
	v6 =	vsel vm11, v8, v15;
	vm11 =	veq.s32 v9, $0x1A  }
0x40d: {  	vm15 =	veq.s32 v9, $0x13;
	vm9 =	veq.s32 v9, $0x14;
	v11 =	vsel vm11, $0xFFFFFFFF, v11  }
0x40e: {  	vm13 =	veq.s32 v9, $0x16;
	vm11 =	veq.s32 v9, $0x1B;
	[tilespmem:$0x1FEC0] =	vst v11;
	v11 =	vimm.s32 $0x0  }
0x40f: {  	vm3 =	veq.s32 v9, $0xE;
	vm0 =	veq.s32 v9, $0x0;
	v11 =	vsel vm11, $0xFFFFFFFF, v11  }
0x410: {  	v3 =	vimm.s32 $0x0;
	vm11 =	veq.s32 v9, $0x1C;
	[tilespmem:$0x1FED0] =	vst v11;
	v11 =	vimm.s32 $0x0  }
0x411: {  	v3 =	vsel vm3, $0xFFFFFFFF, v3;
	v4 =	vsel vm1, v8, v37;
	v11 =	vsel vm11, $0xFFFFFFFF, v11  }
0x412: {  	v5 =	vsel vm2, v8, v36;
	vm11 =	veq.s32 v9, $0x1D;
	[tilespmem:$0x1FEE0] =	vst v11;
	v11 =	vimm.s32 $0x0  }
0x413: {  	v7 =	vsel vm12, v8, v35;
	vm3 =	veq.s32 v9, $0x15;
	v11 =	vsel vm11, $0xFFFFFFFF, v11  }
0x414: {  	vm2 =	veq.s32 v9, $0x17;
	vm11 =	veq.s32 v9, $0x1E;
	[tilespmem:$0x1FEF0] =	vst v11;
	v11 =	vimm.s32 $0x0  }
0x415: {  	vm1 =	veq.s32 v9, $0x18;
	[tilespmem:$0x1FEB0] =	vst v3;
	v3 =	vsel vm0, v8, v41;
	v11 =	vsel vm11, $0xFFFFFFFF, v11  }
0x416: {  	s14 =	simm.s32 $0x17;
	vm0 =	veq.s32 v9, $0x19;
	v10 =	vmax.f32 v3, v4;
	vm11 =	veq.s32 v9, $0x1F;
	[tilespmem:$0x1FF00] =	vst v11  }
.LBB2_3:
0x417: {  	v9 =	vmax.f32 v10, v5;
	v10 =	vld [tilespmem:$0x1FE50];
	_ =	sdelay $0x4  }
0x418: {  	vm12 =	vnez.u8 v10;
	v10 =	vld [tilespmem:$0x1FE60];
	_ =	sdelay $0x4  }
0x419: {  	v18 =	vsel vm12, v8, v18;
	vm12 =	vnez.u8 v10;
	v10 =	vld [tilespmem:$0x1FE70];
	_ =	sdelay $0x4  }
0x41a: {  	v17 =	vsel vm12, v8, v17;
	vm12 =	vnez.u8 v10;
	v10 =	vld [tilespmem:$0x1FE80];
	_ =	sdelay $0x4  }
0x41b: {  	v19 =	vsel vm12, v8, v19;
	vm12 =	vnez.u8 v10;
	v10 =	vld [tilespmem:$0x1FE90];
	_ =	sdelay $0x4  }
0x41c: {  	v21 =	vsel vm12, v8, v21;
	vm12 =	vnez.u8 v10;
	v10 =	vld [tilespmem:$0x1FEA0];
	_ =	sdelay $0x4  }
0x41d: {  	v20 =	vsel vm12, v8, v20;
	vm12 =	vnez.u8 v10;
	v10 =	vld [tilespmem:$0x1FEB0];
	_ =	sdelay $0x4  }
0x41e: {  	v23 =	vsel vm4, v8, v23;
	vm4 =	vnez.u8 v10;
	v10 =	vld [tilespmem:$0x1FEC0];
	_ =	sdelay $0x4  }
0x41f: {  	v42 =	vsel vm0, v8, v42;
	vm0 =	vnez.u8 v10;
	v10 =	vld [tilespmem:$0x1FED0];
	_ =	sdelay $0x4  }
0x420: {  	v44 =	vsel vm0, v8, v44;
	vm0 =	vnez.u8 v10;
	v10 =	vld [tilespmem:$0x1FEE0];
	_ =	sdelay $0x2  }
0x421: {  	v9 =	vmax.f32 v9, v6  }
0x422: {  	v9 =	vmax.f32 v9, v7  }
0x423: {  	v9 =	vmax.f32 v9, v18;
	v43 =	vsel vm0, v8, v43;
	vm0 =	vnez.u8 v10;
	v10 =	vld [tilespmem:$0x1FEF0]  }
0x424: {  	v9 =	vmax.f32 v9, v17  }
0x425: {  	v24 =	vsel vm10, v8, v24;
	v25 =	vsel vm5, v8, v25;
	v9 =	vmax.f32 v9, v19  }
0x426: {  	v26 =	vsel vm6, v8, v26;
	v28 =	vsel vm7, v8, v28;
	v9 =	vmax.f32 v9, v21  }
0x427: {  	v30 =	vsel vm14, v8, v30;
	v9 =	vmax.f32 v9, v20;
	v22 =	vsel vm12, v8, v22  }
0x428: {  	v9 =	vmax.f32 v9, v22;
	v45 =	vsel vm0, v8, v45;
	vm0 =	vnez.u8 v10;
	v10 =	vld [tilespmem:$0x1FF00]  }
0x429: {  	v29 =	vsel vm8, v8, v29;
	v32 =	vsel vm15, v8, v32;
	v9 =	vmax.f32 v9, v24  }
0x42a: {  	v34 =	vsel vm9, v8, v34;
	v33 =	vsel vm3, v8, v33;
	v9 =	vmax.f32 v9, v23  }
0x42b: {  	v38 =	vsel vm13, v8, v38;
	v9 =	vmax.f32 v9, v25;
	v27 =	vsel vm4, v8, v27  }
0x42c: {  	v40 =	vsel vm2, v8, v40;
	v39 =	vsel vm1, v8, v39;
	v9 =	vmax.f32 v9, v27  }
0x42d: {  	v9 =	vmax.f32 v9, v26;
	v46 =	vsel vm0, v8, v46;
	vm0 =	vnez.u8 v10  }
0x42e: {  	v48 =	vsel vm11, v8, v48;
	v47 =	vsel vm0, v8, v47;
	v8 =	vmax.f32 v9, v28  }
0x42f: {  	v8 =	vmax.f32 v8, v30  }
0x430: {  	v8 =	vmax.f32 v8, v29  }
0x431: {  	v8 =	vmax.f32 v8, v32  }
0x432: {  	v8 =	vmax.f32 v8, v34  }
0x433: {  	v8 =	vmax.f32 v8, v33  }
0x434: {  	v8 =	vmax.f32 v8, v38  }
0x435: {  	v8 =	vmax.f32 v8, v40  }
0x436: {  	v8 =	vmax.f32 v8, v39  }
0x437: {  	v8 =	vmax.f32 v8, v42  }
0x438: {  	v8 =	vmax.f32 v8, v44  }
0x439: {  	v8 =	vmax.f32 v8, v43  }
0x43a: {  	v8 =	vmax.f32 v8, v45  }
0x43b: {  	v8 =	vmax.f32 v8, v46  }
0x43c: {  	v8 =	vmax.f32 v8, v47  }
0x43d: {  	v8 =	vmax.f32 v8, v48  }
0x43e: {  	vm0 =	veq.f32 v48, v8  }
0x43f: {  	v9 =	vsel vm0, $0x1F, v16;
	vm0 =	veq.f32 v47, v8  }
0x440: {  	v9 =	vsel vm0, $0x1E, v9;
	vm0 =	veq.f32 v46, v8  }
0x441: {  	v9 =	vsel vm0, $0x1D, v9;
	vm0 =	veq.f32 v45, v8  }
0x442: {  	v9 =	vsel vm0, $0x1C, v9;
	vm0 =	veq.f32 v43, v8  }
0x443: {  	v9 =	vsel vm0, $0x1B, v9;
	vm0 =	veq.f32 v44, v8  }
0x444: {  	v9 =	vsel vm0, $0x1A, v9;
	vm0 =	veq.f32 v42, v8  }
0x445: {  	v9 =	vsel vm0, $0x19, v9;
	vm0 =	veq.f32 v39, v8  }
0x446: {  	v9 =	vsel vm0, $0x18, v9;
	vm0 =	veq.f32 v40, v8  }
0x447: {  	v9 =	vsel vm0, $0x17, v9;
	vm0 =	veq.f32 v38, v8  }
0x448: {  	v9 =	vsel vm0, $0x16, v9;
	vm0 =	veq.f32 v33, v8  }
0x449: {  	v9 =	vsel vm0, $0x15, v9;
	vm0 =	veq.f32 v34, v8  }
0x44a: {  	v9 =	vsel vm0, $0x14, v9;
	vm0 =	veq.f32 v32, v8  }
0x44b: {  	v9 =	vsel vm0, $0x13, v9;
	vm0 =	veq.f32 v29, v8  }
0x44c: {  	v9 =	vsel vm0, $0x12, v9;
	vm0 =	veq.f32 v30, v8  }
0x44d: {  	v9 =	vsel vm0, $0x11, v9;
	vm0 =	veq.f32 v28, v8  }
0x44e: {  	v9 =	vsel vm0, $0x10, v9;
	vm0 =	veq.f32 v26, v8  }
0x44f: {  	v9 =	vsel vm0, $0xF, v9;
	vm0 =	veq.f32 v27, v8  }
0x450: {  	v9 =	vsel vm0, $0xE, v9;
	vm0 =	veq.f32 v25, v8  }
0x451: {  	v9 =	vsel vm0, $0xD, v9;
	vm0 =	veq.f32 v23, v8  }
0x452: {  	v9 =	vsel vm0, $0xC, v9;
	vm0 =	veq.f32 v24, v8  }
0x453: {  	v9 =	vsel vm0, $0xB, v9;
	vm0 =	veq.f32 v22, v8  }
0x454: {  	v9 =	vsel vm0, $0xA, v9;
	vm0 =	veq.f32 v20, v8  }
0x455: {  	v9 =	vsel vm0, $0x9, v9;
	vm0 =	veq.f32 v21, v8  }
0x456: {  	v9 =	vsel vm0, $0x8, v9;
	vm0 =	veq.f32 v19, v8  }
0x457: {  	v9 =	vsel vm0, $0x7, v9;
	vm0 =	veq.f32 v17, v8  }
0x458: {  	v9 =	vsel vm0, $0x6, v9;
	vm0 =	veq.f32 v18, v8  }
0x459: {  	v9 =	vsel vm0, $0x5, v9;
	vm0 =	veq.f32 v7, v8  }
0x45a: {  	v9 =	vsel vm0, $0x4, v9;
	vm0 =	veq.f32 v6, v8  }
0x45b: {  	v9 =	vsel vm0, $0x3, v9;
	vm0 =	veq.f32 v5, v8  }
0x45c: {  	v9 =	vsel vm0, $0x2, v9;
	vm0 =	veq.f32 v4, v8  }
0x45d: {  	v9 =	vsel vm0, $0x1, v9;
	vm0 =	veq.f32 v3, v8  }
0x45e: {  	v11 =	vimm.s32 $0x0;
	v9 =	vsel vm0, $0x0, v9  }
0x45f: {  	v12 =	vimm.s32 $0x0;
	v37 =	vimm.s32 $0x0;
	vm0 =	veq.s32 v9, $0x1  }
0x460: {  	v41 =	vimm.s32 $0x0;
	v62 =	vimm.s32 $0x0;
	v11 =	vsel vm0, $0xFFFFFFFF, v11  }
0x461: {  	v63 =	vimm.s32 $0x0;
	vm0 =	veq.s32 v9, $0x2;
	[tilespmem:$0x1E7E0] =	vst v11;
	v11 =	vimm.s32 $0x0  }
0x462: {  	v13 =	vimm.s32 $0x0;
	v11 =	vsel vm0, $0xFFFFFFFF, v11;
	vm0 =	veq.s32 v9, $0x3  }
0x463: {  	v36 =	vimm.s32 $0x0;
	[tilespmem:$0x1E7F0] =	vst v11;
	v12 =	vsel vm0, $0xFFFFFFFF, v12;
	vm0 =	veq.s32 v9, $0x4  }
0x464: {  	v14 =	vimm.s32 $0x0;
	[tilespmem:$0x1E800] =	vst v12;
	v12 =	vsel vm0, $0xFFFFFFFF, v37;
	vm0 =	veq.s32 v9, $0x5  }
0x465: {  	v31 =	vimm.s32 $0x0;
	[tilespmem:$0x1E810] =	vst v12;
	v12 =	vsel vm0, $0xFFFFFFFF, v41;
	vm0 =	veq.s32 v9, $0x6  }
0x466: {  	v10 =	vshll.u32 v9, $0xB;
	[tilespmem:$0x1FE50] =	vst v12;
	v12 =	vsel vm0, $0xFFFFFFFF, v62;
	vm0 =	veq.s32 v9, $0x7  }
0x467: {  	v11 =	vor.u32 v10, v49;
	[tilespmem:$0x1FE60] =	vst v12;
	v12 =	vsel vm0, $0xFFFFFFFF, v63;
	vm0 =	veq.s32 v9, $0x8  }
0x468: {  	v35 =	vor.u32 v50, v10;
	v13 =	vsel vm0, $0xFFFFFFFF, v13;
	vm0 =	veq.s32 v9, $0x9  }
0x469: {  	v37 =	vimm.s32 $0x0;
	[tilespmem:$0x1FE80] =	vst v13;
	v13 =	vsel vm0, $0xFFFFFFFF, v36;
	vm0 =	veq.s32 v9, $0xA  }
0x46a: {  	v41 =	vimm.s32 $0x0;
	[tilespmem:$0x1FE90] =	vst v13;
	v13 =	vsel vm0, $0xFFFFFFFF, v37;
	vm0 =	veq.s32 v9, $0xB  }
0x46b: {  	v62 =	vor.u32 v10, v51;
	[tilespmem:$0x1FEA0] =	vst v13;
	v13 =	vsel vm0, $0xFFFFFFFF, v41;
	vm0 =	veq.s32 v9, $0xE  }
0x46c: {  	vm10 =	veq.s32 v9, $0xC;
	v11 =	vld.idx.msk [tilespmem:v11+s2+$0x0], $0xffff;
	v14 =	vsel vm0, $0xFFFFFFFF, v14;
	vm0 =	veq.s32 v9, $0x1A  }
0x46d: {  	vm4 =	veq.s32 v9, $0x11;
	v63 =	vor.u32 v10, v52;
	[tilespmem:$0x1FE70] =	vst v12;
	v31 =	vsel vm0, $0xFFFFFFFF, v31  }
0x46e: {  	vm11 =	veq.s32 v9, $0x1B;
	v15 =	vor.u32 v10, v53;
	v12 =	vld.idx.msk [tilespmem:v35+s2+$0x0], $0xffff;
	[tilespmem:$0x1FEC0] =	vst v31;
	v31 =	vimm.s32 $0x0  }
0x46f: {  	v35 =	vimm.s32 $0x0;
	[tilespmem:$0x1E7D0] =	vst v13;
	v31 =	vsel vm11, $0xFFFFFFFF, v31;
	vm11 =	veq.s32 v9, $0x1C  }
0x470: {  	v36 =	vimm.s32 $0x0;
	v13 =	vld.idx.msk [tilespmem:v62+s2+$0x0], $0xffff;
	[tilespmem:$0x1FED0] =	vst v31;
	v35 =	vsel vm11, $0xFFFFFFFF, v35;
	vm11 =	veq.s32 v9, $0x1D  }
0x471: {  	v31 =	vor.u32 v10, v54;
	[tilespmem:$0x1FEE0] =	vst v35;
	v35 =	vsel vm11, $0xFFFFFFFF, v36;
	vm11 =	vlt.f32 v11, v8  }
0x472: {  	vm14 =	veq.s32 v9, $0x16;
	vm13 =	veq.s32 v9, $0x17;
	[tilespmem:$0x1FEB0] =	vst v14;
	v14 =	vld.idx.msk [tilespmem:v63+s2+$0x0], $0xffff;
	v11 =	vnsel vm11, $0xFF800000, v11  }
0x473: {  	v62 =	vor.u32 v10, v55;
	vm11 =	vlt.f32 v12, v8;
	v12 =	vmax.f32 v12, v11  }
0x474: {  	vm1 =	veq.s32 v9, $0x19;
	vm12 =	veq.s32 v9, $0x1E;
	v15 =	vld.idx.msk [tilespmem:v15+s2+$0x0], $0xffff;
	v11 =	vsel vm11, v12, v11  }
0x475: {  	v63 =	vor.u32 v10, v56;
	vm11 =	vlt.f32 v13, v8;
	v13 =	vmax.f32 v11, v13  }
0x476: {  	v37 =	vimm.s32 $0x0;
	v36 =	vor.u32 v10, v57;
	v31 =	vld.idx.msk [tilespmem:v31+s2+$0x0], $0xffff;
	v11 =	vsel vm11, v13, v11  }
0x477: {  	[tilespmem:$0x1FEF0] =	vst v35;
	v35 =	vsel vm12, $0xFFFFFFFF, v37;
	vm11 =	vlt.f32 v14, v8;
	v14 =	vmax.f32 v11, v14  }
0x478: {  	vm2 =	veq.s32 v9, $0x18;
	vm0 =	vmmov vm1;
	[tilespmem:$0x1FF00] =	vst v35;
	v35 =	vld.idx.msk [tilespmem:v62+s2+$0x0], $0xffff;
	v11 =	vsel vm11, v14, v11  }
0x479: {  	v41 =	vld [tilespmem:$0x1E7D0];
	v37 =	vor.u32 v10, v58;
	vm11 =	vlt.f32 v15, v8;
	v15 =	vmax.f32 v11, v15  }
0x47a: {  	vm1 =	vmmov vm2;
	vm2 =	vmmov vm13;
	v12 =	vld.idx.msk [tilespmem:v63+s2+$0x0], $0xffff;
	v11 =	vsel vm11, v15, v11  }
0x47b: {  	v15 =	vor.u32 v10, v59;
	vm11 =	vlt.f32 v31, v8;
	v31 =	vmax.f32 v11, v31  }
0x47c: {  	vm13 =	vmmov vm14;
	vm14 =	vmmov vm4;
	v13 =	vld.idx.msk [tilespmem:v36+s2+$0x0], $0xffff;
	v11 =	vsel vm11, v31, v11  }
0x47d: {  	v31 =	vor.u32 v10, v60;
	vm11 =	vlt.f32 v35, v8;
	v35 =	vmax.f32 v11, v35  }
0x47e: {  	vm4 =	vmmov vm10;
	vm10 =	vnez.u8 v41;
	v14 =	vld.idx.msk [tilespmem:v37+s2+$0x0], $0xffff;
	v11 =	vsel vm11, v35, v11  }
0x47f: {  	v41 =	vor.u32 v10, v61;
	vm11 =	vlt.f32 v12, v8;
	v12 =	vmax.f32 v11, v12  }
0x480: {  	v15 =	vld.idx.msk [tilespmem:v15+s2+$0x0], $0xffff;
	v11 =	vsel vm11, v12, v11  }
0x481: {  	v62 =	vor.u32 v10, v0;
	vm11 =	vlt.f32 v13, v8;
	v13 =	vmax.f32 v11, v13  }
0x482: {  	v31 =	vld.idx.msk [tilespmem:v31+s2+$0x0], $0xffff;
	v11 =	vsel vm11, v13, v11  }
0x483: {  	v63 =	vor.u32 v10, v1;
	vm11 =	vlt.f32 v14, v8;
	v14 =	vmax.f32 v11, v14  }
0x484: {  	v35 =	vld.idx.msk [tilespmem:v41+s2+$0x0], $0xffff;
	v11 =	vsel vm11, v14, v11  }
0x485: {  	v10 =	vor.u32 v10, v2;
	vm11 =	vlt.f32 v15, v8;
	v14 =	vmax.f32 v11, v15  }
0x486: {  	v12 =	vld.idx.msk [tilespmem:v62+s2+$0x0], $0xffff;
	v11 =	vsel vm11, v14, v11  }
0x487: {  	vm11 =	vlt.f32 v31, v8;
	v14 =	vmax.f32 v11, v31  }
0x488: {  	v13 =	vld.idx.msk [tilespmem:v63+s2+$0x0], $0xffff;
	v11 =	vsel vm11, v14, v11  }
0x489: {  	vm11 =	vlt.f32 v35, v8;
	v14 =	vmax.f32 v11, v35  }
0x48a: {  	v10 =	vld.idx.msk [tilespmem:v10+s2+$0x0], $0xffff;
	v11 =	vsel vm11, v14, v11  }
0x48b: {  	vm5 =	veq.s32 v9, $0xD;
	vm11 =	vlt.f32 v12, v8;
	v12 =	vmax.f32 v11, v12  }
0x48c: {  	vm6 =	veq.s32 v9, $0xF;
	vm7 =	veq.s32 v9, $0x10;
	v11 =	vsel vm11, v12, v11  }
0x48d: {  	vm8 =	veq.s32 v9, $0x12;
	vm11 =	vlt.f32 v13, v8;
	v12 =	vmax.f32 v11, v13  }
0x48e: {  	vm15 =	veq.s32 v9, $0x13;
	vm9 =	veq.s32 v9, $0x14;
	v11 =	vsel vm11, v12, v11  }
0x48f: {  	vm3 =	veq.s32 v9, $0x15;
	vm11 =	vlt.f32 v10, v8;
	v8 =	vmax.f32 v11, v10  }
0x490: {  	vm12 =	veq.s32 v9, $0x1F;
	v8 =	vsel vm11, v8, v11;
	vm11 =	veq.s32 v9, $0x0;
	v9 =	vld [tilespmem:$0x1E7E0];
	_ =	sdelay $0x4  }
0x491: {  	v3 =	vsel vm11, v8, v3;
	vm11 =	vmmov vm12;
	vm12 =	vnez.u8 v9;
	v9 =	vld [tilespmem:$0x1E7F0];
	_ =	sdelay $0x4  }
0x492: {  	v4 =	vsel vm12, v8, v4;
	vm12 =	vnez.u8 v9;
	v9 =	vld [tilespmem:$0x1E800];
	_ =	sdelay $0x4  }
0x493: {  	v5 =	vsel vm12, v8, v5;
	vm12 =	vnez.u8 v9;
	v9 =	vld [tilespmem:$0x1E810]  }
0x494: {  	p0 =	sne.s32 s14, $0x1  }
.Ltmp0:
0x495: {  	_ = 	snop;
	(pc) =	sbr.rel @p0 .LBB2_3-.Ltmp0, $3  }
0x496: {  	_ =	sdelay $0x1  }
0x497: {  	v6 =	vsel vm12, v8, v6;
	vm12 =	vnez.u8 v9  }
0x498: {  	s14 =	sadd.s32 $0xFFFFFFFF, s14;
	v10 =	vmax.f32 v3, v4;
	v7 =	vsel vm12, v8, v7  }
0x499: {  	v1 =	vld [tilespmem:$0x1FE50]  }
0x49a: {  	v2 =	vld [tilespmem:$0x1FE60]  }
0x49b: {  	v12 =	vld [tilespmem:$0x1FE70]  }
0x49c: {  	v13 =	vld [tilespmem:$0x1FE80];
	_ =	sdelay $0x1  }
0x49d: {  	v0 =	vmax.f32 v10, v5;
	vm12 =	vnez.u8 v1  }
0x49e: {  	v0 =	vmax.f32 v0, v6;
	v1 =	vsel vm12, v8, v18;
	vm12 =	vnez.u8 v2  }
0x49f: {  	v0 =	vmax.f32 v0, v7;
	v2 =	vsel vm12, v8, v17;
	vm12 =	vnez.u8 v12  }
0x4a0: {  	v14 =	vld [tilespmem:$0x1FE90];
	v0 =	vmax.f32 v0, v1;
	v1 =	vsel vm12, v8, v19;
	vm12 =	vnez.u8 v13  }
0x4a1: {  	v0 =	vmax.f32 v0, v2;
	v2 =	vsel vm12, v8, v21;
	v21 =	vld [tilespmem:$0x1FEA0];
	_ =	sdelay $0x3  }
0x4a2: {  	v36 =	vld [tilespmem:$0x1FEB0];
	v0 =	vmax.f32 v0, v1;
	vm12 =	vnez.u8 v14  }
0x4a3: {  	v1 =	vsel vm12, v8, v20;
	v0 =	vmax.f32 v0, v2;
	vm12 =	vnez.u8 v21  }
0x4a4: {  	v0 =	vmax.f32 v0, v1;
	v2 =	vsel vm12, v8, v22  }
0x4a5: {  	v24 =	vsel vm10, v8, v24;
	v0 =	vmax.f32 v0, v2  }
0x4a6: {  	v31 =	vsel vm4, v8, v23;
	v0 =	vmax.f32 v0, v24  }
0x4a7: {  	v35 =	vsel vm5, v8, v25;
	vm12 =	vnez.u8 v36;
	v0 =	vmax.f32 v0, v31  }
0x4a8: {  	v2 =	vsel vm12, v8, v27;
	v0 =	vmax.f32 v0, v35  }
0x4a9: {  	v37 =	vsel vm6, v8, v26;
	v0 =	vmax.f32 v0, v2  }
0x4aa: {  	v41 =	vsel vm7, v8, v28;
	v0 =	vmax.f32 v0, v37  }
0x4ab: {  	v49 =	vsel vm14, v8, v30;
	v0 =	vmax.f32 v0, v41  }
0x4ac: {  	v50 =	vsel vm8, v8, v29;
	v0 =	vmax.f32 v0, v49  }
0x4ad: {  	v51 =	vsel vm15, v8, v32;
	v0 =	vmax.f32 v0, v50  }
0x4ae: {  	v52 =	vsel vm9, v8, v34;
	v58 =	vld [tilespmem:$0x1FEC0];
	v0 =	vmax.f32 v0, v51  }
0x4af: {  	v53 =	vsel vm3, v8, v33;
	v59 =	vld [tilespmem:$0x1FED0];
	v0 =	vmax.f32 v0, v52  }
0x4b0: {  	v54 =	vsel vm13, v8, v38;
	v60 =	vld [tilespmem:$0x1FEE0];
	v0 =	vmax.f32 v0, v53  }
0x4b1: {  	v55 =	vsel vm2, v8, v40;
	v61 =	vld [tilespmem:$0x1FEF0];
	v0 =	vmax.f32 v0, v54  }
0x4b2: {  	v56 =	vsel vm1, v8, v39;
	v62 =	vld [tilespmem:$0x1FF00];
	v0 =	vmax.f32 v0, v55  }
0x4b3: {  	v57 =	vsel vm0, v8, v42;
	vm10 =	vnez.u8 v58;
	v0 =	vmax.f32 v0, v56  }
0x4b4: {  	vm12 =	vnez.u8 v59;
	v2 =	vsel vm10, v8, v44;
	v0 =	vmax.f32 v0, v57  }
0x4b5: {  	s12 =	sadd.s32 $0x1, s12;
	vm13 =	vnez.u8 v60;
	v1 =	vsel vm12, v8, v43;
	v0 =	vmax.f32 v0, v2  }
0x4b6: {  	p0 =	sne.s32 s12, $0x8;
	vm14 =	vnez.u8 v61;
	v2 =	vsel vm13, v8, v45;
	v0 =	vmax.f32 v0, v1  }
.Ltmp1:
0x4b7: {  	vm15 =	vnez.u8 v62;
	v1 =	vsel vm14, v8, v46;
	v0 =	vmax.f32 v0, v2;
	(pc) =	sbr.rel @p0 .LBB2_2-.Ltmp1, $4  }
0x4b8: {  	v2 =	vsel vm15, v8, v47;
	v0 =	vmax.f32 v0, v1  }
0x4b9: {  	v63 =	vsel vm11, v8, v48;
	v0 =	vmax.f32 v0, v2  }
0x4ba: {  	v0 =	vmax.f32 v0, v63  }
0x4bb: {  	[tilespmem:s13+$0x10000] =	vst v0  }
0x4bc: {  	s11 =	sadd.s32 $0x1, s11  }
0x4bd: {  	p0 =	sne.s32 s11, s5  }
.Ltmp2:
0x4be: {  	_ = 	snop;
	(pc) =	sbr.rel @p0 .LBB2_1-.Ltmp2, $4  }
0x4bf: {  	[hbm4b:s4+s2] =	stream.linear.scatter [tilespmem:s9], [sflag:$0x2], $0x80, $0x38;
	[tilespmem:$0x10080] =	vst v63  }
0x4c0: {  	_ =	swait.ge [sflag:s10], $0x80  }
0x4c1: {  	[sflag:s10] =	ssyncset.done $0x0  }
0x4c2: {  	[sflag:s10] =	ssyncadd.s32 $0xFFFFFF80  }
0x4c3: {  	_ =	sfence.sel $0x180000  }
0x4c4: {  	[bflag:$0x0] =	sbarrier.arrive $0xFFFF  }
0x4c5: {  	p0 =	sne.s32 s1, $0x0;
	_ =	strace $0x90000047  }
0x4c6: {  	s0 =	sadd.s32 @!p0 $0x100000, s0;
	[bflag:$0x2] =	sbarrier.arrive $0xFFFF  }
0x4c7: {  	[sflag:s0] =	ssyncadd.tile.s32 @!p0 $0x1;
	_ =	shalt  }
.Lfunc_end2:
_tile_overlayer_lowered:
.L_overlay_start_2:
0x4c8: {  	(tag) =	ssettag $0x2  }
0x4c9: {  	s0 =	rddreg [dreg:$0x0];
	s2 =	stileid.u32  }
0x4ca: {  	s1 =	rddreg [dreg:$0x1];
	p0 =	sne.s32 s2, $0x0  }
0x4cb: {  	s3 =	rddreg [dreg:$0x2];
	[bflag:$0x3] =	sbarrier.arrive $0xFFFF;
	s2 =	simm.s32 @!p0 $0x1C02  }
0x4cc: {  	[timem:s3], [sflag:s2] =	dma.local @!p0 [hbm:s0], s1  }
0x4cd: {  	s0 =	simm.s32 @!p0 $0x2  }
0x4ce: {  	_ =	swait.ge @!p0 [sflag:s0], s1  }
0x4cf: {  	s1 =	ssub.s32 @!p0 $0x0, s1;
	[sflag:s0] =	ssyncset.done @!p0 $0x0  }
0x4d0: {  	[sflag:s0] =	ssyncadd.s32 @!p0 s1  }
0x4d1: {  	[bflag:$0x3] =	sbarrier.arrive $0xFFFF  }
0x4d2: {  	_ =	shalt  }

</sc_bundles>
